<compile_context>
chip_gen: v7x
topology: tpu7x:2x2x1
jax: 0.10.2.dev20260603
libtpu: 0.0.44.dev20260713+nightly
codegen_flags: <defaults>
</compile_context>

<pallas_src>
import functools

import jax
import jax.numpy as jnp
from jax import lax
from jax.experimental import pallas as pl
from jax.experimental.pallas import tpu as pltpu
from jax.experimental.pallas import tpu_sc as plsc

D = 1024
L = 16
NW = 32
R_CHUNK = 8
NBUF = 4
BLOCK_ROWS = 1024



def _tc_body_one(mod_ref, x_ref, o_ref):
    o_ref[...] = x_ref[...] + mod_ref[1:2, :]


def _tc_add_one(x2, mod_emb):
    n = x2.shape[0]
    return pl.pallas_call(
        _tc_body_one,
        grid=(n // BLOCK_ROWS,),
        in_specs=[
            pl.BlockSpec((2, D), lambda i: (0, 0)),
            pl.BlockSpec((BLOCK_ROWS, D), lambda i: (i, 0)),
        ],
        out_specs=pl.BlockSpec((BLOCK_ROWS, D), lambda i: (i, 0)),
        out_shape=jax.ShapeDtypeStruct((n, D), jnp.float32),
    )(mod_emb, x2)



def _sc_compute_chunk(src, dst, m):
    for band in range(D // (16 * L)):
        mjs = [m[pl.ds((band * 16 + jj) * L, L)] for jj in range(16)]

        def row_body(r, _):
            base = band * 16 * L
            for jj in range(16):
                o = base + jj * L
                dst[r, pl.ds(o, L)] = src[r, pl.ds(o, L)] + mjs[jj]
            return 0

        lax.fori_loop(0, R_CHUNK, row_body, 0)


def _sc_add_one(x2, mod_emb, row):
    n = x2.shape[0]
    rows_w = n // NW
    chunks = rows_w // R_CHUNK
    full_iters = chunks // NBUF
    rem = chunks % NBUF
    assert full_iters >= 1
    mesh = plsc.VectorSubcoreMesh(core_axis_name="c", subcore_axis_name="s")

    @functools.partial(
        pl.kernel,
        mesh=mesh,
        out_type=jax.ShapeDtypeStruct((n, D), jnp.float32),
        scratch_types=(
            [pltpu.VMEM((R_CHUNK, D), jnp.float32)] * (2 * NBUF)
            + [pltpu.VMEM((D,), jnp.float32)]
            + [pltpu.SemaphoreType.DMA] * (2 * NBUF)
        ),
    )
    def k(x_hbm, mod_hbm, out_hbm, *scratch):
        ins = scratch[:NBUF]
        outs = scratch[NBUF:2 * NBUF]
        m0 = scratch[2 * NBUF]
        sins = scratch[2 * NBUF + 1:2 * NBUF + 1 + NBUF]
        souts = scratch[2 * NBUF + 1 + NBUF:]
        wid = lax.axis_index("s") * 2 + lax.axis_index("c")
        base = wid * rows_w
        pltpu.sync_copy(mod_hbm.at[row], m0)

        for b in range(NBUF):
            pltpu.async_copy(x_hbm.at[pl.ds(base + b * R_CHUNK, R_CHUNK)],
                             ins[b], sins[b])
            pltpu.async_copy(outs[b],
                             out_hbm.at[pl.ds(base + b * R_CHUNK, R_CHUNK)],
                             souts[b])

        def do_chunk(c, b):
            off = base + c * R_CHUNK
            pltpu.make_async_copy(
                x_hbm.at[pl.ds(off, R_CHUNK)], ins[b], sins[b]).wait()
            pltpu.make_async_copy(
                outs[b], out_hbm.at[pl.ds(off, R_CHUNK)], souts[b]).wait()
            _sc_compute_chunk(ins[b], outs[b], m0)
            nxt = lax.rem(c + NBUF, chunks)
            pltpu.async_copy(
                x_hbm.at[pl.ds(base + nxt * R_CHUNK, R_CHUNK)],
                ins[b], sins[b])
            pltpu.async_copy(outs[b], out_hbm.at[pl.ds(off, R_CHUNK)],
                             souts[b])

        def body(i, _):
            for b in range(NBUF):
                do_chunk(NBUF * i + b, b)
            return 0

        lax.fori_loop(0, full_iters, body, 0)
        for j in range(rem):
            do_chunk(NBUF * full_iters + j, j)
        for b in range(NBUF):
            pltpu.make_async_copy(
                x_hbm.at[pl.ds(base, R_CHUNK)], ins[b], sins[b]).wait()
            pltpu.make_async_copy(
                outs[b], out_hbm.at[pl.ds(base, R_CHUNK)], souts[b]).wait()

    return k(x2, mod_emb)


def kernel(vision, language, mod_emb):
    b, lv, d = vision.shape
    _, lt, _ = language.shape
    ol = _tc_add_one(language.reshape(b * lt, d), mod_emb)
    ov = _sc_add_one(vision.reshape(b * lv, d), mod_emb, 0)
    return ov.reshape(b, lv, d), ol.reshape(b, lt, d)

# --- scband reference (transcript-rebuilt; emitter-appended) ---
"""Pipeline reference for scband-cross-modal-positional-embedding-16887811408491 (READ-ONLY COPY).

The authoritative reference and input builder live on the scoring server;
editing this copy changes nothing except your own understanding.
"""

import jax, jax.numpy as jnp
import numpy as np


def setup_inputs(seed: int = 0) -> dict:
    key = jax.random.key(seed)
    k1, k2, k3 = jax.random.split(key, 3)
    b, lv, lt, d = 4, 8192, 8192, 1024
    vision = jax.random.normal(k1, (b, lv, d), dtype=jnp.float32)
    language = jax.random.normal(k2, (b, lt, d), dtype=jnp.float32)
    # learned parameter: modality embedding table nn.Embedding(2, hidden_size)
    mod_emb = jax.random.normal(k3, (2, d), dtype=jnp.float32) * 0.02
    return {"vision": vision, "language": language, "mod_emb": mod_emb}


def reference(vision, language, mod_emb):
    # Faithful translation of CrossModalPositionalEmbedding.forward
    # (LayerNorm and Dropout are defined in __init__ but never used in forward)
    b, lv, d = vision.shape
    visual_ids = jnp.zeros((b, lv), dtype=jnp.int32)
    visual_encoding = jnp.take(mod_emb, visual_ids, axis=0)  # embedding gather
    b2, lt, d2 = language.shape
    text_ids = jnp.ones((b2, lt), dtype=jnp.int32)
    text_encoding = jnp.take(mod_emb, text_ids, axis=0)  # embedding gather
    return (vision + visual_encoding, language + text_encoding)

if __name__ == "__main__":
    import jax
    _d = setup_inputs()
    print(jax.jit(kernel)(*tuple(_d.values())))

</pallas_src>

<mosaic_0001>
#map = affine_map<(d0, d1) -> (0, 0)>
module attributes {stable_mosaic.version = 14 : i64} {
  func.func @k(%arg0: i32, %arg1: i32, %arg2: memref<32768x1024xf32, #tpu.memory_space<hbm>>, %arg3: memref<2x1024xf32, #tpu.memory_space<hbm>>, %arg4: memref<32768x1024xf32, #tpu.memory_space<hbm>>, %arg5: memref<8x1024xf32, #tpu.memory_space<vmem>>, %arg6: memref<8x1024xf32, #tpu.memory_space<vmem>>, %arg7: memref<8x1024xf32, #tpu.memory_space<vmem>>, %arg8: memref<8x1024xf32, #tpu.memory_space<vmem>>, %arg9: memref<8x1024xf32, #tpu.memory_space<vmem>>, %arg10: memref<8x1024xf32, #tpu.memory_space<vmem>>, %arg11: memref<8x1024xf32, #tpu.memory_space<vmem>>, %arg12: memref<8x1024xf32, #tpu.memory_space<vmem>>, %arg13: memref<1024xf32, #tpu.memory_space<vmem>>, %arg14: memref<!tpu.dma_semaphore, #tpu.memory_space<semaphore_mem>>, %arg15: memref<!tpu.dma_semaphore, #tpu.memory_space<semaphore_mem>>, %arg16: memref<!tpu.dma_semaphore, #tpu.memory_space<semaphore_mem>>, %arg17: memref<!tpu.dma_semaphore, #tpu.memory_space<semaphore_mem>>, %arg18: memref<!tpu.dma_semaphore, #tpu.memory_space<semaphore_mem>>, %arg19: memref<!tpu.dma_semaphore, #tpu.memory_space<semaphore_mem>>, %arg20: memref<!tpu.dma_semaphore, #tpu.memory_space<semaphore_mem>>, %arg21: memref<!tpu.dma_semaphore, #tpu.memory_space<semaphore_mem>>) attributes {dimension_semantics = [#tpu.dimension_semantics<core_parallel>, #tpu.dimension_semantics<subcore_parallel>], iteration_bounds = array<i64: 2, 16>, scalar_prefetch = 0 : i64, scratch_operands = 17 : i64, tpu.core_type = #tpu.core_type<sc_vector_subcore>, window_params = [{transform_indices = #map}, {transform_indices = #map}, {transform_indices = #map}]} {
    %mul3A = arith.constant 2 : i32
    %mul3A_0 = arith.muli %arg1, %mul3A : i32
    %add3A = arith.addi %mul3A_0, %arg0 : i32
    %mul3A_1 = arith.constant 1024 : i32
    %mul3A_2 = arith.muli %add3A, %mul3A_1 : i32
    %run_scoped3A = arith.constant 0 : i32
    "tpu.region"() ({
      %run_scoped3A_87 = tpu.sem_alloc : memref<!tpu.dma_semaphore, #tpu.memory_space<semaphore_mem>>
      %dma_start3A_88 = arith.constant 0 : i32
      %dma_start3A_89 = tpu.memref_slice %arg3[%run_scoped3A, %dma_start3A_88] : memref<2x1024xf32, #tpu.memory_space<hbm>> -> memref<1x1024xf32, #tpu.memory_space<hbm>>
      %dma_start3A_90 = tpu.memref_squeeze %dma_start3A_89 : memref<1x1024xf32, #tpu.memory_space<hbm>> -> memref<1024xf32, #tpu.memory_space<hbm>>
      %dma_start3A_91 = arith.constant 0 : i32
      %dma_start3A_92 = tpu.memref_slice %arg3[%run_scoped3A, %dma_start3A_91] : memref<2x1024xf32, #tpu.memory_space<hbm>> -> memref<1x1024xf32, #tpu.memory_space<hbm>>
      %dma_start3A_93 = tpu.memref_squeeze %dma_start3A_92 : memref<1x1024xf32, #tpu.memory_space<hbm>> -> memref<1024xf32, #tpu.memory_space<hbm>>
      tpu.enqueue_dma source(%dma_start3A_93 : memref<1024xf32, #tpu.memory_space<hbm>>) target(%arg13 : memref<1024xf32, #tpu.memory_space<vmem>>) target_semaphore(%run_scoped3A_87 : memref<!tpu.dma_semaphore, #tpu.memory_space<semaphore_mem>>)
      %dma_wait3A_94 = arith.constant 0 : i32
      %dma_wait3A_95 = tpu.memref_slice %arg3[%run_scoped3A, %dma_wait3A_94] : memref<2x1024xf32, #tpu.memory_space<hbm>> -> memref<1x1024xf32, #tpu.memory_space<hbm>>
      %dma_wait3A_96 = tpu.memref_squeeze %dma_wait3A_95 : memref<1x1024xf32, #tpu.memory_space<hbm>> -> memref<1024xf32, #tpu.memory_space<hbm>>
      %dma_wait3A_97 = arith.constant 0 : i32
      %dma_wait3A_98 = tpu.memref_slice %arg3[%run_scoped3A, %dma_wait3A_97] : memref<2x1024xf32, #tpu.memory_space<hbm>> -> memref<1x1024xf32, #tpu.memory_space<hbm>>
      %dma_wait3A_99 = tpu.memref_squeeze %dma_wait3A_98 : memref<1x1024xf32, #tpu.memory_space<hbm>> -> memref<1024xf32, #tpu.memory_space<hbm>>
      tpu.wait_dma2 semaphore(%run_scoped3A_87 : memref<!tpu.dma_semaphore, #tpu.memory_space<semaphore_mem>>) src(%dma_wait3A_99 : memref<1024xf32, #tpu.memory_space<hbm>>) dst(%arg13 : memref<1024xf32, #tpu.memory_space<vmem>>)
      tpu.yield
    }) : () -> ()
    %add3A_3 = arith.constant 0 : i32
    %add3A_4 = arith.addi %mul3A_2, %add3A_3 : i32
    %dma_start3A = arith.constant 0 : i32
    %dma_start3A_5 = tpu.memref_slice %arg2[%add3A_4, %dma_start3A] : memref<32768x1024xf32, #tpu.memory_space<hbm>> -> memref<8x1024xf32, #tpu.memory_space<hbm>>
    %dma_start3A_6 = arith.constant 0 : i32
    %dma_start3A_7 = tpu.memref_slice %arg2[%add3A_4, %dma_start3A_6] : memref<32768x1024xf32, #tpu.memory_space<hbm>> -> memref<8x1024xf32, #tpu.memory_space<hbm>>
    tpu.enqueue_dma source(%dma_start3A_7 : memref<8x1024xf32, #tpu.memory_space<hbm>>) target(%arg5 : memref<8x1024xf32, #tpu.memory_space<vmem>>) target_semaphore(%arg14 : memref<!tpu.dma_semaphore, #tpu.memory_space<semaphore_mem>>)
    %add3A_8 = arith.constant 0 : i32
    %add3A_9 = arith.addi %mul3A_2, %add3A_8 : i32
    %dma_start3A_10 = arith.constant 0 : i32
    %dma_start3A_11 = tpu.memref_slice %arg4[%add3A_9, %dma_start3A_10] : memref<32768x1024xf32, #tpu.memory_space<hbm>> -> memref<8x1024xf32, #tpu.memory_space<hbm>>
    %dma_start3A_12 = arith.constant 0 : i32
    %dma_start3A_13 = tpu.memref_slice %arg4[%add3A_9, %dma_start3A_12] : memref<32768x1024xf32, #tpu.memory_space<hbm>> -> memref<8x1024xf32, #tpu.memory_space<hbm>>
    tpu.enqueue_dma source(%arg9 : memref<8x1024xf32, #tpu.memory_space<vmem>>) target(%dma_start3A_13 : memref<8x1024xf32, #tpu.memory_space<hbm>>) target_semaphore(%arg18 : memref<!tpu.dma_semaphore, #tpu.memory_space<semaphore_mem>>)
    %add3A_14 = arith.constant 8 : i32
    %add3A_15 = arith.addi %mul3A_2, %add3A_14 : i32
    %dma_start3A_16 = arith.constant 0 : i32
    %dma_start3A_17 = tpu.memref_slice %arg2[%add3A_15, %dma_start3A_16] : memref<32768x1024xf32, #tpu.memory_space<hbm>> -> memref<8x1024xf32, #tpu.memory_space<hbm>>
    %dma_start3A_18 = arith.constant 0 : i32
    %dma_start3A_19 = tpu.memref_slice %arg2[%add3A_15, %dma_start3A_18] : memref<32768x1024xf32, #tpu.memory_space<hbm>> -> memref<8x1024xf32, #tpu.memory_space<hbm>>
    tpu.enqueue_dma source(%dma_start3A_19 : memref<8x1024xf32, #tpu.memory_space<hbm>>) target(%arg6 : memref<8x1024xf32, #tpu.memory_space<vmem>>) target_semaphore(%arg15 : memref<!tpu.dma_semaphore, #tpu.memory_space<semaphore_mem>>)
    %add3A_20 = arith.constant 8 : i32
    %add3A_21 = arith.addi %mul3A_2, %add3A_20 : i32
    %dma_start3A_22 = arith.constant 0 : i32
    %dma_start3A_23 = tpu.memref_slice %arg4[%add3A_21, %dma_start3A_22] : memref<32768x1024xf32, #tpu.memory_space<hbm>> -> memref<8x1024xf32, #tpu.memory_space<hbm>>
    %dma_start3A_24 = arith.constant 0 : i32
    %dma_start3A_25 = tpu.memref_slice %arg4[%add3A_21, %dma_start3A_24] : memref<32768x1024xf32, #tpu.memory_space<hbm>> -> memref<8x1024xf32, #tpu.memory_space<hbm>>
    tpu.enqueue_dma source(%arg10 : memref<8x1024xf32, #tpu.memory_space<vmem>>) target(%dma_start3A_25 : memref<8x1024xf32, #tpu.memory_space<hbm>>) target_semaphore(%arg19 : memref<!tpu.dma_semaphore, #tpu.memory_space<semaphore_mem>>)
    %add3A_26 = arith.constant 16 : i32
    %add3A_27 = arith.addi %mul3A_2, %add3A_26 : i32
    %dma_start3A_28 = arith.constant 0 : i32
    %dma_start3A_29 = tpu.memref_slice %arg2[%add3A_27, %dma_start3A_28] : memref<32768x1024xf32, #tpu.memory_space<hbm>> -> memref<8x1024xf32, #tpu.memory_space<hbm>>
    %dma_start3A_30 = arith.constant 0 : i32
    %dma_start3A_31 = tpu.memref_slice %arg2[%add3A_27, %dma_start3A_30] : memref<32768x1024xf32, #tpu.memory_space<hbm>> -> memref<8x1024xf32, #tpu.memory_space<hbm>>
    tpu.enqueue_dma source(%dma_start3A_31 : memref<8x1024xf32, #tpu.memory_space<hbm>>) target(%arg7 : memref<8x1024xf32, #tpu.memory_space<vmem>>) target_semaphore(%arg16 : memref<!tpu.dma_semaphore, #tpu.memory_space<semaphore_mem>>)
    %add3A_32 = arith.constant 16 : i32
    %add3A_33 = arith.addi %mul3A_2, %add3A_32 : i32
    %dma_start3A_34 = arith.constant 0 : i32
    %dma_start3A_35 = tpu.memref_slice %arg4[%add3A_33, %dma_start3A_34] : memref<32768x1024xf32, #tpu.memory_space<hbm>> -> memref<8x1024xf32, #tpu.memory_space<hbm>>
    %dma_start3A_36 = arith.constant 0 : i32
    %dma_start3A_37 = tpu.memref_slice %arg4[%add3A_33, %dma_start3A_36] : memref<32768x1024xf32, #tpu.memory_space<hbm>> -> memref<8x1024xf32, #tpu.memory_space<hbm>>
    tpu.enqueue_dma source(%arg11 : memref<8x1024xf32, #tpu.memory_space<vmem>>) target(%dma_start3A_37 : memref<8x1024xf32, #tpu.memory_space<hbm>>) target_semaphore(%arg20 : memref<!tpu.dma_semaphore, #tpu.memory_space<semaphore_mem>>)
    %add3A_38 = arith.constant 24 : i32
    %add3A_39 = arith.addi %mul3A_2, %add3A_38 : i32
    %dma_start3A_40 = arith.constant 0 : i32
    %dma_start3A_41 = tpu.memref_slice %arg2[%add3A_39, %dma_start3A_40] : memref<32768x1024xf32, #tpu.memory_space<hbm>> -> memref<8x1024xf32, #tpu.memory_space<hbm>>
    %dma_start3A_42 = arith.constant 0 : i32
    %dma_start3A_43 = tpu.memref_slice %arg2[%add3A_39, %dma_start3A_42] : memref<32768x1024xf32, #tpu.memory_space<hbm>> -> memref<8x1024xf32, #tpu.memory_space<hbm>>
    tpu.enqueue_dma source(%dma_start3A_43 : memref<8x1024xf32, #tpu.memory_space<hbm>>) target(%arg8 : memref<8x1024xf32, #tpu.memory_space<vmem>>) target_semaphore(%arg17 : memref<!tpu.dma_semaphore, #tpu.memory_space<semaphore_mem>>)
    %add3A_44 = arith.constant 24 : i32
    %add3A_45 = arith.addi %mul3A_2, %add3A_44 : i32
    %dma_start3A_46 = arith.constant 0 : i32
    %dma_start3A_47 = tpu.memref_slice %arg4[%add3A_45, %dma_start3A_46] : memref<32768x1024xf32, #tpu.memory_space<hbm>> -> memref<8x1024xf32, #tpu.memory_space<hbm>>
    %dma_start3A_48 = arith.constant 0 : i32
    %dma_start3A_49 = tpu.memref_slice %arg4[%add3A_45, %dma_start3A_48] : memref<32768x1024xf32, #tpu.memory_space<hbm>> -> memref<8x1024xf32, #tpu.memory_space<hbm>>
    tpu.enqueue_dma source(%arg12 : memref<8x1024xf32, #tpu.memory_space<vmem>>) target(%dma_start3A_49 : memref<8x1024xf32, #tpu.memory_space<hbm>>) target_semaphore(%arg21 : memref<!tpu.dma_semaphore, #tpu.memory_space<semaphore_mem>>)
    %scan3A = arith.constant 0 : i32
    %scan3A_50 = arith.constant 0 : i32
    %scan3A_51 = arith.constant 32 : i32
    %scan3A_52 = arith.addi %scan3A_50, %scan3A_51 : i32
    %scan3A_53 = arith.constant 1 : i32
    %scan3A_54 = scf.for %scan3A_87 = %scan3A_50 to %scan3A_52 step %scan3A_53 iter_args(%scan3A_88 = %scan3A) -> (i32)  : i32 {
      %mul3A_89 = arith.constant 4 : i32
      %mul3A_90 = arith.muli %mul3A_89, %scan3A_87 : i32
      %add3A_91 = arith.constant 0 : i32
      %add3A_92 = arith.addi %mul3A_90, %add3A_91 : i32
      %mul3A_93 = arith.constant 8 : i32
      %mul3A_94 = arith.muli %add3A_92, %mul3A_93 : i32
      %add3A_95 = arith.addi %mul3A_2, %mul3A_94 : i32
      %dma_wait3A_96 = arith.constant 0 : i32
      %dma_wait3A_97 = tpu.memref_slice %arg2[%add3A_95, %dma_wait3A_96] : memref<32768x1024xf32, #tpu.memory_space<hbm>> -> memref<8x1024xf32, #tpu.memory_space<hbm>>
      %dma_wait3A_98 = arith.constant 0 : i32
      %dma_wait3A_99 = tpu.memref_slice %arg2[%add3A_95, %dma_wait3A_98] : memref<32768x1024xf32, #tpu.memory_space<hbm>> -> memref<8x1024xf32, #tpu.memory_space<hbm>>
      tpu.wait_dma2 semaphore(%arg14 : memref<!tpu.dma_semaphore, #tpu.memory_space<semaphore_mem>>) src(%dma_wait3A_99 : memref<8x1024xf32, #tpu.memory_space<hbm>>) dst(%arg5 : memref<8x1024xf32, #tpu.memory_space<vmem>>)
      %dma_wait3A_100 = arith.constant 0 : i32
      %dma_wait3A_101 = tpu.memref_slice %arg4[%add3A_95, %dma_wait3A_100] : memref<32768x1024xf32, #tpu.memory_space<hbm>> -> memref<8x1024xf32, #tpu.memory_space<hbm>>
      %dma_wait3A_102 = arith.constant 0 : i32
      %dma_wait3A_103 = tpu.memref_slice %arg4[%add3A_95, %dma_wait3A_102] : memref<32768x1024xf32, #tpu.memory_space<hbm>> -> memref<8x1024xf32, #tpu.memory_space<hbm>>
      tpu.wait_dma2 semaphore(%arg18 : memref<!tpu.dma_semaphore, #tpu.memory_space<semaphore_mem>>) src(%arg9 : memref<8x1024xf32, #tpu.memory_space<vmem>>) dst(%dma_wait3A_103 : memref<8x1024xf32, #tpu.memory_space<hbm>>)
      %get3A = arith.constant 0 : index
      %get3A_104 = tpu.vector_load %arg13[%get3A] {strides = array<i32>} : memref<1024xf32, #tpu.memory_space<vmem>>, vector<16xf32>,
      %get3A_105 = vector.shape_cast %get3A_104 : vector<16xf32> to vector<16xf32>
      %get3A_106 = arith.constant 16 : index
      %get3A_107 = tpu.vector_load %arg13[%get3A_106] {strides = array<i32>} : memref<1024xf32, #tpu.memory_space<vmem>>, vector<16xf32>,
      %get3A_108 = vector.shape_cast %get3A_107 : vector<16xf32> to vector<16xf32>
      %get3A_109 = arith.constant 32 : index
      %get3A_110 = tpu.vector_load %arg13[%get3A_109] {strides = array<i32>} : memref<1024xf32, #tpu.memory_space<vmem>>, vector<16xf32>,
      %get3A_111 = vector.shape_cast %get3A_110 : vector<16xf32> to vector<16xf32>
      %get3A_112 = arith.constant 48 : index
      %get3A_113 = tpu.vector_load %arg13[%get3A_112] {strides = array<i32>} : memref<1024xf32, #tpu.memory_space<vmem>>, vector<16xf32>,
      %get3A_114 = vector.shape_cast %get3A_113 : vector<16xf32> to vector<16xf32>
      %get3A_115 = arith.constant 64 : index
      %get3A_116 = tpu.vector_load %arg13[%get3A_115] {strides = array<i32>} : memref<1024xf32, #tpu.memory_space<vmem>>, vector<16xf32>,
      %get3A_117 = vector.shape_cast %get3A_116 : vector<16xf32> to vector<16xf32>
      %get3A_118 = arith.constant 80 : index
      %get3A_119 = tpu.vector_load %arg13[%get3A_118] {strides = array<i32>} : memref<1024xf32, #tpu.memory_space<vmem>>, vector<16xf32>,
      %get3A_120 = vector.shape_cast %get3A_119 : vector<16xf32> to vector<16xf32>
      %get3A_121 = arith.constant 96 : index
      %get3A_122 = tpu.vector_load %arg13[%get3A_121] {strides = array<i32>} : memref<1024xf32, #tpu.memory_space<vmem>>, vector<16xf32>,
      %get3A_123 = vector.shape_cast %get3A_122 : vector<16xf32> to vector<16xf32>
      %get3A_124 = arith.constant 112 : index
      %get3A_125 = tpu.vector_load %arg13[%get3A_124] {strides = array<i32>} : memref<1024xf32, #tpu.memory_space<vmem>>, vector<16xf32>,
      %get3A_126 = vector.shape_cast %get3A_125 : vector<16xf32> to vector<16xf32>
      %get3A_127 = arith.constant 128 : index
      %get3A_128 = tpu.vector_load %arg13[%get3A_127] {strides = array<i32>} : memref<1024xf32, #tpu.memory_space<vmem>>, vector<16xf32>,
      %get3A_129 = vector.shape_cast %get3A_128 : vector<16xf32> to vector<16xf32>
      %get3A_130 = arith.constant 144 : index
      %get3A_131 = tpu.vector_load %arg13[%get3A_130] {strides = array<i32>} : memref<1024xf32, #tpu.memory_space<vmem>>, vector<16xf32>,
      %get3A_132 = vector.shape_cast %get3A_131 : vector<16xf32> to vector<16xf32>
      %get3A_133 = arith.constant 160 : index
      %get3A_134 = tpu.vector_load %arg13[%get3A_133] {strides = array<i32>} : memref<1024xf32, #tpu.memory_space<vmem>>, vector<16xf32>,
      %get3A_135 = vector.shape_cast %get3A_134 : vector<16xf32> to vector<16xf32>
      %get3A_136 = arith.constant 176 : index
      %get3A_137 = tpu.vector_load %arg13[%get3A_136] {strides = array<i32>} : memref<1024xf32, #tpu.memory_space<vmem>>, vector<16xf32>,
      %get3A_138 = vector.shape_cast %get3A_137 : vector<16xf32> to vector<16xf32>
      %get3A_139 = arith.constant 192 : index
      %get3A_140 = tpu.vector_load %arg13[%get3A_139] {strides = array<i32>} : memref<1024xf32, #tpu.memory_space<vmem>>, vector<16xf32>,
      %get3A_141 = vector.shape_cast %get3A_140 : vector<16xf32> to vector<16xf32>
      %get3A_142 = arith.constant 208 : index
      %get3A_143 = tpu.vector_load %arg13[%get3A_142] {strides = array<i32>} : memref<1024xf32, #tpu.memory_space<vmem>>, vector<16xf32>,
      %get3A_144 = vector.shape_cast %get3A_143 : vector<16xf32> to vector<16xf32>
      %get3A_145 = arith.constant 224 : index
      %get3A_146 = tpu.vector_load %arg13[%get3A_145] {strides = array<i32>} : memref<1024xf32, #tpu.memory_space<vmem>>, vector<16xf32>,
      %get3A_147 = vector.shape_cast %get3A_146 : vector<16xf32> to vector<16xf32>
      %get3A_148 = arith.constant 240 : index
      %get3A_149 = tpu.vector_load %arg13[%get3A_148] {strides = array<i32>} : memref<1024xf32, #tpu.memory_space<vmem>>, vector<16xf32>,
      %get3A_150 = vector.shape_cast %get3A_149 : vector<16xf32> to vector<16xf32>
      %scan3A_151 = arith.constant 0 : i32
      %scan3A_152 = arith.constant 0 : i32
      %scan3A_153 = arith.constant 8 : i32
      %scan3A_154 = arith.addi %scan3A_152, %scan3A_153 : i32
      %scan3A_155 = arith.constant 1 : i32
      %scan3A_156 = scf.for %scan3A_1088 = %scan3A_152 to %scan3A_154 step %scan3A_155 iter_args(%scan3A_1089 = %scan3A_151) -> (i32)  : i32 {
        %get3A_1090 = arith.index_cast %scan3A_1088 : i32 to index
        %get3A_1091 = arith.constant 0 : index
        %get3A_1092 = tpu.vector_load %arg5[%get3A_1090, %get3A_1091] {strides = array<i32>} : memref<8x1024xf32, #tpu.memory_space<vmem>>, vector<1x16xf32>,
        %get3A_1093 = vector.shape_cast %get3A_1092 : vector<1x16xf32> to vector<16xf32>
        %add3A_1094 = arith.addf %get3A_1093, %get3A_105 : vector<16xf32>
        %swap3A = arith.index_cast %scan3A_1088 : i32 to index
        %swap3A_1095 = arith.constant 0 : index
        %swap3A_1096 = tpu.vector_load %arg9[%swap3A, %swap3A_1095] {strides = array<i32>} : memref<8x1024xf32, #tpu.memory_space<vmem>>, vector<1x16xf32>,
        %swap3A_1097 = vector.shape_cast %swap3A_1096 : vector<1x16xf32> to vector<16xf32>
        %swap3A_1098 = vector.shape_cast %add3A_1094 : vector<16xf32> to vector<1x16xf32>
        tpu.vector_store %arg9[%swap3A, %swap3A_1095], %swap3A_1098 {strides = array<i32>} : memref<8x1024xf32, #tpu.memory_space<vmem>>, vector<1x16xf32>,
        %get3A_1099 = arith.index_cast %scan3A_1088 : i32 to index
        %get3A_1100 = arith.constant 16 : index
        %get3A_1101 = tpu.vector_load %arg5[%get3A_1099, %get3A_1100] {strides = array<i32>} : memref<8x1024xf32, #tpu.memory_space<vmem>>, vector<1x16xf32>,
        %get3A_1102 = vector.shape_cast %get3A_1101 : vector<1x16xf32> to vector<16xf32>
        %add3A_1103 = arith.addf %get3A_1102, %get3A_108 : vector<16xf32>
        %swap3A_1104 = arith.index_cast %scan3A_1088 : i32 to index
        %swap3A_1105 = arith.constant 16 : index
        %swap3A_1106 = tpu.vector_load %arg9[%swap3A_1104, %swap3A_1105] {strides = array<i32>} : memref<8x1024xf32, #tpu.memory_space<vmem>>, vector<1x16xf32>,
        %swap3A_1107 = vector.shape_cast %swap3A_1106 : vector<1x16xf32> to vector<16xf32>
        %swap3A_1108 = vector.shape_cast %add3A_1103 : vector<16xf32> to vector<1x16xf32>
        tpu.vector_store %arg9[%swap3A_1104, %swap3A_1105], %swap3A_1108 {strides = array<i32>} : memref<8x1024xf32, #tpu.memory_space<vmem>>, vector<1x16xf32>,
        %get3A_1109 = arith.index_cast %scan3A_1088 : i32 to index
        %get3A_1110 = arith.constant 32 : index
        %get3A_1111 = tpu.vector_load %arg5[%get3A_1109, %get3A_1110] {strides = array<i32>} : memref<8x1024xf32, #tpu.memory_space<vmem>>, vector<1x16xf32>,
        %get3A_1112 = vector.shape_cast %get3A_1111 : vector<1x16xf32> to vector<16xf32>
        %add3A_1113 = arith.addf %get3A_1112, %get3A_111 : vector<16xf32>
        %swap3A_1114 = arith.index_cast %scan3A_1088 : i32 to index
        %swap3A_1115 = arith.constant 32 : index
        %swap3A_1116 = tpu.vector_load %arg9[%swap3A_1114, %swap3A_1115] {strides = array<i32>} : memref<8x1024xf32, #tpu.memory_space<vmem>>, vector<1x16xf32>,
        %swap3A_1117 = vector.shape_cast %swap3A_1116 : vector<1x16xf32> to vector<16xf32>
        %swap3A_1118 = vector.shape_cast %add3A_1113 : vector<16xf32> to vector<1x16xf32>
        tpu.vector_store %arg9[%swap3A_1114, %swap3A_1115], %swap3A_1118 {strides = array<i32>} : memref<8x1024xf32, #tpu.memory_space<vmem>>, vector<1x16xf32>,
        %get3A_1119 = arith.index_cast %scan3A_1088 : i32 to index
        %get3A_1120 = arith.constant 48 : index
        %get3A_1121 = tpu.vector_load %arg5[%get3A_1119, %get3A_1120] {strides = array<i32>} : memref<8x1024xf32, #tpu.memory_space<vmem>>, vector<1x16xf32>,
        %get3A_1122 = vector.shape_cast %get3A_1121 : vector<1x16xf32> to vector<16xf32>
        %add3A_1123 = arith.addf %get3A_1122, %get3A_114 : vector<16xf32>
        %swap3A_1124 = arith.index_cast %scan3A_1088 : i32 to index
        %swap3A_1125 = arith.constant 48 : index
        %swap3A_1126 = tpu.vector_load %arg9[%swap3A_1124, %swap3A_1125] {strides = array<i32>} : memref<8x1024xf32, #tpu.memory_space<vmem>>, vector<1x16xf32>,
        %swap3A_1127 = vector.shape_cast %swap3A_1126 : vector<1x16xf32> to vector<16xf32>
        %swap3A_1128 = vector.shape_cast %add3A_1123 : vector<16xf32> to vector<1x16xf32>
        tpu.vector_store %arg9[%swap3A_1124, %swap3A_1125], %swap3A_1128 {strides = array<i32>} : memref<8x1024xf32, #tpu.memory_space<vmem>>, vector<1x16xf32>,
        %get3A_1129 = arith.index_cast %scan3A_1088 : i32 to index
        %get3A_1130 = arith.constant 64 : index
        %get3A_1131 = tpu.vector_load %arg5[%get3A_1129, %get3A_1130] {strides = array<i32>} : memref<8x1024xf32, #tpu.memory_space<vmem>>, vector<1x16xf32>,
        %get3A_1132 = vector.shape_cast %get3A_1131 : vector<1x16xf32> to vector<16xf32>
        %add3A_1133 = arith.addf %get3A_1132, %get3A_117 : vector<16xf32>
        %swap3A_1134 = arith.index_cast %scan3A_1088 : i32 to index
        %swap3A_1135 = arith.constant 64 : index
        %swap3A_1136 = tpu.vector_load %arg9[%swap3A_1134, %swap3A_1135] {strides = array<i32>} : memref<8x1024xf32, #tpu.memory_space<vmem>>, vector<1x16xf32>,
        %swap3A_1137 = vector.shape_cast %swap3A_1136 : vector<1x16xf32> to vector<16xf32>
        %swap3A_1138 = vector.shape_cast %add3A_1133 : vector<16xf32> to vector<1x16xf32>
        tpu.vector_store %arg9[%swap3A_1134, %swap3A_1135], %swap3A_1138 {strides = array<i32>} : memref<8x1024xf32, #tpu.memory_space<vmem>>, vector<1x16xf32>,
        %get3A_1139 = arith.index_cast %scan3A_1088 : i32 to index
        %get3A_1140 = arith.constant 80 : index
        %get3A_1141 = tpu.vector_load %arg5[%get3A_1139, %get3A_1140] {strides = array<i32>} : memref<8x1024xf32, #tpu.memory_space<vmem>>, vector<1x16xf32>,
        %get3A_1142 = vector.shape_cast %get3A_1141 : vector<1x16xf32> to vector<16xf32>
        %add3A_1143 = arith.addf %get3A_1142, %get3A_120 : vector<16xf32>
        %swap3A_1144 = arith.index_cast %scan3A_1088 : i32 to index
        %swap3A_1145 = arith.constant 80 : index
        %swap3A_1146 = tpu.vector_load %arg9[%swap3A_1144, %swap3A_1145] {strides = array<i32>} : memref<8x1024xf32, #tpu.memory_space<vmem>>, vector<1x16xf32>,
        %swap3A_1147 = vector.shape_cast %swap3A_1146 : vector<1x16xf32> to vector<16xf32>
        %swap3A_1148 = vector.shape_cast %add3A_1143 : vector<16xf32> to vector<1x16xf32>
        tpu.vector_store %arg9[%swap3A_1144, %swap3A_1145], %swap3A_1148 {strides = array<i32>} : memref<8x1024xf32, #tpu.memory_space<vmem>>, vector<1x16xf32>,
        %get3A_1149 = arith.index_cast %scan3A_1088 : i32 to index
        %get3A_1150 = arith.constant 96 : index
        %get3A_1151 = tpu.vector_load %arg5[%get3A_1149, %get3A_1150] {strides = array<i32>} : memref<8x1024xf32, #tpu.memory_space<vmem>>, vector<1x16xf32>,
        %get3A_1152 = vector.shape_cast %get3A_1151 : vector<1x16xf32> to vector<16xf32>
        %add3A_1153 = arith.addf %get3A_1152, %get3A_123 : vector<16xf32>
        %swap3A_1154 = arith.index_cast %scan3A_1088 : i32 to index
        %swap3A_1155 = arith.constant 96 : index
        %swap3A_1156 = tpu.vector_load %arg9[%swap3A_1154, %swap3A_1155] {strides = array<i32>} : memref<8x1024xf32, #tpu.memory_space<vmem>>, vector<1x16xf32>,
        %swap3A_1157 = vector.shape_cast %swap3A_1156 : vector<1x16xf32> to vector<16xf32>
        %swap3A_1158 = vector.shape_cast %add3A_1153 : vector<16xf32> to vector<1x16xf32>
        tpu.vector_store %arg9[%swap3A_1154, %swap3A_1155], %swap3A_1158 {strides = array<i32>} : memref<8x1024xf32, #tpu.memory_space<vmem>>, vector<1x16xf32>,
        %get3A_1159 = arith.index_cast %scan3A_1088 : i32 to index
        %get3A_1160 = arith.constant 112 : index
        %get3A_1161 = tpu.vector_load %arg5[%get3A_1159, %get3A_1160] {strides = array<i32>} : memref<8x1024xf32, #tpu.memory_space<vmem>>, vector<1x16xf32>,
        %get3A_1162 = vector.shape_cast %get3A_1161 : vector<1x16xf32> to vector<16xf32>
        %add3A_1163 = arith.addf %get3A_1162, %get3A_126 : vector<16xf32>
        %swap3A_1164 = arith.index_cast %scan3A_1088 : i32 to index
        %swap3A_1165 = arith.constant 112 : index
        %swap3A_1166 = tpu.vector_load %arg9[%swap3A_1164, %swap3A_1165] {strides = array<i32>} : memref<8x1024xf32, #tpu.memory_space<vmem>>, vector<1x16xf32>,
        %swap3A_1167 = vector.shape_cast %swap3A_1166 : vector<1x16xf32> to vector<16xf32>
        %swap3A_1168 = vector.shape_cast %add3A_1163 : vector<16xf32> to vector<1x16xf32>
        tpu.vector_store %arg9[%swap3A_1164, %swap3A_1165], %swap3A_1168 {strides = array<i32>} : memref<8x1024xf32, #tpu.memory_space<vmem>>, vector<1x16xf32>,
        %get3A_1169 = arith.index_cast %scan3A_1088 : i32 to index
        %get3A_1170 = arith.constant 128 : index
        %get3A_1171 = tpu.vector_load %arg5[%get3A_1169, %get3A_1170] {strides = array<i32>} : memref<8x1024xf32, #tpu.memory_space<vmem>>, vector<1x16xf32>,
        %get3A_1172 = vector.shape_cast %get3A_1171 : vector<1x16xf32> to vector<16xf32>
        %add3A_1173 = arith.addf %get3A_1172, %get3A_129 : vector<16xf32>
        %swap3A_1174 = arith.index_cast %scan3A_1088 : i32 to index
        %swap3A_1175 = arith.constant 128 : index
        %swap3A_1176 = tpu.vector_load %arg9[%swap3A_1174, %swap3A_1175] {strides = array<i32>} : memref<8x1024xf32, #tpu.memory_space<vmem>>, vector<1x16xf32>,
        %swap3A_1177 = vector.shape_cast %swap3A_1176 : vector<1x16xf32> to vector<16xf32>
        %swap3A_1178 = vector.shape_cast %add3A_1173 : vector<16xf32> to vector<1x16xf32>
        tpu.vector_store %arg9[%swap3A_1174, %swap3A_1175], %swap3A_1178 {strides = array<i32>} : memref<8x1024xf32, #tpu.memory_space<vmem>>, vector<1x16xf32>,
        %get3A_1179 = arith.index_cast %scan3A_1088 : i32 to index
        %get3A_1180 = arith.constant 144 : index
        %get3A_1181 = tpu.vector_load %arg5[%get3A_1179, %get3A_1180] {strides = array<i32>} : memref<8x1024xf32, #tpu.memory_space<vmem>>, vector<1x16xf32>,
        %get3A_1182 = vector.shape_cast %get3A_1181 : vector<1x16xf32> to vector<16xf32>
        %add3A_1183 = arith.addf %get3A_1182, %get3A_132 : vector<16xf32>
        %swap3A_1184 = arith.index_cast %scan3A_1088 : i32 to index
        %swap3A_1185 = arith.constant 144 : index
        %swap3A_1186 = tpu.vector_load %arg9[%swap3A_1184, %swap3A_1185] {strides = array<i32>} : memref<8x1024xf32, #tpu.memory_space<vmem>>, vector<1x16xf32>,
        %swap3A_1187 = vector.shape_cast %swap3A_1186 : vector<1x16xf32> to vector<16xf32>
        %swap3A_1188 = vector.shape_cast %add3A_1183 : vector<16xf32> to vector<1x16xf32>
        tpu.vector_store %arg9[%swap3A_1184, %swap3A_1185], %swap3A_1188 {strides = array<i32>} : memref<8x1024xf32, #tpu.memory_space<vmem>>, vector<1x16xf32>,
        %get3A_1189 = arith.index_cast %scan3A_1088 : i32 to index
        %get3A_1190 = arith.constant 160 : index
        %get3A_1191 = tpu.vector_load %arg5[%get3A_1189, %get3A_1190] {strides = array<i32>} : memref<8x1024xf32, #tpu.memory_space<vmem>>, vector<1x16xf32>,
        %get3A_1192 = vector.shape_cast %get3A_1191 : vector<1x16xf32> to vector<16xf32>
        %add3A_1193 = arith.addf %get3A_1192, %get3A_135 : vector<16xf32>
        %swap3A_1194 = arith.index_cast %scan3A_1088 : i32 to index
        %swap3A_1195 = arith.constant 160 : index
        %swap3A_1196 = tpu.vector_load %arg9[%swap3A_1194, %swap3A_1195] {strides = array<i32>} : memref<8x1024xf32, #tpu.memory_space<vmem>>, vector<1x16xf32>,
        %swap3A_1197 = vector.shape_cast %swap3A_1196 : vector<1x16xf32> to vector<16xf32>
        %swap3A_1198 = vector.shape_cast %add3A_1193 : vector<16xf32> to vector<1x16xf32>
        tpu.vector_store %arg9[%swap3A_1194, %swap3A_1195], %swap3A_1198 {strides = array<i32>} : memref<8x1024xf32, #tpu.memory_space<vmem>>, vector<1x16xf32>,
        %get3A_1199 = arith.index_cast %scan3A_1088 : i32 to index
        %get3A_1200 = arith.constant 176 : index
        %get3A_1201 = tpu.vector_load %arg5[%get3A_1199, %get3A_1200] {strides = array<i32>} : memref<8x1024xf32, #tpu.memory_space<vmem>>, vector<1x16xf32>,
        %get3A_1202 = vector.shape_cast %get3A_1201 : vector<1x16xf32> to vector<16xf32>
        %add3A_1203 = arith.addf %get3A_1202, %get3A_138 : vector<16xf32>
        %swap3A_1204 = arith.index_cast %scan3A_1088 : i32 to index
        %swap3A_1205 = arith.constant 176 : index
        %swap3A_1206 = tpu.vector_load %arg9[%swap3A_1204, %swap3A_1205] {strides = array<i32>} : memref<8x1024xf32, #tpu.memory_space<vmem>>, vector<1x16xf32>,
        %swap3A_1207 = vector.shape_cast %swap3A_1206 : vector<1x16xf32> to vector<16xf32>
        %swap3A_1208 = vector.shape_cast %add3A_1203 : vector<16xf32> to vector<1x16xf32>
        tpu.vector_store %arg9[%swap3A_1204, %swap3A_1205], %swap3A_1208 {strides = array<i32>} : memref<8x1024xf32, #tpu.memory_space<vmem>>, vector<1x16xf32>,
        %get3A_1209 = arith.index_cast %scan3A_1088 : i32 to index
        %get3A_1210 = arith.constant 192 : index
        %get3A_1211 = tpu.vector_load %arg5[%get3A_1209, %get3A_1210] {strides = array<i32>} : memref<8x1024xf32, #tpu.memory_space<vmem>>, vector<1x16xf32>,
        %get3A_1212 = vector.shape_cast %get3A_1211 : vector<1x16xf32> to vector<16xf32>
        %add3A_1213 = arith.addf %get3A_1212, %get3A_141 : vector<16xf32>
        %swap3A_1214 = arith.index_cast %scan3A_1088 : i32 to index
        %swap3A_1215 = arith.constant 192 : index
        %swap3A_1216 = tpu.vector_load %arg9[%swap3A_1214, %swap3A_1215] {strides = array<i32>} : memref<8x1024xf32, #tpu.memory_space<vmem>>, vector<1x16xf32>,
        %swap3A_1217 = vector.shape_cast %swap3A_1216 : vector<1x16xf32> to vector<16xf32>
        %swap3A_1218 = vector.shape_cast %add3A_1213 : vector<16xf32> to vector<1x16xf32>
        tpu.vector_store %arg9[%swap3A_1214, %swap3A_1215], %swap3A_1218 {strides = array<i32>} : memref<8x1024xf32, #tpu.memory_space<vmem>>, vector<1x16xf32>,
        %get3A_1219 = arith.index_cast %scan3A_1088 : i32 to index
        %get3A_1220 = arith.constant 208 : index
        %get3A_1221 = tpu.vector_load %arg5[%get3A_1219, %get3A_1220] {strides = array<i32>} : memref<8x1024xf32, #tpu.memory_space<vmem>>, vector<1x16xf32>,
        %get3A_1222 = vector.shape_cast %get3A_1221 : vector<1x16xf32> to vector<16xf32>
        %add3A_1223 = arith.addf %get3A_1222, %get3A_144 : vector<16xf32>
        %swap3A_1224 = arith.index_cast %scan3A_1088 : i32 to index
        %swap3A_1225 = arith.constant 208 : index
        %swap3A_1226 = tpu.vector_load %arg9[%swap3A_1224, %swap3A_1225] {strides = array<i32>} : memref<8x1024xf32, #tpu.memory_space<vmem>>, vector<1x16xf32>,
        %swap3A_1227 = vector.shape_cast %swap3A_1226 : vector<1x16xf32> to vector<16xf32>
        %swap3A_1228 = vector.shape_cast %add3A_1223 : vector<16xf32> to vector<1x16xf32>
        tpu.vector_store %arg9[%swap3A_1224, %swap3A_1225], %swap3A_1228 {strides = array<i32>} : memref<8x1024xf32, #tpu.memory_space<vmem>>, vector<1x16xf32>,
        %get3A_1229 = arith.index_cast %scan3A_1088 : i32 to index
        %get3A_1230 = arith.constant 224 : index
        %get3A_1231 = tpu.vector_load %arg5[%get3A_1229, %get3A_1230] {strides = array<i32>} : memref<8x1024xf32, #tpu.memory_space<vmem>>, vector<1x16xf32>,
        %get3A_1232 = vector.shape_cast %get3A_1231 : vector<1x16xf32> to vector<16xf32>
        %add3A_1233 = arith.addf %get3A_1232, %get3A_147 : vector<16xf32>
        %swap3A_1234 = arith.index_cast %scan3A_1088 : i32 to index
        %swap3A_1235 = arith.constant 224 : index
        %swap3A_1236 = tpu.vector_load %arg9[%swap3A_1234, %swap3A_1235] {strides = array<i32>} : memref<8x1024xf32, #tpu.memory_space<vmem>>, vector<1x16xf32>,
        %swap3A_1237 = vector.shape_cast %swap3A_1236 : vector<1x16xf32> to vector<16xf32>
        %swap3A_1238 = vector.shape_cast %add3A_1233 : vector<16xf32> to vector<1x16xf32>
        tpu.vector_store %arg9[%swap3A_1234, %swap3A_1235], %swap3A_1238 {strides = array<i32>} : memref<8x1024xf32, #tpu.memory_space<vmem>>, vector<1x16xf32>,
        %get3A_1239 = arith.index_cast %scan3A_1088 : i32 to index
        %get3A_1240 = arith.constant 240 : index
        %get3A_1241 = tpu.vector_load %arg5[%get3A_1239, %get3A_1240] {strides = array<i32>} : memref<8x1024xf32, #tpu.memory_space<vmem>>, vector<1x16xf32>,
        %get3A_1242 = vector.shape_cast %get3A_1241 : vector<1x16xf32> to vector<16xf32>
        %add3A_1243 = arith.addf %get3A_1242, %get3A_150 : vector<16xf32>
        %swap3A_1244 = arith.index_cast %scan3A_1088 : i32 to index
        %swap3A_1245 = arith.constant 240 : index
        %swap3A_1246 = tpu.vector_load %arg9[%swap3A_1244, %swap3A_1245] {strides = array<i32>} : memref<8x1024xf32, #tpu.memory_space<vmem>>, vector<1x16xf32>,
        %swap3A_1247 = vector.shape_cast %swap3A_1246 : vector<1x16xf32> to vector<16xf32>
        %swap3A_1248 = vector.shape_cast %add3A_1243 : vector<16xf32> to vector<1x16xf32>
        tpu.vector_store %arg9[%swap3A_1244, %swap3A_1245], %swap3A_1248 {strides = array<i32>} : memref<8x1024xf32, #tpu.memory_space<vmem>>, vector<1x16xf32>,
        %scan3A_1249 = arith.constant 0 : i32
        scf.yield %scan3A_1249 : i32
      }
      %scan3A_157 = arith.constant 8 : i32
      %get3A_158 = arith.constant 256 : index
      %get3A_159 = tpu.vector_load %arg13[%get3A_158] {strides = array<i32>} : memref<1024xf32, #tpu.memory_space<vmem>>, vector<16xf32>,
      %get3A_160 = vector.shape_cast %get3A_159 : vector<16xf32> to vector<16xf32>
      %get3A_161 = arith.constant 272 : index
      %get3A_162 = tpu.vector_load %arg13[%get3A_161] {strides = array<i32>} : memref<1024xf32, #tpu.memory_space<vmem>>, vector<16xf32>,
      %get3A_163 = vector.shape_cast %get3A_162 : vector<16xf32> to vector<16xf32>
      %get3A_164 = arith.constant 288 : index
      %get3A_165 = tpu.vector_load %arg13[%get3A_164] {strides = array<i32>} : memref<1024xf32, #tpu.memory_space<vmem>>, vector<16xf32>,
      %get3A_166 = vector.shape_cast %get3A_165 : vector<16xf32> to vector<16xf32>
      %get3A_167 = arith.constant 304 : index
      %get3A_168 = tpu.vector_load %arg13[%get3A_167] {strides = array<i32>} : memref<1024xf32, #tpu.memory_space<vmem>>, vector<16xf32>,
      %get3A_169 = vector.shape_cast %get3A_168 : vector<16xf32> to vector<16xf32>
      %get3A_170 = arith.constant 320 : index
      %get3A_171 = tpu.vector_load %arg13[%get3A_170] {strides = array<i32>} : memref<1024xf32, #tpu.memory_space<vmem>>, vector<16xf32>,
      %get3A_172 = vector.shape_cast %get3A_171 : vector<16xf32> to vector<16xf32>
      %get3A_173 = arith.constant 336 : index
      %get3A_174 = tpu.vector_load %arg13[%get3A_173] {strides = array<i32>} : memref<1024xf32, #tpu.memory_space<vmem>>, vector<16xf32>,
      %get3A_175 = vector.shape_cast %get3A_174 : vector<16xf32> to vector<16xf32>
      %get3A_176 = arith.constant 352 : index
      %get3A_177 = tpu.vector_load %arg13[%get3A_176] {strides = array<i32>} : memref<1024xf32, #tpu.memory_space<vmem>>, vector<16xf32>,
      %get3A_178 = vector.shape_cast %get3A_177 : vector<16xf32> to vector<16xf32>
      %get3A_179 = arith.constant 368 : index
      %get3A_180 = tpu.vector_load %arg13[%get3A_179] {strides = array<i32>} : memref<1024xf32, #tpu.memory_space<vmem>>, vector<16xf32>,
      %get3A_181 = vector.shape_cast %get3A_180 : vector<16xf32> to vector<16xf32>
      %get3A_182 = arith.constant 384 : index
      %get3A_183 = tpu.vector_load %arg13[%get3A_182] {strides = array<i32>} : memref<1024xf32, #tpu.memory_space<vmem>>, vector<16xf32>,
      %get3A_184 = vector.shape_cast %get3A_183 : vector<16xf32> to vector<16xf32>
      %get3A_185 = arith.constant 400 : index
      %get3A_186 = tpu.vector_load %arg13[%get3A_185] {strides = array<i32>} : memref<1024xf32, #tpu.memory_space<vmem>>, vector<16xf32>,
      %get3A_187 = vector.shape_cast %get3A_186 : vector<16xf32> to vector<16xf32>
      %get3A_188 = arith.constant 416 : index
      %get3A_189 = tpu.vector_load %arg13[%get3A_188] {strides = array<i32>} : memref<1024xf32, #tpu.memory_space<vmem>>, vector<16xf32>,
      %get3A_190 = vector.shape_cast %get3A_189 : vector<16xf32> to vector<16xf32>
      %get3A_191 = arith.constant 432 : index
      %get3A_192 = tpu.vector_load %arg13[%get3A_191] {strides = array<i32>} : memref<1024xf32, #tpu.memory_space<vmem>>, vector<16xf32>,
      %get3A_193 = vector.shape_cast %get3A_192 : vector<16xf32> to vector<16xf32>
      %get3A_194 = arith.constant 448 : index
      %get3A_195 = tpu.vector_load %arg13[%get3A_194] {strides = array<i32>} : memref<1024xf32, #tpu.memory_space<vmem>>, vector<16xf32>,
      %get3A_196 = vector.shape_cast %get3A_195 : vector<16xf32> to vector<16xf32>
      %get3A_197 = arith.constant 464 : index
      %get3A_198 = tpu.vector_load %arg13[%get3A_197] {strides = array<i32>} : memref<1024xf32, #tpu.memory_space<vmem>>, vector<16xf32>,
      %get3A_199 = vector.shape_cast %get3A_198 : vector<16xf32> to vector<16xf32>
      %get3A_200 = arith.constant 480 : index
      %get3A_201 = tpu.vector_load %arg13[%get3A_200] {strides = array<i32>} : memref<1024xf32, #tpu.memory_space<vmem>>, vector<16xf32>,
      %get3A_202 = vector.shape_cast %get3A_201 : vector<16xf32> to vector<16xf32>
      %get3A_203 = arith.constant 496 : index
      %get3A_204 = tpu.vector_load %arg13[%get3A_203] {strides = array<i32>} : memref<1024xf32, #tpu.memory_space<vmem>>, vector<16xf32>,
      %get3A_205 = vector.shape_cast %get3A_204 : vector<16xf32> to vector<16xf32>
      %scan3A_206 = arith.constant 0 : i32
      %scan3A_207 = arith.constant 0 : i32
      %scan3A_208 = arith.constant 8 : i32
      %scan3A_209 = arith.addi %scan3A_207, %scan3A_208 : i32
      %scan3A_210 = arith.constant 1 : i32
      %scan3A_211 = scf.for %scan3A_1088 = %scan3A_207 to %scan3A_209 step %scan3A_210 iter_args(%scan3A_1089 = %scan3A_206) -> (i32)  : i32 {
        %get3A_1090 = arith.index_cast %scan3A_1088 : i32 to index
        %get3A_1091 = arith.constant 256 : index
        %get3A_1092 = tpu.vector_load %arg5[%get3A_1090, %get3A_1091] {strides = array<i32>} : memref<8x1024xf32, #tpu.memory_space<vmem>>, vector<1x16xf32>,
        %get3A_1093 = vector.shape_cast %get3A_1092 : vector<1x16xf32> to vector<16xf32>
        %add3A_1094 = arith.addf %get3A_1093, %get3A_160 : vector<16xf32>
        %swap3A = arith.index_cast %scan3A_1088 : i32 to index
        %swap3A_1095 = arith.constant 256 : index
        %swap3A_1096 = tpu.vector_load %arg9[%swap3A, %swap3A_1095] {strides = array<i32>} : memref<8x1024xf32, #tpu.memory_space<vmem>>, vector<1x16xf32>,
        %swap3A_1097 = vector.shape_cast %swap3A_1096 : vector<1x16xf32> to vector<16xf32>
        %swap3A_1098 = vector.shape_cast %add3A_1094 : vector<16xf32> to vector<1x16xf32>
        tpu.vector_store %arg9[%swap3A, %swap3A_1095], %swap3A_1098 {strides = array<i32>} : memref<8x1024xf32, #tpu.memory_space<vmem>>, vector<1x16xf32>,
        %get3A_1099 = arith.index_cast %scan3A_1088 : i32 to index
        %get3A_1100 = arith.constant 272 : index
        %get3A_1101 = tpu.vector_load %arg5[%get3A_1099, %get3A_1100] {strides = array<i32>} : memref<8x1024xf32, #tpu.memory_space<vmem>>, vector<1x16xf32>,
        %get3A_1102 = vector.shape_cast %get3A_1101 : vector<1x16xf32> to vector<16xf32>
        %add3A_1103 = arith.addf %get3A_1102, %get3A_163 : vector<16xf32>
        %swap3A_1104 = arith.index_cast %scan3A_1088 : i32 to index
        %swap3A_1105 = arith.constant 272 : index
        %swap3A_1106 = tpu.vector_load %arg9[%swap3A_1104, %swap3A_1105] {strides = array<i32>} : memref<8x1024xf32, #tpu.memory_space<vmem>>, vector<1x16xf32>,
        %swap3A_1107 = vector.shape_cast %swap3A_1106 : vector<1x16xf32> to vector<16xf32>
        %swap3A_1108 = vector.shape_cast %add3A_1103 : vector<16xf32> to vector<1x16xf32>
        tpu.vector_store %arg9[%swap3A_1104, %swap3A_1105], %swap3A_1108 {strides = array<i32>} : memref<8x1024xf32, #tpu.memory_space<vmem>>, vector<1x16xf32>,
        %get3A_1109 = arith.index_cast %scan3A_1088 : i32 to index
        %get3A_1110 = arith.constant 288 : index
        %get3A_1111 = tpu.vector_load %arg5[%get3A_1109, %get3A_1110] {strides = array<i32>} : memref<8x1024xf32, #tpu.memory_space<vmem>>, vector<1x16xf32>,
        %get3A_1112 = vector.shape_cast %get3A_1111 : vector<1x16xf32> to vector<16xf32>
        %add3A_1113 = arith.addf %get3A_1112, %get3A_166 : vector<16xf32>
        %swap3A_1114 = arith.index_cast %scan3A_1088 : i32 to index
        %swap3A_1115 = arith.constant 288 : index
        %swap3A_1116 = tpu.vector_load %arg9[%swap3A_1114, %swap3A_1115] {strides = array<i32>} : memref<8x1024xf32, #tpu.memory_space<vmem>>, vector<1x16xf32>,
        %swap3A_1117 = vector.shape_cast %swap3A_1116 : vector<1x16xf32> to vector<16xf32>
        %swap3A_1118 = vector.shape_cast %add3A_1113 : vector<16xf32> to vector<1x16xf32>
        tpu.vector_store %arg9[%swap3A_1114, %swap3A_1115], %swap3A_1118 {strides = array<i32>} : memref<8x1024xf32, #tpu.memory_space<vmem>>, vector<1x16xf32>,
        %get3A_1119 = arith.index_cast %scan3A_1088 : i32 to index
        %get3A_1120 = arith.constant 304 : index
        %get3A_1121 = tpu.vector_load %arg5[%get3A_1119, %get3A_1120] {strides = array<i32>} : memref<8x1024xf32, #tpu.memory_space<vmem>>, vector<1x16xf32>,
        %get3A_1122 = vector.shape_cast %get3A_1121 : vector<1x16xf32> to vector<16xf32>
        %add3A_1123 = arith.addf %get3A_1122, %get3A_169 : vector<16xf32>
        %swap3A_1124 = arith.index_cast %scan3A_1088 : i32 to index
        %swap3A_1125 = arith.constant 304 : index
        %swap3A_1126 = tpu.vector_load %arg9[%swap3A_1124, %swap3A_1125] {strides = array<i32>} : memref<8x1024xf32, #tpu.memory_space<vmem>>, vector<1x16xf32>,
        %swap3A_1127 = vector.shape_cast %swap3A_1126 : vector<1x16xf32> to vector<16xf32>
        %swap3A_1128 = vector.shape_cast %add3A_1123 : vector<16xf32> to vector<1x16xf32>
        tpu.vector_store %arg9[%swap3A_1124, %swap3A_1125], %swap3A_1128 {strides = array<i32>} : memref<8x1024xf32, #tpu.memory_space<vmem>>, vector<1x16xf32>,
        %get3A_1129 = arith.index_cast %scan3A_1088 : i32 to index
        %get3A_1130 = arith.constant 320 : index
        %get3A_1131 = tpu.vector_load %arg5[%get3A_1129, %get3A_1130] {strides = array<i32>} : memref<8x1024xf32, #tpu.memory_space<vmem>>, vector<1x16xf32>,
        %get3A_1132 = vector.shape_cast %get3A_1131 : vector<1x16xf32> to vector<16xf32>
        %add3A_1133 = arith.addf %get3A_1132, %get3A_172 : vector<16xf32>
        %swap3A_1134 = arith.index_cast %scan3A_1088 : i32 to index
        %swap3A_1135 = arith.constant 320 : index
        %swap3A_1136 = tpu.vector_load %arg9[%swap3A_1134, %swap3A_1135] {strides = array<i32>} : memref<8x1024xf32, #tpu.memory_space<vmem>>, vector<1x16xf32>,
        %swap3A_1137 = vector.shape_cast %swap3A_1136 : vector<1x16xf32> to vector<16xf32>
        %swap3A_1138 = vector.shape_cast %add3A_1133 : vector<16xf32> to vector<1x16xf32>
        tpu.vector_store %arg9[%swap3A_1134, %swap3A_1135], %swap3A_1138 {strides = array<i32>} : memref<8x1024xf32, #tpu.memory_space<vmem>>, vector<1x16xf32>,
        %get3A_1139 = arith.index_cast %scan3A_1088 : i32 to index
        %get3A_1140 = arith.constant 336 : index
        %get3A_1141 = tpu.vector_load %arg5[%get3A_1139, %get3A_1140] {strides = array<i32>} : memref<8x1024xf32, #tpu.memory_space<vmem>>, vector<1x16xf32>,
        %get3A_1142 = vector.shape_cast %get3A_1141 : vector<1x16xf32> to vector<16xf32>
        %add3A_1143 = arith.addf %get3A_1142, %get3A_175 : vector<16xf32>
        %swap3A_1144 = arith.index_cast %scan3A_1088 : i32 to index
        %swap3A_1145 = arith.constant 336 : index
        %swap3A_1146 = tpu.vector_load %arg9[%swap3A_1144, %swap3A_1145] {strides = array<i32>} : memref<8x1024xf32, #tpu.memory_space<vmem>>, vector<1x16xf32>,
        %swap3A_1147 = vector.shape_cast %swap3A_1146 : vector<1x16xf32> to vector<16xf32>
        %swap3A_1148 = vector.shape_cast %add3A_1143 : vector<16xf32> to vector<1x16xf32>
        tpu.vector_store %arg9[%swap3A_1144, %swap3A_1145], %swap3A_1148 {strides = array<i32>} : memref<8x1024xf32, #tpu.memory_space<vmem>>, vector<1x16xf32>,
        %get3A_1149 = arith.index_cast %scan3A_1088 : i32 to index
        %get3A_1150 = arith.constant 352 : index
        %get3A_1151 = tpu.vector_load %arg5[%get3A_1149, %get3A_1150] {strides = array<i32>} : memref<8x1024xf32, #tpu.memory_space<vmem>>, vector<1x16xf32>,
        %get3A_1152 = vector.shape_cast %get3A_1151 : vector<1x16xf32> to vector<16xf32>
        %add3A_1153 = arith.addf %get3A_1152, %get3A_178 : vector<16xf32>
        %swap3A_1154 = arith.index_cast %scan3A_1088 : i32 to index
        %swap3A_1155 = arith.constant 352 : index
        %swap3A_1156 = tpu.vector_load %arg9[%swap3A_1154, %swap3A_1155] {strides = array<i32>} : memref<8x1024xf32, #tpu.memory_space<vmem>>, vector<1x16xf32>,
        %swap3A_1157 = vector.shape_cast %swap3A_1156 : vector<1x16xf32> to vector<16xf32>
        %swap3A_1158 = vector.shape_cast %add3A_1153 : vector<16xf32> to vector<1x16xf32>
        tpu.vector_store %arg9[%swap3A_1154, %swap3A_1155], %swap3A_1158 {strides = array<i32>} : memref<8x1024xf32, #tpu.memory_space<vmem>>, vector<1x16xf32>,
        %get3A_1159 = arith.index_cast %scan3A_1088 : i32 to index
        %get3A_1160 = arith.constant 368 : index
        %get3A_1161 = tpu.vector_load %arg5[%get3A_1159, %get3A_1160] {strides = array<i32>} : memref<8x1024xf32, #tpu.memory_space<vmem>>, vector<1x16xf32>,
        %get3A_1162 = vector.shape_cast %get3A_1161 : vector<1x16xf32> to vector<16xf32>
        %add3A_1163 = arith.addf %get3A_1162, %get3A_181 : vector<16xf32>
        %swap3A_1164 = arith.index_cast %scan3A_1088 : i32 to index
        %swap3A_1165 = arith.constant 368 : index
        %swap3A_1166 = tpu.vector_load %arg9[%swap3A_1164, %swap3A_1165] {strides = array<i32>} : memref<8x1024xf32, #tpu.memory_space<vmem>>, vector<1x16xf32>,
        %swap3A_1167 = vector.shape_cast %swap3A_1166 : vector<1x16xf32> to vector<16xf32>
        %swap3A_1168 = vector.shape_cast %add3A_1163 : vector<16xf32> to vector<1x16xf32>
        tpu.vector_store %arg9[%swap3A_1164, %swap3A_1165], %swap3A_1168 {strides = array<i32>} : memref<8x1024xf32, #tpu.memory_space<vmem>>, vector<1x16xf32>,
        %get3A_1169 = arith.index_cast %scan3A_1088 : i32 to index
        %get3A_1170 = arith.constant 384 : index
        %get3A_1171 = tpu.vector_load %arg5[%get3A_1169, %get3A_1170] {strides = array<i32>} : memref<8x1024xf32, #tpu.memory_space<vmem>>, vector<1x16xf32>,
        %get3A_1172 = vector.shape_cast %get3A_1171 : vector<1x16xf32> to vector<16xf32>
        %add3A_1173 = arith.addf %get3A_1172, %get3A_184 : vector<16xf32>
        %swap3A_1174 = arith.index_cast %scan3A_1088 : i32 to index
        %swap3A_1175 = arith.constant 384 : index
        %swap3A_1176 = tpu.vector_load %arg9[%swap3A_1174, %swap3A_1175] {strides = array<i32>} : memref<8x1024xf32, #tpu.memory_space<vmem>>, vector<1x16xf32>,
        %swap3A_1177 = vector.shape_cast %swap3A_1176 : vector<1x16xf32> to vector<16xf32>
        %swap3A_1178 = vector.shape_cast %add3A_1173 : vector<16xf32> to vector<1x16xf32>
        tpu.vector_store %arg9[%swap3A_1174, %swap3A_1175], %swap3A_1178 {strides = array<i32>} : memref<8x1024xf32, #tpu.memory_space<vmem>>, vector<1x16xf32>,
        %get3A_1179 = arith.index_cast %scan3A_1088 : i32 to index
        %get3A_1180 = arith.constant 400 : index
        %get3A_1181 = tpu.vector_load %arg5[%get3A_1179, %get3A_1180] {strides = array<i32>} : memref<8x1024xf32, #tpu.memory_space<vmem>>, vector<1x16xf32>,
        %get3A_1182 = vector.shape_cast %get3A_1181 : vector<1x16xf32> to vector<16xf32>
        %add3A_1183 = arith.addf %get3A_1182, %get3A_187 : vector<16xf32>
        %swap3A_1184 = arith.index_cast %scan3A_1088 : i32 to index
        %swap3A_1185 = arith.constant 400 : index
        %swap3A_1186 = tpu.vector_load %arg9[%swap3A_1184, %swap3A_1185] {strides = array<i32>} : memref<8x1024xf32, #tpu.memory_space<vmem>>, vector<1x16xf32>,
        %swap3A_1187 = vector.shape_cast %swap3A_1186 : vector<1x16xf32> to vector<16xf32>
        %swap3A_1188 = vector.shape_cast %add3A_1183 : vector<16xf32> to vector<1x16xf32>
        tpu.vector_store %arg9[%swap3A_1184, %swap3A_1185], %swap3A_1188 {strides = array<i32>} : memref<8x1024xf32, #tpu.memory_space<vmem>>, vector<1x16xf32>,
        %get3A_1189 = arith.index_cast %scan3A_1088 : i32 to index
        %get3A_1190 = arith.constant 416 : index
        %get3A_1191 = tpu.vector_load %arg5[%get3A_1189, %get3A_1190] {strides = array<i32>} : memref<8x1024xf32, #tpu.memory_space<vmem>>, vector<1x16xf32>,
        %get3A_1192 = vector.shape_cast %get3A_1191 : vector<1x16xf32> to vector<16xf32>
        %add3A_1193 = arith.addf %get3A_1192, %get3A_190 : vector<16xf32>
        %swap3A_1194 = arith.index_cast %scan3A_1088 : i32 to index
        %swap3A_1195 = arith.constant 416 : index
        %swap3A_1196 = tpu.vector_load %arg9[%swap3A_1194, %swap3A_1195] {strides = array<i32>} : memref<8x1024xf32, #tpu.memory_space<vmem>>, vector<1x16xf32>,
        %swap3A_1197 = vector.shape_cast %swap3A_1196 : vector<1x16xf32> to vector<16xf32>
        %swap3A_1198 = vector.shape_cast %add3A_1193 : vector<16xf32> to vector<1x16xf32>
        tpu.vector_store %arg9[%swap3A_1194, %swap3A_1195], %swap3A_1198 {strides = array<i32>} : memref<8x1024xf32, #tpu.memory_space<vmem>>, vector<1x16xf32>,
        %get3A_1199 = arith.index_cast %scan3A_1088 : i32 to index
        %get3A_1200 = arith.constant 432 : index
        %get3A_1201 = tpu.vector_load %arg5[%get3A_1199, %get3A_1200] {strides = array<i32>} : memref<8x1024xf32, #tpu.memory_space<vmem>>, vector<1x16xf32>,
        %get3A_1202 = vector.shape_cast %get3A_1201 : vector<1x16xf32> to vector<16xf32>
        %add3A_1203 = arith.addf %get3A_1202, %get3A_193 : vector<16xf32>
        %swap3A_1204 = arith.index_cast %scan3A_1088 : i32 to index
        %swap3A_1205 = arith.constant 432 : index
        %swap3A_1206 = tpu.vector_load %arg9[%swap3A_1204, %swap3A_1205] {strides = array<i32>} : memref<8x1024xf32, #tpu.memory_space<vmem>>, vector<1x16xf32>,
        %swap3A_1207 = vector.shape_cast %swap3A_1206 : vector<1x16xf32> to vector<16xf32>
        %swap3A_1208 = vector.shape_cast %add3A_1203 : vector<16xf32> to vector<1x16xf32>
        tpu.vector_store %arg9[%swap3A_1204, %swap3A_1205], %swap3A_1208 {strides = array<i32>} : memref<8x1024xf32, #tpu.memory_space<vmem>>, vector<1x16xf32>,
        %get3A_1209 = arith.index_cast %scan3A_1088 : i32 to index
        %get3A_1210 = arith.constant 448 : index
        %get3A_1211 = tpu.vector_load %arg5[%get3A_1209, %get3A_1210] {strides = array<i32>} : memref<8x1024xf32, #tpu.memory_space<vmem>>, vector<1x16xf32>,
        %get3A_1212 = vector.shape_cast %get3A_1211 : vector<1x16xf32> to vector<16xf32>
        %add3A_1213 = arith.addf %get3A_1212, %get3A_196 : vector<16xf32>
        %swap3A_1214 = arith.index_cast %scan3A_1088 : i32 to index
        %swap3A_1215 = arith.constant 448 : index
        %swap3A_1216 = tpu.vector_load %arg9[%swap3A_1214, %swap3A_1215] {strides = array<i32>} : memref<8x1024xf32, #tpu.memory_space<vmem>>, vector<1x16xf32>,
        %swap3A_1217 = vector.shape_cast %swap3A_1216 : vector<1x16xf32> to vector<16xf32>
        %swap3A_1218 = vector.shape_cast %add3A_1213 : vector<16xf32> to vector<1x16xf32>
        tpu.vector_store %arg9[%swap3A_1214, %swap3A_1215], %swap3A_1218 {strides = array<i32>} : memref<8x1024xf32, #tpu.memory_space<vmem>>, vector<1x16xf32>,
        %get3A_1219 = arith.index_cast %scan3A_1088 : i32 to index
        %get3A_1220 = arith.constant 464 : index
        %get3A_1221 = tpu.vector_load %arg5[%get3A_1219, %get3A_1220] {strides = array<i32>} : memref<8x1024xf32, #tpu.memory_space<vmem>>, vector<1x16xf32>,
        %get3A_1222 = vector.shape_cast %get3A_1221 : vector<1x16xf32> to vector<16xf32>
        %add3A_1223 = arith.addf %get3A_1222, %get3A_199 : vector<16xf32>
        %swap3A_1224 = arith.index_cast %scan3A_1088 : i32 to index
        %swap3A_1225 = arith.constant 464 : index
        %swap3A_1226 = tpu.vector_load %arg9[%swap3A_1224, %swap3A_1225] {strides = array<i32>} : memref<8x1024xf32, #tpu.memory_space<vmem>>, vector<1x16xf32>,
        %swap3A_1227 = vector.shape_cast %swap3A_1226 : vector<1x16xf32> to vector<16xf32>
        %swap3A_1228 = vector.shape_cast %add3A_1223 : vector<16xf32> to vector<1x16xf32>
        tpu.vector_store %arg9[%swap3A_1224, %swap3A_1225], %swap3A_1228 {strides = array<i32>} : memref<8x1024xf32, #tpu.memory_space<vmem>>, vector<1x16xf32>,
        %get3A_1229 = arith.index_cast %scan3A_1088 : i32 to index
        %get3A_1230 = arith.constant 480 : index
        %get3A_1231 = tpu.vector_load %arg5[%get3A_1229, %get3A_1230] {strides = array<i32>} : memref<8x1024xf32, #tpu.memory_space<vmem>>, vector<1x16xf32>,
        %get3A_1232 = vector.shape_cast %get3A_1231 : vector<1x16xf32> to vector<16xf32>
        %add3A_1233 = arith.addf %get3A_1232, %get3A_202 : vector<16xf32>
        %swap3A_1234 = arith.index_cast %scan3A_1088 : i32 to index
        %swap3A_1235 = arith.constant 480 : index
        %swap3A_1236 = tpu.vector_load %arg9[%swap3A_1234, %swap3A_1235] {strides = array<i32>} : memref<8x1024xf32, #tpu.memory_space<vmem>>, vector<1x16xf32>,
        %swap3A_1237 = vector.shape_cast %swap3A_1236 : vector<1x16xf32> to vector<16xf32>
        %swap3A_1238 = vector.shape_cast %add3A_1233 : vector<16xf32> to vector<1x16xf32>
        tpu.vector_store %arg9[%swap3A_1234, %swap3A_1235], %swap3A_1238 {strides = array<i32>} : memref<8x1024xf32, #tpu.memory_space<vmem>>, vector<1x16xf32>,
        %get3A_1239 = arith.index_cast %scan3A_1088 : i32 to index
        %get3A_1240 = arith.constant 496 : index
        %get3A_1241 = tpu.vector_load %arg5[%get3A_1239, %get3A_1240] {strides = array<i32>} : memref<8x1024xf32, #tpu.memory_space<vmem>>, vector<1x16xf32>,
        %get3A_1242 = vector.shape_cast %get3A_1241 : vector<1x16xf32> to vector<16xf32>
        %add3A_1243 = arith.addf %get3A_1242, %get3A_205 : vector<16xf32>
        %swap3A_1244 = arith.index_cast %scan3A_1088 : i32 to index
        %swap3A_1245 = arith.constant 496 : index
        %swap3A_1246 = tpu.vector_load %arg9[%swap3A_1244, %swap3A_1245] {strides = array<i32>} : memref<8x1024xf32, #tpu.memory_space<vmem>>, vector<1x16xf32>,
        %swap3A_1247 = vector.shape_cast %swap3A_1246 : vector<1x16xf32> to vector<16xf32>
        %swap3A_1248 = vector.shape_cast %add3A_1243 : vector<16xf32> to vector<1x16xf32>
        tpu.vector_store %arg9[%swap3A_1244, %swap3A_1245], %swap3A_1248 {strides = array<i32>} : memref<8x1024xf32, #tpu.memory_space<vmem>>, vector<1x16xf32>,
        %scan3A_1249 = arith.constant 0 : i32
        scf.yield %scan3A_1249 : i32
      }
      %scan3A_212 = arith.constant 8 : i32
      %get3A_213 = arith.constant 512 : index
      %get3A_214 = tpu.vector_load %arg13[%get3A_213] {strides = array<i32>} : memref<1024xf32, #tpu.memory_space<vmem>>, vector<16xf32>,
      %get3A_215 = vector.shape_cast %get3A_214 : vector<16xf32> to vector<16xf32>
      %get3A_216 = arith.constant 528 : index
      %get3A_217 = tpu.vector_load %arg13[%get3A_216] {strides = array<i32>} : memref<1024xf32, #tpu.memory_space<vmem>>, vector<16xf32>,
      %get3A_218 = vector.shape_cast %get3A_217 : vector<16xf32> to vector<16xf32>
      %get3A_219 = arith.constant 544 : index
      %get3A_220 = tpu.vector_load %arg13[%get3A_219] {strides = array<i32>} : memref<1024xf32, #tpu.memory_space<vmem>>, vector<16xf32>,
      %get3A_221 = vector.shape_cast %get3A_220 : vector<16xf32> to vector<16xf32>
      %get3A_222 = arith.constant 560 : index
      %get3A_223 = tpu.vector_load %arg13[%get3A_222] {strides = array<i32>} : memref<1024xf32, #tpu.memory_space<vmem>>, vector<16xf32>,
      %get3A_224 = vector.shape_cast %get3A_223 : vector<16xf32> to vector<16xf32>
      %get3A_225 = arith.constant 576 : index
      %get3A_226 = tpu.vector_load %arg13[%get3A_225] {strides = array<i32>} : memref<1024xf32, #tpu.memory_space<vmem>>, vector<16xf32>,
      %get3A_227 = vector.shape_cast %get3A_226 : vector<16xf32> to vector<16xf32>
      %get3A_228 = arith.constant 592 : index
      %get3A_229 = tpu.vector_load %arg13[%get3A_228] {strides = array<i32>} : memref<1024xf32, #tpu.memory_space<vmem>>, vector<16xf32>,
      %get3A_230 = vector.shape_cast %get3A_229 : vector<16xf32> to vector<16xf32>
      %get3A_231 = arith.constant 608 : index
      %get3A_232 = tpu.vector_load %arg13[%get3A_231] {strides = array<i32>} : memref<1024xf32, #tpu.memory_space<vmem>>, vector<16xf32>,
      %get3A_233 = vector.shape_cast %get3A_232 : vector<16xf32> to vector<16xf32>
      %get3A_234 = arith.constant 624 : index
      %get3A_235 = tpu.vector_load %arg13[%get3A_234] {strides = array<i32>} : memref<1024xf32, #tpu.memory_space<vmem>>, vector<16xf32>,
      %get3A_236 = vector.shape_cast %get3A_235 : vector<16xf32> to vector<16xf32>
      %get3A_237 = arith.constant 640 : index
      %get3A_238 = tpu.vector_load %arg13[%get3A_237] {strides = array<i32>} : memref<1024xf32, #tpu.memory_space<vmem>>, vector<16xf32>,
      %get3A_239 = vector.shape_cast %get3A_238 : vector<16xf32> to vector<16xf32>
      %get3A_240 = arith.constant 656 : index
      %get3A_241 = tpu.vector_load %arg13[%get3A_240] {strides = array<i32>} : memref<1024xf32, #tpu.memory_space<vmem>>, vector<16xf32>,
      %get3A_242 = vector.shape_cast %get3A_241 : vector<16xf32> to vector<16xf32>
      %get3A_243 = arith.constant 672 : index
      %get3A_244 = tpu.vector_load %arg13[%get3A_243] {strides = array<i32>} : memref<1024xf32, #tpu.memory_space<vmem>>, vector<16xf32>,
      %get3A_245 = vector.shape_cast %get3A_244 : vector<16xf32> to vector<16xf32>
      %get3A_246 = arith.constant 688 : index
      %get3A_247 = tpu.vector_load %arg13[%get3A_246] {strides = array<i32>} : memref<1024xf32, #tpu.memory_space<vmem>>, vector<16xf32>,
      %get3A_248 = vector.shape_cast %get3A_247 : vector<16xf32> to vector<16xf32>
      %get3A_249 = arith.constant 704 : index
      %get3A_250 = tpu.vector_load %arg13[%get3A_249] {strides = array<i32>} : memref<1024xf32, #tpu.memory_space<vmem>>, vector<16xf32>,
      %get3A_251 = vector.shape_cast %get3A_250 : vector<16xf32> to vector<16xf32>
      %get3A_252 = arith.constant 720 : index
      %get3A_253 = tpu.vector_load %arg13[%get3A_252] {strides = array<i32>} : memref<1024xf32, #tpu.memory_space<vmem>>, vector<16xf32>,
      %get3A_254 = vector.shape_cast %get3A_253 : vector<16xf32> to vector<16xf32>
      %get3A_255 = arith.constant 736 : index
      %get3A_256 = tpu.vector_load %arg13[%get3A_255] {strides = array<i32>} : memref<1024xf32, #tpu.memory_space<vmem>>, vector<16xf32>,
      %get3A_257 = vector.shape_cast %get3A_256 : vector<16xf32> to vector<16xf32>
      %get3A_258 = arith.constant 752 : index
      %get3A_259 = tpu.vector_load %arg13[%get3A_258] {strides = array<i32>} : memref<1024xf32, #tpu.memory_space<vmem>>, vector<16xf32>,
      %get3A_260 = vector.shape_cast %get3A_259 : vector<16xf32> to vector<16xf32>
      %scan3A_261 = arith.constant 0 : i32
      %scan3A_262 = arith.constant 0 : i32
      %scan3A_263 = arith.constant 8 : i32
      %scan3A_264 = arith.addi %scan3A_262, %scan3A_263 : i32
      %scan3A_265 = arith.constant 1 : i32
      %scan3A_266 = scf.for %scan3A_1088 = %scan3A_262 to %scan3A_264 step %scan3A_265 iter_args(%scan3A_1089 = %scan3A_261) -> (i32)  : i32 {
        %get3A_1090 = arith.index_cast %scan3A_1088 : i32 to index
        %get3A_1091 = arith.constant 512 : index
        %get3A_1092 = tpu.vector_load %arg5[%get3A_1090, %get3A_1091] {strides = array<i32>} : memref<8x1024xf32, #tpu.memory_space<vmem>>, vector<1x16xf32>,
        %get3A_1093 = vector.shape_cast %get3A_1092 : vector<1x16xf32> to vector<16xf32>
        %add3A_1094 = arith.addf %get3A_1093, %get3A_215 : vector<16xf32>
        %swap3A = arith.index_cast %scan3A_1088 : i32 to index
        %swap3A_1095 = arith.constant 512 : index
        %swap3A_1096 = tpu.vector_load %arg9[%swap3A, %swap3A_1095] {strides = array<i32>} : memref<8x1024xf32, #tpu.memory_space<vmem>>, vector<1x16xf32>,
        %swap3A_1097 = vector.shape_cast %swap3A_1096 : vector<1x16xf32> to vector<16xf32>
        %swap3A_1098 = vector.shape_cast %add3A_1094 : vector<16xf32> to vector<1x16xf32>
        tpu.vector_store %arg9[%swap3A, %swap3A_1095], %swap3A_1098 {strides = array<i32>} : memref<8x1024xf32, #tpu.memory_space<vmem>>, vector<1x16xf32>,
        %get3A_1099 = arith.index_cast %scan3A_1088 : i32 to index
        %get3A_1100 = arith.constant 528 : index
        %get3A_1101 = tpu.vector_load %arg5[%get3A_1099, %get3A_1100] {strides = array<i32>} : memref<8x1024xf32, #tpu.memory_space<vmem>>, vector<1x16xf32>,
        %get3A_1102 = vector.shape_cast %get3A_1101 : vector<1x16xf32> to vector<16xf32>
        %add3A_1103 = arith.addf %get3A_1102, %get3A_218 : vector<16xf32>
        %swap3A_1104 = arith.index_cast %scan3A_1088 : i32 to index
        %swap3A_1105 = arith.constant 528 : index
        %swap3A_1106 = tpu.vector_load %arg9[%swap3A_1104, %swap3A_1105] {strides = array<i32>} : memref<8x1024xf32, #tpu.memory_space<vmem>>, vector<1x16xf32>,
        %swap3A_1107 = vector.shape_cast %swap3A_1106 : vector<1x16xf32> to vector<16xf32>
        %swap3A_1108 = vector.shape_cast %add3A_1103 : vector<16xf32> to vector<1x16xf32>
        tpu.vector_store %arg9[%swap3A_1104, %swap3A_1105], %swap3A_1108 {strides = array<i32>} : memref<8x1024xf32, #tpu.memory_space<vmem>>, vector<1x16xf32>,
        %get3A_1109 = arith.index_cast %scan3A_1088 : i32 to index
        %get3A_1110 = arith.constant 544 : index
        %get3A_1111 = tpu.vector_load %arg5[%get3A_1109, %get3A_1110] {strides = array<i32>} : memref<8x1024xf32, #tpu.memory_space<vmem>>, vector<1x16xf32>,
        %get3A_1112 = vector.shape_cast %get3A_1111 : vector<1x16xf32> to vector<16xf32>
        %add3A_1113 = arith.addf %get3A_1112, %get3A_221 : vector<16xf32>
        %swap3A_1114 = arith.index_cast %scan3A_1088 : i32 to index
        %swap3A_1115 = arith.constant 544 : index
        %swap3A_1116 = tpu.vector_load %arg9[%swap3A_1114, %swap3A_1115] {strides = array<i32>} : memref<8x1024xf32, #tpu.memory_space<vmem>>, vector<1x16xf32>,
        %swap3A_1117 = vector.shape_cast %swap3A_1116 : vector<1x16xf32> to vector<16xf32>
        %swap3A_1118 = vector.shape_cast %add3A_1113 : vector<16xf32> to vector<1x16xf32>
        tpu.vector_store %arg9[%swap3A_1114, %swap3A_1115], %swap3A_1118 {strides = array<i32>} : memref<8x1024xf32, #tpu.memory_space<vmem>>, vector<1x16xf32>,
        %get3A_1119 = arith.index_cast %scan3A_1088 : i32 to index
        %get3A_1120 = arith.constant 560 : index
        %get3A_1121 = tpu.vector_load %arg5[%get3A_1119, %get3A_1120] {strides = array<i32>} : memref<8x1024xf32, #tpu.memory_space<vmem>>, vector<1x16xf32>,
        %get3A_1122 = vector.shape_cast %get3A_1121 : vector<1x16xf32> to vector<16xf32>
        %add3A_1123 = arith.addf %get3A_1122, %get3A_224 : vector<16xf32>
        %swap3A_1124 = arith.index_cast %scan3A_1088 : i32 to index
        %swap3A_1125 = arith.constant 560 : index
        %swap3A_1126 = tpu.vector_load %arg9[%swap3A_1124, %swap3A_1125] {strides = array<i32>} : memref<8x1024xf32, #tpu.memory_space<vmem>>, vector<1x16xf32>,
        %swap3A_1127 = vector.shape_cast %swap3A_1126 : vector<1x16xf32> to vector<16xf32>
        %swap3A_1128 = vector.shape_cast %add3A_1123 : vector<16xf32> to vector<1x16xf32>
        tpu.vector_store %arg9[%swap3A_1124, %swap3A_1125], %swap3A_1128 {strides = array<i32>} : memref<8x1024xf32, #tpu.memory_space<vmem>>, vector<1x16xf32>,
        %get3A_1129 = arith.index_cast %scan3A_1088 : i32 to index
        %get3A_1130 = arith.constant 576 : index
        %get3A_1131 = tpu.vector_load %arg5[%get3A_1129, %get3A_1130] {strides = array<i32>} : memref<8x1024xf32, #tpu.memory_space<vmem>>, vector<1x16xf32>,
        %get3A_1132 = vector.shape_cast %get3A_1131 : vector<1x16xf32> to vector<16xf32>
        %add3A_1133 = arith.addf %get3A_1132, %get3A_227 : vector<16xf32>
        %swap3A_1134 = arith.index_cast %scan3A_1088 : i32 to index
        %swap3A_1135 = arith.constant 576 : index
        %swap3A_1136 = tpu.vector_load %arg9[%swap3A_1134, %swap3A_1135] {strides = array<i32>} : memref<8x1024xf32, #tpu.memory_space<vmem>>, vector<1x16xf32>,
        %swap3A_1137 = vector.shape_cast %swap3A_1136 : vector<1x16xf32> to vector<16xf32>
        %swap3A_1138 = vector.shape_cast %add3A_1133 : vector<16xf32> to vector<1x16xf32>
        tpu.vector_store %arg9[%swap3A_1134, %swap3A_1135], %swap3A_1138 {strides = array<i32>} : memref<8x1024xf32, #tpu.memory_space<vmem>>, vector<1x16xf32>,
        %get3A_1139 = arith.index_cast %scan3A_1088 : i32 to index
        %get3A_1140 = arith.constant 592 : index
        %get3A_1141 = tpu.vector_load %arg5[%get3A_1139, %get3A_1140] {strides = array<i32>} : memref<8x1024xf32, #tpu.memory_space<vmem>>, vector<1x16xf32>,
        %get3A_1142 = vector.shape_cast %get3A_1141 : vector<1x16xf32> to vector<16xf32>
        %add3A_1143 = arith.addf %get3A_1142, %get3A_230 : vector<16xf32>
        %swap3A_1144 = arith.index_cast %scan3A_1088 : i32 to index
        %swap3A_1145 = arith.constant 592 : index
        %swap3A_1146 = tpu.vector_load %arg9[%swap3A_1144, %swap3A_1145] {strides = array<i32>} : memref<8x1024xf32, #tpu.memory_space<vmem>>, vector<1x16xf32>,
        %swap3A_1147 = vector.shape_cast %swap3A_1146 : vector<1x16xf32> to vector<16xf32>
        %swap3A_1148 = vector.shape_cast %add3A_1143 : vector<16xf32> to vector<1x16xf32>
        tpu.vector_store %arg9[%swap3A_1144, %swap3A_1145], %swap3A_1148 {strides = array<i32>} : memref<8x1024xf32, #tpu.memory_space<vmem>>, vector<1x16xf32>,
        %get3A_1149 = arith.index_cast %scan3A_1088 : i32 to index
        %get3A_1150 = arith.constant 608 : index
        %get3A_1151 = tpu.vector_load %arg5[%get3A_1149, %get3A_1150] {strides = array<i32>} : memref<8x1024xf32, #tpu.memory_space<vmem>>, vector<1x16xf32>,
        %get3A_1152 = vector.shape_cast %get3A_1151 : vector<1x16xf32> to vector<16xf32>
        %add3A_1153 = arith.addf %get3A_1152, %get3A_233 : vector<16xf32>
        %swap3A_1154 = arith.index_cast %scan3A_1088 : i32 to index
        %swap3A_1155 = arith.constant 608 : index
        %swap3A_1156 = tpu.vector_load %arg9[%swap3A_1154, %swap3A_1155] {strides = array<i32>} : memref<8x1024xf32, #tpu.memory_space<vmem>>, vector<1x16xf32>,
        %swap3A_1157 = vector.shape_cast %swap3A_1156 : vector<1x16xf32> to vector<16xf32>
        %swap3A_1158 = vector.shape_cast %add3A_1153 : vector<16xf32> to vector<1x16xf32>
        tpu.vector_store %arg9[%swap3A_1154, %swap3A_1155], %swap3A_1158 {strides = array<i32>} : memref<8x1024xf32, #tpu.memory_space<vmem>>, vector<1x16xf32>,
        %get3A_1159 = arith.index_cast %scan3A_1088 : i32 to index
        %get3A_1160 = arith.constant 624 : index
        %get3A_1161 = tpu.vector_load %arg5[%get3A_1159, %get3A_1160] {strides = array<i32>} : memref<8x1024xf32, #tpu.memory_space<vmem>>, vector<1x16xf32>,
        %get3A_1162 = vector.shape_cast %get3A_1161 : vector<1x16xf32> to vector<16xf32>
        %add3A_1163 = arith.addf %get3A_1162, %get3A_236 : vector<16xf32>
        %swap3A_1164 = arith.index_cast %scan3A_1088 : i32 to index
        %swap3A_1165 = arith.constant 624 : index
        %swap3A_1166 = tpu.vector_load %arg9[%swap3A_1164, %swap3A_1165] {strides = array<i32>} : memref<8x1024xf32, #tpu.memory_space<vmem>>, vector<1x16xf32>,
        %swap3A_1167 = vector.shape_cast %swap3A_1166 : vector<1x16xf32> to vector<16xf32>
        %swap3A_1168 = vector.shape_cast %add3A_1163 : vector<16xf32> to vector<1x16xf32>
        tpu.vector_store %arg9[%swap3A_1164, %swap3A_1165], %swap3A_1168 {strides = array<i32>} : memref<8x1024xf32, #tpu.memory_space<vmem>>, vector<1x16xf32>,
        %get3A_1169 = arith.index_cast %scan3A_1088 : i32 to index
        %get3A_1170 = arith.constant 640 : index
        %get3A_1171 = tpu.vector_load %arg5[%get3A_1169, %get3A_1170] {strides = array<i32>} : memref<8x1024xf32, #tpu.memory_space<vmem>>, vector<1x16xf32>,
        %get3A_1172 = vector.shape_cast %get3A_1171 : vector<1x16xf32> to vector<16xf32>
        %add3A_1173 = arith.addf %get3A_1172, %get3A_239 : vector<16xf32>
        %swap3A_1174 = arith.index_cast %scan3A_1088 : i32 to index
        %swap3A_1175 = arith.constant 640 : index
        %swap3A_1176 = tpu.vector_load %arg9[%swap3A_1174, %swap3A_1175] {strides = array<i32>} : memref<8x1024xf32, #tpu.memory_space<vmem>>, vector<1x16xf32>,
        %swap3A_1177 = vector.shape_cast %swap3A_1176 : vector<1x16xf32> to vector<16xf32>
        %swap3A_1178 = vector.shape_cast %add3A_1173 : vector<16xf32> to vector<1x16xf32>
        tpu.vector_store %arg9[%swap3A_1174, %swap3A_1175], %swap3A_1178 {strides = array<i32>} : memref<8x1024xf32, #tpu.memory_space<vmem>>, vector<1x16xf32>,
        %get3A_1179 = arith.index_cast %scan3A_1088 : i32 to index
        %get3A_1180 = arith.constant 656 : index
        %get3A_1181 = tpu.vector_load %arg5[%get3A_1179, %get3A_1180] {strides = array<i32>} : memref<8x1024xf32, #tpu.memory_space<vmem>>, vector<1x16xf32>,
        %get3A_1182 = vector.shape_cast %get3A_1181 : vector<1x16xf32> to vector<16xf32>
        %add3A_1183 = arith.addf %get3A_1182, %get3A_242 : vector<16xf32>
        %swap3A_1184 = arith.index_cast %scan3A_1088 : i32 to index
        %swap3A_1185 = arith.constant 656 : index
        %swap3A_1186 = tpu.vector_load %arg9[%swap3A_1184, %swap3A_1185] {strides = array<i32>} : memref<8x1024xf32, #tpu.memory_space<vmem>>, vector<1x16xf32>,
        %swap3A_1187 = vector.shape_cast %swap3A_1186 : vector<1x16xf32> to vector<16xf32>
        %swap3A_1188 = vector.shape_cast %add3A_1183 : vector<16xf32> to vector<1x16xf32>
        tpu.vector_store %arg9[%swap3A_1184, %swap3A_1185], %swap3A_1188 {strides = array<i32>} : memref<8x1024xf32, #tpu.memory_space<vmem>>, vector<1x16xf32>,
        %get3A_1189 = arith.index_cast %scan3A_1088 : i32 to index
        %get3A_1190 = arith.constant 672 : index
        %get3A_1191 = tpu.vector_load %arg5[%get3A_1189, %get3A_1190] {strides = array<i32>} : memref<8x1024xf32, #tpu.memory_space<vmem>>, vector<1x16xf32>,
        %get3A_1192 = vector.shape_cast %get3A_1191 : vector<1x16xf32> to vector<16xf32>
        %add3A_1193 = arith.addf %get3A_1192, %get3A_245 : vector<16xf32>
        %swap3A_1194 = arith.index_cast %scan3A_1088 : i32 to index
        %swap3A_1195 = arith.constant 672 : index
        %swap3A_1196 = tpu.vector_load %arg9[%swap3A_1194, %swap3A_1195] {strides = array<i32>} : memref<8x1024xf32, #tpu.memory_space<vmem>>, vector<1x16xf32>,
        %swap3A_1197 = vector.shape_cast %swap3A_1196 : vector<1x16xf32> to vector<16xf32>
        %swap3A_1198 = vector.shape_cast %add3A_1193 : vector<16xf32> to vector<1x16xf32>
        tpu.vector_store %arg9[%swap3A_1194, %swap3A_1195], %swap3A_1198 {strides = array<i32>} : memref<8x1024xf32, #tpu.memory_space<vmem>>, vector<1x16xf32>,
        %get3A_1199 = arith.index_cast %scan3A_1088 : i32 to index
        %get3A_1200 = arith.constant 688 : index
        %get3A_1201 = tpu.vector_load %arg5[%get3A_1199, %get3A_1200] {strides = array<i32>} : memref<8x1024xf32, #tpu.memory_space<vmem>>, vector<1x16xf32>,
        %get3A_1202 = vector.shape_cast %get3A_1201 : vector<1x16xf32> to vector<16xf32>
        %add3A_1203 = arith.addf %get3A_1202, %get3A_248 : vector<16xf32>
        %swap3A_1204 = arith.index_cast %scan3A_1088 : i32 to index
        %swap3A_1205 = arith.constant 688 : index
        %swap3A_1206 = tpu.vector_load %arg9[%swap3A_1204, %swap3A_1205] {strides = array<i32>} : memref<8x1024xf32, #tpu.memory_space<vmem>>, vector<1x16xf32>,
        %swap3A_1207 = vector.shape_cast %swap3A_1206 : vector<1x16xf32> to vector<16xf32>
        %swap3A_1208 = vector.shape_cast %add3A_1203 : vector<16xf32> to vector<1x16xf32>
        tpu.vector_store %arg9[%swap3A_1204, %swap3A_1205], %swap3A_1208 {strides = array<i32>} : memref<8x1024xf32, #tpu.memory_space<vmem>>, vector<1x16xf32>,
        %get3A_1209 = arith.index_cast %scan3A_1088 : i32 to index
        %get3A_1210 = arith.constant 704 : index
        %get3A_1211 = tpu.vector_load %arg5[%get3A_1209, %get3A_1210] {strides = array<i32>} : memref<8x1024xf32, #tpu.memory_space<vmem>>, vector<1x16xf32>,
        %get3A_1212 = vector.shape_cast %get3A_1211 : vector<1x16xf32> to vector<16xf32>
        %add3A_1213 = arith.addf %get3A_1212, %get3A_251 : vector<16xf32>
        %swap3A_1214 = arith.index_cast %scan3A_1088 : i32 to index
        %swap3A_1215 = arith.constant 704 : index
        %swap3A_1216 = tpu.vector_load %arg9[%swap3A_1214, %swap3A_1215] {strides = array<i32>} : memref<8x1024xf32, #tpu.memory_space<vmem>>, vector<1x16xf32>,
        %swap3A_1217 = vector.shape_cast %swap3A_1216 : vector<1x16xf32> to vector<16xf32>
        %swap3A_1218 = vector.shape_cast %add3A_1213 : vector<16xf32> to vector<1x16xf32>
        tpu.vector_store %arg9[%swap3A_1214, %swap3A_1215], %swap3A_1218 {strides = array<i32>} : memref<8x1024xf32, #tpu.memory_space<vmem>>, vector<1x16xf32>,
        %get3A_1219 = arith.index_cast %scan3A_1088 : i32 to index
        %get3A_1220 = arith.constant 720 : index
        %get3A_1221 = tpu.vector_load %arg5[%get3A_1219, %get3A_1220] {strides = array<i32>} : memref<8x1024xf32, #tpu.memory_space<vmem>>, vector<1x16xf32>,
        %get3A_1222 = vector.shape_cast %get3A_1221 : vector<1x16xf32> to vector<16xf32>
        %add3A_1223 = arith.addf %get3A_1222, %get3A_254 : vector<16xf32>
        %swap3A_1224 = arith.index_cast %scan3A_1088 : i32 to index
        %swap3A_1225 = arith.constant 720 : index
        %swap3A_1226 = tpu.vector_load %arg9[%swap3A_1224, %swap3A_1225] {strides = array<i32>} : memref<8x1024xf32, #tpu.memory_space<vmem>>, vector<1x16xf32>,
        %swap3A_1227 = vector.shape_cast %swap3A_1226 : vector<1x16xf32> to vector<16xf32>
        %swap3A_1228 = vector.shape_cast %add3A_1223 : vector<16xf32> to vector<1x16xf32>
        tpu.vector_store %arg9[%swap3A_1224, %swap3A_1225], %swap3A_1228 {strides = array<i32>} : memref<8x1024xf32, #tpu.memory_space<vmem>>, vector<1x16xf32>,
        %get3A_1229 = arith.index_cast %scan3A_1088 : i32 to index
        %get3A_1230 = arith.constant 736 : index
        %get3A_1231 = tpu.vector_load %arg5[%get3A_1229, %get3A_1230] {strides = array<i32>} : memref<8x1024xf32, #tpu.memory_space<vmem>>, vector<1x16xf32>,
        %get3A_1232 = vector.shape_cast %get3A_1231 : vector<1x16xf32> to vector<16xf32>
        %add3A_1233 = arith.addf %get3A_1232, %get3A_257 : vector<16xf32>
        %swap3A_1234 = arith.index_cast %scan3A_1088 : i32 to index
        %swap3A_1235 = arith.constant 736 : index
        %swap3A_1236 = tpu.vector_load %arg9[%swap3A_1234, %swap3A_1235] {strides = array<i32>} : memref<8x1024xf32, #tpu.memory_space<vmem>>, vector<1x16xf32>,
        %swap3A_1237 = vector.shape_cast %swap3A_1236 : vector<1x16xf32> to vector<16xf32>
        %swap3A_1238 = vector.shape_cast %add3A_1233 : vector<16xf32> to vector<1x16xf32>
        tpu.vector_store %arg9[%swap3A_1234, %swap3A_1235], %swap3A_1238 {strides = array<i32>} : memref<8x1024xf32, #tpu.memory_space<vmem>>, vector<1x16xf32>,
        %get3A_1239 = arith.index_cast %scan3A_1088 : i32 to index
        %get3A_1240 = arith.constant 752 : index
        %get3A_1241 = tpu.vector_load %arg5[%get3A_1239, %get3A_1240] {strides = array<i32>} : memref<8x1024xf32, #tpu.memory_space<vmem>>, vector<1x16xf32>,
        %get3A_1242 = vector.shape_cast %get3A_1241 : vector<1x16xf32> to vector<16xf32>
        %add3A_1243 = arith.addf %get3A_1242, %get3A_260 : vector<16xf32>
        %swap3A_1244 = arith.index_cast %scan3A_1088 : i32 to index
        %swap3A_1245 = arith.constant 752 : index
        %swap3A_1246 = tpu.vector_load %arg9[%swap3A_1244, %swap3A_1245] {strides = array<i32>} : memref<8x1024xf32, #tpu.memory_space<vmem>>, vector<1x16xf32>,
        %swap3A_1247 = vector.shape_cast %swap3A_1246 : vector<1x16xf32> to vector<16xf32>
        %swap3A_1248 = vector.shape_cast %add3A_1243 : vector<16xf32> to vector<1x16xf32>
        tpu.vector_store %arg9[%swap3A_1244, %swap3A_1245], %swap3A_1248 {strides = array<i32>} : memref<8x1024xf32, #tpu.memory_space<vmem>>, vector<1x16xf32>,
        %scan3A_1249 = arith.constant 0 : i32
        scf.yield %scan3A_1249 : i32
      }
      %scan3A_267 = arith.constant 8 : i32
      %get3A_268 = arith.constant 768 : index
      %get3A_269 = tpu.vector_load %arg13[%get3A_268] {strides = array<i32>} : memref<1024xf32, #tpu.memory_space<vmem>>, vector<16xf32>,
      %get3A_270 = vector.shape_cast %get3A_269 : vector<16xf32> to vector<16xf32>
      %get3A_271 = arith.constant 784 : index
      %get3A_272 = tpu.vector_load %arg13[%get3A_271] {strides = array<i32>} : memref<1024xf32, #tpu.memory_space<vmem>>, vector<16xf32>,
      %get3A_273 = vector.shape_cast %get3A_272 : vector<16xf32> to vector<16xf32>
      %get3A_274 = arith.constant 800 : index
      %get3A_275 = tpu.vector_load %arg13[%get3A_274] {strides = array<i32>} : memref<1024xf32, #tpu.memory_space<vmem>>, vector<16xf32>,
      %get3A_276 = vector.shape_cast %get3A_275 : vector<16xf32> to vector<16xf32>
      %get3A_277 = arith.constant 816 : index
      %get3A_278 = tpu.vector_load %arg13[%get3A_277] {strides = array<i32>} : memref<1024xf32, #tpu.memory_space<vmem>>, vector<16xf32>,
      %get3A_279 = vector.shape_cast %get3A_278 : vector<16xf32> to vector<16xf32>
      %get3A_280 = arith.constant 832 : index
      %get3A_281 = tpu.vector_load %arg13[%get3A_280] {strides = array<i32>} : memref<1024xf32, #tpu.memory_space<vmem>>, vector<16xf32>,
      %get3A_282 = vector.shape_cast %get3A_281 : vector<16xf32> to vector<16xf32>
      %get3A_283 = arith.constant 848 : index
      %get3A_284 = tpu.vector_load %arg13[%get3A_283] {strides = array<i32>} : memref<1024xf32, #tpu.memory_space<vmem>>, vector<16xf32>,
      %get3A_285 = vector.shape_cast %get3A_284 : vector<16xf32> to vector<16xf32>
      %get3A_286 = arith.constant 864 : index
      %get3A_287 = tpu.vector_load %arg13[%get3A_286] {strides = array<i32>} : memref<1024xf32, #tpu.memory_space<vmem>>, vector<16xf32>,
      %get3A_288 = vector.shape_cast %get3A_287 : vector<16xf32> to vector<16xf32>
      %get3A_289 = arith.constant 880 : index
      %get3A_290 = tpu.vector_load %arg13[%get3A_289] {strides = array<i32>} : memref<1024xf32, #tpu.memory_space<vmem>>, vector<16xf32>,
      %get3A_291 = vector.shape_cast %get3A_290 : vector<16xf32> to vector<16xf32>
      %get3A_292 = arith.constant 896 : index
      %get3A_293 = tpu.vector_load %arg13[%get3A_292] {strides = array<i32>} : memref<1024xf32, #tpu.memory_space<vmem>>, vector<16xf32>,
      %get3A_294 = vector.shape_cast %get3A_293 : vector<16xf32> to vector<16xf32>
      %get3A_295 = arith.constant 912 : index
      %get3A_296 = tpu.vector_load %arg13[%get3A_295] {strides = array<i32>} : memref<1024xf32, #tpu.memory_space<vmem>>, vector<16xf32>,
      %get3A_297 = vector.shape_cast %get3A_296 : vector<16xf32> to vector<16xf32>
      %get3A_298 = arith.constant 928 : index
      %get3A_299 = tpu.vector_load %arg13[%get3A_298] {strides = array<i32>} : memref<1024xf32, #tpu.memory_space<vmem>>, vector<16xf32>,
      %get3A_300 = vector.shape_cast %get3A_299 : vector<16xf32> to vector<16xf32>
      %get3A_301 = arith.constant 944 : index
      %get3A_302 = tpu.vector_load %arg13[%get3A_301] {strides = array<i32>} : memref<1024xf32, #tpu.memory_space<vmem>>, vector<16xf32>,
      %get3A_303 = vector.shape_cast %get3A_302 : vector<16xf32> to vector<16xf32>
      %get3A_304 = arith.constant 960 : index
      %get3A_305 = tpu.vector_load %arg13[%get3A_304] {strides = array<i32>} : memref<1024xf32, #tpu.memory_space<vmem>>, vector<16xf32>,
      %get3A_306 = vector.shape_cast %get3A_305 : vector<16xf32> to vector<16xf32>
      %get3A_307 = arith.constant 976 : index
      %get3A_308 = tpu.vector_load %arg13[%get3A_307] {strides = array<i32>} : memref<1024xf32, #tpu.memory_space<vmem>>, vector<16xf32>,
      %get3A_309 = vector.shape_cast %get3A_308 : vector<16xf32> to vector<16xf32>
      %get3A_310 = arith.constant 992 : index
      %get3A_311 = tpu.vector_load %arg13[%get3A_310] {strides = array<i32>} : memref<1024xf32, #tpu.memory_space<vmem>>, vector<16xf32>,
      %get3A_312 = vector.shape_cast %get3A_311 : vector<16xf32> to vector<16xf32>
      %get3A_313 = arith.constant 1008 : index
      %get3A_314 = tpu.vector_load %arg13[%get3A_313] {strides = array<i32>} : memref<1024xf32, #tpu.memory_space<vmem>>, vector<16xf32>,
      %get3A_315 = vector.shape_cast %get3A_314 : vector<16xf32> to vector<16xf32>
      %scan3A_316 = arith.constant 0 : i32
      %scan3A_317 = arith.constant 0 : i32
      %scan3A_318 = arith.constant 8 : i32
      %scan3A_319 = arith.addi %scan3A_317, %scan3A_318 : i32
      %scan3A_320 = arith.constant 1 : i32
      %scan3A_321 = scf.for %scan3A_1088 = %scan3A_317 to %scan3A_319 step %scan3A_320 iter_args(%scan3A_1089 = %scan3A_316) -> (i32)  : i32 {
        %get3A_1090 = arith.index_cast %scan3A_1088 : i32 to index
        %get3A_1091 = arith.constant 768 : index
        %get3A_1092 = tpu.vector_load %arg5[%get3A_1090, %get3A_1091] {strides = array<i32>} : memref<8x1024xf32, #tpu.memory_space<vmem>>, vector<1x16xf32>,
        %get3A_1093 = vector.shape_cast %get3A_1092 : vector<1x16xf32> to vector<16xf32>
        %add3A_1094 = arith.addf %get3A_1093, %get3A_270 : vector<16xf32>
        %swap3A = arith.index_cast %scan3A_1088 : i32 to index
        %swap3A_1095 = arith.constant 768 : index
        %swap3A_1096 = tpu.vector_load %arg9[%swap3A, %swap3A_1095] {strides = array<i32>} : memref<8x1024xf32, #tpu.memory_space<vmem>>, vector<1x16xf32>,
        %swap3A_1097 = vector.shape_cast %swap3A_1096 : vector<1x16xf32> to vector<16xf32>
        %swap3A_1098 = vector.shape_cast %add3A_1094 : vector<16xf32> to vector<1x16xf32>
        tpu.vector_store %arg9[%swap3A, %swap3A_1095], %swap3A_1098 {strides = array<i32>} : memref<8x1024xf32, #tpu.memory_space<vmem>>, vector<1x16xf32>,
        %get3A_1099 = arith.index_cast %scan3A_1088 : i32 to index
        %get3A_1100 = arith.constant 784 : index
        %get3A_1101 = tpu.vector_load %arg5[%get3A_1099, %get3A_1100] {strides = array<i32>} : memref<8x1024xf32, #tpu.memory_space<vmem>>, vector<1x16xf32>,
        %get3A_1102 = vector.shape_cast %get3A_1101 : vector<1x16xf32> to vector<16xf32>
        %add3A_1103 = arith.addf %get3A_1102, %get3A_273 : vector<16xf32>
        %swap3A_1104 = arith.index_cast %scan3A_1088 : i32 to index
        %swap3A_1105 = arith.constant 784 : index
        %swap3A_1106 = tpu.vector_load %arg9[%swap3A_1104, %swap3A_1105] {strides = array<i32>} : memref<8x1024xf32, #tpu.memory_space<vmem>>, vector<1x16xf32>,
        %swap3A_1107 = vector.shape_cast %swap3A_1106 : vector<1x16xf32> to vector<16xf32>
        %swap3A_1108 = vector.shape_cast %add3A_1103 : vector<16xf32> to vector<1x16xf32>
        tpu.vector_store %arg9[%swap3A_1104, %swap3A_1105], %swap3A_1108 {strides = array<i32>} : memref<8x1024xf32, #tpu.memory_space<vmem>>, vector<1x16xf32>,
        %get3A_1109 = arith.index_cast %scan3A_1088 : i32 to index
        %get3A_1110 = arith.constant 800 : index
        %get3A_1111 = tpu.vector_load %arg5[%get3A_1109, %get3A_1110] {strides = array<i32>} : memref<8x1024xf32, #tpu.memory_space<vmem>>, vector<1x16xf32>,
        %get3A_1112 = vector.shape_cast %get3A_1111 : vector<1x16xf32> to vector<16xf32>
        %add3A_1113 = arith.addf %get3A_1112, %get3A_276 : vector<16xf32>
        %swap3A_1114 = arith.index_cast %scan3A_1088 : i32 to index
        %swap3A_1115 = arith.constant 800 : index
        %swap3A_1116 = tpu.vector_load %arg9[%swap3A_1114, %swap3A_1115] {strides = array<i32>} : memref<8x1024xf32, #tpu.memory_space<vmem>>, vector<1x16xf32>,
        %swap3A_1117 = vector.shape_cast %swap3A_1116 : vector<1x16xf32> to vector<16xf32>
        %swap3A_1118 = vector.shape_cast %add3A_1113 : vector<16xf32> to vector<1x16xf32>
        tpu.vector_store %arg9[%swap3A_1114, %swap3A_1115], %swap3A_1118 {strides = array<i32>} : memref<8x1024xf32, #tpu.memory_space<vmem>>, vector<1x16xf32>,
        %get3A_1119 = arith.index_cast %scan3A_1088 : i32 to index
        %get3A_1120 = arith.constant 816 : index
        %get3A_1121 = tpu.vector_load %arg5[%get3A_1119, %get3A_1120] {strides = array<i32>} : memref<8x1024xf32, #tpu.memory_space<vmem>>, vector<1x16xf32>,
        %get3A_1122 = vector.shape_cast %get3A_1121 : vector<1x16xf32> to vector<16xf32>
        %add3A_1123 = arith.addf %get3A_1122, %get3A_279 : vector<16xf32>
        %swap3A_1124 = arith.index_cast %scan3A_1088 : i32 to index
        %swap3A_1125 = arith.constant 816 : index
        %swap3A_1126 = tpu.vector_load %arg9[%swap3A_1124, %swap3A_1125] {strides = array<i32>} : memref<8x1024xf32, #tpu.memory_space<vmem>>, vector<1x16xf32>,
        %swap3A_1127 = vector.shape_cast %swap3A_1126 : vector<1x16xf32> to vector<16xf32>
        %swap3A_1128 = vector.shape_cast %add3A_1123 : vector<16xf32> to vector<1x16xf32>
        tpu.vector_store %arg9[%swap3A_1124, %swap3A_1125], %swap3A_1128 {strides = array<i32>} : memref<8x1024xf32, #tpu.memory_space<vmem>>, vector<1x16xf32>,
        %get3A_1129 = arith.index_cast %scan3A_1088 : i32 to index
        %get3A_1130 = arith.constant 832 : index
        %get3A_1131 = tpu.vector_load %arg5[%get3A_1129, %get3A_1130] {strides = array<i32>} : memref<8x1024xf32, #tpu.memory_space<vmem>>, vector<1x16xf32>,
        %get3A_1132 = vector.shape_cast %get3A_1131 : vector<1x16xf32> to vector<16xf32>
        %add3A_1133 = arith.addf %get3A_1132, %get3A_282 : vector<16xf32>
        %swap3A_1134 = arith.index_cast %scan3A_1088 : i32 to index
        %swap3A_1135 = arith.constant 832 : index
        %swap3A_1136 = tpu.vector_load %arg9[%swap3A_1134, %swap3A_1135] {strides = array<i32>} : memref<8x1024xf32, #tpu.memory_space<vmem>>, vector<1x16xf32>,
        %swap3A_1137 = vector.shape_cast %swap3A_1136 : vector<1x16xf32> to vector<16xf32>
        %swap3A_1138 = vector.shape_cast %add3A_1133 : vector<16xf32> to vector<1x16xf32>
        tpu.vector_store %arg9[%swap3A_1134, %swap3A_1135], %swap3A_1138 {strides = array<i32>} : memref<8x1024xf32, #tpu.memory_space<vmem>>, vector<1x16xf32>,
        %get3A_1139 = arith.index_cast %scan3A_1088 : i32 to index
        %get3A_1140 = arith.constant 848 : index
        %get3A_1141 = tpu.vector_load %arg5[%get3A_1139, %get3A_1140] {strides = array<i32>} : memref<8x1024xf32, #tpu.memory_space<vmem>>, vector<1x16xf32>,
        %get3A_1142 = vector.shape_cast %get3A_1141 : vector<1x16xf32> to vector<16xf32>
        %add3A_1143 = arith.addf %get3A_1142, %get3A_285 : vector<16xf32>
        %swap3A_1144 = arith.index_cast %scan3A_1088 : i32 to index
        %swap3A_1145 = arith.constant 848 : index
        %swap3A_1146 = tpu.vector_load %arg9[%swap3A_1144, %swap3A_1145] {strides = array<i32>} : memref<8x1024xf32, #tpu.memory_space<vmem>>, vector<1x16xf32>,
        %swap3A_1147 = vector.shape_cast %swap3A_1146 : vector<1x16xf32> to vector<16xf32>
        %swap3A_1148 = vector.shape_cast %add3A_1143 : vector<16xf32> to vector<1x16xf32>
        tpu.vector_store %arg9[%swap3A_1144, %swap3A_1145], %swap3A_1148 {strides = array<i32>} : memref<8x1024xf32, #tpu.memory_space<vmem>>, vector<1x16xf32>,
        %get3A_1149 = arith.index_cast %scan3A_1088 : i32 to index
        %get3A_1150 = arith.constant 864 : index
        %get3A_1151 = tpu.vector_load %arg5[%get3A_1149, %get3A_1150] {strides = array<i32>} : memref<8x1024xf32, #tpu.memory_space<vmem>>, vector<1x16xf32>,
        %get3A_1152 = vector.shape_cast %get3A_1151 : vector<1x16xf32> to vector<16xf32>
        %add3A_1153 = arith.addf %get3A_1152, %get3A_288 : vector<16xf32>
        %swap3A_1154 = arith.index_cast %scan3A_1088 : i32 to index
        %swap3A_1155 = arith.constant 864 : index
        %swap3A_1156 = tpu.vector_load %arg9[%swap3A_1154, %swap3A_1155] {strides = array<i32>} : memref<8x1024xf32, #tpu.memory_space<vmem>>, vector<1x16xf32>,
        %swap3A_1157 = vector.shape_cast %swap3A_1156 : vector<1x16xf32> to vector<16xf32>
        %swap3A_1158 = vector.shape_cast %add3A_1153 : vector<16xf32> to vector<1x16xf32>
        tpu.vector_store %arg9[%swap3A_1154, %swap3A_1155], %swap3A_1158 {strides = array<i32>} : memref<8x1024xf32, #tpu.memory_space<vmem>>, vector<1x16xf32>,
        %get3A_1159 = arith.index_cast %scan3A_1088 : i32 to index
        %get3A_1160 = arith.constant 880 : index
        %get3A_1161 = tpu.vector_load %arg5[%get3A_1159, %get3A_1160] {strides = array<i32>} : memref<8x1024xf32, #tpu.memory_space<vmem>>, vector<1x16xf32>,
        %get3A_1162 = vector.shape_cast %get3A_1161 : vector<1x16xf32> to vector<16xf32>
        %add3A_1163 = arith.addf %get3A_1162, %get3A_291 : vector<16xf32>
        %swap3A_1164 = arith.index_cast %scan3A_1088 : i32 to index
        %swap3A_1165 = arith.constant 880 : index
        %swap3A_1166 = tpu.vector_load %arg9[%swap3A_1164, %swap3A_1165] {strides = array<i32>} : memref<8x1024xf32, #tpu.memory_space<vmem>>, vector<1x16xf32>,
        %swap3A_1167 = vector.shape_cast %swap3A_1166 : vector<1x16xf32> to vector<16xf32>
        %swap3A_1168 = vector.shape_cast %add3A_1163 : vector<16xf32> to vector<1x16xf32>
        tpu.vector_store %arg9[%swap3A_1164, %swap3A_1165], %swap3A_1168 {strides = array<i32>} : memref<8x1024xf32, #tpu.memory_space<vmem>>, vector<1x16xf32>,
        %get3A_1169 = arith.index_cast %scan3A_1088 : i32 to index
        %get3A_1170 = arith.constant 896 : index
        %get3A_1171 = tpu.vector_load %arg5[%get3A_1169, %get3A_1170] {strides = array<i32>} : memref<8x1024xf32, #tpu.memory_space<vmem>>, vector<1x16xf32>,
        %get3A_1172 = vector.shape_cast %get3A_1171 : vector<1x16xf32> to vector<16xf32>
        %add3A_1173 = arith.addf %get3A_1172, %get3A_294 : vector<16xf32>
        %swap3A_1174 = arith.index_cast %scan3A_1088 : i32 to index
        %swap3A_1175 = arith.constant 896 : index
        %swap3A_1176 = tpu.vector_load %arg9[%swap3A_1174, %swap3A_1175] {strides = array<i32>} : memref<8x1024xf32, #tpu.memory_space<vmem>>, vector<1x16xf32>,
        %swap3A_1177 = vector.shape_cast %swap3A_1176 : vector<1x16xf32> to vector<16xf32>
        %swap3A_1178 = vector.shape_cast %add3A_1173 : vector<16xf32> to vector<1x16xf32>
        tpu.vector_store %arg9[%swap3A_1174, %swap3A_1175], %swap3A_1178 {strides = array<i32>} : memref<8x1024xf32, #tpu.memory_space<vmem>>, vector<1x16xf32>,
        %get3A_1179 = arith.index_cast %scan3A_1088 : i32 to index
        %get3A_1180 = arith.constant 912 : index
        %get3A_1181 = tpu.vector_load %arg5[%get3A_1179, %get3A_1180] {strides = array<i32>} : memref<8x1024xf32, #tpu.memory_space<vmem>>, vector<1x16xf32>,
        %get3A_1182 = vector.shape_cast %get3A_1181 : vector<1x16xf32> to vector<16xf32>
        %add3A_1183 = arith.addf %get3A_1182, %get3A_297 : vector<16xf32>
        %swap3A_1184 = arith.index_cast %scan3A_1088 : i32 to index
        %swap3A_1185 = arith.constant 912 : index
        %swap3A_1186 = tpu.vector_load %arg9[%swap3A_1184, %swap3A_1185] {strides = array<i32>} : memref<8x1024xf32, #tpu.memory_space<vmem>>, vector<1x16xf32>,
        %swap3A_1187 = vector.shape_cast %swap3A_1186 : vector<1x16xf32> to vector<16xf32>
        %swap3A_1188 = vector.shape_cast %add3A_1183 : vector<16xf32> to vector<1x16xf32>
        tpu.vector_store %arg9[%swap3A_1184, %swap3A_1185], %swap3A_1188 {strides = array<i32>} : memref<8x1024xf32, #tpu.memory_space<vmem>>, vector<1x16xf32>,
        %get3A_1189 = arith.index_cast %scan3A_1088 : i32 to index
        %get3A_1190 = arith.constant 928 : index
        %get3A_1191 = tpu.vector_load %arg5[%get3A_1189, %get3A_1190] {strides = array<i32>} : memref<8x1024xf32, #tpu.memory_space<vmem>>, vector<1x16xf32>,
        %get3A_1192 = vector.shape_cast %get3A_1191 : vector<1x16xf32> to vector<16xf32>
        %add3A_1193 = arith.addf %get3A_1192, %get3A_300 : vector<16xf32>
        %swap3A_1194 = arith.index_cast %scan3A_1088 : i32 to index
        %swap3A_1195 = arith.constant 928 : index
        %swap3A_1196 = tpu.vector_load %arg9[%swap3A_1194, %swap3A_1195] {strides = array<i32>} : memref<8x1024xf32, #tpu.memory_space<vmem>>, vector<1x16xf32>,
        %swap3A_1197 = vector.shape_cast %swap3A_1196 : vector<1x16xf32> to vector<16xf32>
        %swap3A_1198 = vector.shape_cast %add3A_1193 : vector<16xf32> to vector<1x16xf32>
        tpu.vector_store %arg9[%swap3A_1194, %swap3A_1195], %swap3A_1198 {strides = array<i32>} : memref<8x1024xf32, #tpu.memory_space<vmem>>, vector<1x16xf32>,
        %get3A_1199 = arith.index_cast %scan3A_1088 : i32 to index
        %get3A_1200 = arith.constant 944 : index
        %get3A_1201 = tpu.vector_load %arg5[%get3A_1199, %get3A_1200] {strides = array<i32>} : memref<8x1024xf32, #tpu.memory_space<vmem>>, vector<1x16xf32>,
        %get3A_1202 = vector.shape_cast %get3A_1201 : vector<1x16xf32> to vector<16xf32>
        %add3A_1203 = arith.addf %get3A_1202, %get3A_303 : vector<16xf32>
        %swap3A_1204 = arith.index_cast %scan3A_1088 : i32 to index
        %swap3A_1205 = arith.constant 944 : index
        %swap3A_1206 = tpu.vector_load %arg9[%swap3A_1204, %swap3A_1205] {strides = array<i32>} : memref<8x1024xf32, #tpu.memory_space<vmem>>, vector<1x16xf32>,
        %swap3A_1207 = vector.shape_cast %swap3A_1206 : vector<1x16xf32> to vector<16xf32>
        %swap3A_1208 = vector.shape_cast %add3A_1203 : vector<16xf32> to vector<1x16xf32>
        tpu.vector_store %arg9[%swap3A_1204, %swap3A_1205], %swap3A_1208 {strides = array<i32>} : memref<8x1024xf32, #tpu.memory_space<vmem>>, vector<1x16xf32>,
        %get3A_1209 = arith.index_cast %scan3A_1088 : i32 to index
        %get3A_1210 = arith.constant 960 : index
        %get3A_1211 = tpu.vector_load %arg5[%get3A_1209, %get3A_1210] {strides = array<i32>} : memref<8x1024xf32, #tpu.memory_space<vmem>>, vector<1x16xf32>,
        %get3A_1212 = vector.shape_cast %get3A_1211 : vector<1x16xf32> to vector<16xf32>
        %add3A_1213 = arith.addf %get3A_1212, %get3A_306 : vector<16xf32>
        %swap3A_1214 = arith.index_cast %scan3A_1088 : i32 to index
        %swap3A_1215 = arith.constant 960 : index
        %swap3A_1216 = tpu.vector_load %arg9[%swap3A_1214, %swap3A_1215] {strides = array<i32>} : memref<8x1024xf32, #tpu.memory_space<vmem>>, vector<1x16xf32>,
        %swap3A_1217 = vector.shape_cast %swap3A_1216 : vector<1x16xf32> to vector<16xf32>
        %swap3A_1218 = vector.shape_cast %add3A_1213 : vector<16xf32> to vector<1x16xf32>
        tpu.vector_store %arg9[%swap3A_1214, %swap3A_1215], %swap3A_1218 {strides = array<i32>} : memref<8x1024xf32, #tpu.memory_space<vmem>>, vector<1x16xf32>,
        %get3A_1219 = arith.index_cast %scan3A_1088 : i32 to index
        %get3A_1220 = arith.constant 976 : index
        %get3A_1221 = tpu.vector_load %arg5[%get3A_1219, %get3A_1220] {strides = array<i32>} : memref<8x1024xf32, #tpu.memory_space<vmem>>, vector<1x16xf32>,
        %get3A_1222 = vector.shape_cast %get3A_1221 : vector<1x16xf32> to vector<16xf32>
        %add3A_1223 = arith.addf %get3A_1222, %get3A_309 : vector<16xf32>
        %swap3A_1224 = arith.index_cast %scan3A_1088 : i32 to index
        %swap3A_1225 = arith.constant 976 : index
        %swap3A_1226 = tpu.vector_load %arg9[%swap3A_1224, %swap3A_1225] {strides = array<i32>} : memref<8x1024xf32, #tpu.memory_space<vmem>>, vector<1x16xf32>,
        %swap3A_1227 = vector.shape_cast %swap3A_1226 : vector<1x16xf32> to vector<16xf32>
        %swap3A_1228 = vector.shape_cast %add3A_1223 : vector<16xf32> to vector<1x16xf32>
        tpu.vector_store %arg9[%swap3A_1224, %swap3A_1225], %swap3A_1228 {strides = array<i32>} : memref<8x1024xf32, #tpu.memory_space<vmem>>, vector<1x16xf32>,
        %get3A_1229 = arith.index_cast %scan3A_1088 : i32 to index
        %get3A_1230 = arith.constant 992 : index
        %get3A_1231 = tpu.vector_load %arg5[%get3A_1229, %get3A_1230] {strides = array<i32>} : memref<8x1024xf32, #tpu.memory_space<vmem>>, vector<1x16xf32>,
        %get3A_1232 = vector.shape_cast %get3A_1231 : vector<1x16xf32> to vector<16xf32>
        %add3A_1233 = arith.addf %get3A_1232, %get3A_312 : vector<16xf32>
        %swap3A_1234 = arith.index_cast %scan3A_1088 : i32 to index
        %swap3A_1235 = arith.constant 992 : index
        %swap3A_1236 = tpu.vector_load %arg9[%swap3A_1234, %swap3A_1235] {strides = array<i32>} : memref<8x1024xf32, #tpu.memory_space<vmem>>, vector<1x16xf32>,
        %swap3A_1237 = vector.shape_cast %swap3A_1236 : vector<1x16xf32> to vector<16xf32>
        %swap3A_1238 = vector.shape_cast %add3A_1233 : vector<16xf32> to vector<1x16xf32>
        tpu.vector_store %arg9[%swap3A_1234, %swap3A_1235], %swap3A_1238 {strides = array<i32>} : memref<8x1024xf32, #tpu.memory_space<vmem>>, vector<1x16xf32>,
        %get3A_1239 = arith.index_cast %scan3A_1088 : i32 to index
        %get3A_1240 = arith.constant 1008 : index
        %get3A_1241 = tpu.vector_load %arg5[%get3A_1239, %get3A_1240] {strides = array<i32>} : memref<8x1024xf32, #tpu.memory_space<vmem>>, vector<1x16xf32>,
        %get3A_1242 = vector.shape_cast %get3A_1241 : vector<1x16xf32> to vector<16xf32>
        %add3A_1243 = arith.addf %get3A_1242, %get3A_315 : vector<16xf32>
        %swap3A_1244 = arith.index_cast %scan3A_1088 : i32 to index
        %swap3A_1245 = arith.constant 1008 : index
        %swap3A_1246 = tpu.vector_load %arg9[%swap3A_1244, %swap3A_1245] {strides = array<i32>} : memref<8x1024xf32, #tpu.memory_space<vmem>>, vector<1x16xf32>,
        %swap3A_1247 = vector.shape_cast %swap3A_1246 : vector<1x16xf32> to vector<16xf32>
        %swap3A_1248 = vector.shape_cast %add3A_1243 : vector<16xf32> to vector<1x16xf32>
        tpu.vector_store %arg9[%swap3A_1244, %swap3A_1245], %swap3A_1248 {strides = array<i32>} : memref<8x1024xf32, #tpu.memory_space<vmem>>, vector<1x16xf32>,
        %scan3A_1249 = arith.constant 0 : i32
        scf.yield %scan3A_1249 : i32
      }
      %scan3A_322 = arith.constant 8 : i32
      %add3A_323 = arith.constant 4 : i32
      %add3A_324 = arith.addi %add3A_92, %add3A_323 : i32
      %rem3A = arith.constant 128 : i32
      %rem3A_325 = arith.remsi %add3A_324, %rem3A : i32
      %mul3A_326 = arith.constant 8 : i32
      %mul3A_327 = arith.muli %rem3A_325, %mul3A_326 : i32
      %add3A_328 = arith.addi %mul3A_2, %mul3A_327 : i32
      %dma_start3A_329 = arith.constant 0 : i32
      %dma_start3A_330 = tpu.memref_slice %arg2[%add3A_328, %dma_start3A_329] : memref<32768x1024xf32, #tpu.memory_space<hbm>> -> memref<8x1024xf32, #tpu.memory_space<hbm>>
      %dma_start3A_331 = arith.constant 0 : i32
      %dma_start3A_332 = tpu.memref_slice %arg2[%add3A_328, %dma_start3A_331] : memref<32768x1024xf32, #tpu.memory_space<hbm>> -> memref<8x1024xf32, #tpu.memory_space<hbm>>
      tpu.enqueue_dma source(%dma_start3A_332 : memref<8x1024xf32, #tpu.memory_space<hbm>>) target(%arg5 : memref<8x1024xf32, #tpu.memory_space<vmem>>) target_semaphore(%arg14 : memref<!tpu.dma_semaphore, #tpu.memory_space<semaphore_mem>>)
      %dma_start3A_333 = arith.constant 0 : i32
      %dma_start3A_334 = tpu.memref_slice %arg4[%add3A_95, %dma_start3A_333] : memref<32768x1024xf32, #tpu.memory_space<hbm>> -> memref<8x1024xf32, #tpu.memory_space<hbm>>
      %dma_start3A_335 = arith.constant 0 : i32
      %dma_start3A_336 = tpu.memref_slice %arg4[%add3A_95, %dma_start3A_335] : memref<32768x1024xf32, #tpu.memory_space<hbm>> -> memref<8x1024xf32, #tpu.memory_space<hbm>>
      tpu.enqueue_dma source(%arg9 : memref<8x1024xf32, #tpu.memory_space<vmem>>) target(%dma_start3A_336 : memref<8x1024xf32, #tpu.memory_space<hbm>>) target_semaphore(%arg18 : memref<!tpu.dma_semaphore, #tpu.memory_space<semaphore_mem>>)
      %mul3A_337 = arith.constant 4 : i32
      %mul3A_338 = arith.muli %mul3A_337, %scan3A_87 : i32
      %add3A_339 = arith.constant 1 : i32
      %add3A_340 = arith.addi %mul3A_338, %add3A_339 : i32
      %mul3A_341 = arith.constant 8 : i32
      %mul3A_342 = arith.muli %add3A_340, %mul3A_341 : i32
      %add3A_343 = arith.addi %mul3A_2, %mul3A_342 : i32
      %dma_wait3A_344 = arith.constant 0 : i32
      %dma_wait3A_345 = tpu.memref_slice %arg2[%add3A_343, %dma_wait3A_344] : memref<32768x1024xf32, #tpu.memory_space<hbm>> -> memref<8x1024xf32, #tpu.memory_space<hbm>>
      %dma_wait3A_346 = arith.constant 0 : i32
      %dma_wait3A_347 = tpu.memref_slice %arg2[%add3A_343, %dma_wait3A_346] : memref<32768x1024xf32, #tpu.memory_space<hbm>> -> memref<8x1024xf32, #tpu.memory_space<hbm>>
      tpu.wait_dma2 semaphore(%arg15 : memref<!tpu.dma_semaphore, #tpu.memory_space<semaphore_mem>>) src(%dma_wait3A_347 : memref<8x1024xf32, #tpu.memory_space<hbm>>) dst(%arg6 : memref<8x1024xf32, #tpu.memory_space<vmem>>)
      %dma_wait3A_348 = arith.constant 0 : i32
      %dma_wait3A_349 = tpu.memref_slice %arg4[%add3A_343, %dma_wait3A_348] : memref<32768x1024xf32, #tpu.memory_space<hbm>> -> memref<8x1024xf32, #tpu.memory_space<hbm>>
      %dma_wait3A_350 = arith.constant 0 : i32
      %dma_wait3A_351 = tpu.memref_slice %arg4[%add3A_343, %dma_wait3A_350] : memref<32768x1024xf32, #tpu.memory_space<hbm>> -> memref<8x1024xf32, #tpu.memory_space<hbm>>
      tpu.wait_dma2 semaphore(%arg19 : memref<!tpu.dma_semaphore, #tpu.memory_space<semaphore_mem>>) src(%arg10 : memref<8x1024xf32, #tpu.memory_space<vmem>>) dst(%dma_wait3A_351 : memref<8x1024xf32, #tpu.memory_space<hbm>>)
      %get3A_352 = arith.constant 0 : index
      %get3A_353 = tpu.vector_load %arg13[%get3A_352] {strides = array<i32>} : memref<1024xf32, #tpu.memory_space<vmem>>, vector<16xf32>,
      %get3A_354 = vector.shape_cast %get3A_353 : vector<16xf32> to vector<16xf32>
      %get3A_355 = arith.constant 16 : index
      %get3A_356 = tpu.vector_load %arg13[%get3A_355] {strides = array<i32>} : memref<1024xf32, #tpu.memory_space<vmem>>, vector<16xf32>,
      %get3A_357 = vector.shape_cast %get3A_356 : vector<16xf32> to vector<16xf32>
      %get3A_358 = arith.constant 32 : index
      %get3A_359 = tpu.vector_load %arg13[%get3A_358] {strides = array<i32>} : memref<1024xf32, #tpu.memory_space<vmem>>, vector<16xf32>,
      %get3A_360 = vector.shape_cast %get3A_359 : vector<16xf32> to vector<16xf32>
      %get3A_361 = arith.constant 48 : index
      %get3A_362 = tpu.vector_load %arg13[%get3A_361] {strides = array<i32>} : memref<1024xf32, #tpu.memory_space<vmem>>, vector<16xf32>,
      %get3A_363 = vector.shape_cast %get3A_362 : vector<16xf32> to vector<16xf32>
      %get3A_364 = arith.constant 64 : index
      %get3A_365 = tpu.vector_load %arg13[%get3A_364] {strides = array<i32>} : memref<1024xf32, #tpu.memory_space<vmem>>, vector<16xf32>,
      %get3A_366 = vector.shape_cast %get3A_365 : vector<16xf32> to vector<16xf32>
      %get3A_367 = arith.constant 80 : index
      %get3A_368 = tpu.vector_load %arg13[%get3A_367] {strides = array<i32>} : memref<1024xf32, #tpu.memory_space<vmem>>, vector<16xf32>,
      %get3A_369 = vector.shape_cast %get3A_368 : vector<16xf32> to vector<16xf32>
      %get3A_370 = arith.constant 96 : index
      %get3A_371 = tpu.vector_load %arg13[%get3A_370] {strides = array<i32>} : memref<1024xf32, #tpu.memory_space<vmem>>, vector<16xf32>,
      %get3A_372 = vector.shape_cast %get3A_371 : vector<16xf32> to vector<16xf32>
      %get3A_373 = arith.constant 112 : index
      %get3A_374 = tpu.vector_load %arg13[%get3A_373] {strides = array<i32>} : memref<1024xf32, #tpu.memory_space<vmem>>, vector<16xf32>,
      %get3A_375 = vector.shape_cast %get3A_374 : vector<16xf32> to vector<16xf32>
      %get3A_376 = arith.constant 128 : index
      %get3A_377 = tpu.vector_load %arg13[%get3A_376] {strides = array<i32>} : memref<1024xf32, #tpu.memory_space<vmem>>, vector<16xf32>,
      %get3A_378 = vector.shape_cast %get3A_377 : vector<16xf32> to vector<16xf32>
      %get3A_379 = arith.constant 144 : index
      %get3A_380 = tpu.vector_load %arg13[%get3A_379] {strides = array<i32>} : memref<1024xf32, #tpu.memory_space<vmem>>, vector<16xf32>,
      %get3A_381 = vector.shape_cast %get3A_380 : vector<16xf32> to vector<16xf32>
      %get3A_382 = arith.constant 160 : index
      %get3A_383 = tpu.vector_load %arg13[%get3A_382] {strides = array<i32>} : memref<1024xf32, #tpu.memory_space<vmem>>, vector<16xf32>,
      %get3A_384 = vector.shape_cast %get3A_383 : vector<16xf32> to vector<16xf32>
      %get3A_385 = arith.constant 176 : index
      %get3A_386 = tpu.vector_load %arg13[%get3A_385] {strides = array<i32>} : memref<1024xf32, #tpu.memory_space<vmem>>, vector<16xf32>,
      %get3A_387 = vector.shape_cast %get3A_386 : vector<16xf32> to vector<16xf32>
      %get3A_388 = arith.constant 192 : index
      %get3A_389 = tpu.vector_load %arg13[%get3A_388] {strides = array<i32>} : memref<1024xf32, #tpu.memory_space<vmem>>, vector<16xf32>,
      %get3A_390 = vector.shape_cast %get3A_389 : vector<16xf32> to vector<16xf32>
      %get3A_391 = arith.constant 208 : index
      %get3A_392 = tpu.vector_load %arg13[%get3A_391] {strides = array<i32>} : memref<1024xf32, #tpu.memory_space<vmem>>, vector<16xf32>,
      %get3A_393 = vector.shape_cast %get3A_392 : vector<16xf32> to vector<16xf32>
      %get3A_394 = arith.constant 224 : index
      %get3A_395 = tpu.vector_load %arg13[%get3A_394] {strides = array<i32>} : memref<1024xf32, #tpu.memory_space<vmem>>, vector<16xf32>,
      %get3A_396 = vector.shape_cast %get3A_395 : vector<16xf32> to vector<16xf32>
      %get3A_397 = arith.constant 240 : index
      %get3A_398 = tpu.vector_load %arg13[%get3A_397] {strides = array<i32>} : memref<1024xf32, #tpu.memory_space<vmem>>, vector<16xf32>,
      %get3A_399 = vector.shape_cast %get3A_398 : vector<16xf32> to vector<16xf32>
      %scan3A_400 = arith.constant 0 : i32
      %scan3A_401 = arith.constant 0 : i32
      %scan3A_402 = arith.constant 8 : i32
      %scan3A_403 = arith.addi %scan3A_401, %scan3A_402 : i32
      %scan3A_404 = arith.constant 1 : i32
      %scan3A_405 = scf.for %scan3A_1088 = %scan3A_401 to %scan3A_403 step %scan3A_404 iter_args(%scan3A_1089 = %scan3A_400) -> (i32)  : i32 {
        %get3A_1090 = arith.index_cast %scan3A_1088 : i32 to index
        %get3A_1091 = arith.constant 0 : index
        %get3A_1092 = tpu.vector_load %arg6[%get3A_1090, %get3A_1091] {strides = array<i32>} : memref<8x1024xf32, #tpu.memory_space<vmem>>, vector<1x16xf32>,
        %get3A_1093 = vector.shape_cast %get3A_1092 : vector<1x16xf32> to vector<16xf32>
        %add3A_1094 = arith.addf %get3A_1093, %get3A_354 : vector<16xf32>
        %swap3A = arith.index_cast %scan3A_1088 : i32 to index
        %swap3A_1095 = arith.constant 0 : index
        %swap3A_1096 = tpu.vector_load %arg10[%swap3A, %swap3A_1095] {strides = array<i32>} : memref<8x1024xf32, #tpu.memory_space<vmem>>, vector<1x16xf32>,
        %swap3A_1097 = vector.shape_cast %swap3A_1096 : vector<1x16xf32> to vector<16xf32>
        %swap3A_1098 = vector.shape_cast %add3A_1094 : vector<16xf32> to vector<1x16xf32>
        tpu.vector_store %arg10[%swap3A, %swap3A_1095], %swap3A_1098 {strides = array<i32>} : memref<8x1024xf32, #tpu.memory_space<vmem>>, vector<1x16xf32>,
        %get3A_1099 = arith.index_cast %scan3A_1088 : i32 to index
        %get3A_1100 = arith.constant 16 : index
        %get3A_1101 = tpu.vector_load %arg6[%get3A_1099, %get3A_1100] {strides = array<i32>} : memref<8x1024xf32, #tpu.memory_space<vmem>>, vector<1x16xf32>,
        %get3A_1102 = vector.shape_cast %get3A_1101 : vector<1x16xf32> to vector<16xf32>
        %add3A_1103 = arith.addf %get3A_1102, %get3A_357 : vector<16xf32>
        %swap3A_1104 = arith.index_cast %scan3A_1088 : i32 to index
        %swap3A_1105 = arith.constant 16 : index
        %swap3A_1106 = tpu.vector_load %arg10[%swap3A_1104, %swap3A_1105] {strides = array<i32>} : memref<8x1024xf32, #tpu.memory_space<vmem>>, vector<1x16xf32>,
        %swap3A_1107 = vector.shape_cast %swap3A_1106 : vector<1x16xf32> to vector<16xf32>
        %swap3A_1108 = vector.shape_cast %add3A_1103 : vector<16xf32> to vector<1x16xf32>
        tpu.vector_store %arg10[%swap3A_1104, %swap3A_1105], %swap3A_1108 {strides = array<i32>} : memref<8x1024xf32, #tpu.memory_space<vmem>>, vector<1x16xf32>,
        %get3A_1109 = arith.index_cast %scan3A_1088 : i32 to index
        %get3A_1110 = arith.constant 32 : index
        %get3A_1111 = tpu.vector_load %arg6[%get3A_1109, %get3A_1110] {strides = array<i32>} : memref<8x1024xf32, #tpu.memory_space<vmem>>, vector<1x16xf32>,
        %get3A_1112 = vector.shape_cast %get3A_1111 : vector<1x16xf32> to vector<16xf32>
        %add3A_1113 = arith.addf %get3A_1112, %get3A_360 : vector<16xf32>
        %swap3A_1114 = arith.index_cast %scan3A_1088 : i32 to index
        %swap3A_1115 = arith.constant 32 : index
        %swap3A_1116 = tpu.vector_load %arg10[%swap3A_1114, %swap3A_1115] {strides = array<i32>} : memref<8x1024xf32, #tpu.memory_space<vmem>>, vector<1x16xf32>,
        %swap3A_1117 = vector.shape_cast %swap3A_1116 : vector<1x16xf32> to vector<16xf32>
        %swap3A_1118 = vector.shape_cast %add3A_1113 : vector<16xf32> to vector<1x16xf32>
        tpu.vector_store %arg10[%swap3A_1114, %swap3A_1115], %swap3A_1118 {strides = array<i32>} : memref<8x1024xf32, #tpu.memory_space<vmem>>, vector<1x16xf32>,
        %get3A_1119 = arith.index_cast %scan3A_1088 : i32 to index
        %get3A_1120 = arith.constant 48 : index
        %get3A_1121 = tpu.vector_load %arg6[%get3A_1119, %get3A_1120] {strides = array<i32>} : memref<8x1024xf32, #tpu.memory_space<vmem>>, vector<1x16xf32>,
        %get3A_1122 = vector.shape_cast %get3A_1121 : vector<1x16xf32> to vector<16xf32>
        %add3A_1123 = arith.addf %get3A_1122, %get3A_363 : vector<16xf32>
        %swap3A_1124 = arith.index_cast %scan3A_1088 : i32 to index
        %swap3A_1125 = arith.constant 48 : index
        %swap3A_1126 = tpu.vector_load %arg10[%swap3A_1124, %swap3A_1125] {strides = array<i32>} : memref<8x1024xf32, #tpu.memory_space<vmem>>, vector<1x16xf32>,
        %swap3A_1127 = vector.shape_cast %swap3A_1126 : vector<1x16xf32> to vector<16xf32>
        %swap3A_1128 = vector.shape_cast %add3A_1123 : vector<16xf32> to vector<1x16xf32>
        tpu.vector_store %arg10[%swap3A_1124, %swap3A_1125], %swap3A_1128 {strides = array<i32>} : memref<8x1024xf32, #tpu.memory_space<vmem>>, vector<1x16xf32>,
        %get3A_1129 = arith.index_cast %scan3A_1088 : i32 to index
        %get3A_1130 = arith.constant 64 : index
        %get3A_1131 = tpu.vector_load %arg6[%get3A_1129, %get3A_1130] {strides = array<i32>} : memref<8x1024xf32, #tpu.memory_space<vmem>>, vector<1x16xf32>,
        %get3A_1132 = vector.shape_cast %get3A_1131 : vector<1x16xf32> to vector<16xf32>
        %add3A_1133 = arith.addf %get3A_1132, %get3A_366 : vector<16xf32>
        %swap3A_1134 = arith.index_cast %scan3A_1088 : i32 to index
        %swap3A_1135 = arith.constant 64 : index
        %swap3A_1136 = tpu.vector_load %arg10[%swap3A_1134, %swap3A_1135] {strides = array<i32>} : memref<8x1024xf32, #tpu.memory_space<vmem>>, vector<1x16xf32>,
        %swap3A_1137 = vector.shape_cast %swap3A_1136 : vector<1x16xf32> to vector<16xf32>
        %swap3A_1138 = vector.shape_cast %add3A_1133 : vector<16xf32> to vector<1x16xf32>
        tpu.vector_store %arg10[%swap3A_1134, %swap3A_1135], %swap3A_1138 {strides = array<i32>} : memref<8x1024xf32, #tpu.memory_space<vmem>>, vector<1x16xf32>,
        %get3A_1139 = arith.index_cast %scan3A_1088 : i32 to index
        %get3A_1140 = arith.constant 80 : index
        %get3A_1141 = tpu.vector_load %arg6[%get3A_1139, %get3A_1140] {strides = array<i32>} : memref<8x1024xf32, #tpu.memory_space<vmem>>, vector<1x16xf32>,
        %get3A_1142 = vector.shape_cast %get3A_1141 : vector<1x16xf32> to vector<16xf32>
        %add3A_1143 = arith.addf %get3A_1142, %get3A_369 : vector<16xf32>
        %swap3A_1144 = arith.index_cast %scan3A_1088 : i32 to index
        %swap3A_1145 = arith.constant 80 : index
        %swap3A_1146 = tpu.vector_load %arg10[%swap3A_1144, %swap3A_1145] {strides = array<i32>} : memref<8x1024xf32, #tpu.memory_space<vmem>>, vector<1x16xf32>,
        %swap3A_1147 = vector.shape_cast %swap3A_1146 : vector<1x16xf32> to vector<16xf32>
        %swap3A_1148 = vector.shape_cast %add3A_1143 : vector<16xf32> to vector<1x16xf32>
        tpu.vector_store %arg10[%swap3A_1144, %swap3A_1145], %swap3A_1148 {strides = array<i32>} : memref<8x1024xf32, #tpu.memory_space<vmem>>, vector<1x16xf32>,
        %get3A_1149 = arith.index_cast %scan3A_1088 : i32 to index
        %get3A_1150 = arith.constant 96 : index
        %get3A_1151 = tpu.vector_load %arg6[%get3A_1149, %get3A_1150] {strides = array<i32>} : memref<8x1024xf32, #tpu.memory_space<vmem>>, vector<1x16xf32>,
        %get3A_1152 = vector.shape_cast %get3A_1151 : vector<1x16xf32> to vector<16xf32>
        %add3A_1153 = arith.addf %get3A_1152, %get3A_372 : vector<16xf32>
        %swap3A_1154 = arith.index_cast %scan3A_1088 : i32 to index
        %swap3A_1155 = arith.constant 96 : index
        %swap3A_1156 = tpu.vector_load %arg10[%swap3A_1154, %swap3A_1155] {strides = array<i32>} : memref<8x1024xf32, #tpu.memory_space<vmem>>, vector<1x16xf32>,
        %swap3A_1157 = vector.shape_cast %swap3A_1156 : vector<1x16xf32> to vector<16xf32>
        %swap3A_1158 = vector.shape_cast %add3A_1153 : vector<16xf32> to vector<1x16xf32>
        tpu.vector_store %arg10[%swap3A_1154, %swap3A_1155], %swap3A_1158 {strides = array<i32>} : memref<8x1024xf32, #tpu.memory_space<vmem>>, vector<1x16xf32>,
        %get3A_1159 = arith.index_cast %scan3A_1088 : i32 to index
        %get3A_1160 = arith.constant 112 : index
        %get3A_1161 = tpu.vector_load %arg6[%get3A_1159, %get3A_1160] {strides = array<i32>} : memref<8x1024xf32, #tpu.memory_space<vmem>>, vector<1x16xf32>,
        %get3A_1162 = vector.shape_cast %get3A_1161 : vector<1x16xf32> to vector<16xf32>
        %add3A_1163 = arith.addf %get3A_1162, %get3A_375 : vector<16xf32>
        %swap3A_1164 = arith.index_cast %scan3A_1088 : i32 to index
        %swap3A_1165 = arith.constant 112 : index
        %swap3A_1166 = tpu.vector_load %arg10[%swap3A_1164, %swap3A_1165] {strides = array<i32>} : memref<8x1024xf32, #tpu.memory_space<vmem>>, vector<1x16xf32>,
        %swap3A_1167 = vector.shape_cast %swap3A_1166 : vector<1x16xf32> to vector<16xf32>
        %swap3A_1168 = vector.shape_cast %add3A_1163 : vector<16xf32> to vector<1x16xf32>
        tpu.vector_store %arg10[%swap3A_1164, %swap3A_1165], %swap3A_1168 {strides = array<i32>} : memref<8x1024xf32, #tpu.memory_space<vmem>>, vector<1x16xf32>,
        %get3A_1169 = arith.index_cast %scan3A_1088 : i32 to index
        %get3A_1170 = arith.constant 128 : index
        %get3A_1171 = tpu.vector_load %arg6[%get3A_1169, %get3A_1170] {strides = array<i32>} : memref<8x1024xf32, #tpu.memory_space<vmem>>, vector<1x16xf32>,
        %get3A_1172 = vector.shape_cast %get3A_1171 : vector<1x16xf32> to vector<16xf32>
        %add3A_1173 = arith.addf %get3A_1172, %get3A_378 : vector<16xf32>
        %swap3A_1174 = arith.index_cast %scan3A_1088 : i32 to index
        %swap3A_1175 = arith.constant 128 : index
        %swap3A_1176 = tpu.vector_load %arg10[%swap3A_1174, %swap3A_1175] {strides = array<i32>} : memref<8x1024xf32, #tpu.memory_space<vmem>>, vector<1x16xf32>,
        %swap3A_1177 = vector.shape_cast %swap3A_1176 : vector<1x16xf32> to vector<16xf32>
        %swap3A_1178 = vector.shape_cast %add3A_1173 : vector<16xf32> to vector<1x16xf32>
        tpu.vector_store %arg10[%swap3A_1174, %swap3A_1175], %swap3A_1178 {strides = array<i32>} : memref<8x1024xf32, #tpu.memory_space<vmem>>, vector<1x16xf32>,
        %get3A_1179 = arith.index_cast %scan3A_1088 : i32 to index
        %get3A_1180 = arith.constant 144 : index
        %get3A_1181 = tpu.vector_load %arg6[%get3A_1179, %get3A_1180] {strides = array<i32>} : memref<8x1024xf32, #tpu.memory_space<vmem>>, vector<1x16xf32>,
        %get3A_1182 = vector.shape_cast %get3A_1181 : vector<1x16xf32> to vector<16xf32>
        %add3A_1183 = arith.addf %get3A_1182, %get3A_381 : vector<16xf32>
        %swap3A_1184 = arith.index_cast %scan3A_1088 : i32 to index
        %swap3A_1185 = arith.constant 144 : index
        %swap3A_1186 = tpu.vector_load %arg10[%swap3A_1184, %swap3A_1185] {strides = array<i32>} : memref<8x1024xf32, #tpu.memory_space<vmem>>, vector<1x16xf32>,
        %swap3A_1187 = vector.shape_cast %swap3A_1186 : vector<1x16xf32> to vector<16xf32>
        %swap3A_1188 = vector.shape_cast %add3A_1183 : vector<16xf32> to vector<1x16xf32>
        tpu.vector_store %arg10[%swap3A_1184, %swap3A_1185], %swap3A_1188 {strides = array<i32>} : memref<8x1024xf32, #tpu.memory_space<vmem>>, vector<1x16xf32>,
        %get3A_1189 = arith.index_cast %scan3A_1088 : i32 to index
        %get3A_1190 = arith.constant 160 : index
        %get3A_1191 = tpu.vector_load %arg6[%get3A_1189, %get3A_1190] {strides = array<i32>} : memref<8x1024xf32, #tpu.memory_space<vmem>>, vector<1x16xf32>,
        %get3A_1192 = vector.shape_cast %get3A_1191 : vector<1x16xf32> to vector<16xf32>
        %add3A_1193 = arith.addf %get3A_1192, %get3A_384 : vector<16xf32>
        %swap3A_1194 = arith.index_cast %scan3A_1088 : i32 to index
        %swap3A_1195 = arith.constant 160 : index
        %swap3A_1196 = tpu.vector_load %arg10[%swap3A_1194, %swap3A_1195] {strides = array<i32>} : memref<8x1024xf32, #tpu.memory_space<vmem>>, vector<1x16xf32>,
        %swap3A_1197 = vector.shape_cast %swap3A_1196 : vector<1x16xf32> to vector<16xf32>
        %swap3A_1198 = vector.shape_cast %add3A_1193 : vector<16xf32> to vector<1x16xf32>
        tpu.vector_store %arg10[%swap3A_1194, %swap3A_1195], %swap3A_1198 {strides = array<i32>} : memref<8x1024xf32, #tpu.memory_space<vmem>>, vector<1x16xf32>,
        %get3A_1199 = arith.index_cast %scan3A_1088 : i32 to index
        %get3A_1200 = arith.constant 176 : index
        %get3A_1201 = tpu.vector_load %arg6[%get3A_1199, %get3A_1200] {strides = array<i32>} : memref<8x1024xf32, #tpu.memory_space<vmem>>, vector<1x16xf32>,
        %get3A_1202 = vector.shape_cast %get3A_1201 : vector<1x16xf32> to vector<16xf32>
        %add3A_1203 = arith.addf %get3A_1202, %get3A_387 : vector<16xf32>
        %swap3A_1204 = arith.index_cast %scan3A_1088 : i32 to index
        %swap3A_1205 = arith.constant 176 : index
        %swap3A_1206 = tpu.vector_load %arg10[%swap3A_1204, %swap3A_1205] {strides = array<i32>} : memref<8x1024xf32, #tpu.memory_space<vmem>>, vector<1x16xf32>,
        %swap3A_1207 = vector.shape_cast %swap3A_1206 : vector<1x16xf32> to vector<16xf32>
        %swap3A_1208 = vector.shape_cast %add3A_1203 : vector<16xf32> to vector<1x16xf32>
        tpu.vector_store %arg10[%swap3A_1204, %swap3A_1205], %swap3A_1208 {strides = array<i32>} : memref<8x1024xf32, #tpu.memory_space<vmem>>, vector<1x16xf32>,
        %get3A_1209 = arith.index_cast %scan3A_1088 : i32 to index
        %get3A_1210 = arith.constant 192 : index
        %get3A_1211 = tpu.vector_load %arg6[%get3A_1209, %get3A_1210] {strides = array<i32>} : memref<8x1024xf32, #tpu.memory_space<vmem>>, vector<1x16xf32>,
        %get3A_1212 = vector.shape_cast %get3A_1211 : vector<1x16xf32> to vector<16xf32>
        %add3A_1213 = arith.addf %get3A_1212, %get3A_390 : vector<16xf32>
        %swap3A_1214 = arith.index_cast %scan3A_1088 : i32 to index
        %swap3A_1215 = arith.constant 192 : index
        %swap3A_1216 = tpu.vector_load %arg10[%swap3A_1214, %swap3A_1215] {strides = array<i32>} : memref<8x1024xf32, #tpu.memory_space<vmem>>, vector<1x16xf32>,
        %swap3A_1217 = vector.shape_cast %swap3A_1216 : vector<1x16xf32> to vector<16xf32>
        %swap3A_1218 = vector.shape_cast %add3A_1213 : vector<16xf32> to vector<1x16xf32>
        tpu.vector_store %arg10[%swap3A_1214, %swap3A_1215], %swap3A_1218 {strides = array<i32>} : memref<8x1024xf32, #tpu.memory_space<vmem>>, vector<1x16xf32>,
        %get3A_1219 = arith.index_cast %scan3A_1088 : i32 to index
        %get3A_1220 = arith.constant 208 : index
        %get3A_1221 = tpu.vector_load %arg6[%get3A_1219, %get3A_1220] {strides = array<i32>} : memref<8x1024xf32, #tpu.memory_space<vmem>>, vector<1x16xf32>,
        %get3A_1222 = vector.shape_cast %get3A_1221 : vector<1x16xf32> to vector<16xf32>
        %add3A_1223 = arith.addf %get3A_1222, %get3A_393 : vector<16xf32>
        %swap3A_1224 = arith.index_cast %scan3A_1088 : i32 to index
        %swap3A_1225 = arith.constant 208 : index
        %swap3A_1226 = tpu.vector_load %arg10[%swap3A_1224, %swap3A_1225] {strides = array<i32>} : memref<8x1024xf32, #tpu.memory_space<vmem>>, vector<1x16xf32>,
        %swap3A_1227 = vector.shape_cast %swap3A_1226 : vector<1x16xf32> to vector<16xf32>
        %swap3A_1228 = vector.shape_cast %add3A_1223 : vector<16xf32> to vector<1x16xf32>
        tpu.vector_store %arg10[%swap3A_1224, %swap3A_1225], %swap3A_1228 {strides = array<i32>} : memref<8x1024xf32, #tpu.memory_space<vmem>>, vector<1x16xf32>,
        %get3A_1229 = arith.index_cast %scan3A_1088 : i32 to index
        %get3A_1230 = arith.constant 224 : index
        %get3A_1231 = tpu.vector_load %arg6[%get3A_1229, %get3A_1230] {strides = array<i32>} : memref<8x1024xf32, #tpu.memory_space<vmem>>, vector<1x16xf32>,
        %get3A_1232 = vector.shape_cast %get3A_1231 : vector<1x16xf32> to vector<16xf32>
        %add3A_1233 = arith.addf %get3A_1232, %get3A_396 : vector<16xf32>
        %swap3A_1234 = arith.index_cast %scan3A_1088 : i32 to index
        %swap3A_1235 = arith.constant 224 : index
        %swap3A_1236 = tpu.vector_load %arg10[%swap3A_1234, %swap3A_1235] {strides = array<i32>} : memref<8x1024xf32, #tpu.memory_space<vmem>>, vector<1x16xf32>,
        %swap3A_1237 = vector.shape_cast %swap3A_1236 : vector<1x16xf32> to vector<16xf32>
        %swap3A_1238 = vector.shape_cast %add3A_1233 : vector<16xf32> to vector<1x16xf32>
        tpu.vector_store %arg10[%swap3A_1234, %swap3A_1235], %swap3A_1238 {strides = array<i32>} : memref<8x1024xf32, #tpu.memory_space<vmem>>, vector<1x16xf32>,
        %get3A_1239 = arith.index_cast %scan3A_1088 : i32 to index
        %get3A_1240 = arith.constant 240 : index
        %get3A_1241 = tpu.vector_load %arg6[%get3A_1239, %get3A_1240] {strides = array<i32>} : memref<8x1024xf32, #tpu.memory_space<vmem>>, vector<1x16xf32>,
        %get3A_1242 = vector.shape_cast %get3A_1241 : vector<1x16xf32> to vector<16xf32>
        %add3A_1243 = arith.addf %get3A_1242, %get3A_399 : vector<16xf32>
        %swap3A_1244 = arith.index_cast %scan3A_1088 : i32 to index
        %swap3A_1245 = arith.constant 240 : index
        %swap3A_1246 = tpu.vector_load %arg10[%swap3A_1244, %swap3A_1245] {strides = array<i32>} : memref<8x1024xf32, #tpu.memory_space<vmem>>, vector<1x16xf32>,
        %swap3A_1247 = vector.shape_cast %swap3A_1246 : vector<1x16xf32> to vector<16xf32>
        %swap3A_1248 = vector.shape_cast %add3A_1243 : vector<16xf32> to vector<1x16xf32>
        tpu.vector_store %arg10[%swap3A_1244, %swap3A_1245], %swap3A_1248 {strides = array<i32>} : memref<8x1024xf32, #tpu.memory_space<vmem>>, vector<1x16xf32>,
        %scan3A_1249 = arith.constant 0 : i32
        scf.yield %scan3A_1249 : i32
      }
      %scan3A_406 = arith.constant 8 : i32
      %get3A_407 = arith.constant 256 : index
      %get3A_408 = tpu.vector_load %arg13[%get3A_407] {strides = array<i32>} : memref<1024xf32, #tpu.memory_space<vmem>>, vector<16xf32>,
      %get3A_409 = vector.shape_cast %get3A_408 : vector<16xf32> to vector<16xf32>
      %get3A_410 = arith.constant 272 : index
      %get3A_411 = tpu.vector_load %arg13[%get3A_410] {strides = array<i32>} : memref<1024xf32, #tpu.memory_space<vmem>>, vector<16xf32>,
      %get3A_412 = vector.shape_cast %get3A_411 : vector<16xf32> to vector<16xf32>
      %get3A_413 = arith.constant 288 : index
      %get3A_414 = tpu.vector_load %arg13[%get3A_413] {strides = array<i32>} : memref<1024xf32, #tpu.memory_space<vmem>>, vector<16xf32>,
      %get3A_415 = vector.shape_cast %get3A_414 : vector<16xf32> to vector<16xf32>
      %get3A_416 = arith.constant 304 : index
      %get3A_417 = tpu.vector_load %arg13[%get3A_416] {strides = array<i32>} : memref<1024xf32, #tpu.memory_space<vmem>>, vector<16xf32>,
      %get3A_418 = vector.shape_cast %get3A_417 : vector<16xf32> to vector<16xf32>
      %get3A_419 = arith.constant 320 : index
      %get3A_420 = tpu.vector_load %arg13[%get3A_419] {strides = array<i32>} : memref<1024xf32, #tpu.memory_space<vmem>>, vector<16xf32>,
      %get3A_421 = vector.shape_cast %get3A_420 : vector<16xf32> to vector<16xf32>
      %get3A_422 = arith.constant 336 : index
      %get3A_423 = tpu.vector_load %arg13[%get3A_422] {strides = array<i32>} : memref<1024xf32, #tpu.memory_space<vmem>>, vector<16xf32>,
      %get3A_424 = vector.shape_cast %get3A_423 : vector<16xf32> to vector<16xf32>
      %get3A_425 = arith.constant 352 : index
      %get3A_426 = tpu.vector_load %arg13[%get3A_425] {strides = array<i32>} : memref<1024xf32, #tpu.memory_space<vmem>>, vector<16xf32>,
      %get3A_427 = vector.shape_cast %get3A_426 : vector<16xf32> to vector<16xf32>
      %get3A_428 = arith.constant 368 : index
      %get3A_429 = tpu.vector_load %arg13[%get3A_428] {strides = array<i32>} : memref<1024xf32, #tpu.memory_space<vmem>>, vector<16xf32>,
      %get3A_430 = vector.shape_cast %get3A_429 : vector<16xf32> to vector<16xf32>
      %get3A_431 = arith.constant 384 : index
      %get3A_432 = tpu.vector_load %arg13[%get3A_431] {strides = array<i32>} : memref<1024xf32, #tpu.memory_space<vmem>>, vector<16xf32>,
      %get3A_433 = vector.shape_cast %get3A_432 : vector<16xf32> to vector<16xf32>
      %get3A_434 = arith.constant 400 : index
      %get3A_435 = tpu.vector_load %arg13[%get3A_434] {strides = array<i32>} : memref<1024xf32, #tpu.memory_space<vmem>>, vector<16xf32>,
      %get3A_436 = vector.shape_cast %get3A_435 : vector<16xf32> to vector<16xf32>
      %get3A_437 = arith.constant 416 : index
      %get3A_438 = tpu.vector_load %arg13[%get3A_437] {strides = array<i32>} : memref<1024xf32, #tpu.memory_space<vmem>>, vector<16xf32>,
      %get3A_439 = vector.shape_cast %get3A_438 : vector<16xf32> to vector<16xf32>
      %get3A_440 = arith.constant 432 : index
      %get3A_441 = tpu.vector_load %arg13[%get3A_440] {strides = array<i32>} : memref<1024xf32, #tpu.memory_space<vmem>>, vector<16xf32>,
      %get3A_442 = vector.shape_cast %get3A_441 : vector<16xf32> to vector<16xf32>
      %get3A_443 = arith.constant 448 : index
      %get3A_444 = tpu.vector_load %arg13[%get3A_443] {strides = array<i32>} : memref<1024xf32, #tpu.memory_space<vmem>>, vector<16xf32>,
      %get3A_445 = vector.shape_cast %get3A_444 : vector<16xf32> to vector<16xf32>
      %get3A_446 = arith.constant 464 : index
      %get3A_447 = tpu.vector_load %arg13[%get3A_446] {strides = array<i32>} : memref<1024xf32, #tpu.memory_space<vmem>>, vector<16xf32>,
      %get3A_448 = vector.shape_cast %get3A_447 : vector<16xf32> to vector<16xf32>
      %get3A_449 = arith.constant 480 : index
      %get3A_450 = tpu.vector_load %arg13[%get3A_449] {strides = array<i32>} : memref<1024xf32, #tpu.memory_space<vmem>>, vector<16xf32>,
      %get3A_451 = vector.shape_cast %get3A_450 : vector<16xf32> to vector<16xf32>
      %get3A_452 = arith.constant 496 : index
      %get3A_453 = tpu.vector_load %arg13[%get3A_452] {strides = array<i32>} : memref<1024xf32, #tpu.memory_space<vmem>>, vector<16xf32>,
      %get3A_454 = vector.shape_cast %get3A_453 : vector<16xf32> to vector<16xf32>
      %scan3A_455 = arith.constant 0 : i32
      %scan3A_456 = arith.constant 0 : i32
      %scan3A_457 = arith.constant 8 : i32
      %scan3A_458 = arith.addi %scan3A_456, %scan3A_457 : i32
      %scan3A_459 = arith.constant 1 : i32
      %scan3A_460 = scf.for %scan3A_1088 = %scan3A_456 to %scan3A_458 step %scan3A_459 iter_args(%scan3A_1089 = %scan3A_455) -> (i32)  : i32 {
        %get3A_1090 = arith.index_cast %scan3A_1088 : i32 to index
        %get3A_1091 = arith.constant 256 : index
        %get3A_1092 = tpu.vector_load %arg6[%get3A_1090, %get3A_1091] {strides = array<i32>} : memref<8x1024xf32, #tpu.memory_space<vmem>>, vector<1x16xf32>,
        %get3A_1093 = vector.shape_cast %get3A_1092 : vector<1x16xf32> to vector<16xf32>
        %add3A_1094 = arith.addf %get3A_1093, %get3A_409 : vector<16xf32>
        %swap3A = arith.index_cast %scan3A_1088 : i32 to index
        %swap3A_1095 = arith.constant 256 : index
        %swap3A_1096 = tpu.vector_load %arg10[%swap3A, %swap3A_1095] {strides = array<i32>} : memref<8x1024xf32, #tpu.memory_space<vmem>>, vector<1x16xf32>,
        %swap3A_1097 = vector.shape_cast %swap3A_1096 : vector<1x16xf32> to vector<16xf32>
        %swap3A_1098 = vector.shape_cast %add3A_1094 : vector<16xf32> to vector<1x16xf32>
        tpu.vector_store %arg10[%swap3A, %swap3A_1095], %swap3A_1098 {strides = array<i32>} : memref<8x1024xf32, #tpu.memory_space<vmem>>, vector<1x16xf32>,
        %get3A_1099 = arith.index_cast %scan3A_1088 : i32 to index
        %get3A_1100 = arith.constant 272 : index
        %get3A_1101 = tpu.vector_load %arg6[%get3A_1099, %get3A_1100] {strides = array<i32>} : memref<8x1024xf32, #tpu.memory_space<vmem>>, vector<1x16xf32>,
        %get3A_1102 = vector.shape_cast %get3A_1101 : vector<1x16xf32> to vector<16xf32>
        %add3A_1103 = arith.addf %get3A_1102, %get3A_412 : vector<16xf32>
        %swap3A_1104 = arith.index_cast %scan3A_1088 : i32 to index
        %swap3A_1105 = arith.constant 272 : index
        %swap3A_1106 = tpu.vector_load %arg10[%swap3A_1104, %swap3A_1105] {strides = array<i32>} : memref<8x1024xf32, #tpu.memory_space<vmem>>, vector<1x16xf32>,
        %swap3A_1107 = vector.shape_cast %swap3A_1106 : vector<1x16xf32> to vector<16xf32>
        %swap3A_1108 = vector.shape_cast %add3A_1103 : vector<16xf32> to vector<1x16xf32>
        tpu.vector_store %arg10[%swap3A_1104, %swap3A_1105], %swap3A_1108 {strides = array<i32>} : memref<8x1024xf32, #tpu.memory_space<vmem>>, vector<1x16xf32>,
        %get3A_1109 = arith.index_cast %scan3A_1088 : i32 to index
        %get3A_1110 = arith.constant 288 : index
        %get3A_1111 = tpu.vector_load %arg6[%get3A_1109, %get3A_1110] {strides = array<i32>} : memref<8x1024xf32, #tpu.memory_space<vmem>>, vector<1x16xf32>,
        %get3A_1112 = vector.shape_cast %get3A_1111 : vector<1x16xf32> to vector<16xf32>
        %add3A_1113 = arith.addf %get3A_1112, %get3A_415 : vector<16xf32>
        %swap3A_1114 = arith.index_cast %scan3A_1088 : i32 to index
        %swap3A_1115 = arith.constant 288 : index
        %swap3A_1116 = tpu.vector_load %arg10[%swap3A_1114, %swap3A_1115] {strides = array<i32>} : memref<8x1024xf32, #tpu.memory_space<vmem>>, vector<1x16xf32>,
        %swap3A_1117 = vector.shape_cast %swap3A_1116 : vector<1x16xf32> to vector<16xf32>
        %swap3A_1118 = vector.shape_cast %add3A_1113 : vector<16xf32> to vector<1x16xf32>
        tpu.vector_store %arg10[%swap3A_1114, %swap3A_1115], %swap3A_1118 {strides = array<i32>} : memref<8x1024xf32, #tpu.memory_space<vmem>>, vector<1x16xf32>,
        %get3A_1119 = arith.index_cast %scan3A_1088 : i32 to index
        %get3A_1120 = arith.constant 304 : index
        %get3A_1121 = tpu.vector_load %arg6[%get3A_1119, %get3A_1120] {strides = array<i32>} : memref<8x1024xf32, #tpu.memory_space<vmem>>, vector<1x16xf32>,
        %get3A_1122 = vector.shape_cast %get3A_1121 : vector<1x16xf32> to vector<16xf32>
        %add3A_1123 = arith.addf %get3A_1122, %get3A_418 : vector<16xf32>
        %swap3A_1124 = arith.index_cast %scan3A_1088 : i32 to index
        %swap3A_1125 = arith.constant 304 : index
        %swap3A_1126 = tpu.vector_load %arg10[%swap3A_1124, %swap3A_1125] {strides = array<i32>} : memref<8x1024xf32, #tpu.memory_space<vmem>>, vector<1x16xf32>,
        %swap3A_1127 = vector.shape_cast %swap3A_1126 : vector<1x16xf32> to vector<16xf32>
        %swap3A_1128 = vector.shape_cast %add3A_1123 : vector<16xf32> to vector<1x16xf32>
        tpu.vector_store %arg10[%swap3A_1124, %swap3A_1125], %swap3A_1128 {strides = array<i32>} : memref<8x1024xf32, #tpu.memory_space<vmem>>, vector<1x16xf32>,
        %get3A_1129 = arith.index_cast %scan3A_1088 : i32 to index
        %get3A_1130 = arith.constant 320 : index
        %get3A_1131 = tpu.vector_load %arg6[%get3A_1129, %get3A_1130] {strides = array<i32>} : memref<8x1024xf32, #tpu.memory_space<vmem>>, vector<1x16xf32>,
        %get3A_1132 = vector.shape_cast %get3A_1131 : vector<1x16xf32> to vector<16xf32>
        %add3A_1133 = arith.addf %get3A_1132, %get3A_421 : vector<16xf32>
        %swap3A_1134 = arith.index_cast %scan3A_1088 : i32 to index
        %swap3A_1135 = arith.constant 320 : index
        %swap3A_1136 = tpu.vector_load %arg10[%swap3A_1134, %swap3A_1135] {strides = array<i32>} : memref<8x1024xf32, #tpu.memory_space<vmem>>, vector<1x16xf32>,
        %swap3A_1137 = vector.shape_cast %swap3A_1136 : vector<1x16xf32> to vector<16xf32>
        %swap3A_1138 = vector.shape_cast %add3A_1133 : vector<16xf32> to vector<1x16xf32>
        tpu.vector_store %arg10[%swap3A_1134, %swap3A_1135], %swap3A_1138 {strides = array<i32>} : memref<8x1024xf32, #tpu.memory_space<vmem>>, vector<1x16xf32>,
        %get3A_1139 = arith.index_cast %scan3A_1088 : i32 to index
        %get3A_1140 = arith.constant 336 : index
        %get3A_1141 = tpu.vector_load %arg6[%get3A_1139, %get3A_1140] {strides = array<i32>} : memref<8x1024xf32, #tpu.memory_space<vmem>>, vector<1x16xf32>,
        %get3A_1142 = vector.shape_cast %get3A_1141 : vector<1x16xf32> to vector<16xf32>
        %add3A_1143 = arith.addf %get3A_1142, %get3A_424 : vector<16xf32>
        %swap3A_1144 = arith.index_cast %scan3A_1088 : i32 to index
        %swap3A_1145 = arith.constant 336 : index
        %swap3A_1146 = tpu.vector_load %arg10[%swap3A_1144, %swap3A_1145] {strides = array<i32>} : memref<8x1024xf32, #tpu.memory_space<vmem>>, vector<1x16xf32>,
        %swap3A_1147 = vector.shape_cast %swap3A_1146 : vector<1x16xf32> to vector<16xf32>
        %swap3A_1148 = vector.shape_cast %add3A_1143 : vector<16xf32> to vector<1x16xf32>
        tpu.vector_store %arg10[%swap3A_1144, %swap3A_1145], %swap3A_1148 {strides = array<i32>} : memref<8x1024xf32, #tpu.memory_space<vmem>>, vector<1x16xf32>,
        %get3A_1149 = arith.index_cast %scan3A_1088 : i32 to index
        %get3A_1150 = arith.constant 352 : index
        %get3A_1151 = tpu.vector_load %arg6[%get3A_1149, %get3A_1150] {strides = array<i32>} : memref<8x1024xf32, #tpu.memory_space<vmem>>, vector<1x16xf32>,
        %get3A_1152 = vector.shape_cast %get3A_1151 : vector<1x16xf32> to vector<16xf32>
        %add3A_1153 = arith.addf %get3A_1152, %get3A_427 : vector<16xf32>
        %swap3A_1154 = arith.index_cast %scan3A_1088 : i32 to index
        %swap3A_1155 = arith.constant 352 : index
        %swap3A_1156 = tpu.vector_load %arg10[%swap3A_1154, %swap3A_1155] {strides = array<i32>} : memref<8x1024xf32, #tpu.memory_space<vmem>>, vector<1x16xf32>,
        %swap3A_1157 = vector.shape_cast %swap3A_1156 : vector<1x16xf32> to vector<16xf32>
        %swap3A_1158 = vector.shape_cast %add3A_1153 : vector<16xf32> to vector<1x16xf32>
        tpu.vector_store %arg10[%swap3A_1154, %swap3A_1155], %swap3A_1158 {strides = array<i32>} : memref<8x1024xf32, #tpu.memory_space<vmem>>, vector<1x16xf32>,
        %get3A_1159 = arith.index_cast %scan3A_1088 : i32 to index
        %get3A_1160 = arith.constant 368 : index
        %get3A_1161 = tpu.vector_load %arg6[%get3A_1159, %get3A_1160] {strides = array<i32>} : memref<8x1024xf32, #tpu.memory_space<vmem>>, vector<1x16xf32>,
        %get3A_1162 = vector.shape_cast %get3A_1161 : vector<1x16xf32> to vector<16xf32>
        %add3A_1163 = arith.addf %get3A_1162, %get3A_430 : vector<16xf32>
        %swap3A_1164 = arith.index_cast %scan3A_1088 : i32 to index
        %swap3A_1165 = arith.constant 368 : index
        %swap3A_1166 = tpu.vector_load %arg10[%swap3A_1164, %swap3A_1165] {strides = array<i32>} : memref<8x1024xf32, #tpu.memory_space<vmem>>, vector<1x16xf32>,
        %swap3A_1167 = vector.shape_cast %swap3A_1166 : vector<1x16xf32> to vector<16xf32>
        %swap3A_1168 = vector.shape_cast %add3A_1163 : vector<16xf32> to vector<1x16xf32>
        tpu.vector_store %arg10[%swap3A_1164, %swap3A_1165], %swap3A_1168 {strides = array<i32>} : memref<8x1024xf32, #tpu.memory_space<vmem>>, vector<1x16xf32>,
        %get3A_1169 = arith.index_cast %scan3A_1088 : i32 to index
        %get3A_1170 = arith.constant 384 : index
        %get3A_1171 = tpu.vector_load %arg6[%get3A_1169, %get3A_1170] {strides = array<i32>} : memref<8x1024xf32, #tpu.memory_space<vmem>>, vector<1x16xf32>,
        %get3A_1172 = vector.shape_cast %get3A_1171 : vector<1x16xf32> to vector<16xf32>
        %add3A_1173 = arith.addf %get3A_1172, %get3A_433 : vector<16xf32>
        %swap3A_1174 = arith.index_cast %scan3A_1088 : i32 to index
        %swap3A_1175 = arith.constant 384 : index
        %swap3A_1176 = tpu.vector_load %arg10[%swap3A_1174, %swap3A_1175] {strides = array<i32>} : memref<8x1024xf32, #tpu.memory_space<vmem>>, vector<1x16xf32>,
        %swap3A_1177 = vector.shape_cast %swap3A_1176 : vector<1x16xf32> to vector<16xf32>
        %swap3A_1178 = vector.shape_cast %add3A_1173 : vector<16xf32> to vector<1x16xf32>
        tpu.vector_store %arg10[%swap3A_1174, %swap3A_1175], %swap3A_1178 {strides = array<i32>} : memref<8x1024xf32, #tpu.memory_space<vmem>>, vector<1x16xf32>,
        %get3A_1179 = arith.index_cast %scan3A_1088 : i32 to index
        %get3A_1180 = arith.constant 400 : index
        %get3A_1181 = tpu.vector_load %arg6[%get3A_1179, %get3A_1180] {strides = array<i32>} : memref<8x1024xf32, #tpu.memory_space<vmem>>, vector<1x16xf32>,
        %get3A_1182 = vector.shape_cast %get3A_1181 : vector<1x16xf32> to vector<16xf32>
        %add3A_1183 = arith.addf %get3A_1182, %get3A_436 : vector<16xf32>
        %swap3A_1184 = arith.index_cast %scan3A_1088 : i32 to index
        %swap3A_1185 = arith.constant 400 : index
        %swap3A_1186 = tpu.vector_load %arg10[%swap3A_1184, %swap3A_1185] {strides = array<i32>} : memref<8x1024xf32, #tpu.memory_space<vmem>>, vector<1x16xf32>,
        %swap3A_1187 = vector.shape_cast %swap3A_1186 : vector<1x16xf32> to vector<16xf32>
        %swap3A_1188 = vector.shape_cast %add3A_1183 : vector<16xf32> to vector<1x16xf32>
        tpu.vector_store %arg10[%swap3A_1184, %swap3A_1185], %swap3A_1188 {strides = array<i32>} : memref<8x1024xf32, #tpu.memory_space<vmem>>, vector<1x16xf32>,
        %get3A_1189 = arith.index_cast %scan3A_1088 : i32 to index
        %get3A_1190 = arith.constant 416 : index
        %get3A_1191 = tpu.vector_load %arg6[%get3A_1189, %get3A_1190] {strides = array<i32>} : memref<8x1024xf32, #tpu.memory_space<vmem>>, vector<1x16xf32>,
        %get3A_1192 = vector.shape_cast %get3A_1191 : vector<1x16xf32> to vector<16xf32>
        %add3A_1193 = arith.addf %get3A_1192, %get3A_439 : vector<16xf32>
        %swap3A_1194 = arith.index_cast %scan3A_1088 : i32 to index
        %swap3A_1195 = arith.constant 416 : index
        %swap3A_1196 = tpu.vector_load %arg10[%swap3A_1194, %swap3A_1195] {strides = array<i32>} : memref<8x1024xf32, #tpu.memory_space<vmem>>, vector<1x16xf32>,
        %swap3A_1197 = vector.shape_cast %swap3A_1196 : vector<1x16xf32> to vector<16xf32>
        %swap3A_1198 = vector.shape_cast %add3A_1193 : vector<16xf32> to vector<1x16xf32>
        tpu.vector_store %arg10[%swap3A_1194, %swap3A_1195], %swap3A_1198 {strides = array<i32>} : memref<8x1024xf32, #tpu.memory_space<vmem>>, vector<1x16xf32>,
        %get3A_1199 = arith.index_cast %scan3A_1088 : i32 to index
        %get3A_1200 = arith.constant 432 : index
        %get3A_1201 = tpu.vector_load %arg6[%get3A_1199, %get3A_1200] {strides = array<i32>} : memref<8x1024xf32, #tpu.memory_space<vmem>>, vector<1x16xf32>,
        %get3A_1202 = vector.shape_cast %get3A_1201 : vector<1x16xf32> to vector<16xf32>
        %add3A_1203 = arith.addf %get3A_1202, %get3A_442 : vector<16xf32>
        %swap3A_1204 = arith.index_cast %scan3A_1088 : i32 to index
        %swap3A_1205 = arith.constant 432 : index
        %swap3A_1206 = tpu.vector_load %arg10[%swap3A_1204, %swap3A_1205] {strides = array<i32>} : memref<8x1024xf32, #tpu.memory_space<vmem>>, vector<1x16xf32>,
        %swap3A_1207 = vector.shape_cast %swap3A_1206 : vector<1x16xf32> to vector<16xf32>
        %swap3A_1208 = vector.shape_cast %add3A_1203 : vector<16xf32> to vector<1x16xf32>
        tpu.vector_store %arg10[%swap3A_1204, %swap3A_1205], %swap3A_1208 {strides = array<i32>} : memref<8x1024xf32, #tpu.memory_space<vmem>>, vector<1x16xf32>,
        %get3A_1209 = arith.index_cast %scan3A_1088 : i32 to index
        %get3A_1210 = arith.constant 448 : index
        %get3A_1211 = tpu.vector_load %arg6[%get3A_1209, %get3A_1210] {strides = array<i32>} : memref<8x1024xf32, #tpu.memory_space<vmem>>, vector<1x16xf32>,
        %get3A_1212 = vector.shape_cast %get3A_1211 : vector<1x16xf32> to vector<16xf32>
        %add3A_1213 = arith.addf %get3A_1212, %get3A_445 : vector<16xf32>
        %swap3A_1214 = arith.index_cast %scan3A_1088 : i32 to index
        %swap3A_1215 = arith.constant 448 : index
        %swap3A_1216 = tpu.vector_load %arg10[%swap3A_1214, %swap3A_1215] {strides = array<i32>} : memref<8x1024xf32, #tpu.memory_space<vmem>>, vector<1x16xf32>,
        %swap3A_1217 = vector.shape_cast %swap3A_1216 : vector<1x16xf32> to vector<16xf32>
        %swap3A_1218 = vector.shape_cast %add3A_1213 : vector<16xf32> to vector<1x16xf32>
        tpu.vector_store %arg10[%swap3A_1214, %swap3A_1215], %swap3A_1218 {strides = array<i32>} : memref<8x1024xf32, #tpu.memory_space<vmem>>, vector<1x16xf32>,
        %get3A_1219 = arith.index_cast %scan3A_1088 : i32 to index
        %get3A_1220 = arith.constant 464 : index
        %get3A_1221 = tpu.vector_load %arg6[%get3A_1219, %get3A_1220] {strides = array<i32>} : memref<8x1024xf32, #tpu.memory_space<vmem>>, vector<1x16xf32>,
        %get3A_1222 = vector.shape_cast %get3A_1221 : vector<1x16xf32> to vector<16xf32>
        %add3A_1223 = arith.addf %get3A_1222, %get3A_448 : vector<16xf32>
        %swap3A_1224 = arith.index_cast %scan3A_1088 : i32 to index
        %swap3A_1225 = arith.constant 464 : index
        %swap3A_1226 = tpu.vector_load %arg10[%swap3A_1224, %swap3A_1225] {strides = array<i32>} : memref<8x1024xf32, #tpu.memory_space<vmem>>, vector<1x16xf32>,
        %swap3A_1227 = vector.shape_cast %swap3A_1226 : vector<1x16xf32> to vector<16xf32>
        %swap3A_1228 = vector.shape_cast %add3A_1223 : vector<16xf32> to vector<1x16xf32>
        tpu.vector_store %arg10[%swap3A_1224, %swap3A_1225], %swap3A_1228 {strides = array<i32>} : memref<8x1024xf32, #tpu.memory_space<vmem>>, vector<1x16xf32>,
        %get3A_1229 = arith.index_cast %scan3A_1088 : i32 to index
        %get3A_1230 = arith.constant 480 : index
        %get3A_1231 = tpu.vector_load %arg6[%get3A_1229, %get3A_1230] {strides = array<i32>} : memref<8x1024xf32, #tpu.memory_space<vmem>>, vector<1x16xf32>,
        %get3A_1232 = vector.shape_cast %get3A_1231 : vector<1x16xf32> to vector<16xf32>
        %add3A_1233 = arith.addf %get3A_1232, %get3A_451 : vector<16xf32>
        %swap3A_1234 = arith.index_cast %scan3A_1088 : i32 to index
        %swap3A_1235 = arith.constant 480 : index
        %swap3A_1236 = tpu.vector_load %arg10[%swap3A_1234, %swap3A_1235] {strides = array<i32>} : memref<8x1024xf32, #tpu.memory_space<vmem>>, vector<1x16xf32>,
        %swap3A_1237 = vector.shape_cast %swap3A_1236 : vector<1x16xf32> to vector<16xf32>
        %swap3A_1238 = vector.shape_cast %add3A_1233 : vector<16xf32> to vector<1x16xf32>
        tpu.vector_store %arg10[%swap3A_1234, %swap3A_1235], %swap3A_1238 {strides = array<i32>} : memref<8x1024xf32, #tpu.memory_space<vmem>>, vector<1x16xf32>,
        %get3A_1239 = arith.index_cast %scan3A_1088 : i32 to index
        %get3A_1240 = arith.constant 496 : index
        %get3A_1241 = tpu.vector_load %arg6[%get3A_1239, %get3A_1240] {strides = array<i32>} : memref<8x1024xf32, #tpu.memory_space<vmem>>, vector<1x16xf32>,
        %get3A_1242 = vector.shape_cast %get3A_1241 : vector<1x16xf32> to vector<16xf32>
        %add3A_1243 = arith.addf %get3A_1242, %get3A_454 : vector<16xf32>
        %swap3A_1244 = arith.index_cast %scan3A_1088 : i32 to index
        %swap3A_1245 = arith.constant 496 : index
        %swap3A_1246 = tpu.vector_load %arg10[%swap3A_1244, %swap3A_1245] {strides = array<i32>} : memref<8x1024xf32, #tpu.memory_space<vmem>>, vector<1x16xf32>,
        %swap3A_1247 = vector.shape_cast %swap3A_1246 : vector<1x16xf32> to vector<16xf32>
        %swap3A_1248 = vector.shape_cast %add3A_1243 : vector<16xf32> to vector<1x16xf32>
        tpu.vector_store %arg10[%swap3A_1244, %swap3A_1245], %swap3A_1248 {strides = array<i32>} : memref<8x1024xf32, #tpu.memory_space<vmem>>, vector<1x16xf32>,
        %scan3A_1249 = arith.constant 0 : i32
        scf.yield %scan3A_1249 : i32
      }
      %scan3A_461 = arith.constant 8 : i32
      %get3A_462 = arith.constant 512 : index
      %get3A_463 = tpu.vector_load %arg13[%get3A_462] {strides = array<i32>} : memref<1024xf32, #tpu.memory_space<vmem>>, vector<16xf32>,
      %get3A_464 = vector.shape_cast %get3A_463 : vector<16xf32> to vector<16xf32>
      %get3A_465 = arith.constant 528 : index
      %get3A_466 = tpu.vector_load %arg13[%get3A_465] {strides = array<i32>} : memref<1024xf32, #tpu.memory_space<vmem>>, vector<16xf32>,
      %get3A_467 = vector.shape_cast %get3A_466 : vector<16xf32> to vector<16xf32>
      %get3A_468 = arith.constant 544 : index
      %get3A_469 = tpu.vector_load %arg13[%get3A_468] {strides = array<i32>} : memref<1024xf32, #tpu.memory_space<vmem>>, vector<16xf32>,
      %get3A_470 = vector.shape_cast %get3A_469 : vector<16xf32> to vector<16xf32>
      %get3A_471 = arith.constant 560 : index
      %get3A_472 = tpu.vector_load %arg13[%get3A_471] {strides = array<i32>} : memref<1024xf32, #tpu.memory_space<vmem>>, vector<16xf32>,
      %get3A_473 = vector.shape_cast %get3A_472 : vector<16xf32> to vector<16xf32>
      %get3A_474 = arith.constant 576 : index
      %get3A_475 = tpu.vector_load %arg13[%get3A_474] {strides = array<i32>} : memref<1024xf32, #tpu.memory_space<vmem>>, vector<16xf32>,
      %get3A_476 = vector.shape_cast %get3A_475 : vector<16xf32> to vector<16xf32>
      %get3A_477 = arith.constant 592 : index
      %get3A_478 = tpu.vector_load %arg13[%get3A_477] {strides = array<i32>} : memref<1024xf32, #tpu.memory_space<vmem>>, vector<16xf32>,
      %get3A_479 = vector.shape_cast %get3A_478 : vector<16xf32> to vector<16xf32>
      %get3A_480 = arith.constant 608 : index
      %get3A_481 = tpu.vector_load %arg13[%get3A_480] {strides = array<i32>} : memref<1024xf32, #tpu.memory_space<vmem>>, vector<16xf32>,
      %get3A_482 = vector.shape_cast %get3A_481 : vector<16xf32> to vector<16xf32>
      %get3A_483 = arith.constant 624 : index
      %get3A_484 = tpu.vector_load %arg13[%get3A_483] {strides = array<i32>} : memref<1024xf32, #tpu.memory_space<vmem>>, vector<16xf32>,
      %get3A_485 = vector.shape_cast %get3A_484 : vector<16xf32> to vector<16xf32>
      %get3A_486 = arith.constant 640 : index
      %get3A_487 = tpu.vector_load %arg13[%get3A_486] {strides = array<i32>} : memref<1024xf32, #tpu.memory_space<vmem>>, vector<16xf32>,
      %get3A_488 = vector.shape_cast %get3A_487 : vector<16xf32> to vector<16xf32>
      %get3A_489 = arith.constant 656 : index
      %get3A_490 = tpu.vector_load %arg13[%get3A_489] {strides = array<i32>} : memref<1024xf32, #tpu.memory_space<vmem>>, vector<16xf32>,
      %get3A_491 = vector.shape_cast %get3A_490 : vector<16xf32> to vector<16xf32>
      %get3A_492 = arith.constant 672 : index
      %get3A_493 = tpu.vector_load %arg13[%get3A_492] {strides = array<i32>} : memref<1024xf32, #tpu.memory_space<vmem>>, vector<16xf32>,
      %get3A_494 = vector.shape_cast %get3A_493 : vector<16xf32> to vector<16xf32>
      %get3A_495 = arith.constant 688 : index
      %get3A_496 = tpu.vector_load %arg13[%get3A_495] {strides = array<i32>} : memref<1024xf32, #tpu.memory_space<vmem>>, vector<16xf32>,
      %get3A_497 = vector.shape_cast %get3A_496 : vector<16xf32> to vector<16xf32>
      %get3A_498 = arith.constant 704 : index
      %get3A_499 = tpu.vector_load %arg13[%get3A_498] {strides = array<i32>} : memref<1024xf32, #tpu.memory_space<vmem>>, vector<16xf32>,
      %get3A_500 = vector.shape_cast %get3A_499 : vector<16xf32> to vector<16xf32>
      %get3A_501 = arith.constant 720 : index
      %get3A_502 = tpu.vector_load %arg13[%get3A_501] {strides = array<i32>} : memref<1024xf32, #tpu.memory_space<vmem>>, vector<16xf32>,
      %get3A_503 = vector.shape_cast %get3A_502 : vector<16xf32> to vector<16xf32>
      %get3A_504 = arith.constant 736 : index
      %get3A_505 = tpu.vector_load %arg13[%get3A_504] {strides = array<i32>} : memref<1024xf32, #tpu.memory_space<vmem>>, vector<16xf32>,
      %get3A_506 = vector.shape_cast %get3A_505 : vector<16xf32> to vector<16xf32>
      %get3A_507 = arith.constant 752 : index
      %get3A_508 = tpu.vector_load %arg13[%get3A_507] {strides = array<i32>} : memref<1024xf32, #tpu.memory_space<vmem>>, vector<16xf32>,
      %get3A_509 = vector.shape_cast %get3A_508 : vector<16xf32> to vector<16xf32>
      %scan3A_510 = arith.constant 0 : i32
      %scan3A_511 = arith.constant 0 : i32
      %scan3A_512 = arith.constant 8 : i32
      %scan3A_513 = arith.addi %scan3A_511, %scan3A_512 : i32
      %scan3A_514 = arith.constant 1 : i32
      %scan3A_515 = scf.for %scan3A_1088 = %scan3A_511 to %scan3A_513 step %scan3A_514 iter_args(%scan3A_1089 = %scan3A_510) -> (i32)  : i32 {
        %get3A_1090 = arith.index_cast %scan3A_1088 : i32 to index
        %get3A_1091 = arith.constant 512 : index
        %get3A_1092 = tpu.vector_load %arg6[%get3A_1090, %get3A_1091] {strides = array<i32>} : memref<8x1024xf32, #tpu.memory_space<vmem>>, vector<1x16xf32>,
        %get3A_1093 = vector.shape_cast %get3A_1092 : vector<1x16xf32> to vector<16xf32>
        %add3A_1094 = arith.addf %get3A_1093, %get3A_464 : vector<16xf32>
        %swap3A = arith.index_cast %scan3A_1088 : i32 to index
        %swap3A_1095 = arith.constant 512 : index
        %swap3A_1096 = tpu.vector_load %arg10[%swap3A, %swap3A_1095] {strides = array<i32>} : memref<8x1024xf32, #tpu.memory_space<vmem>>, vector<1x16xf32>,
        %swap3A_1097 = vector.shape_cast %swap3A_1096 : vector<1x16xf32> to vector<16xf32>
        %swap3A_1098 = vector.shape_cast %add3A_1094 : vector<16xf32> to vector<1x16xf32>
        tpu.vector_store %arg10[%swap3A, %swap3A_1095], %swap3A_1098 {strides = array<i32>} : memref<8x1024xf32, #tpu.memory_space<vmem>>, vector<1x16xf32>,
        %get3A_1099 = arith.index_cast %scan3A_1088 : i32 to index
        %get3A_1100 = arith.constant 528 : index
        %get3A_1101 = tpu.vector_load %arg6[%get3A_1099, %get3A_1100] {strides = array<i32>} : memref<8x1024xf32, #tpu.memory_space<vmem>>, vector<1x16xf32>,
        %get3A_1102 = vector.shape_cast %get3A_1101 : vector<1x16xf32> to vector<16xf32>
        %add3A_1103 = arith.addf %get3A_1102, %get3A_467 : vector<16xf32>
        %swap3A_1104 = arith.index_cast %scan3A_1088 : i32 to index
        %swap3A_1105 = arith.constant 528 : index
        %swap3A_1106 = tpu.vector_load %arg10[%swap3A_1104, %swap3A_1105] {strides = array<i32>} : memref<8x1024xf32, #tpu.memory_space<vmem>>, vector<1x16xf32>,
        %swap3A_1107 = vector.shape_cast %swap3A_1106 : vector<1x16xf32> to vector<16xf32>
        %swap3A_1108 = vector.shape_cast %add3A_1103 : vector<16xf32> to vector<1x16xf32>
        tpu.vector_store %arg10[%swap3A_1104, %swap3A_1105], %swap3A_1108 {strides = array<i32>} : memref<8x1024xf32, #tpu.memory_space<vmem>>, vector<1x16xf32>,
        %get3A_1109 = arith.index_cast %scan3A_1088 : i32 to index
        %get3A_1110 = arith.constant 544 : index
        %get3A_1111 = tpu.vector_load %arg6[%get3A_1109, %get3A_1110] {strides = array<i32>} : memref<8x1024xf32, #tpu.memory_space<vmem>>, vector<1x16xf32>,
        %get3A_1112 = vector.shape_cast %get3A_1111 : vector<1x16xf32> to vector<16xf32>
        %add3A_1113 = arith.addf %get3A_1112, %get3A_470 : vector<16xf32>
        %swap3A_1114 = arith.index_cast %scan3A_1088 : i32 to index
        %swap3A_1115 = arith.constant 544 : index
        %swap3A_1116 = tpu.vector_load %arg10[%swap3A_1114, %swap3A_1115] {strides = array<i32>} : memref<8x1024xf32, #tpu.memory_space<vmem>>, vector<1x16xf32>,
        %swap3A_1117 = vector.shape_cast %swap3A_1116 : vector<1x16xf32> to vector<16xf32>
        %swap3A_1118 = vector.shape_cast %add3A_1113 : vector<16xf32> to vector<1x16xf32>
        tpu.vector_store %arg10[%swap3A_1114, %swap3A_1115], %swap3A_1118 {strides = array<i32>} : memref<8x1024xf32, #tpu.memory_space<vmem>>, vector<1x16xf32>,
        %get3A_1119 = arith.index_cast %scan3A_1088 : i32 to index
        %get3A_1120 = arith.constant 560 : index
        %get3A_1121 = tpu.vector_load %arg6[%get3A_1119, %get3A_1120] {strides = array<i32>} : memref<8x1024xf32, #tpu.memory_space<vmem>>, vector<1x16xf32>,
        %get3A_1122 = vector.shape_cast %get3A_1121 : vector<1x16xf32> to vector<16xf32>
        %add3A_1123 = arith.addf %get3A_1122, %get3A_473 : vector<16xf32>
        %swap3A_1124 = arith.index_cast %scan3A_1088 : i32 to index
        %swap3A_1125 = arith.constant 560 : index
        %swap3A_1126 = tpu.vector_load %arg10[%swap3A_1124, %swap3A_1125] {strides = array<i32>} : memref<8x1024xf32, #tpu.memory_space<vmem>>, vector<1x16xf32>,
        %swap3A_1127 = vector.shape_cast %swap3A_1126 : vector<1x16xf32> to vector<16xf32>
        %swap3A_1128 = vector.shape_cast %add3A_1123 : vector<16xf32> to vector<1x16xf32>
        tpu.vector_store %arg10[%swap3A_1124, %swap3A_1125], %swap3A_1128 {strides = array<i32>} : memref<8x1024xf32, #tpu.memory_space<vmem>>, vector<1x16xf32>,
        %get3A_1129 = arith.index_cast %scan3A_1088 : i32 to index
        %get3A_1130 = arith.constant 576 : index
        %get3A_1131 = tpu.vector_load %arg6[%get3A_1129, %get3A_1130] {strides = array<i32>} : memref<8x1024xf32, #tpu.memory_space<vmem>>, vector<1x16xf32>,
        %get3A_1132 = vector.shape_cast %get3A_1131 : vector<1x16xf32> to vector<16xf32>
        %add3A_1133 = arith.addf %get3A_1132, %get3A_476 : vector<16xf32>
        %swap3A_1134 = arith.index_cast %scan3A_1088 : i32 to index
        %swap3A_1135 = arith.constant 576 : index
        %swap3A_1136 = tpu.vector_load %arg10[%swap3A_1134, %swap3A_1135] {strides = array<i32>} : memref<8x1024xf32, #tpu.memory_space<vmem>>, vector<1x16xf32>,
        %swap3A_1137 = vector.shape_cast %swap3A_1136 : vector<1x16xf32> to vector<16xf32>
        %swap3A_1138 = vector.shape_cast %add3A_1133 : vector<16xf32> to vector<1x16xf32>
        tpu.vector_store %arg10[%swap3A_1134, %swap3A_1135], %swap3A_1138 {strides = array<i32>} : memref<8x1024xf32, #tpu.memory_space<vmem>>, vector<1x16xf32>,
        %get3A_1139 = arith.index_cast %scan3A_1088 : i32 to index
        %get3A_1140 = arith.constant 592 : index
        %get3A_1141 = tpu.vector_load %arg6[%get3A_1139, %get3A_1140] {strides = array<i32>} : memref<8x1024xf32, #tpu.memory_space<vmem>>, vector<1x16xf32>,
        %get3A_1142 = vector.shape_cast %get3A_1141 : vector<1x16xf32> to vector<16xf32>
        %add3A_1143 = arith.addf %get3A_1142, %get3A_479 : vector<16xf32>
        %swap3A_1144 = arith.index_cast %scan3A_1088 : i32 to index
        %swap3A_1145 = arith.constant 592 : index
        %swap3A_1146 = tpu.vector_load %arg10[%swap3A_1144, %swap3A_1145] {strides = array<i32>} : memref<8x1024xf32, #tpu.memory_space<vmem>>, vector<1x16xf32>,
        %swap3A_1147 = vector.shape_cast %swap3A_1146 : vector<1x16xf32> to vector<16xf32>
        %swap3A_1148 = vector.shape_cast %add3A_1143 : vector<16xf32> to vector<1x16xf32>
        tpu.vector_store %arg10[%swap3A_1144, %swap3A_1145], %swap3A_1148 {strides = array<i32>} : memref<8x1024xf32, #tpu.memory_space<vmem>>, vector<1x16xf32>,
        %get3A_1149 = arith.index_cast %scan3A_1088 : i32 to index
        %get3A_1150 = arith.constant 608 : index
        %get3A_1151 = tpu.vector_load %arg6[%get3A_1149, %get3A_1150] {strides = array<i32>} : memref<8x1024xf32, #tpu.memory_space<vmem>>, vector<1x16xf32>,
        %get3A_1152 = vector.shape_cast %get3A_1151 : vector<1x16xf32> to vector<16xf32>
        %add3A_1153 = arith.addf %get3A_1152, %get3A_482 : vector<16xf32>
        %swap3A_1154 = arith.index_cast %scan3A_1088 : i32 to index
        %swap3A_1155 = arith.constant 608 : index
        %swap3A_1156 = tpu.vector_load %arg10[%swap3A_1154, %swap3A_1155] {strides = array<i32>} : memref<8x1024xf32, #tpu.memory_space<vmem>>, vector<1x16xf32>,
        %swap3A_1157 = vector.shape_cast %swap3A_1156 : vector<1x16xf32> to vector<16xf32>
        %swap3A_1158 = vector.shape_cast %add3A_1153 : vector<16xf32> to vector<1x16xf32>
        tpu.vector_store %arg10[%swap3A_1154, %swap3A_1155], %swap3A_1158 {strides = array<i32>} : memref<8x1024xf32, #tpu.memory_space<vmem>>, vector<1x16xf32>,
        %get3A_1159 = arith.index_cast %scan3A_1088 : i32 to index
        %get3A_1160 = arith.constant 624 : index
        %get3A_1161 = tpu.vector_load %arg6[%get3A_1159, %get3A_1160] {strides = array<i32>} : memref<8x1024xf32, #tpu.memory_space<vmem>>, vector<1x16xf32>,
        %get3A_1162 = vector.shape_cast %get3A_1161 : vector<1x16xf32> to vector<16xf32>
        %add3A_1163 = arith.addf %get3A_1162, %get3A_485 : vector<16xf32>
        %swap3A_1164 = arith.index_cast %scan3A_1088 : i32 to index
        %swap3A_1165 = arith.constant 624 : index
        %swap3A_1166 = tpu.vector_load %arg10[%swap3A_1164, %swap3A_1165] {strides = array<i32>} : memref<8x1024xf32, #tpu.memory_space<vmem>>, vector<1x16xf32>,
        %swap3A_1167 = vector.shape_cast %swap3A_1166 : vector<1x16xf32> to vector<16xf32>
        %swap3A_1168 = vector.shape_cast %add3A_1163 : vector<16xf32> to vector<1x16xf32>
        tpu.vector_store %arg10[%swap3A_1164, %swap3A_1165], %swap3A_1168 {strides = array<i32>} : memref<8x1024xf32, #tpu.memory_space<vmem>>, vector<1x16xf32>,
        %get3A_1169 = arith.index_cast %scan3A_1088 : i32 to index
        %get3A_1170 = arith.constant 640 : index
        %get3A_1171 = tpu.vector_load %arg6[%get3A_1169, %get3A_1170] {strides = array<i32>} : memref<8x1024xf32, #tpu.memory_space<vmem>>, vector<1x16xf32>,
        %get3A_1172 = vector.shape_cast %get3A_1171 : vector<1x16xf32> to vector<16xf32>
        %add3A_1173 = arith.addf %get3A_1172, %get3A_488 : vector<16xf32>
        %swap3A_1174 = arith.index_cast %scan3A_1088 : i32 to index
        %swap3A_1175 = arith.constant 640 : index
        %swap3A_1176 = tpu.vector_load %arg10[%swap3A_1174, %swap3A_1175] {strides = array<i32>} : memref<8x1024xf32, #tpu.memory_space<vmem>>, vector<1x16xf32>,
        %swap3A_1177 = vector.shape_cast %swap3A_1176 : vector<1x16xf32> to vector<16xf32>
        %swap3A_1178 = vector.shape_cast %add3A_1173 : vector<16xf32> to vector<1x16xf32>
        tpu.vector_store %arg10[%swap3A_1174, %swap3A_1175], %swap3A_1178 {strides = array<i32>} : memref<8x1024xf32, #tpu.memory_space<vmem>>, vector<1x16xf32>,
        %get3A_1179 = arith.index_cast %scan3A_1088 : i32 to index
        %get3A_1180 = arith.constant 656 : index
        %get3A_1181 = tpu.vector_load %arg6[%get3A_1179, %get3A_1180] {strides = array<i32>} : memref<8x1024xf32, #tpu.memory_space<vmem>>, vector<1x16xf32>,
        %get3A_1182 = vector.shape_cast %get3A_1181 : vector<1x16xf32> to vector<16xf32>
        %add3A_1183 = arith.addf %get3A_1182, %get3A_491 : vector<16xf32>
        %swap3A_1184 = arith.index_cast %scan3A_1088 : i32 to index
        %swap3A_1185 = arith.constant 656 : index
        %swap3A_1186 = tpu.vector_load %arg10[%swap3A_1184, %swap3A_1185] {strides = array<i32>} : memref<8x1024xf32, #tpu.memory_space<vmem>>, vector<1x16xf32>,
        %swap3A_1187 = vector.shape_cast %swap3A_1186 : vector<1x16xf32> to vector<16xf32>
        %swap3A_1188 = vector.shape_cast %add3A_1183 : vector<16xf32> to vector<1x16xf32>
        tpu.vector_store %arg10[%swap3A_1184, %swap3A_1185], %swap3A_1188 {strides = array<i32>} : memref<8x1024xf32, #tpu.memory_space<vmem>>, vector<1x16xf32>,
        %get3A_1189 = arith.index_cast %scan3A_1088 : i32 to index
        %get3A_1190 = arith.constant 672 : index
        %get3A_1191 = tpu.vector_load %arg6[%get3A_1189, %get3A_1190] {strides = array<i32>} : memref<8x1024xf32, #tpu.memory_space<vmem>>, vector<1x16xf32>,
        %get3A_1192 = vector.shape_cast %get3A_1191 : vector<1x16xf32> to vector<16xf32>
        %add3A_1193 = arith.addf %get3A_1192, %get3A_494 : vector<16xf32>
        %swap3A_1194 = arith.index_cast %scan3A_1088 : i32 to index
        %swap3A_1195 = arith.constant 672 : index
        %swap3A_1196 = tpu.vector_load %arg10[%swap3A_1194, %swap3A_1195] {strides = array<i32>} : memref<8x1024xf32, #tpu.memory_space<vmem>>, vector<1x16xf32>,
        %swap3A_1197 = vector.shape_cast %swap3A_1196 : vector<1x16xf32> to vector<16xf32>
        %swap3A_1198 = vector.shape_cast %add3A_1193 : vector<16xf32> to vector<1x16xf32>
        tpu.vector_store %arg10[%swap3A_1194, %swap3A_1195], %swap3A_1198 {strides = array<i32>} : memref<8x1024xf32, #tpu.memory_space<vmem>>, vector<1x16xf32>,
        %get3A_1199 = arith.index_cast %scan3A_1088 : i32 to index
        %get3A_1200 = arith.constant 688 : index
        %get3A_1201 = tpu.vector_load %arg6[%get3A_1199, %get3A_1200] {strides = array<i32>} : memref<8x1024xf32, #tpu.memory_space<vmem>>, vector<1x16xf32>,
        %get3A_1202 = vector.shape_cast %get3A_1201 : vector<1x16xf32> to vector<16xf32>
        %add3A_1203 = arith.addf %get3A_1202, %get3A_497 : vector<16xf32>
        %swap3A_1204 = arith.index_cast %scan3A_1088 : i32 to index
        %swap3A_1205 = arith.constant 688 : index
        %swap3A_1206 = tpu.vector_load %arg10[%swap3A_1204, %swap3A_1205] {strides = array<i32>} : memref<8x1024xf32, #tpu.memory_space<vmem>>, vector<1x16xf32>,
        %swap3A_1207 = vector.shape_cast %swap3A_1206 : vector<1x16xf32> to vector<16xf32>
        %swap3A_1208 = vector.shape_cast %add3A_1203 : vector<16xf32> to vector<1x16xf32>
        tpu.vector_store %arg10[%swap3A_1204, %swap3A_1205], %swap3A_1208 {strides = array<i32>} : memref<8x1024xf32, #tpu.memory_space<vmem>>, vector<1x16xf32>,
        %get3A_1209 = arith.index_cast %scan3A_1088 : i32 to index
        %get3A_1210 = arith.constant 704 : index
        %get3A_1211 = tpu.vector_load %arg6[%get3A_1209, %get3A_1210] {strides = array<i32>} : memref<8x1024xf32, #tpu.memory_space<vmem>>, vector<1x16xf32>,
        %get3A_1212 = vector.shape_cast %get3A_1211 : vector<1x16xf32> to vector<16xf32>
        %add3A_1213 = arith.addf %get3A_1212, %get3A_500 : vector<16xf32>
        %swap3A_1214 = arith.index_cast %scan3A_1088 : i32 to index
        %swap3A_1215 = arith.constant 704 : index
        %swap3A_1216 = tpu.vector_load %arg10[%swap3A_1214, %swap3A_1215] {strides = array<i32>} : memref<8x1024xf32, #tpu.memory_space<vmem>>, vector<1x16xf32>,
        %swap3A_1217 = vector.shape_cast %swap3A_1216 : vector<1x16xf32> to vector<16xf32>
        %swap3A_1218 = vector.shape_cast %add3A_1213 : vector<16xf32> to vector<1x16xf32>
        tpu.vector_store %arg10[%swap3A_1214, %swap3A_1215], %swap3A_1218 {strides = array<i32>} : memref<8x1024xf32, #tpu.memory_space<vmem>>, vector<1x16xf32>,
        %get3A_1219 = arith.index_cast %scan3A_1088 : i32 to index
        %get3A_1220 = arith.constant 720 : index
        %get3A_1221 = tpu.vector_load %arg6[%get3A_1219, %get3A_1220] {strides = array<i32>} : memref<8x1024xf32, #tpu.memory_space<vmem>>, vector<1x16xf32>,
        %get3A_1222 = vector.shape_cast %get3A_1221 : vector<1x16xf32> to vector<16xf32>
        %add3A_1223 = arith.addf %get3A_1222, %get3A_503 : vector<16xf32>
        %swap3A_1224 = arith.index_cast %scan3A_1088 : i32 to index
        %swap3A_1225 = arith.constant 720 : index
        %swap3A_1226 = tpu.vector_load %arg10[%swap3A_1224, %swap3A_1225] {strides = array<i32>} : memref<8x1024xf32, #tpu.memory_space<vmem>>, vector<1x16xf32>,
        %swap3A_1227 = vector.shape_cast %swap3A_1226 : vector<1x16xf32> to vector<16xf32>
        %swap3A_1228 = vector.shape_cast %add3A_1223 : vector<16xf32> to vector<1x16xf32>
        tpu.vector_store %arg10[%swap3A_1224, %swap3A_1225], %swap3A_1228 {strides = array<i32>} : memref<8x1024xf32, #tpu.memory_space<vmem>>, vector<1x16xf32>,
        %get3A_1229 = arith.index_cast %scan3A_1088 : i32 to index
        %get3A_1230 = arith.constant 736 : index
        %get3A_1231 = tpu.vector_load %arg6[%get3A_1229, %get3A_1230] {strides = array<i32>} : memref<8x1024xf32, #tpu.memory_space<vmem>>, vector<1x16xf32>,
        %get3A_1232 = vector.shape_cast %get3A_1231 : vector<1x16xf32> to vector<16xf32>
        %add3A_1233 = arith.addf %get3A_1232, %get3A_506 : vector<16xf32>
        %swap3A_1234 = arith.index_cast %scan3A_1088 : i32 to index
        %swap3A_1235 = arith.constant 736 : index
        %swap3A_1236 = tpu.vector_load %arg10[%swap3A_1234, %swap3A_1235] {strides = array<i32>} : memref<8x1024xf32, #tpu.memory_space<vmem>>, vector<1x16xf32>,
        %swap3A_1237 = vector.shape_cast %swap3A_1236 : vector<1x16xf32> to vector<16xf32>
        %swap3A_1238 = vector.shape_cast %add3A_1233 : vector<16xf32> to vector<1x16xf32>
        tpu.vector_store %arg10[%swap3A_1234, %swap3A_1235], %swap3A_1238 {strides = array<i32>} : memref<8x1024xf32, #tpu.memory_space<vmem>>, vector<1x16xf32>,
        %get3A_1239 = arith.index_cast %scan3A_1088 : i32 to index
        %get3A_1240 = arith.constant 752 : index
        %get3A_1241 = tpu.vector_load %arg6[%get3A_1239, %get3A_1240] {strides = array<i32>} : memref<8x1024xf32, #tpu.memory_space<vmem>>, vector<1x16xf32>,
        %get3A_1242 = vector.shape_cast %get3A_1241 : vector<1x16xf32> to vector<16xf32>
        %add3A_1243 = arith.addf %get3A_1242, %get3A_509 : vector<16xf32>
        %swap3A_1244 = arith.index_cast %scan3A_1088 : i32 to index
        %swap3A_1245 = arith.constant 752 : index
        %swap3A_1246 = tpu.vector_load %arg10[%swap3A_1244, %swap3A_1245] {strides = array<i32>} : memref<8x1024xf32, #tpu.memory_space<vmem>>, vector<1x16xf32>,
        %swap3A_1247 = vector.shape_cast %swap3A_1246 : vector<1x16xf32> to vector<16xf32>
        %swap3A_1248 = vector.shape_cast %add3A_1243 : vector<16xf32> to vector<1x16xf32>
        tpu.vector_store %arg10[%swap3A_1244, %swap3A_1245], %swap3A_1248 {strides = array<i32>} : memref<8x1024xf32, #tpu.memory_space<vmem>>, vector<1x16xf32>,
        %scan3A_1249 = arith.constant 0 : i32
        scf.yield %scan3A_1249 : i32
      }
      %scan3A_516 = arith.constant 8 : i32
      %get3A_517 = arith.constant 768 : index
      %get3A_518 = tpu.vector_load %arg13[%get3A_517] {strides = array<i32>} : memref<1024xf32, #tpu.memory_space<vmem>>, vector<16xf32>,
      %get3A_519 = vector.shape_cast %get3A_518 : vector<16xf32> to vector<16xf32>
      %get3A_520 = arith.constant 784 : index
      %get3A_521 = tpu.vector_load %arg13[%get3A_520] {strides = array<i32>} : memref<1024xf32, #tpu.memory_space<vmem>>, vector<16xf32>,
      %get3A_522 = vector.shape_cast %get3A_521 : vector<16xf32> to vector<16xf32>
      %get3A_523 = arith.constant 800 : index
      %get3A_524 = tpu.vector_load %arg13[%get3A_523] {strides = array<i32>} : memref<1024xf32, #tpu.memory_space<vmem>>, vector<16xf32>,
      %get3A_525 = vector.shape_cast %get3A_524 : vector<16xf32> to vector<16xf32>
      %get3A_526 = arith.constant 816 : index
      %get3A_527 = tpu.vector_load %arg13[%get3A_526] {strides = array<i32>} : memref<1024xf32, #tpu.memory_space<vmem>>, vector<16xf32>,
      %get3A_528 = vector.shape_cast %get3A_527 : vector<16xf32> to vector<16xf32>
      %get3A_529 = arith.constant 832 : index
      %get3A_530 = tpu.vector_load %arg13[%get3A_529] {strides = array<i32>} : memref<1024xf32, #tpu.memory_space<vmem>>, vector<16xf32>,
      %get3A_531 = vector.shape_cast %get3A_530 : vector<16xf32> to vector<16xf32>
      %get3A_532 = arith.constant 848 : index
      %get3A_533 = tpu.vector_load %arg13[%get3A_532] {strides = array<i32>} : memref<1024xf32, #tpu.memory_space<vmem>>, vector<16xf32>,
      %get3A_534 = vector.shape_cast %get3A_533 : vector<16xf32> to vector<16xf32>
      %get3A_535 = arith.constant 864 : index
      %get3A_536 = tpu.vector_load %arg13[%get3A_535] {strides = array<i32>} : memref<1024xf32, #tpu.memory_space<vmem>>, vector<16xf32>,
      %get3A_537 = vector.shape_cast %get3A_536 : vector<16xf32> to vector<16xf32>
      %get3A_538 = arith.constant 880 : index
      %get3A_539 = tpu.vector_load %arg13[%get3A_538] {strides = array<i32>} : memref<1024xf32, #tpu.memory_space<vmem>>, vector<16xf32>,
      %get3A_540 = vector.shape_cast %get3A_539 : vector<16xf32> to vector<16xf32>
      %get3A_541 = arith.constant 896 : index
      %get3A_542 = tpu.vector_load %arg13[%get3A_541] {strides = array<i32>} : memref<1024xf32, #tpu.memory_space<vmem>>, vector<16xf32>,
      %get3A_543 = vector.shape_cast %get3A_542 : vector<16xf32> to vector<16xf32>
      %get3A_544 = arith.constant 912 : index
      %get3A_545 = tpu.vector_load %arg13[%get3A_544] {strides = array<i32>} : memref<1024xf32, #tpu.memory_space<vmem>>, vector<16xf32>,
      %get3A_546 = vector.shape_cast %get3A_545 : vector<16xf32> to vector<16xf32>
      %get3A_547 = arith.constant 928 : index
      %get3A_548 = tpu.vector_load %arg13[%get3A_547] {strides = array<i32>} : memref<1024xf32, #tpu.memory_space<vmem>>, vector<16xf32>,
      %get3A_549 = vector.shape_cast %get3A_548 : vector<16xf32> to vector<16xf32>
      %get3A_550 = arith.constant 944 : index
      %get3A_551 = tpu.vector_load %arg13[%get3A_550] {strides = array<i32>} : memref<1024xf32, #tpu.memory_space<vmem>>, vector<16xf32>,
      %get3A_552 = vector.shape_cast %get3A_551 : vector<16xf32> to vector<16xf32>
      %get3A_553 = arith.constant 960 : index
      %get3A_554 = tpu.vector_load %arg13[%get3A_553] {strides = array<i32>} : memref<1024xf32, #tpu.memory_space<vmem>>, vector<16xf32>,
      %get3A_555 = vector.shape_cast %get3A_554 : vector<16xf32> to vector<16xf32>
      %get3A_556 = arith.constant 976 : index
      %get3A_557 = tpu.vector_load %arg13[%get3A_556] {strides = array<i32>} : memref<1024xf32, #tpu.memory_space<vmem>>, vector<16xf32>,
      %get3A_558 = vector.shape_cast %get3A_557 : vector<16xf32> to vector<16xf32>
      %get3A_559 = arith.constant 992 : index
      %get3A_560 = tpu.vector_load %arg13[%get3A_559] {strides = array<i32>} : memref<1024xf32, #tpu.memory_space<vmem>>, vector<16xf32>,
      %get3A_561 = vector.shape_cast %get3A_560 : vector<16xf32> to vector<16xf32>
      %get3A_562 = arith.constant 1008 : index
      %get3A_563 = tpu.vector_load %arg13[%get3A_562] {strides = array<i32>} : memref<1024xf32, #tpu.memory_space<vmem>>, vector<16xf32>,
      %get3A_564 = vector.shape_cast %get3A_563 : vector<16xf32> to vector<16xf32>
      %scan3A_565 = arith.constant 0 : i32
      %scan3A_566 = arith.constant 0 : i32
      %scan3A_567 = arith.constant 8 : i32
      %scan3A_568 = arith.addi %scan3A_566, %scan3A_567 : i32
      %scan3A_569 = arith.constant 1 : i32
      %scan3A_570 = scf.for %scan3A_1088 = %scan3A_566 to %scan3A_568 step %scan3A_569 iter_args(%scan3A_1089 = %scan3A_565) -> (i32)  : i32 {
        %get3A_1090 = arith.index_cast %scan3A_1088 : i32 to index
        %get3A_1091 = arith.constant 768 : index
        %get3A_1092 = tpu.vector_load %arg6[%get3A_1090, %get3A_1091] {strides = array<i32>} : memref<8x1024xf32, #tpu.memory_space<vmem>>, vector<1x16xf32>,
        %get3A_1093 = vector.shape_cast %get3A_1092 : vector<1x16xf32> to vector<16xf32>
        %add3A_1094 = arith.addf %get3A_1093, %get3A_519 : vector<16xf32>
        %swap3A = arith.index_cast %scan3A_1088 : i32 to index
        %swap3A_1095 = arith.constant 768 : index
        %swap3A_1096 = tpu.vector_load %arg10[%swap3A, %swap3A_1095] {strides = array<i32>} : memref<8x1024xf32, #tpu.memory_space<vmem>>, vector<1x16xf32>,
        %swap3A_1097 = vector.shape_cast %swap3A_1096 : vector<1x16xf32> to vector<16xf32>
        %swap3A_1098 = vector.shape_cast %add3A_1094 : vector<16xf32> to vector<1x16xf32>
        tpu.vector_store %arg10[%swap3A, %swap3A_1095], %swap3A_1098 {strides = array<i32>} : memref<8x1024xf32, #tpu.memory_space<vmem>>, vector<1x16xf32>,
        %get3A_1099 = arith.index_cast %scan3A_1088 : i32 to index
        %get3A_1100 = arith.constant 784 : index
        %get3A_1101 = tpu.vector_load %arg6[%get3A_1099, %get3A_1100] {strides = array<i32>} : memref<8x1024xf32, #tpu.memory_space<vmem>>, vector<1x16xf32>,
        %get3A_1102 = vector.shape_cast %get3A_1101 : vector<1x16xf32> to vector<16xf32>
        %add3A_1103 = arith.addf %get3A_1102, %get3A_522 : vector<16xf32>
        %swap3A_1104 = arith.index_cast %scan3A_1088 : i32 to index
        %swap3A_1105 = arith.constant 784 : index
        %swap3A_1106 = tpu.vector_load %arg10[%swap3A_1104, %swap3A_1105] {strides = array<i32>} : memref<8x1024xf32, #tpu.memory_space<vmem>>, vector<1x16xf32>,
        %swap3A_1107 = vector.shape_cast %swap3A_1106 : vector<1x16xf32> to vector<16xf32>
        %swap3A_1108 = vector.shape_cast %add3A_1103 : vector<16xf32> to vector<1x16xf32>
        tpu.vector_store %arg10[%swap3A_1104, %swap3A_1105], %swap3A_1108 {strides = array<i32>} : memref<8x1024xf32, #tpu.memory_space<vmem>>, vector<1x16xf32>,
        %get3A_1109 = arith.index_cast %scan3A_1088 : i32 to index
        %get3A_1110 = arith.constant 800 : index
        %get3A_1111 = tpu.vector_load %arg6[%get3A_1109, %get3A_1110] {strides = array<i32>} : memref<8x1024xf32, #tpu.memory_space<vmem>>, vector<1x16xf32>,
        %get3A_1112 = vector.shape_cast %get3A_1111 : vector<1x16xf32> to vector<16xf32>
        %add3A_1113 = arith.addf %get3A_1112, %get3A_525 : vector<16xf32>
        %swap3A_1114 = arith.index_cast %scan3A_1088 : i32 to index
        %swap3A_1115 = arith.constant 800 : index
        %swap3A_1116 = tpu.vector_load %arg10[%swap3A_1114, %swap3A_1115] {strides = array<i32>} : memref<8x1024xf32, #tpu.memory_space<vmem>>, vector<1x16xf32>,
        %swap3A_1117 = vector.shape_cast %swap3A_1116 : vector<1x16xf32> to vector<16xf32>
        %swap3A_1118 = vector.shape_cast %add3A_1113 : vector<16xf32> to vector<1x16xf32>
        tpu.vector_store %arg10[%swap3A_1114, %swap3A_1115], %swap3A_1118 {strides = array<i32>} : memref<8x1024xf32, #tpu.memory_space<vmem>>, vector<1x16xf32>,
        %get3A_1119 = arith.index_cast %scan3A_1088 : i32 to index
        %get3A_1120 = arith.constant 816 : index
        %get3A_1121 = tpu.vector_load %arg6[%get3A_1119, %get3A_1120] {strides = array<i32>} : memref<8x1024xf32, #tpu.memory_space<vmem>>, vector<1x16xf32>,
        %get3A_1122 = vector.shape_cast %get3A_1121 : vector<1x16xf32> to vector<16xf32>
        %add3A_1123 = arith.addf %get3A_1122, %get3A_528 : vector<16xf32>
        %swap3A_1124 = arith.index_cast %scan3A_1088 : i32 to index
        %swap3A_1125 = arith.constant 816 : index
        %swap3A_1126 = tpu.vector_load %arg10[%swap3A_1124, %swap3A_1125] {strides = array<i32>} : memref<8x1024xf32, #tpu.memory_space<vmem>>, vector<1x16xf32>,
        %swap3A_1127 = vector.shape_cast %swap3A_1126 : vector<1x16xf32> to vector<16xf32>
        %swap3A_1128 = vector.shape_cast %add3A_1123 : vector<16xf32> to vector<1x16xf32>
        tpu.vector_store %arg10[%swap3A_1124, %swap3A_1125], %swap3A_1128 {strides = array<i32>} : memref<8x1024xf32, #tpu.memory_space<vmem>>, vector<1x16xf32>,
        %get3A_1129 = arith.index_cast %scan3A_1088 : i32 to index
        %get3A_1130 = arith.constant 832 : index
        %get3A_1131 = tpu.vector_load %arg6[%get3A_1129, %get3A_1130] {strides = array<i32>} : memref<8x1024xf32, #tpu.memory_space<vmem>>, vector<1x16xf32>,
        %get3A_1132 = vector.shape_cast %get3A_1131 : vector<1x16xf32> to vector<16xf32>
        %add3A_1133 = arith.addf %get3A_1132, %get3A_531 : vector<16xf32>
        %swap3A_1134 = arith.index_cast %scan3A_1088 : i32 to index
        %swap3A_1135 = arith.constant 832 : index
        %swap3A_1136 = tpu.vector_load %arg10[%swap3A_1134, %swap3A_1135] {strides = array<i32>} : memref<8x1024xf32, #tpu.memory_space<vmem>>, vector<1x16xf32>,
        %swap3A_1137 = vector.shape_cast %swap3A_1136 : vector<1x16xf32> to vector<16xf32>
        %swap3A_1138 = vector.shape_cast %add3A_1133 : vector<16xf32> to vector<1x16xf32>
        tpu.vector_store %arg10[%swap3A_1134, %swap3A_1135], %swap3A_1138 {strides = array<i32>} : memref<8x1024xf32, #tpu.memory_space<vmem>>, vector<1x16xf32>,
        %get3A_1139 = arith.index_cast %scan3A_1088 : i32 to index
        %get3A_1140 = arith.constant 848 : index
        %get3A_1141 = tpu.vector_load %arg6[%get3A_1139, %get3A_1140] {strides = array<i32>} : memref<8x1024xf32, #tpu.memory_space<vmem>>, vector<1x16xf32>,
        %get3A_1142 = vector.shape_cast %get3A_1141 : vector<1x16xf32> to vector<16xf32>
        %add3A_1143 = arith.addf %get3A_1142, %get3A_534 : vector<16xf32>
        %swap3A_1144 = arith.index_cast %scan3A_1088 : i32 to index
        %swap3A_1145 = arith.constant 848 : index
        %swap3A_1146 = tpu.vector_load %arg10[%swap3A_1144, %swap3A_1145] {strides = array<i32>} : memref<8x1024xf32, #tpu.memory_space<vmem>>, vector<1x16xf32>,
        %swap3A_1147 = vector.shape_cast %swap3A_1146 : vector<1x16xf32> to vector<16xf32>
        %swap3A_1148 = vector.shape_cast %add3A_1143 : vector<16xf32> to vector<1x16xf32>
        tpu.vector_store %arg10[%swap3A_1144, %swap3A_1145], %swap3A_1148 {strides = array<i32>} : memref<8x1024xf32, #tpu.memory_space<vmem>>, vector<1x16xf32>,
        %get3A_1149 = arith.index_cast %scan3A_1088 : i32 to index
        %get3A_1150 = arith.constant 864 : index
        %get3A_1151 = tpu.vector_load %arg6[%get3A_1149, %get3A_1150] {strides = array<i32>} : memref<8x1024xf32, #tpu.memory_space<vmem>>, vector<1x16xf32>,
        %get3A_1152 = vector.shape_cast %get3A_1151 : vector<1x16xf32> to vector<16xf32>
        %add3A_1153 = arith.addf %get3A_1152, %get3A_537 : vector<16xf32>
        %swap3A_1154 = arith.index_cast %scan3A_1088 : i32 to index
        %swap3A_1155 = arith.constant 864 : index
        %swap3A_1156 = tpu.vector_load %arg10[%swap3A_1154, %swap3A_1155] {strides = array<i32>} : memref<8x1024xf32, #tpu.memory_space<vmem>>, vector<1x16xf32>,
        %swap3A_1157 = vector.shape_cast %swap3A_1156 : vector<1x16xf32> to vector<16xf32>
        %swap3A_1158 = vector.shape_cast %add3A_1153 : vector<16xf32> to vector<1x16xf32>
        tpu.vector_store %arg10[%swap3A_1154, %swap3A_1155], %swap3A_1158 {strides = array<i32>} : memref<8x1024xf32, #tpu.memory_space<vmem>>, vector<1x16xf32>,
        %get3A_1159 = arith.index_cast %scan3A_1088 : i32 to index
        %get3A_1160 = arith.constant 880 : index
        %get3A_1161 = tpu.vector_load %arg6[%get3A_1159, %get3A_1160] {strides = array<i32>} : memref<8x1024xf32, #tpu.memory_space<vmem>>, vector<1x16xf32>,
        %get3A_1162 = vector.shape_cast %get3A_1161 : vector<1x16xf32> to vector<16xf32>
        %add3A_1163 = arith.addf %get3A_1162, %get3A_540 : vector<16xf32>
        %swap3A_1164 = arith.index_cast %scan3A_1088 : i32 to index
        %swap3A_1165 = arith.constant 880 : index
        %swap3A_1166 = tpu.vector_load %arg10[%swap3A_1164, %swap3A_1165] {strides = array<i32>} : memref<8x1024xf32, #tpu.memory_space<vmem>>, vector<1x16xf32>,
        %swap3A_1167 = vector.shape_cast %swap3A_1166 : vector<1x16xf32> to vector<16xf32>
        %swap3A_1168 = vector.shape_cast %add3A_1163 : vector<16xf32> to vector<1x16xf32>
        tpu.vector_store %arg10[%swap3A_1164, %swap3A_1165], %swap3A_1168 {strides = array<i32>} : memref<8x1024xf32, #tpu.memory_space<vmem>>, vector<1x16xf32>,
        %get3A_1169 = arith.index_cast %scan3A_1088 : i32 to index
        %get3A_1170 = arith.constant 896 : index
        %get3A_1171 = tpu.vector_load %arg6[%get3A_1169, %get3A_1170] {strides = array<i32>} : memref<8x1024xf32, #tpu.memory_space<vmem>>, vector<1x16xf32>,
        %get3A_1172 = vector.shape_cast %get3A_1171 : vector<1x16xf32> to vector<16xf32>
        %add3A_1173 = arith.addf %get3A_1172, %get3A_543 : vector<16xf32>
        %swap3A_1174 = arith.index_cast %scan3A_1088 : i32 to index
        %swap3A_1175 = arith.constant 896 : index
        %swap3A_1176 = tpu.vector_load %arg10[%swap3A_1174, %swap3A_1175] {strides = array<i32>} : memref<8x1024xf32, #tpu.memory_space<vmem>>, vector<1x16xf32>,
        %swap3A_1177 = vector.shape_cast %swap3A_1176 : vector<1x16xf32> to vector<16xf32>
        %swap3A_1178 = vector.shape_cast %add3A_1173 : vector<16xf32> to vector<1x16xf32>
        tpu.vector_store %arg10[%swap3A_1174, %swap3A_1175], %swap3A_1178 {strides = array<i32>} : memref<8x1024xf32, #tpu.memory_space<vmem>>, vector<1x16xf32>,
        %get3A_1179 = arith.index_cast %scan3A_1088 : i32 to index
        %get3A_1180 = arith.constant 912 : index
        %get3A_1181 = tpu.vector_load %arg6[%get3A_1179, %get3A_1180] {strides = array<i32>} : memref<8x1024xf32, #tpu.memory_space<vmem>>, vector<1x16xf32>,
        %get3A_1182 = vector.shape_cast %get3A_1181 : vector<1x16xf32> to vector<16xf32>
        %add3A_1183 = arith.addf %get3A_1182, %get3A_546 : vector<16xf32>
        %swap3A_1184 = arith.index_cast %scan3A_1088 : i32 to index
        %swap3A_1185 = arith.constant 912 : index
        %swap3A_1186 = tpu.vector_load %arg10[%swap3A_1184, %swap3A_1185] {strides = array<i32>} : memref<8x1024xf32, #tpu.memory_space<vmem>>, vector<1x16xf32>,
        %swap3A_1187 = vector.shape_cast %swap3A_1186 : vector<1x16xf32> to vector<16xf32>
        %swap3A_1188 = vector.shape_cast %add3A_1183 : vector<16xf32> to vector<1x16xf32>
        tpu.vector_store %arg10[%swap3A_1184, %swap3A_1185], %swap3A_1188 {strides = array<i32>} : memref<8x1024xf32, #tpu.memory_space<vmem>>, vector<1x16xf32>,
        %get3A_1189 = arith.index_cast %scan3A_1088 : i32 to index
        %get3A_1190 = arith.constant 928 : index
        %get3A_1191 = tpu.vector_load %arg6[%get3A_1189, %get3A_1190] {strides = array<i32>} : memref<8x1024xf32, #tpu.memory_space<vmem>>, vector<1x16xf32>,
        %get3A_1192 = vector.shape_cast %get3A_1191 : vector<1x16xf32> to vector<16xf32>
        %add3A_1193 = arith.addf %get3A_1192, %get3A_549 : vector<16xf32>
        %swap3A_1194 = arith.index_cast %scan3A_1088 : i32 to index
        %swap3A_1195 = arith.constant 928 : index
        %swap3A_1196 = tpu.vector_load %arg10[%swap3A_1194, %swap3A_1195] {strides = array<i32>} : memref<8x1024xf32, #tpu.memory_space<vmem>>, vector<1x16xf32>,
        %swap3A_1197 = vector.shape_cast %swap3A_1196 : vector<1x16xf32> to vector<16xf32>
        %swap3A_1198 = vector.shape_cast %add3A_1193 : vector<16xf32> to vector<1x16xf32>
        tpu.vector_store %arg10[%swap3A_1194, %swap3A_1195], %swap3A_1198 {strides = array<i32>} : memref<8x1024xf32, #tpu.memory_space<vmem>>, vector<1x16xf32>,
        %get3A_1199 = arith.index_cast %scan3A_1088 : i32 to index
        %get3A_1200 = arith.constant 944 : index
        %get3A_1201 = tpu.vector_load %arg6[%get3A_1199, %get3A_1200] {strides = array<i32>} : memref<8x1024xf32, #tpu.memory_space<vmem>>, vector<1x16xf32>,
        %get3A_1202 = vector.shape_cast %get3A_1201 : vector<1x16xf32> to vector<16xf32>
        %add3A_1203 = arith.addf %get3A_1202, %get3A_552 : vector<16xf32>
        %swap3A_1204 = arith.index_cast %scan3A_1088 : i32 to index
        %swap3A_1205 = arith.constant 944 : index
        %swap3A_1206 = tpu.vector_load %arg10[%swap3A_1204, %swap3A_1205] {strides = array<i32>} : memref<8x1024xf32, #tpu.memory_space<vmem>>, vector<1x16xf32>,
        %swap3A_1207 = vector.shape_cast %swap3A_1206 : vector<1x16xf32> to vector<16xf32>
        %swap3A_1208 = vector.shape_cast %add3A_1203 : vector<16xf32> to vector<1x16xf32>
        tpu.vector_store %arg10[%swap3A_1204, %swap3A_1205], %swap3A_1208 {strides = array<i32>} : memref<8x1024xf32, #tpu.memory_space<vmem>>, vector<1x16xf32>,
        %get3A_1209 = arith.index_cast %scan3A_1088 : i32 to index
        %get3A_1210 = arith.constant 960 : index
        %get3A_1211 = tpu.vector_load %arg6[%get3A_1209, %get3A_1210] {strides = array<i32>} : memref<8x1024xf32, #tpu.memory_space<vmem>>, vector<1x16xf32>,
        %get3A_1212 = vector.shape_cast %get3A_1211 : vector<1x16xf32> to vector<16xf32>
        %add3A_1213 = arith.addf %get3A_1212, %get3A_555 : vector<16xf32>
        %swap3A_1214 = arith.index_cast %scan3A_1088 : i32 to index
        %swap3A_1215 = arith.constant 960 : index
        %swap3A_1216 = tpu.vector_load %arg10[%swap3A_1214, %swap3A_1215] {strides = array<i32>} : memref<8x1024xf32, #tpu.memory_space<vmem>>, vector<1x16xf32>,
        %swap3A_1217 = vector.shape_cast %swap3A_1216 : vector<1x16xf32> to vector<16xf32>
        %swap3A_1218 = vector.shape_cast %add3A_1213 : vector<16xf32> to vector<1x16xf32>
        tpu.vector_store %arg10[%swap3A_1214, %swap3A_1215], %swap3A_1218 {strides = array<i32>} : memref<8x1024xf32, #tpu.memory_space<vmem>>, vector<1x16xf32>,
        %get3A_1219 = arith.index_cast %scan3A_1088 : i32 to index
        %get3A_1220 = arith.constant 976 : index
        %get3A_1221 = tpu.vector_load %arg6[%get3A_1219, %get3A_1220] {strides = array<i32>} : memref<8x1024xf32, #tpu.memory_space<vmem>>, vector<1x16xf32>,
        %get3A_1222 = vector.shape_cast %get3A_1221 : vector<1x16xf32> to vector<16xf32>
        %add3A_1223 = arith.addf %get3A_1222, %get3A_558 : vector<16xf32>
        %swap3A_1224 = arith.index_cast %scan3A_1088 : i32 to index
        %swap3A_1225 = arith.constant 976 : index
        %swap3A_1226 = tpu.vector_load %arg10[%swap3A_1224, %swap3A_1225] {strides = array<i32>} : memref<8x1024xf32, #tpu.memory_space<vmem>>, vector<1x16xf32>,
        %swap3A_1227 = vector.shape_cast %swap3A_1226 : vector<1x16xf32> to vector<16xf32>
        %swap3A_1228 = vector.shape_cast %add3A_1223 : vector<16xf32> to vector<1x16xf32>
        tpu.vector_store %arg10[%swap3A_1224, %swap3A_1225], %swap3A_1228 {strides = array<i32>} : memref<8x1024xf32, #tpu.memory_space<vmem>>, vector<1x16xf32>,
        %get3A_1229 = arith.index_cast %scan3A_1088 : i32 to index
        %get3A_1230 = arith.constant 992 : index
        %get3A_1231 = tpu.vector_load %arg6[%get3A_1229, %get3A_1230] {strides = array<i32>} : memref<8x1024xf32, #tpu.memory_space<vmem>>, vector<1x16xf32>,
        %get3A_1232 = vector.shape_cast %get3A_1231 : vector<1x16xf32> to vector<16xf32>
        %add3A_1233 = arith.addf %get3A_1232, %get3A_561 : vector<16xf32>
        %swap3A_1234 = arith.index_cast %scan3A_1088 : i32 to index
        %swap3A_1235 = arith.constant 992 : index
        %swap3A_1236 = tpu.vector_load %arg10[%swap3A_1234, %swap3A_1235] {strides = array<i32>} : memref<8x1024xf32, #tpu.memory_space<vmem>>, vector<1x16xf32>,
        %swap3A_1237 = vector.shape_cast %swap3A_1236 : vector<1x16xf32> to vector<16xf32>
        %swap3A_1238 = vector.shape_cast %add3A_1233 : vector<16xf32> to vector<1x16xf32>
        tpu.vector_store %arg10[%swap3A_1234, %swap3A_1235], %swap3A_1238 {strides = array<i32>} : memref<8x1024xf32, #tpu.memory_space<vmem>>, vector<1x16xf32>,
        %get3A_1239 = arith.index_cast %scan3A_1088 : i32 to index
        %get3A_1240 = arith.constant 1008 : index
        %get3A_1241 = tpu.vector_load %arg6[%get3A_1239, %get3A_1240] {strides = array<i32>} : memref<8x1024xf32, #tpu.memory_space<vmem>>, vector<1x16xf32>,
        %get3A_1242 = vector.shape_cast %get3A_1241 : vector<1x16xf32> to vector<16xf32>
        %add3A_1243 = arith.addf %get3A_1242, %get3A_564 : vector<16xf32>
        %swap3A_1244 = arith.index_cast %scan3A_1088 : i32 to index
        %swap3A_1245 = arith.constant 1008 : index
        %swap3A_1246 = tpu.vector_load %arg10[%swap3A_1244, %swap3A_1245] {strides = array<i32>} : memref<8x1024xf32, #tpu.memory_space<vmem>>, vector<1x16xf32>,
        %swap3A_1247 = vector.shape_cast %swap3A_1246 : vector<1x16xf32> to vector<16xf32>
        %swap3A_1248 = vector.shape_cast %add3A_1243 : vector<16xf32> to vector<1x16xf32>
        tpu.vector_store %arg10[%swap3A_1244, %swap3A_1245], %swap3A_1248 {strides = array<i32>} : memref<8x1024xf32, #tpu.memory_space<vmem>>, vector<1x16xf32>,
        %scan3A_1249 = arith.constant 0 : i32
        scf.yield %scan3A_1249 : i32
      }
      %scan3A_571 = arith.constant 8 : i32
      %add3A_572 = arith.constant 4 : i32
      %add3A_573 = arith.addi %add3A_340, %add3A_572 : i32
      %rem3A_574 = arith.constant 128 : i32
      %rem3A_575 = arith.remsi %add3A_573, %rem3A_574 : i32
      %mul3A_576 = arith.constant 8 : i32
      %mul3A_577 = arith.muli %rem3A_575, %mul3A_576 : i32
      %add3A_578 = arith.addi %mul3A_2, %mul3A_577 : i32
      %dma_start3A_579 = arith.constant 0 : i32
      %dma_start3A_580 = tpu.memref_slice %arg2[%add3A_578, %dma_start3A_579] : memref<32768x1024xf32, #tpu.memory_space<hbm>> -> memref<8x1024xf32, #tpu.memory_space<hbm>>
      %dma_start3A_581 = arith.constant 0 : i32
      %dma_start3A_582 = tpu.memref_slice %arg2[%add3A_578, %dma_start3A_581] : memref<32768x1024xf32, #tpu.memory_space<hbm>> -> memref<8x1024xf32, #tpu.memory_space<hbm>>
      tpu.enqueue_dma source(%dma_start3A_582 : memref<8x1024xf32, #tpu.memory_space<hbm>>) target(%arg6 : memref<8x1024xf32, #tpu.memory_space<vmem>>) target_semaphore(%arg15 : memref<!tpu.dma_semaphore, #tpu.memory_space<semaphore_mem>>)
      %dma_start3A_583 = arith.constant 0 : i32
      %dma_start3A_584 = tpu.memref_slice %arg4[%add3A_343, %dma_start3A_583] : memref<32768x1024xf32, #tpu.memory_space<hbm>> -> memref<8x1024xf32, #tpu.memory_space<hbm>>
      %dma_start3A_585 = arith.constant 0 : i32
      %dma_start3A_586 = tpu.memref_slice %arg4[%add3A_343, %dma_start3A_585] : memref<32768x1024xf32, #tpu.memory_space<hbm>> -> memref<8x1024xf32, #tpu.memory_space<hbm>>
      tpu.enqueue_dma source(%arg10 : memref<8x1024xf32, #tpu.memory_space<vmem>>) target(%dma_start3A_586 : memref<8x1024xf32, #tpu.memory_space<hbm>>) target_semaphore(%arg19 : memref<!tpu.dma_semaphore, #tpu.memory_space<semaphore_mem>>)
      %mul3A_587 = arith.constant 4 : i32
      %mul3A_588 = arith.muli %mul3A_587, %scan3A_87 : i32
      %add3A_589 = arith.constant 2 : i32
      %add3A_590 = arith.addi %mul3A_588, %add3A_589 : i32
      %mul3A_591 = arith.constant 8 : i32
      %mul3A_592 = arith.muli %add3A_590, %mul3A_591 : i32
      %add3A_593 = arith.addi %mul3A_2, %mul3A_592 : i32
      %dma_wait3A_594 = arith.constant 0 : i32
      %dma_wait3A_595 = tpu.memref_slice %arg2[%add3A_593, %dma_wait3A_594] : memref<32768x1024xf32, #tpu.memory_space<hbm>> -> memref<8x1024xf32, #tpu.memory_space<hbm>>
      %dma_wait3A_596 = arith.constant 0 : i32
      %dma_wait3A_597 = tpu.memref_slice %arg2[%add3A_593, %dma_wait3A_596] : memref<32768x1024xf32, #tpu.memory_space<hbm>> -> memref<8x1024xf32, #tpu.memory_space<hbm>>
      tpu.wait_dma2 semaphore(%arg16 : memref<!tpu.dma_semaphore, #tpu.memory_space<semaphore_mem>>) src(%dma_wait3A_597 : memref<8x1024xf32, #tpu.memory_space<hbm>>) dst(%arg7 : memref<8x1024xf32, #tpu.memory_space<vmem>>)
      %dma_wait3A_598 = arith.constant 0 : i32
      %dma_wait3A_599 = tpu.memref_slice %arg4[%add3A_593, %dma_wait3A_598] : memref<32768x1024xf32, #tpu.memory_space<hbm>> -> memref<8x1024xf32, #tpu.memory_space<hbm>>
      %dma_wait3A_600 = arith.constant 0 : i32
      %dma_wait3A_601 = tpu.memref_slice %arg4[%add3A_593, %dma_wait3A_600] : memref<32768x1024xf32, #tpu.memory_space<hbm>> -> memref<8x1024xf32, #tpu.memory_space<hbm>>
      tpu.wait_dma2 semaphore(%arg20 : memref<!tpu.dma_semaphore, #tpu.memory_space<semaphore_mem>>) src(%arg11 : memref<8x1024xf32, #tpu.memory_space<vmem>>) dst(%dma_wait3A_601 : memref<8x1024xf32, #tpu.memory_space<hbm>>)
      %get3A_602 = arith.constant 0 : index
      %get3A_603 = tpu.vector_load %arg13[%get3A_602] {strides = array<i32>} : memref<1024xf32, #tpu.memory_space<vmem>>, vector<16xf32>,
      %get3A_604 = vector.shape_cast %get3A_603 : vector<16xf32> to vector<16xf32>
      %get3A_605 = arith.constant 16 : index
      %get3A_606 = tpu.vector_load %arg13[%get3A_605] {strides = array<i32>} : memref<1024xf32, #tpu.memory_space<vmem>>, vector<16xf32>,
      %get3A_607 = vector.shape_cast %get3A_606 : vector<16xf32> to vector<16xf32>
      %get3A_608 = arith.constant 32 : index
      %get3A_609 = tpu.vector_load %arg13[%get3A_608] {strides = array<i32>} : memref<1024xf32, #tpu.memory_space<vmem>>, vector<16xf32>,
      %get3A_610 = vector.shape_cast %get3A_609 : vector<16xf32> to vector<16xf32>
      %get3A_611 = arith.constant 48 : index
      %get3A_612 = tpu.vector_load %arg13[%get3A_611] {strides = array<i32>} : memref<1024xf32, #tpu.memory_space<vmem>>, vector<16xf32>,
      %get3A_613 = vector.shape_cast %get3A_612 : vector<16xf32> to vector<16xf32>
      %get3A_614 = arith.constant 64 : index
      %get3A_615 = tpu.vector_load %arg13[%get3A_614] {strides = array<i32>} : memref<1024xf32, #tpu.memory_space<vmem>>, vector<16xf32>,
      %get3A_616 = vector.shape_cast %get3A_615 : vector<16xf32> to vector<16xf32>
      %get3A_617 = arith.constant 80 : index
      %get3A_618 = tpu.vector_load %arg13[%get3A_617] {strides = array<i32>} : memref<1024xf32, #tpu.memory_space<vmem>>, vector<16xf32>,
      %get3A_619 = vector.shape_cast %get3A_618 : vector<16xf32> to vector<16xf32>
      %get3A_620 = arith.constant 96 : index
      %get3A_621 = tpu.vector_load %arg13[%get3A_620] {strides = array<i32>} : memref<1024xf32, #tpu.memory_space<vmem>>, vector<16xf32>,
      %get3A_622 = vector.shape_cast %get3A_621 : vector<16xf32> to vector<16xf32>
      %get3A_623 = arith.constant 112 : index
      %get3A_624 = tpu.vector_load %arg13[%get3A_623] {strides = array<i32>} : memref<1024xf32, #tpu.memory_space<vmem>>, vector<16xf32>,
      %get3A_625 = vector.shape_cast %get3A_624 : vector<16xf32> to vector<16xf32>
      %get3A_626 = arith.constant 128 : index
      %get3A_627 = tpu.vector_load %arg13[%get3A_626] {strides = array<i32>} : memref<1024xf32, #tpu.memory_space<vmem>>, vector<16xf32>,
      %get3A_628 = vector.shape_cast %get3A_627 : vector<16xf32> to vector<16xf32>
      %get3A_629 = arith.constant 144 : index
      %get3A_630 = tpu.vector_load %arg13[%get3A_629] {strides = array<i32>} : memref<1024xf32, #tpu.memory_space<vmem>>, vector<16xf32>,
      %get3A_631 = vector.shape_cast %get3A_630 : vector<16xf32> to vector<16xf32>
      %get3A_632 = arith.constant 160 : index
      %get3A_633 = tpu.vector_load %arg13[%get3A_632] {strides = array<i32>} : memref<1024xf32, #tpu.memory_space<vmem>>, vector<16xf32>,
      %get3A_634 = vector.shape_cast %get3A_633 : vector<16xf32> to vector<16xf32>
      %get3A_635 = arith.constant 176 : index
      %get3A_636 = tpu.vector_load %arg13[%get3A_635] {strides = array<i32>} : memref<1024xf32, #tpu.memory_space<vmem>>, vector<16xf32>,
      %get3A_637 = vector.shape_cast %get3A_636 : vector<16xf32> to vector<16xf32>
      %get3A_638 = arith.constant 192 : index
      %get3A_639 = tpu.vector_load %arg13[%get3A_638] {strides = array<i32>} : memref<1024xf32, #tpu.memory_space<vmem>>, vector<16xf32>,
      %get3A_640 = vector.shape_cast %get3A_639 : vector<16xf32> to vector<16xf32>
      %get3A_641 = arith.constant 208 : index
      %get3A_642 = tpu.vector_load %arg13[%get3A_641] {strides = array<i32>} : memref<1024xf32, #tpu.memory_space<vmem>>, vector<16xf32>,
      %get3A_643 = vector.shape_cast %get3A_642 : vector<16xf32> to vector<16xf32>
      %get3A_644 = arith.constant 224 : index
      %get3A_645 = tpu.vector_load %arg13[%get3A_644] {strides = array<i32>} : memref<1024xf32, #tpu.memory_space<vmem>>, vector<16xf32>,
      %get3A_646 = vector.shape_cast %get3A_645 : vector<16xf32> to vector<16xf32>
      %get3A_647 = arith.constant 240 : index
      %get3A_648 = tpu.vector_load %arg13[%get3A_647] {strides = array<i32>} : memref<1024xf32, #tpu.memory_space<vmem>>, vector<16xf32>,
      %get3A_649 = vector.shape_cast %get3A_648 : vector<16xf32> to vector<16xf32>
      %scan3A_650 = arith.constant 0 : i32
      %scan3A_651 = arith.constant 0 : i32
      %scan3A_652 = arith.constant 8 : i32
      %scan3A_653 = arith.addi %scan3A_651, %scan3A_652 : i32
      %scan3A_654 = arith.constant 1 : i32
      %scan3A_655 = scf.for %scan3A_1088 = %scan3A_651 to %scan3A_653 step %scan3A_654 iter_args(%scan3A_1089 = %scan3A_650) -> (i32)  : i32 {
        %get3A_1090 = arith.index_cast %scan3A_1088 : i32 to index
        %get3A_1091 = arith.constant 0 : index
        %get3A_1092 = tpu.vector_load %arg7[%get3A_1090, %get3A_1091] {strides = array<i32>} : memref<8x1024xf32, #tpu.memory_space<vmem>>, vector<1x16xf32>,
        %get3A_1093 = vector.shape_cast %get3A_1092 : vector<1x16xf32> to vector<16xf32>
        %add3A_1094 = arith.addf %get3A_1093, %get3A_604 : vector<16xf32>
        %swap3A = arith.index_cast %scan3A_1088 : i32 to index
        %swap3A_1095 = arith.constant 0 : index
        %swap3A_1096 = tpu.vector_load %arg11[%swap3A, %swap3A_1095] {strides = array<i32>} : memref<8x1024xf32, #tpu.memory_space<vmem>>, vector<1x16xf32>,
        %swap3A_1097 = vector.shape_cast %swap3A_1096 : vector<1x16xf32> to vector<16xf32>
        %swap3A_1098 = vector.shape_cast %add3A_1094 : vector<16xf32> to vector<1x16xf32>
        tpu.vector_store %arg11[%swap3A, %swap3A_1095], %swap3A_1098 {strides = array<i32>} : memref<8x1024xf32, #tpu.memory_space<vmem>>, vector<1x16xf32>,
        %get3A_1099 = arith.index_cast %scan3A_1088 : i32 to index
        %get3A_1100 = arith.constant 16 : index
        %get3A_1101 = tpu.vector_load %arg7[%get3A_1099, %get3A_1100] {strides = array<i32>} : memref<8x1024xf32, #tpu.memory_space<vmem>>, vector<1x16xf32>,
        %get3A_1102 = vector.shape_cast %get3A_1101 : vector<1x16xf32> to vector<16xf32>
        %add3A_1103 = arith.addf %get3A_1102, %get3A_607 : vector<16xf32>
        %swap3A_1104 = arith.index_cast %scan3A_1088 : i32 to index
        %swap3A_1105 = arith.constant 16 : index
        %swap3A_1106 = tpu.vector_load %arg11[%swap3A_1104, %swap3A_1105] {strides = array<i32>} : memref<8x1024xf32, #tpu.memory_space<vmem>>, vector<1x16xf32>,
        %swap3A_1107 = vector.shape_cast %swap3A_1106 : vector<1x16xf32> to vector<16xf32>
        %swap3A_1108 = vector.shape_cast %add3A_1103 : vector<16xf32> to vector<1x16xf32>
        tpu.vector_store %arg11[%swap3A_1104, %swap3A_1105], %swap3A_1108 {strides = array<i32>} : memref<8x1024xf32, #tpu.memory_space<vmem>>, vector<1x16xf32>,
        %get3A_1109 = arith.index_cast %scan3A_1088 : i32 to index
        %get3A_1110 = arith.constant 32 : index
        %get3A_1111 = tpu.vector_load %arg7[%get3A_1109, %get3A_1110] {strides = array<i32>} : memref<8x1024xf32, #tpu.memory_space<vmem>>, vector<1x16xf32>,
        %get3A_1112 = vector.shape_cast %get3A_1111 : vector<1x16xf32> to vector<16xf32>
        %add3A_1113 = arith.addf %get3A_1112, %get3A_610 : vector<16xf32>
        %swap3A_1114 = arith.index_cast %scan3A_1088 : i32 to index
        %swap3A_1115 = arith.constant 32 : index
        %swap3A_1116 = tpu.vector_load %arg11[%swap3A_1114, %swap3A_1115] {strides = array<i32>} : memref<8x1024xf32, #tpu.memory_space<vmem>>, vector<1x16xf32>,
        %swap3A_1117 = vector.shape_cast %swap3A_1116 : vector<1x16xf32> to vector<16xf32>
        %swap3A_1118 = vector.shape_cast %add3A_1113 : vector<16xf32> to vector<1x16xf32>
        tpu.vector_store %arg11[%swap3A_1114, %swap3A_1115], %swap3A_1118 {strides = array<i32>} : memref<8x1024xf32, #tpu.memory_space<vmem>>, vector<1x16xf32>,
        %get3A_1119 = arith.index_cast %scan3A_1088 : i32 to index
        %get3A_1120 = arith.constant 48 : index
        %get3A_1121 = tpu.vector_load %arg7[%get3A_1119, %get3A_1120] {strides = array<i32>} : memref<8x1024xf32, #tpu.memory_space<vmem>>, vector<1x16xf32>,
        %get3A_1122 = vector.shape_cast %get3A_1121 : vector<1x16xf32> to vector<16xf32>
        %add3A_1123 = arith.addf %get3A_1122, %get3A_613 : vector<16xf32>
        %swap3A_1124 = arith.index_cast %scan3A_1088 : i32 to index
        %swap3A_1125 = arith.constant 48 : index
        %swap3A_1126 = tpu.vector_load %arg11[%swap3A_1124, %swap3A_1125] {strides = array<i32>} : memref<8x1024xf32, #tpu.memory_space<vmem>>, vector<1x16xf32>,
        %swap3A_1127 = vector.shape_cast %swap3A_1126 : vector<1x16xf32> to vector<16xf32>
        %swap3A_1128 = vector.shape_cast %add3A_1123 : vector<16xf32> to vector<1x16xf32>
        tpu.vector_store %arg11[%swap3A_1124, %swap3A_1125], %swap3A_1128 {strides = array<i32>} : memref<8x1024xf32, #tpu.memory_space<vmem>>, vector<1x16xf32>,
        %get3A_1129 = arith.index_cast %scan3A_1088 : i32 to index
        %get3A_1130 = arith.constant 64 : index
        %get3A_1131 = tpu.vector_load %arg7[%get3A_1129, %get3A_1130] {strides = array<i32>} : memref<8x1024xf32, #tpu.memory_space<vmem>>, vector<1x16xf32>,
        %get3A_1132 = vector.shape_cast %get3A_1131 : vector<1x16xf32> to vector<16xf32>
        %add3A_1133 = arith.addf %get3A_1132, %get3A_616 : vector<16xf32>
        %swap3A_1134 = arith.index_cast %scan3A_1088 : i32 to index
        %swap3A_1135 = arith.constant 64 : index
        %swap3A_1136 = tpu.vector_load %arg11[%swap3A_1134, %swap3A_1135] {strides = array<i32>} : memref<8x1024xf32, #tpu.memory_space<vmem>>, vector<1x16xf32>,
        %swap3A_1137 = vector.shape_cast %swap3A_1136 : vector<1x16xf32> to vector<16xf32>
        %swap3A_1138 = vector.shape_cast %add3A_1133 : vector<16xf32> to vector<1x16xf32>
        tpu.vector_store %arg11[%swap3A_1134, %swap3A_1135], %swap3A_1138 {strides = array<i32>} : memref<8x1024xf32, #tpu.memory_space<vmem>>, vector<1x16xf32>,
        %get3A_1139 = arith.index_cast %scan3A_1088 : i32 to index
        %get3A_1140 = arith.constant 80 : index
        %get3A_1141 = tpu.vector_load %arg7[%get3A_1139, %get3A_1140] {strides = array<i32>} : memref<8x1024xf32, #tpu.memory_space<vmem>>, vector<1x16xf32>,
        %get3A_1142 = vector.shape_cast %get3A_1141 : vector<1x16xf32> to vector<16xf32>
        %add3A_1143 = arith.addf %get3A_1142, %get3A_619 : vector<16xf32>
        %swap3A_1144 = arith.index_cast %scan3A_1088 : i32 to index
        %swap3A_1145 = arith.constant 80 : index
        %swap3A_1146 = tpu.vector_load %arg11[%swap3A_1144, %swap3A_1145] {strides = array<i32>} : memref<8x1024xf32, #tpu.memory_space<vmem>>, vector<1x16xf32>,
        %swap3A_1147 = vector.shape_cast %swap3A_1146 : vector<1x16xf32> to vector<16xf32>
        %swap3A_1148 = vector.shape_cast %add3A_1143 : vector<16xf32> to vector<1x16xf32>
        tpu.vector_store %arg11[%swap3A_1144, %swap3A_1145], %swap3A_1148 {strides = array<i32>} : memref<8x1024xf32, #tpu.memory_space<vmem>>, vector<1x16xf32>,
        %get3A_1149 = arith.index_cast %scan3A_1088 : i32 to index
        %get3A_1150 = arith.constant 96 : index
        %get3A_1151 = tpu.vector_load %arg7[%get3A_1149, %get3A_1150] {strides = array<i32>} : memref<8x1024xf32, #tpu.memory_space<vmem>>, vector<1x16xf32>,
        %get3A_1152 = vector.shape_cast %get3A_1151 : vector<1x16xf32> to vector<16xf32>
        %add3A_1153 = arith.addf %get3A_1152, %get3A_622 : vector<16xf32>
        %swap3A_1154 = arith.index_cast %scan3A_1088 : i32 to index
        %swap3A_1155 = arith.constant 96 : index
        %swap3A_1156 = tpu.vector_load %arg11[%swap3A_1154, %swap3A_1155] {strides = array<i32>} : memref<8x1024xf32, #tpu.memory_space<vmem>>, vector<1x16xf32>,
        %swap3A_1157 = vector.shape_cast %swap3A_1156 : vector<1x16xf32> to vector<16xf32>
        %swap3A_1158 = vector.shape_cast %add3A_1153 : vector<16xf32> to vector<1x16xf32>
        tpu.vector_store %arg11[%swap3A_1154, %swap3A_1155], %swap3A_1158 {strides = array<i32>} : memref<8x1024xf32, #tpu.memory_space<vmem>>, vector<1x16xf32>,
        %get3A_1159 = arith.index_cast %scan3A_1088 : i32 to index
        %get3A_1160 = arith.constant 112 : index
        %get3A_1161 = tpu.vector_load %arg7[%get3A_1159, %get3A_1160] {strides = array<i32>} : memref<8x1024xf32, #tpu.memory_space<vmem>>, vector<1x16xf32>,
        %get3A_1162 = vector.shape_cast %get3A_1161 : vector<1x16xf32> to vector<16xf32>
        %add3A_1163 = arith.addf %get3A_1162, %get3A_625 : vector<16xf32>
        %swap3A_1164 = arith.index_cast %scan3A_1088 : i32 to index
        %swap3A_1165 = arith.constant 112 : index
        %swap3A_1166 = tpu.vector_load %arg11[%swap3A_1164, %swap3A_1165] {strides = array<i32>} : memref<8x1024xf32, #tpu.memory_space<vmem>>, vector<1x16xf32>,
        %swap3A_1167 = vector.shape_cast %swap3A_1166 : vector<1x16xf32> to vector<16xf32>
        %swap3A_1168 = vector.shape_cast %add3A_1163 : vector<16xf32> to vector<1x16xf32>
        tpu.vector_store %arg11[%swap3A_1164, %swap3A_1165], %swap3A_1168 {strides = array<i32>} : memref<8x1024xf32, #tpu.memory_space<vmem>>, vector<1x16xf32>,
        %get3A_1169 = arith.index_cast %scan3A_1088 : i32 to index
        %get3A_1170 = arith.constant 128 : index
        %get3A_1171 = tpu.vector_load %arg7[%get3A_1169, %get3A_1170] {strides = array<i32>} : memref<8x1024xf32, #tpu.memory_space<vmem>>, vector<1x16xf32>,
        %get3A_1172 = vector.shape_cast %get3A_1171 : vector<1x16xf32> to vector<16xf32>
        %add3A_1173 = arith.addf %get3A_1172, %get3A_628 : vector<16xf32>
        %swap3A_1174 = arith.index_cast %scan3A_1088 : i32 to index
        %swap3A_1175 = arith.constant 128 : index
        %swap3A_1176 = tpu.vector_load %arg11[%swap3A_1174, %swap3A_1175] {strides = array<i32>} : memref<8x1024xf32, #tpu.memory_space<vmem>>, vector<1x16xf32>,
        %swap3A_1177 = vector.shape_cast %swap3A_1176 : vector<1x16xf32> to vector<16xf32>
        %swap3A_1178 = vector.shape_cast %add3A_1173 : vector<16xf32> to vector<1x16xf32>
        tpu.vector_store %arg11[%swap3A_1174, %swap3A_1175], %swap3A_1178 {strides = array<i32>} : memref<8x1024xf32, #tpu.memory_space<vmem>>, vector<1x16xf32>,
        %get3A_1179 = arith.index_cast %scan3A_1088 : i32 to index
        %get3A_1180 = arith.constant 144 : index
        %get3A_1181 = tpu.vector_load %arg7[%get3A_1179, %get3A_1180] {strides = array<i32>} : memref<8x1024xf32, #tpu.memory_space<vmem>>, vector<1x16xf32>,
        %get3A_1182 = vector.shape_cast %get3A_1181 : vector<1x16xf32> to vector<16xf32>
        %add3A_1183 = arith.addf %get3A_1182, %get3A_631 : vector<16xf32>
        %swap3A_1184 = arith.index_cast %scan3A_1088 : i32 to index
        %swap3A_1185 = arith.constant 144 : index
        %swap3A_1186 = tpu.vector_load %arg11[%swap3A_1184, %swap3A_1185] {strides = array<i32>} : memref<8x1024xf32, #tpu.memory_space<vmem>>, vector<1x16xf32>,
        %swap3A_1187 = vector.shape_cast %swap3A_1186 : vector<1x16xf32> to vector<16xf32>
        %swap3A_1188 = vector.shape_cast %add3A_1183 : vector<16xf32> to vector<1x16xf32>
        tpu.vector_store %arg11[%swap3A_1184, %swap3A_1185], %swap3A_1188 {strides = array<i32>} : memref<8x1024xf32, #tpu.memory_space<vmem>>, vector<1x16xf32>,
        %get3A_1189 = arith.index_cast %scan3A_1088 : i32 to index
        %get3A_1190 = arith.constant 160 : index
        %get3A_1191 = tpu.vector_load %arg7[%get3A_1189, %get3A_1190] {strides = array<i32>} : memref<8x1024xf32, #tpu.memory_space<vmem>>, vector<1x16xf32>,
        %get3A_1192 = vector.shape_cast %get3A_1191 : vector<1x16xf32> to vector<16xf32>
        %add3A_1193 = arith.addf %get3A_1192, %get3A_634 : vector<16xf32>
        %swap3A_1194 = arith.index_cast %scan3A_1088 : i32 to index
        %swap3A_1195 = arith.constant 160 : index
        %swap3A_1196 = tpu.vector_load %arg11[%swap3A_1194, %swap3A_1195] {strides = array<i32>} : memref<8x1024xf32, #tpu.memory_space<vmem>>, vector<1x16xf32>,
        %swap3A_1197 = vector.shape_cast %swap3A_1196 : vector<1x16xf32> to vector<16xf32>
        %swap3A_1198 = vector.shape_cast %add3A_1193 : vector<16xf32> to vector<1x16xf32>
        tpu.vector_store %arg11[%swap3A_1194, %swap3A_1195], %swap3A_1198 {strides = array<i32>} : memref<8x1024xf32, #tpu.memory_space<vmem>>, vector<1x16xf32>,
        %get3A_1199 = arith.index_cast %scan3A_1088 : i32 to index
        %get3A_1200 = arith.constant 176 : index
        %get3A_1201 = tpu.vector_load %arg7[%get3A_1199, %get3A_1200] {strides = array<i32>} : memref<8x1024xf32, #tpu.memory_space<vmem>>, vector<1x16xf32>,
        %get3A_1202 = vector.shape_cast %get3A_1201 : vector<1x16xf32> to vector<16xf32>
        %add3A_1203 = arith.addf %get3A_1202, %get3A_637 : vector<16xf32>
        %swap3A_1204 = arith.index_cast %scan3A_1088 : i32 to index
        %swap3A_1205 = arith.constant 176 : index
        %swap3A_1206 = tpu.vector_load %arg11[%swap3A_1204, %swap3A_1205] {strides = array<i32>} : memref<8x1024xf32, #tpu.memory_space<vmem>>, vector<1x16xf32>,
        %swap3A_1207 = vector.shape_cast %swap3A_1206 : vector<1x16xf32> to vector<16xf32>
        %swap3A_1208 = vector.shape_cast %add3A_1203 : vector<16xf32> to vector<1x16xf32>
        tpu.vector_store %arg11[%swap3A_1204, %swap3A_1205], %swap3A_1208 {strides = array<i32>} : memref<8x1024xf32, #tpu.memory_space<vmem>>, vector<1x16xf32>,
        %get3A_1209 = arith.index_cast %scan3A_1088 : i32 to index
        %get3A_1210 = arith.constant 192 : index
        %get3A_1211 = tpu.vector_load %arg7[%get3A_1209, %get3A_1210] {strides = array<i32>} : memref<8x1024xf32, #tpu.memory_space<vmem>>, vector<1x16xf32>,
        %get3A_1212 = vector.shape_cast %get3A_1211 : vector<1x16xf32> to vector<16xf32>
        %add3A_1213 = arith.addf %get3A_1212, %get3A_640 : vector<16xf32>
        %swap3A_1214 = arith.index_cast %scan3A_1088 : i32 to index
        %swap3A_1215 = arith.constant 192 : index
        %swap3A_1216 = tpu.vector_load %arg11[%swap3A_1214, %swap3A_1215] {strides = array<i32>} : memref<8x1024xf32, #tpu.memory_space<vmem>>, vector<1x16xf32>,
        %swap3A_1217 = vector.shape_cast %swap3A_1216 : vector<1x16xf32> to vector<16xf32>
        %swap3A_1218 = vector.shape_cast %add3A_1213 : vector<16xf32> to vector<1x16xf32>
        tpu.vector_store %arg11[%swap3A_1214, %swap3A_1215], %swap3A_1218 {strides = array<i32>} : memref<8x1024xf32, #tpu.memory_space<vmem>>, vector<1x16xf32>,
        %get3A_1219 = arith.index_cast %scan3A_1088 : i32 to index
        %get3A_1220 = arith.constant 208 : index
        %get3A_1221 = tpu.vector_load %arg7[%get3A_1219, %get3A_1220] {strides = array<i32>} : memref<8x1024xf32, #tpu.memory_space<vmem>>, vector<1x16xf32>,
        %get3A_1222 = vector.shape_cast %get3A_1221 : vector<1x16xf32> to vector<16xf32>
        %add3A_1223 = arith.addf %get3A_1222, %get3A_643 : vector<16xf32>
        %swap3A_1224 = arith.index_cast %scan3A_1088 : i32 to index
        %swap3A_1225 = arith.constant 208 : index
        %swap3A_1226 = tpu.vector_load %arg11[%swap3A_1224, %swap3A_1225] {strides = array<i32>} : memref<8x1024xf32, #tpu.memory_space<vmem>>, vector<1x16xf32>,
        %swap3A_1227 = vector.shape_cast %swap3A_1226 : vector<1x16xf32> to vector<16xf32>
        %swap3A_1228 = vector.shape_cast %add3A_1223 : vector<16xf32> to vector<1x16xf32>
        tpu.vector_store %arg11[%swap3A_1224, %swap3A_1225], %swap3A_1228 {strides = array<i32>} : memref<8x1024xf32, #tpu.memory_space<vmem>>, vector<1x16xf32>,
        %get3A_1229 = arith.index_cast %scan3A_1088 : i32 to index
        %get3A_1230 = arith.constant 224 : index
        %get3A_1231 = tpu.vector_load %arg7[%get3A_1229, %get3A_1230] {strides = array<i32>} : memref<8x1024xf32, #tpu.memory_space<vmem>>, vector<1x16xf32>,
        %get3A_1232 = vector.shape_cast %get3A_1231 : vector<1x16xf32> to vector<16xf32>
        %add3A_1233 = arith.addf %get3A_1232, %get3A_646 : vector<16xf32>
        %swap3A_1234 = arith.index_cast %scan3A_1088 : i32 to index
        %swap3A_1235 = arith.constant 224 : index
        %swap3A_1236 = tpu.vector_load %arg11[%swap3A_1234, %swap3A_1235] {strides = array<i32>} : memref<8x1024xf32, #tpu.memory_space<vmem>>, vector<1x16xf32>,
        %swap3A_1237 = vector.shape_cast %swap3A_1236 : vector<1x16xf32> to vector<16xf32>
        %swap3A_1238 = vector.shape_cast %add3A_1233 : vector<16xf32> to vector<1x16xf32>
        tpu.vector_store %arg11[%swap3A_1234, %swap3A_1235], %swap3A_1238 {strides = array<i32>} : memref<8x1024xf32, #tpu.memory_space<vmem>>, vector<1x16xf32>,
        %get3A_1239 = arith.index_cast %scan3A_1088 : i32 to index
        %get3A_1240 = arith.constant 240 : index
        %get3A_1241 = tpu.vector_load %arg7[%get3A_1239, %get3A_1240] {strides = array<i32>} : memref<8x1024xf32, #tpu.memory_space<vmem>>, vector<1x16xf32>,
        %get3A_1242 = vector.shape_cast %get3A_1241 : vector<1x16xf32> to vector<16xf32>
        %add3A_1243 = arith.addf %get3A_1242, %get3A_649 : vector<16xf32>
        %swap3A_1244 = arith.index_cast %scan3A_1088 : i32 to index
        %swap3A_1245 = arith.constant 240 : index
        %swap3A_1246 = tpu.vector_load %arg11[%swap3A_1244, %swap3A_1245] {strides = array<i32>} : memref<8x1024xf32, #tpu.memory_space<vmem>>, vector<1x16xf32>,
        %swap3A_1247 = vector.shape_cast %swap3A_1246 : vector<1x16xf32> to vector<16xf32>
        %swap3A_1248 = vector.shape_cast %add3A_1243 : vector<16xf32> to vector<1x16xf32>
        tpu.vector_store %arg11[%swap3A_1244, %swap3A_1245], %swap3A_1248 {strides = array<i32>} : memref<8x1024xf32, #tpu.memory_space<vmem>>, vector<1x16xf32>,
        %scan3A_1249 = arith.constant 0 : i32
        scf.yield %scan3A_1249 : i32
      }
      %scan3A_656 = arith.constant 8 : i32
      %get3A_657 = arith.constant 256 : index
      %get3A_658 = tpu.vector_load %arg13[%get3A_657] {strides = array<i32>} : memref<1024xf32, #tpu.memory_space<vmem>>, vector<16xf32>,
      %get3A_659 = vector.shape_cast %get3A_658 : vector<16xf32> to vector<16xf32>
      %get3A_660 = arith.constant 272 : index
      %get3A_661 = tpu.vector_load %arg13[%get3A_660] {strides = array<i32>} : memref<1024xf32, #tpu.memory_space<vmem>>, vector<16xf32>,
      %get3A_662 = vector.shape_cast %get3A_661 : vector<16xf32> to vector<16xf32>
      %get3A_663 = arith.constant 288 : index
      %get3A_664 = tpu.vector_load %arg13[%get3A_663] {strides = array<i32>} : memref<1024xf32, #tpu.memory_space<vmem>>, vector<16xf32>,
      %get3A_665 = vector.shape_cast %get3A_664 : vector<16xf32> to vector<16xf32>
      %get3A_666 = arith.constant 304 : index
      %get3A_667 = tpu.vector_load %arg13[%get3A_666] {strides = array<i32>} : memref<1024xf32, #tpu.memory_space<vmem>>, vector<16xf32>,
      %get3A_668 = vector.shape_cast %get3A_667 : vector<16xf32> to vector<16xf32>
      %get3A_669 = arith.constant 320 : index
      %get3A_670 = tpu.vector_load %arg13[%get3A_669] {strides = array<i32>} : memref<1024xf32, #tpu.memory_space<vmem>>, vector<16xf32>,
      %get3A_671 = vector.shape_cast %get3A_670 : vector<16xf32> to vector<16xf32>
      %get3A_672 = arith.constant 336 : index
      %get3A_673 = tpu.vector_load %arg13[%get3A_672] {strides = array<i32>} : memref<1024xf32, #tpu.memory_space<vmem>>, vector<16xf32>,
      %get3A_674 = vector.shape_cast %get3A_673 : vector<16xf32> to vector<16xf32>
      %get3A_675 = arith.constant 352 : index
      %get3A_676 = tpu.vector_load %arg13[%get3A_675] {strides = array<i32>} : memref<1024xf32, #tpu.memory_space<vmem>>, vector<16xf32>,
      %get3A_677 = vector.shape_cast %get3A_676 : vector<16xf32> to vector<16xf32>
      %get3A_678 = arith.constant 368 : index
      %get3A_679 = tpu.vector_load %arg13[%get3A_678] {strides = array<i32>} : memref<1024xf32, #tpu.memory_space<vmem>>, vector<16xf32>,
      %get3A_680 = vector.shape_cast %get3A_679 : vector<16xf32> to vector<16xf32>
      %get3A_681 = arith.constant 384 : index
      %get3A_682 = tpu.vector_load %arg13[%get3A_681] {strides = array<i32>} : memref<1024xf32, #tpu.memory_space<vmem>>, vector<16xf32>,
      %get3A_683 = vector.shape_cast %get3A_682 : vector<16xf32> to vector<16xf32>
      %get3A_684 = arith.constant 400 : index
      %get3A_685 = tpu.vector_load %arg13[%get3A_684] {strides = array<i32>} : memref<1024xf32, #tpu.memory_space<vmem>>, vector<16xf32>,
      %get3A_686 = vector.shape_cast %get3A_685 : vector<16xf32> to vector<16xf32>
      %get3A_687 = arith.constant 416 : index
      %get3A_688 = tpu.vector_load %arg13[%get3A_687] {strides = array<i32>} : memref<1024xf32, #tpu.memory_space<vmem>>, vector<16xf32>,
      %get3A_689 = vector.shape_cast %get3A_688 : vector<16xf32> to vector<16xf32>
      %get3A_690 = arith.constant 432 : index
      %get3A_691 = tpu.vector_load %arg13[%get3A_690] {strides = array<i32>} : memref<1024xf32, #tpu.memory_space<vmem>>, vector<16xf32>,
      %get3A_692 = vector.shape_cast %get3A_691 : vector<16xf32> to vector<16xf32>
      %get3A_693 = arith.constant 448 : index
      %get3A_694 = tpu.vector_load %arg13[%get3A_693] {strides = array<i32>} : memref<1024xf32, #tpu.memory_space<vmem>>, vector<16xf32>,
      %get3A_695 = vector.shape_cast %get3A_694 : vector<16xf32> to vector<16xf32>
      %get3A_696 = arith.constant 464 : index
      %get3A_697 = tpu.vector_load %arg13[%get3A_696] {strides = array<i32>} : memref<1024xf32, #tpu.memory_space<vmem>>, vector<16xf32>,
      %get3A_698 = vector.shape_cast %get3A_697 : vector<16xf32> to vector<16xf32>
      %get3A_699 = arith.constant 480 : index
      %get3A_700 = tpu.vector_load %arg13[%get3A_699] {strides = array<i32>} : memref<1024xf32, #tpu.memory_space<vmem>>, vector<16xf32>,
      %get3A_701 = vector.shape_cast %get3A_700 : vector<16xf32> to vector<16xf32>
      %get3A_702 = arith.constant 496 : index
      %get3A_703 = tpu.vector_load %arg13[%get3A_702] {strides = array<i32>} : memref<1024xf32, #tpu.memory_space<vmem>>, vector<16xf32>,
      %get3A_704 = vector.shape_cast %get3A_703 : vector<16xf32> to vector<16xf32>
      %scan3A_705 = arith.constant 0 : i32
      %scan3A_706 = arith.constant 0 : i32
      %scan3A_707 = arith.constant 8 : i32
      %scan3A_708 = arith.addi %scan3A_706, %scan3A_707 : i32
      %scan3A_709 = arith.constant 1 : i32
      %scan3A_710 = scf.for %scan3A_1088 = %scan3A_706 to %scan3A_708 step %scan3A_709 iter_args(%scan3A_1089 = %scan3A_705) -> (i32)  : i32 {
        %get3A_1090 = arith.index_cast %scan3A_1088 : i32 to index
        %get3A_1091 = arith.constant 256 : index
        %get3A_1092 = tpu.vector_load %arg7[%get3A_1090, %get3A_1091] {strides = array<i32>} : memref<8x1024xf32, #tpu.memory_space<vmem>>, vector<1x16xf32>,
        %get3A_1093 = vector.shape_cast %get3A_1092 : vector<1x16xf32> to vector<16xf32>
        %add3A_1094 = arith.addf %get3A_1093, %get3A_659 : vector<16xf32>
        %swap3A = arith.index_cast %scan3A_1088 : i32 to index
        %swap3A_1095 = arith.constant 256 : index
        %swap3A_1096 = tpu.vector_load %arg11[%swap3A, %swap3A_1095] {strides = array<i32>} : memref<8x1024xf32, #tpu.memory_space<vmem>>, vector<1x16xf32>,
        %swap3A_1097 = vector.shape_cast %swap3A_1096 : vector<1x16xf32> to vector<16xf32>
        %swap3A_1098 = vector.shape_cast %add3A_1094 : vector<16xf32> to vector<1x16xf32>
        tpu.vector_store %arg11[%swap3A, %swap3A_1095], %swap3A_1098 {strides = array<i32>} : memref<8x1024xf32, #tpu.memory_space<vmem>>, vector<1x16xf32>,
        %get3A_1099 = arith.index_cast %scan3A_1088 : i32 to index
        %get3A_1100 = arith.constant 272 : index
        %get3A_1101 = tpu.vector_load %arg7[%get3A_1099, %get3A_1100] {strides = array<i32>} : memref<8x1024xf32, #tpu.memory_space<vmem>>, vector<1x16xf32>,
        %get3A_1102 = vector.shape_cast %get3A_1101 : vector<1x16xf32> to vector<16xf32>
        %add3A_1103 = arith.addf %get3A_1102, %get3A_662 : vector<16xf32>
        %swap3A_1104 = arith.index_cast %scan3A_1088 : i32 to index
        %swap3A_1105 = arith.constant 272 : index
        %swap3A_1106 = tpu.vector_load %arg11[%swap3A_1104, %swap3A_1105] {strides = array<i32>} : memref<8x1024xf32, #tpu.memory_space<vmem>>, vector<1x16xf32>,
        %swap3A_1107 = vector.shape_cast %swap3A_1106 : vector<1x16xf32> to vector<16xf32>
        %swap3A_1108 = vector.shape_cast %add3A_1103 : vector<16xf32> to vector<1x16xf32>
        tpu.vector_store %arg11[%swap3A_1104, %swap3A_1105], %swap3A_1108 {strides = array<i32>} : memref<8x1024xf32, #tpu.memory_space<vmem>>, vector<1x16xf32>,
        %get3A_1109 = arith.index_cast %scan3A_1088 : i32 to index
        %get3A_1110 = arith.constant 288 : index
        %get3A_1111 = tpu.vector_load %arg7[%get3A_1109, %get3A_1110] {strides = array<i32>} : memref<8x1024xf32, #tpu.memory_space<vmem>>, vector<1x16xf32>,
        %get3A_1112 = vector.shape_cast %get3A_1111 : vector<1x16xf32> to vector<16xf32>
        %add3A_1113 = arith.addf %get3A_1112, %get3A_665 : vector<16xf32>
        %swap3A_1114 = arith.index_cast %scan3A_1088 : i32 to index
        %swap3A_1115 = arith.constant 288 : index
        %swap3A_1116 = tpu.vector_load %arg11[%swap3A_1114, %swap3A_1115] {strides = array<i32>} : memref<8x1024xf32, #tpu.memory_space<vmem>>, vector<1x16xf32>,
        %swap3A_1117 = vector.shape_cast %swap3A_1116 : vector<1x16xf32> to vector<16xf32>
        %swap3A_1118 = vector.shape_cast %add3A_1113 : vector<16xf32> to vector<1x16xf32>
        tpu.vector_store %arg11[%swap3A_1114, %swap3A_1115], %swap3A_1118 {strides = array<i32>} : memref<8x1024xf32, #tpu.memory_space<vmem>>, vector<1x16xf32>,
        %get3A_1119 = arith.index_cast %scan3A_1088 : i32 to index
        %get3A_1120 = arith.constant 304 : index
        %get3A_1121 = tpu.vector_load %arg7[%get3A_1119, %get3A_1120] {strides = array<i32>} : memref<8x1024xf32, #tpu.memory_space<vmem>>, vector<1x16xf32>,
        %get3A_1122 = vector.shape_cast %get3A_1121 : vector<1x16xf32> to vector<16xf32>
        %add3A_1123 = arith.addf %get3A_1122, %get3A_668 : vector<16xf32>
        %swap3A_1124 = arith.index_cast %scan3A_1088 : i32 to index
        %swap3A_1125 = arith.constant 304 : index
        %swap3A_1126 = tpu.vector_load %arg11[%swap3A_1124, %swap3A_1125] {strides = array<i32>} : memref<8x1024xf32, #tpu.memory_space<vmem>>, vector<1x16xf32>,
        %swap3A_1127 = vector.shape_cast %swap3A_1126 : vector<1x16xf32> to vector<16xf32>
        %swap3A_1128 = vector.shape_cast %add3A_1123 : vector<16xf32> to vector<1x16xf32>
        tpu.vector_store %arg11[%swap3A_1124, %swap3A_1125], %swap3A_1128 {strides = array<i32>} : memref<8x1024xf32, #tpu.memory_space<vmem>>, vector<1x16xf32>,
        %get3A_1129 = arith.index_cast %scan3A_1088 : i32 to index
        %get3A_1130 = arith.constant 320 : index
        %get3A_1131 = tpu.vector_load %arg7[%get3A_1129, %get3A_1130] {strides = array<i32>} : memref<8x1024xf32, #tpu.memory_space<vmem>>, vector<1x16xf32>,
        %get3A_1132 = vector.shape_cast %get3A_1131 : vector<1x16xf32> to vector<16xf32>
        %add3A_1133 = arith.addf %get3A_1132, %get3A_671 : vector<16xf32>
        %swap3A_1134 = arith.index_cast %scan3A_1088 : i32 to index
        %swap3A_1135 = arith.constant 320 : index
        %swap3A_1136 = tpu.vector_load %arg11[%swap3A_1134, %swap3A_1135] {strides = array<i32>} : memref<8x1024xf32, #tpu.memory_space<vmem>>, vector<1x16xf32>,
        %swap3A_1137 = vector.shape_cast %swap3A_1136 : vector<1x16xf32> to vector<16xf32>
        %swap3A_1138 = vector.shape_cast %add3A_1133 : vector<16xf32> to vector<1x16xf32>
        tpu.vector_store %arg11[%swap3A_1134, %swap3A_1135], %swap3A_1138 {strides = array<i32>} : memref<8x1024xf32, #tpu.memory_space<vmem>>, vector<1x16xf32>,
        %get3A_1139 = arith.index_cast %scan3A_1088 : i32 to index
        %get3A_1140 = arith.constant 336 : index
        %get3A_1141 = tpu.vector_load %arg7[%get3A_1139, %get3A_1140] {strides = array<i32>} : memref<8x1024xf32, #tpu.memory_space<vmem>>, vector<1x16xf32>,
        %get3A_1142 = vector.shape_cast %get3A_1141 : vector<1x16xf32> to vector<16xf32>
        %add3A_1143 = arith.addf %get3A_1142, %get3A_674 : vector<16xf32>
        %swap3A_1144 = arith.index_cast %scan3A_1088 : i32 to index
        %swap3A_1145 = arith.constant 336 : index
        %swap3A_1146 = tpu.vector_load %arg11[%swap3A_1144, %swap3A_1145] {strides = array<i32>} : memref<8x1024xf32, #tpu.memory_space<vmem>>, vector<1x16xf32>,
        %swap3A_1147 = vector.shape_cast %swap3A_1146 : vector<1x16xf32> to vector<16xf32>
        %swap3A_1148 = vector.shape_cast %add3A_1143 : vector<16xf32> to vector<1x16xf32>
        tpu.vector_store %arg11[%swap3A_1144, %swap3A_1145], %swap3A_1148 {strides = array<i32>} : memref<8x1024xf32, #tpu.memory_space<vmem>>, vector<1x16xf32>,
        %get3A_1149 = arith.index_cast %scan3A_1088 : i32 to index
        %get3A_1150 = arith.constant 352 : index
        %get3A_1151 = tpu.vector_load %arg7[%get3A_1149, %get3A_1150] {strides = array<i32>} : memref<8x1024xf32, #tpu.memory_space<vmem>>, vector<1x16xf32>,
        %get3A_1152 = vector.shape_cast %get3A_1151 : vector<1x16xf32> to vector<16xf32>
        %add3A_1153 = arith.addf %get3A_1152, %get3A_677 : vector<16xf32>
        %swap3A_1154 = arith.index_cast %scan3A_1088 : i32 to index
        %swap3A_1155 = arith.constant 352 : index
        %swap3A_1156 = tpu.vector_load %arg11[%swap3A_1154, %swap3A_1155] {strides = array<i32>} : memref<8x1024xf32, #tpu.memory_space<vmem>>, vector<1x16xf32>,
        %swap3A_1157 = vector.shape_cast %swap3A_1156 : vector<1x16xf32> to vector<16xf32>
        %swap3A_1158 = vector.shape_cast %add3A_1153 : vector<16xf32> to vector<1x16xf32>
        tpu.vector_store %arg11[%swap3A_1154, %swap3A_1155], %swap3A_1158 {strides = array<i32>} : memref<8x1024xf32, #tpu.memory_space<vmem>>, vector<1x16xf32>,
        %get3A_1159 = arith.index_cast %scan3A_1088 : i32 to index
        %get3A_1160 = arith.constant 368 : index
        %get3A_1161 = tpu.vector_load %arg7[%get3A_1159, %get3A_1160] {strides = array<i32>} : memref<8x1024xf32, #tpu.memory_space<vmem>>, vector<1x16xf32>,
        %get3A_1162 = vector.shape_cast %get3A_1161 : vector<1x16xf32> to vector<16xf32>
        %add3A_1163 = arith.addf %get3A_1162, %get3A_680 : vector<16xf32>
        %swap3A_1164 = arith.index_cast %scan3A_1088 : i32 to index
        %swap3A_1165 = arith.constant 368 : index
        %swap3A_1166 = tpu.vector_load %arg11[%swap3A_1164, %swap3A_1165] {strides = array<i32>} : memref<8x1024xf32, #tpu.memory_space<vmem>>, vector<1x16xf32>,
        %swap3A_1167 = vector.shape_cast %swap3A_1166 : vector<1x16xf32> to vector<16xf32>
        %swap3A_1168 = vector.shape_cast %add3A_1163 : vector<16xf32> to vector<1x16xf32>
        tpu.vector_store %arg11[%swap3A_1164, %swap3A_1165], %swap3A_1168 {strides = array<i32>} : memref<8x1024xf32, #tpu.memory_space<vmem>>, vector<1x16xf32>,
        %get3A_1169 = arith.index_cast %scan3A_1088 : i32 to index
        %get3A_1170 = arith.constant 384 : index
        %get3A_1171 = tpu.vector_load %arg7[%get3A_1169, %get3A_1170] {strides = array<i32>} : memref<8x1024xf32, #tpu.memory_space<vmem>>, vector<1x16xf32>,
        %get3A_1172 = vector.shape_cast %get3A_1171 : vector<1x16xf32> to vector<16xf32>
        %add3A_1173 = arith.addf %get3A_1172, %get3A_683 : vector<16xf32>
        %swap3A_1174 = arith.index_cast %scan3A_1088 : i32 to index
        %swap3A_1175 = arith.constant 384 : index
        %swap3A_1176 = tpu.vector_load %arg11[%swap3A_1174, %swap3A_1175] {strides = array<i32>} : memref<8x1024xf32, #tpu.memory_space<vmem>>, vector<1x16xf32>,
        %swap3A_1177 = vector.shape_cast %swap3A_1176 : vector<1x16xf32> to vector<16xf32>
        %swap3A_1178 = vector.shape_cast %add3A_1173 : vector<16xf32> to vector<1x16xf32>
        tpu.vector_store %arg11[%swap3A_1174, %swap3A_1175], %swap3A_1178 {strides = array<i32>} : memref<8x1024xf32, #tpu.memory_space<vmem>>, vector<1x16xf32>,
        %get3A_1179 = arith.index_cast %scan3A_1088 : i32 to index
        %get3A_1180 = arith.constant 400 : index
        %get3A_1181 = tpu.vector_load %arg7[%get3A_1179, %get3A_1180] {strides = array<i32>} : memref<8x1024xf32, #tpu.memory_space<vmem>>, vector<1x16xf32>,
        %get3A_1182 = vector.shape_cast %get3A_1181 : vector<1x16xf32> to vector<16xf32>
        %add3A_1183 = arith.addf %get3A_1182, %get3A_686 : vector<16xf32>
        %swap3A_1184 = arith.index_cast %scan3A_1088 : i32 to index
        %swap3A_1185 = arith.constant 400 : index
        %swap3A_1186 = tpu.vector_load %arg11[%swap3A_1184, %swap3A_1185] {strides = array<i32>} : memref<8x1024xf32, #tpu.memory_space<vmem>>, vector<1x16xf32>,
        %swap3A_1187 = vector.shape_cast %swap3A_1186 : vector<1x16xf32> to vector<16xf32>
        %swap3A_1188 = vector.shape_cast %add3A_1183 : vector<16xf32> to vector<1x16xf32>
        tpu.vector_store %arg11[%swap3A_1184, %swap3A_1185], %swap3A_1188 {strides = array<i32>} : memref<8x1024xf32, #tpu.memory_space<vmem>>, vector<1x16xf32>,
        %get3A_1189 = arith.index_cast %scan3A_1088 : i32 to index
        %get3A_1190 = arith.constant 416 : index
        %get3A_1191 = tpu.vector_load %arg7[%get3A_1189, %get3A_1190] {strides = array<i32>} : memref<8x1024xf32, #tpu.memory_space<vmem>>, vector<1x16xf32>,
        %get3A_1192 = vector.shape_cast %get3A_1191 : vector<1x16xf32> to vector<16xf32>
        %add3A_1193 = arith.addf %get3A_1192, %get3A_689 : vector<16xf32>
        %swap3A_1194 = arith.index_cast %scan3A_1088 : i32 to index
        %swap3A_1195 = arith.constant 416 : index
        %swap3A_1196 = tpu.vector_load %arg11[%swap3A_1194, %swap3A_1195] {strides = array<i32>} : memref<8x1024xf32, #tpu.memory_space<vmem>>, vector<1x16xf32>,
        %swap3A_1197 = vector.shape_cast %swap3A_1196 : vector<1x16xf32> to vector<16xf32>
        %swap3A_1198 = vector.shape_cast %add3A_1193 : vector<16xf32> to vector<1x16xf32>
        tpu.vector_store %arg11[%swap3A_1194, %swap3A_1195], %swap3A_1198 {strides = array<i32>} : memref<8x1024xf32, #tpu.memory_space<vmem>>, vector<1x16xf32>,
        %get3A_1199 = arith.index_cast %scan3A_1088 : i32 to index
        %get3A_1200 = arith.constant 432 : index
        %get3A_1201 = tpu.vector_load %arg7[%get3A_1199, %get3A_1200] {strides = array<i32>} : memref<8x1024xf32, #tpu.memory_space<vmem>>, vector<1x16xf32>,
        %get3A_1202 = vector.shape_cast %get3A_1201 : vector<1x16xf32> to vector<16xf32>
        %add3A_1203 = arith.addf %get3A_1202, %get3A_692 : vector<16xf32>
        %swap3A_1204 = arith.index_cast %scan3A_1088 : i32 to index
        %swap3A_1205 = arith.constant 432 : index
        %swap3A_1206 = tpu.vector_load %arg11[%swap3A_1204, %swap3A_1205] {strides = array<i32>} : memref<8x1024xf32, #tpu.memory_space<vmem>>, vector<1x16xf32>,
        %swap3A_1207 = vector.shape_cast %swap3A_1206 : vector<1x16xf32> to vector<16xf32>
        %swap3A_1208 = vector.shape_cast %add3A_1203 : vector<16xf32> to vector<1x16xf32>
        tpu.vector_store %arg11[%swap3A_1204, %swap3A_1205], %swap3A_1208 {strides = array<i32>} : memref<8x1024xf32, #tpu.memory_space<vmem>>, vector<1x16xf32>,
        %get3A_1209 = arith.index_cast %scan3A_1088 : i32 to index
        %get3A_1210 = arith.constant 448 : index
        %get3A_1211 = tpu.vector_load %arg7[%get3A_1209, %get3A_1210] {strides = array<i32>} : memref<8x1024xf32, #tpu.memory_space<vmem>>, vector<1x16xf32>,
        %get3A_1212 = vector.shape_cast %get3A_1211 : vector<1x16xf32> to vector<16xf32>
        %add3A_1213 = arith.addf %get3A_1212, %get3A_695 : vector<16xf32>
        %swap3A_1214 = arith.index_cast %scan3A_1088 : i32 to index
        %swap3A_1215 = arith.constant 448 : index
        %swap3A_1216 = tpu.vector_load %arg11[%swap3A_1214, %swap3A_1215] {strides = array<i32>} : memref<8x1024xf32, #tpu.memory_space<vmem>>, vector<1x16xf32>,
        %swap3A_1217 = vector.shape_cast %swap3A_1216 : vector<1x16xf32> to vector<16xf32>
        %swap3A_1218 = vector.shape_cast %add3A_1213 : vector<16xf32> to vector<1x16xf32>
        tpu.vector_store %arg11[%swap3A_1214, %swap3A_1215], %swap3A_1218 {strides = array<i32>} : memref<8x1024xf32, #tpu.memory_space<vmem>>, vector<1x16xf32>,
        %get3A_1219 = arith.index_cast %scan3A_1088 : i32 to index
        %get3A_1220 = arith.constant 464 : index
        %get3A_1221 = tpu.vector_load %arg7[%get3A_1219, %get3A_1220] {strides = array<i32>} : memref<8x1024xf32, #tpu.memory_space<vmem>>, vector<1x16xf32>,
        %get3A_1222 = vector.shape_cast %get3A_1221 : vector<1x16xf32> to vector<16xf32>
        %add3A_1223 = arith.addf %get3A_1222, %get3A_698 : vector<16xf32>
        %swap3A_1224 = arith.index_cast %scan3A_1088 : i32 to index
        %swap3A_1225 = arith.constant 464 : index
        %swap3A_1226 = tpu.vector_load %arg11[%swap3A_1224, %swap3A_1225] {strides = array<i32>} : memref<8x1024xf32, #tpu.memory_space<vmem>>, vector<1x16xf32>,
        %swap3A_1227 = vector.shape_cast %swap3A_1226 : vector<1x16xf32> to vector<16xf32>
        %swap3A_1228 = vector.shape_cast %add3A_1223 : vector<16xf32> to vector<1x16xf32>
        tpu.vector_store %arg11[%swap3A_1224, %swap3A_1225], %swap3A_1228 {strides = array<i32>} : memref<8x1024xf32, #tpu.memory_space<vmem>>, vector<1x16xf32>,
        %get3A_1229 = arith.index_cast %scan3A_1088 : i32 to index
        %get3A_1230 = arith.constant 480 : index
        %get3A_1231 = tpu.vector_load %arg7[%get3A_1229, %get3A_1230] {strides = array<i32>} : memref<8x1024xf32, #tpu.memory_space<vmem>>, vector<1x16xf32>,
        %get3A_1232 = vector.shape_cast %get3A_1231 : vector<1x16xf32> to vector<16xf32>
        %add3A_1233 = arith.addf %get3A_1232, %get3A_701 : vector<16xf32>
        %swap3A_1234 = arith.index_cast %scan3A_1088 : i32 to index
        %swap3A_1235 = arith.constant 480 : index
        %swap3A_1236 = tpu.vector_load %arg11[%swap3A_1234, %swap3A_1235] {strides = array<i32>} : memref<8x1024xf32, #tpu.memory_space<vmem>>, vector<1x16xf32>,
        %swap3A_1237 = vector.shape_cast %swap3A_1236 : vector<1x16xf32> to vector<16xf32>
        %swap3A_1238 = vector.shape_cast %add3A_1233 : vector<16xf32> to vector<1x16xf32>
        tpu.vector_store %arg11[%swap3A_1234, %swap3A_1235], %swap3A_1238 {strides = array<i32>} : memref<8x1024xf32, #tpu.memory_space<vmem>>, vector<1x16xf32>,
        %get3A_1239 = arith.index_cast %scan3A_1088 : i32 to index
        %get3A_1240 = arith.constant 496 : index
        %get3A_1241 = tpu.vector_load %arg7[%get3A_1239, %get3A_1240] {strides = array<i32>} : memref<8x1024xf32, #tpu.memory_space<vmem>>, vector<1x16xf32>,
        %get3A_1242 = vector.shape_cast %get3A_1241 : vector<1x16xf32> to vector<16xf32>
        %add3A_1243 = arith.addf %get3A_1242, %get3A_704 : vector<16xf32>
        %swap3A_1244 = arith.index_cast %scan3A_1088 : i32 to index
        %swap3A_1245 = arith.constant 496 : index
        %swap3A_1246 = tpu.vector_load %arg11[%swap3A_1244, %swap3A_1245] {strides = array<i32>} : memref<8x1024xf32, #tpu.memory_space<vmem>>, vector<1x16xf32>,
        %swap3A_1247 = vector.shape_cast %swap3A_1246 : vector<1x16xf32> to vector<16xf32>
        %swap3A_1248 = vector.shape_cast %add3A_1243 : vector<16xf32> to vector<1x16xf32>
        tpu.vector_store %arg11[%swap3A_1244, %swap3A_1245], %swap3A_1248 {strides = array<i32>} : memref<8x1024xf32, #tpu.memory_space<vmem>>, vector<1x16xf32>,
        %scan3A_1249 = arith.constant 0 : i32
        scf.yield %scan3A_1249 : i32
      }
      %scan3A_711 = arith.constant 8 : i32
      %get3A_712 = arith.constant 512 : index
      %get3A_713 = tpu.vector_load %arg13[%get3A_712] {strides = array<i32>} : memref<1024xf32, #tpu.memory_space<vmem>>, vector<16xf32>,
      %get3A_714 = vector.shape_cast %get3A_713 : vector<16xf32> to vector<16xf32>
      %get3A_715 = arith.constant 528 : index
      %get3A_716 = tpu.vector_load %arg13[%get3A_715] {strides = array<i32>} : memref<1024xf32, #tpu.memory_space<vmem>>, vector<16xf32>,
      %get3A_717 = vector.shape_cast %get3A_716 : vector<16xf32> to vector<16xf32>
      %get3A_718 = arith.constant 544 : index
      %get3A_719 = tpu.vector_load %arg13[%get3A_718] {strides = array<i32>} : memref<1024xf32, #tpu.memory_space<vmem>>, vector<16xf32>,
      %get3A_720 = vector.shape_cast %get3A_719 : vector<16xf32> to vector<16xf32>
      %get3A_721 = arith.constant 560 : index
      %get3A_722 = tpu.vector_load %arg13[%get3A_721] {strides = array<i32>} : memref<1024xf32, #tpu.memory_space<vmem>>, vector<16xf32>,
      %get3A_723 = vector.shape_cast %get3A_722 : vector<16xf32> to vector<16xf32>
      %get3A_724 = arith.constant 576 : index
      %get3A_725 = tpu.vector_load %arg13[%get3A_724] {strides = array<i32>} : memref<1024xf32, #tpu.memory_space<vmem>>, vector<16xf32>,
      %get3A_726 = vector.shape_cast %get3A_725 : vector<16xf32> to vector<16xf32>
      %get3A_727 = arith.constant 592 : index
      %get3A_728 = tpu.vector_load %arg13[%get3A_727] {strides = array<i32>} : memref<1024xf32, #tpu.memory_space<vmem>>, vector<16xf32>,
      %get3A_729 = vector.shape_cast %get3A_728 : vector<16xf32> to vector<16xf32>
      %get3A_730 = arith.constant 608 : index
      %get3A_731 = tpu.vector_load %arg13[%get3A_730] {strides = array<i32>} : memref<1024xf32, #tpu.memory_space<vmem>>, vector<16xf32>,
      %get3A_732 = vector.shape_cast %get3A_731 : vector<16xf32> to vector<16xf32>
      %get3A_733 = arith.constant 624 : index
      %get3A_734 = tpu.vector_load %arg13[%get3A_733] {strides = array<i32>} : memref<1024xf32, #tpu.memory_space<vmem>>, vector<16xf32>,
      %get3A_735 = vector.shape_cast %get3A_734 : vector<16xf32> to vector<16xf32>
      %get3A_736 = arith.constant 640 : index
      %get3A_737 = tpu.vector_load %arg13[%get3A_736] {strides = array<i32>} : memref<1024xf32, #tpu.memory_space<vmem>>, vector<16xf32>,
      %get3A_738 = vector.shape_cast %get3A_737 : vector<16xf32> to vector<16xf32>
      %get3A_739 = arith.constant 656 : index
      %get3A_740 = tpu.vector_load %arg13[%get3A_739] {strides = array<i32>} : memref<1024xf32, #tpu.memory_space<vmem>>, vector<16xf32>,
      %get3A_741 = vector.shape_cast %get3A_740 : vector<16xf32> to vector<16xf32>
      %get3A_742 = arith.constant 672 : index
      %get3A_743 = tpu.vector_load %arg13[%get3A_742] {strides = array<i32>} : memref<1024xf32, #tpu.memory_space<vmem>>, vector<16xf32>,
      %get3A_744 = vector.shape_cast %get3A_743 : vector<16xf32> to vector<16xf32>
      %get3A_745 = arith.constant 688 : index
      %get3A_746 = tpu.vector_load %arg13[%get3A_745] {strides = array<i32>} : memref<1024xf32, #tpu.memory_space<vmem>>, vector<16xf32>,
      %get3A_747 = vector.shape_cast %get3A_746 : vector<16xf32> to vector<16xf32>
      %get3A_748 = arith.constant 704 : index
      %get3A_749 = tpu.vector_load %arg13[%get3A_748] {strides = array<i32>} : memref<1024xf32, #tpu.memory_space<vmem>>, vector<16xf32>,
      %get3A_750 = vector.shape_cast %get3A_749 : vector<16xf32> to vector<16xf32>
      %get3A_751 = arith.constant 720 : index
      %get3A_752 = tpu.vector_load %arg13[%get3A_751] {strides = array<i32>} : memref<1024xf32, #tpu.memory_space<vmem>>, vector<16xf32>,
      %get3A_753 = vector.shape_cast %get3A_752 : vector<16xf32> to vector<16xf32>
      %get3A_754 = arith.constant 736 : index
      %get3A_755 = tpu.vector_load %arg13[%get3A_754] {strides = array<i32>} : memref<1024xf32, #tpu.memory_space<vmem>>, vector<16xf32>,
      %get3A_756 = vector.shape_cast %get3A_755 : vector<16xf32> to vector<16xf32>
      %get3A_757 = arith.constant 752 : index
      %get3A_758 = tpu.vector_load %arg13[%get3A_757] {strides = array<i32>} : memref<1024xf32, #tpu.memory_space<vmem>>, vector<16xf32>,
      %get3A_759 = vector.shape_cast %get3A_758 : vector<16xf32> to vector<16xf32>
      %scan3A_760 = arith.constant 0 : i32
      %scan3A_761 = arith.constant 0 : i32
      %scan3A_762 = arith.constant 8 : i32
      %scan3A_763 = arith.addi %scan3A_761, %scan3A_762 : i32
      %scan3A_764 = arith.constant 1 : i32
      %scan3A_765 = scf.for %scan3A_1088 = %scan3A_761 to %scan3A_763 step %scan3A_764 iter_args(%scan3A_1089 = %scan3A_760) -> (i32)  : i32 {
        %get3A_1090 = arith.index_cast %scan3A_1088 : i32 to index
        %get3A_1091 = arith.constant 512 : index
        %get3A_1092 = tpu.vector_load %arg7[%get3A_1090, %get3A_1091] {strides = array<i32>} : memref<8x1024xf32, #tpu.memory_space<vmem>>, vector<1x16xf32>,
        %get3A_1093 = vector.shape_cast %get3A_1092 : vector<1x16xf32> to vector<16xf32>
        %add3A_1094 = arith.addf %get3A_1093, %get3A_714 : vector<16xf32>
        %swap3A = arith.index_cast %scan3A_1088 : i32 to index
        %swap3A_1095 = arith.constant 512 : index
        %swap3A_1096 = tpu.vector_load %arg11[%swap3A, %swap3A_1095] {strides = array<i32>} : memref<8x1024xf32, #tpu.memory_space<vmem>>, vector<1x16xf32>,
        %swap3A_1097 = vector.shape_cast %swap3A_1096 : vector<1x16xf32> to vector<16xf32>
        %swap3A_1098 = vector.shape_cast %add3A_1094 : vector<16xf32> to vector<1x16xf32>
        tpu.vector_store %arg11[%swap3A, %swap3A_1095], %swap3A_1098 {strides = array<i32>} : memref<8x1024xf32, #tpu.memory_space<vmem>>, vector<1x16xf32>,
        %get3A_1099 = arith.index_cast %scan3A_1088 : i32 to index
        %get3A_1100 = arith.constant 528 : index
        %get3A_1101 = tpu.vector_load %arg7[%get3A_1099, %get3A_1100] {strides = array<i32>} : memref<8x1024xf32, #tpu.memory_space<vmem>>, vector<1x16xf32>,
        %get3A_1102 = vector.shape_cast %get3A_1101 : vector<1x16xf32> to vector<16xf32>
        %add3A_1103 = arith.addf %get3A_1102, %get3A_717 : vector<16xf32>
        %swap3A_1104 = arith.index_cast %scan3A_1088 : i32 to index
        %swap3A_1105 = arith.constant 528 : index
        %swap3A_1106 = tpu.vector_load %arg11[%swap3A_1104, %swap3A_1105] {strides = array<i32>} : memref<8x1024xf32, #tpu.memory_space<vmem>>, vector<1x16xf32>,
        %swap3A_1107 = vector.shape_cast %swap3A_1106 : vector<1x16xf32> to vector<16xf32>
        %swap3A_1108 = vector.shape_cast %add3A_1103 : vector<16xf32> to vector<1x16xf32>
        tpu.vector_store %arg11[%swap3A_1104, %swap3A_1105], %swap3A_1108 {strides = array<i32>} : memref<8x1024xf32, #tpu.memory_space<vmem>>, vector<1x16xf32>,
        %get3A_1109 = arith.index_cast %scan3A_1088 : i32 to index
        %get3A_1110 = arith.constant 544 : index
        %get3A_1111 = tpu.vector_load %arg7[%get3A_1109, %get3A_1110] {strides = array<i32>} : memref<8x1024xf32, #tpu.memory_space<vmem>>, vector<1x16xf32>,
        %get3A_1112 = vector.shape_cast %get3A_1111 : vector<1x16xf32> to vector<16xf32>
        %add3A_1113 = arith.addf %get3A_1112, %get3A_720 : vector<16xf32>
        %swap3A_1114 = arith.index_cast %scan3A_1088 : i32 to index
        %swap3A_1115 = arith.constant 544 : index
        %swap3A_1116 = tpu.vector_load %arg11[%swap3A_1114, %swap3A_1115] {strides = array<i32>} : memref<8x1024xf32, #tpu.memory_space<vmem>>, vector<1x16xf32>,
        %swap3A_1117 = vector.shape_cast %swap3A_1116 : vector<1x16xf32> to vector<16xf32>
        %swap3A_1118 = vector.shape_cast %add3A_1113 : vector<16xf32> to vector<1x16xf32>
        tpu.vector_store %arg11[%swap3A_1114, %swap3A_1115], %swap3A_1118 {strides = array<i32>} : memref<8x1024xf32, #tpu.memory_space<vmem>>, vector<1x16xf32>,
        %get3A_1119 = arith.index_cast %scan3A_1088 : i32 to index
        %get3A_1120 = arith.constant 560 : index
        %get3A_1121 = tpu.vector_load %arg7[%get3A_1119, %get3A_1120] {strides = array<i32>} : memref<8x1024xf32, #tpu.memory_space<vmem>>, vector<1x16xf32>,
        %get3A_1122 = vector.shape_cast %get3A_1121 : vector<1x16xf32> to vector<16xf32>
        %add3A_1123 = arith.addf %get3A_1122, %get3A_723 : vector<16xf32>
        %swap3A_1124 = arith.index_cast %scan3A_1088 : i32 to index
        %swap3A_1125 = arith.constant 560 : index
        %swap3A_1126 = tpu.vector_load %arg11[%swap3A_1124, %swap3A_1125] {strides = array<i32>} : memref<8x1024xf32, #tpu.memory_space<vmem>>, vector<1x16xf32>,
        %swap3A_1127 = vector.shape_cast %swap3A_1126 : vector<1x16xf32> to vector<16xf32>
        %swap3A_1128 = vector.shape_cast %add3A_1123 : vector<16xf32> to vector<1x16xf32>
        tpu.vector_store %arg11[%swap3A_1124, %swap3A_1125], %swap3A_1128 {strides = array<i32>} : memref<8x1024xf32, #tpu.memory_space<vmem>>, vector<1x16xf32>,
        %get3A_1129 = arith.index_cast %scan3A_1088 : i32 to index
        %get3A_1130 = arith.constant 576 : index
        %get3A_1131 = tpu.vector_load %arg7[%get3A_1129, %get3A_1130] {strides = array<i32>} : memref<8x1024xf32, #tpu.memory_space<vmem>>, vector<1x16xf32>,
        %get3A_1132 = vector.shape_cast %get3A_1131 : vector<1x16xf32> to vector<16xf32>
        %add3A_1133 = arith.addf %get3A_1132, %get3A_726 : vector<16xf32>
        %swap3A_1134 = arith.index_cast %scan3A_1088 : i32 to index
        %swap3A_1135 = arith.constant 576 : index
        %swap3A_1136 = tpu.vector_load %arg11[%swap3A_1134, %swap3A_1135] {strides = array<i32>} : memref<8x1024xf32, #tpu.memory_space<vmem>>, vector<1x16xf32>,
        %swap3A_1137 = vector.shape_cast %swap3A_1136 : vector<1x16xf32> to vector<16xf32>
        %swap3A_1138 = vector.shape_cast %add3A_1133 : vector<16xf32> to vector<1x16xf32>
        tpu.vector_store %arg11[%swap3A_1134, %swap3A_1135], %swap3A_1138 {strides = array<i32>} : memref<8x1024xf32, #tpu.memory_space<vmem>>, vector<1x16xf32>,
        %get3A_1139 = arith.index_cast %scan3A_1088 : i32 to index
        %get3A_1140 = arith.constant 592 : index
        %get3A_1141 = tpu.vector_load %arg7[%get3A_1139, %get3A_1140] {strides = array<i32>} : memref<8x1024xf32, #tpu.memory_space<vmem>>, vector<1x16xf32>,
        %get3A_1142 = vector.shape_cast %get3A_1141 : vector<1x16xf32> to vector<16xf32>
        %add3A_1143 = arith.addf %get3A_1142, %get3A_729 : vector<16xf32>
        %swap3A_1144 = arith.index_cast %scan3A_1088 : i32 to index
        %swap3A_1145 = arith.constant 592 : index
        %swap3A_1146 = tpu.vector_load %arg11[%swap3A_1144, %swap3A_1145] {strides = array<i32>} : memref<8x1024xf32, #tpu.memory_space<vmem>>, vector<1x16xf32>,
        %swap3A_1147 = vector.shape_cast %swap3A_1146 : vector<1x16xf32> to vector<16xf32>
        %swap3A_1148 = vector.shape_cast %add3A_1143 : vector<16xf32> to vector<1x16xf32>
        tpu.vector_store %arg11[%swap3A_1144, %swap3A_1145], %swap3A_1148 {strides = array<i32>} : memref<8x1024xf32, #tpu.memory_space<vmem>>, vector<1x16xf32>,
        %get3A_1149 = arith.index_cast %scan3A_1088 : i32 to index
        %get3A_1150 = arith.constant 608 : index
        %get3A_1151 = tpu.vector_load %arg7[%get3A_1149, %get3A_1150] {strides = array<i32>} : memref<8x1024xf32, #tpu.memory_space<vmem>>, vector<1x16xf32>,
        %get3A_1152 = vector.shape_cast %get3A_1151 : vector<1x16xf32> to vector<16xf32>
        %add3A_1153 = arith.addf %get3A_1152, %get3A_732 : vector<16xf32>
        %swap3A_1154 = arith.index_cast %scan3A_1088 : i32 to index
        %swap3A_1155 = arith.constant 608 : index
        %swap3A_1156 = tpu.vector_load %arg11[%swap3A_1154, %swap3A_1155] {strides = array<i32>} : memref<8x1024xf32, #tpu.memory_space<vmem>>, vector<1x16xf32>,
        %swap3A_1157 = vector.shape_cast %swap3A_1156 : vector<1x16xf32> to vector<16xf32>
        %swap3A_1158 = vector.shape_cast %add3A_1153 : vector<16xf32> to vector<1x16xf32>
        tpu.vector_store %arg11[%swap3A_1154, %swap3A_1155], %swap3A_1158 {strides = array<i32>} : memref<8x1024xf32, #tpu.memory_space<vmem>>, vector<1x16xf32>,
        %get3A_1159 = arith.index_cast %scan3A_1088 : i32 to index
        %get3A_1160 = arith.constant 624 : index
        %get3A_1161 = tpu.vector_load %arg7[%get3A_1159, %get3A_1160] {strides = array<i32>} : memref<8x1024xf32, #tpu.memory_space<vmem>>, vector<1x16xf32>,
        %get3A_1162 = vector.shape_cast %get3A_1161 : vector<1x16xf32> to vector<16xf32>
        %add3A_1163 = arith.addf %get3A_1162, %get3A_735 : vector<16xf32>
        %swap3A_1164 = arith.index_cast %scan3A_1088 : i32 to index
        %swap3A_1165 = arith.constant 624 : index
        %swap3A_1166 = tpu.vector_load %arg11[%swap3A_1164, %swap3A_1165] {strides = array<i32>} : memref<8x1024xf32, #tpu.memory_space<vmem>>, vector<1x16xf32>,
        %swap3A_1167 = vector.shape_cast %swap3A_1166 : vector<1x16xf32> to vector<16xf32>
        %swap3A_1168 = vector.shape_cast %add3A_1163 : vector<16xf32> to vector<1x16xf32>
        tpu.vector_store %arg11[%swap3A_1164, %swap3A_1165], %swap3A_1168 {strides = array<i32>} : memref<8x1024xf32, #tpu.memory_space<vmem>>, vector<1x16xf32>,
        %get3A_1169 = arith.index_cast %scan3A_1088 : i32 to index
        %get3A_1170 = arith.constant 640 : index
        %get3A_1171 = tpu.vector_load %arg7[%get3A_1169, %get3A_1170] {strides = array<i32>} : memref<8x1024xf32, #tpu.memory_space<vmem>>, vector<1x16xf32>,
        %get3A_1172 = vector.shape_cast %get3A_1171 : vector<1x16xf32> to vector<16xf32>
        %add3A_1173 = arith.addf %get3A_1172, %get3A_738 : vector<16xf32>
        %swap3A_1174 = arith.index_cast %scan3A_1088 : i32 to index
        %swap3A_1175 = arith.constant 640 : index
        %swap3A_1176 = tpu.vector_load %arg11[%swap3A_1174, %swap3A_1175] {strides = array<i32>} : memref<8x1024xf32, #tpu.memory_space<vmem>>, vector<1x16xf32>,
        %swap3A_1177 = vector.shape_cast %swap3A_1176 : vector<1x16xf32> to vector<16xf32>
        %swap3A_1178 = vector.shape_cast %add3A_1173 : vector<16xf32> to vector<1x16xf32>
        tpu.vector_store %arg11[%swap3A_1174, %swap3A_1175], %swap3A_1178 {strides = array<i32>} : memref<8x1024xf32, #tpu.memory_space<vmem>>, vector<1x16xf32>,
        %get3A_1179 = arith.index_cast %scan3A_1088 : i32 to index
        %get3A_1180 = arith.constant 656 : index
        %get3A_1181 = tpu.vector_load %arg7[%get3A_1179, %get3A_1180] {strides = array<i32>} : memref<8x1024xf32, #tpu.memory_space<vmem>>, vector<1x16xf32>,
        %get3A_1182 = vector.shape_cast %get3A_1181 : vector<1x16xf32> to vector<16xf32>
        %add3A_1183 = arith.addf %get3A_1182, %get3A_741 : vector<16xf32>
        %swap3A_1184 = arith.index_cast %scan3A_1088 : i32 to index
        %swap3A_1185 = arith.constant 656 : index
        %swap3A_1186 = tpu.vector_load %arg11[%swap3A_1184, %swap3A_1185] {strides = array<i32>} : memref<8x1024xf32, #tpu.memory_space<vmem>>, vector<1x16xf32>,
        %swap3A_1187 = vector.shape_cast %swap3A_1186 : vector<1x16xf32> to vector<16xf32>
        %swap3A_1188 = vector.shape_cast %add3A_1183 : vector<16xf32> to vector<1x16xf32>
        tpu.vector_store %arg11[%swap3A_1184, %swap3A_1185], %swap3A_1188 {strides = array<i32>} : memref<8x1024xf32, #tpu.memory_space<vmem>>, vector<1x16xf32>,
        %get3A_1189 = arith.index_cast %scan3A_1088 : i32 to index
        %get3A_1190 = arith.constant 672 : index
        %get3A_1191 = tpu.vector_load %arg7[%get3A_1189, %get3A_1190] {strides = array<i32>} : memref<8x1024xf32, #tpu.memory_space<vmem>>, vector<1x16xf32>,
        %get3A_1192 = vector.shape_cast %get3A_1191 : vector<1x16xf32> to vector<16xf32>
        %add3A_1193 = arith.addf %get3A_1192, %get3A_744 : vector<16xf32>
        %swap3A_1194 = arith.index_cast %scan3A_1088 : i32 to index
        %swap3A_1195 = arith.constant 672 : index
        %swap3A_1196 = tpu.vector_load %arg11[%swap3A_1194, %swap3A_1195] {strides = array<i32>} : memref<8x1024xf32, #tpu.memory_space<vmem>>, vector<1x16xf32>,
        %swap3A_1197 = vector.shape_cast %swap3A_1196 : vector<1x16xf32> to vector<16xf32>
        %swap3A_1198 = vector.shape_cast %add3A_1193 : vector<16xf32> to vector<1x16xf32>
        tpu.vector_store %arg11[%swap3A_1194, %swap3A_1195], %swap3A_1198 {strides = array<i32>} : memref<8x1024xf32, #tpu.memory_space<vmem>>, vector<1x16xf32>,
        %get3A_1199 = arith.index_cast %scan3A_1088 : i32 to index
        %get3A_1200 = arith.constant 688 : index
        %get3A_1201 = tpu.vector_load %arg7[%get3A_1199, %get3A_1200] {strides = array<i32>} : memref<8x1024xf32, #tpu.memory_space<vmem>>, vector<1x16xf32>,
        %get3A_1202 = vector.shape_cast %get3A_1201 : vector<1x16xf32> to vector<16xf32>
        %add3A_1203 = arith.addf %get3A_1202, %get3A_747 : vector<16xf32>
        %swap3A_1204 = arith.index_cast %scan3A_1088 : i32 to index
        %swap3A_1205 = arith.constant 688 : index
        %swap3A_1206 = tpu.vector_load %arg11[%swap3A_1204, %swap3A_1205] {strides = array<i32>} : memref<8x1024xf32, #tpu.memory_space<vmem>>, vector<1x16xf32>,
        %swap3A_1207 = vector.shape_cast %swap3A_1206 : vector<1x16xf32> to vector<16xf32>
        %swap3A_1208 = vector.shape_cast %add3A_1203 : vector<16xf32> to vector<1x16xf32>
        tpu.vector_store %arg11[%swap3A_1204, %swap3A_1205], %swap3A_1208 {strides = array<i32>} : memref<8x1024xf32, #tpu.memory_space<vmem>>, vector<1x16xf32>,
        %get3A_1209 = arith.index_cast %scan3A_1088 : i32 to index
        %get3A_1210 = arith.constant 704 : index
        %get3A_1211 = tpu.vector_load %arg7[%get3A_1209, %get3A_1210] {strides = array<i32>} : memref<8x1024xf32, #tpu.memory_space<vmem>>, vector<1x16xf32>,
        %get3A_1212 = vector.shape_cast %get3A_1211 : vector<1x16xf32> to vector<16xf32>
        %add3A_1213 = arith.addf %get3A_1212, %get3A_750 : vector<16xf32>
        %swap3A_1214 = arith.index_cast %scan3A_1088 : i32 to index
        %swap3A_1215 = arith.constant 704 : index
        %swap3A_1216 = tpu.vector_load %arg11[%swap3A_1214, %swap3A_1215] {strides = array<i32>} : memref<8x1024xf32, #tpu.memory_space<vmem>>, vector<1x16xf32>,
        %swap3A_1217 = vector.shape_cast %swap3A_1216 : vector<1x16xf32> to vector<16xf32>
        %swap3A_1218 = vector.shape_cast %add3A_1213 : vector<16xf32> to vector<1x16xf32>
        tpu.vector_store %arg11[%swap3A_1214, %swap3A_1215], %swap3A_1218 {strides = array<i32>} : memref<8x1024xf32, #tpu.memory_space<vmem>>, vector<1x16xf32>,
        %get3A_1219 = arith.index_cast %scan3A_1088 : i32 to index
        %get3A_1220 = arith.constant 720 : index
        %get3A_1221 = tpu.vector_load %arg7[%get3A_1219, %get3A_1220] {strides = array<i32>} : memref<8x1024xf32, #tpu.memory_space<vmem>>, vector<1x16xf32>,
        %get3A_1222 = vector.shape_cast %get3A_1221 : vector<1x16xf32> to vector<16xf32>
        %add3A_1223 = arith.addf %get3A_1222, %get3A_753 : vector<16xf32>
        %swap3A_1224 = arith.index_cast %scan3A_1088 : i32 to index
        %swap3A_1225 = arith.constant 720 : index
        %swap3A_1226 = tpu.vector_load %arg11[%swap3A_1224, %swap3A_1225] {strides = array<i32>} : memref<8x1024xf32, #tpu.memory_space<vmem>>, vector<1x16xf32>,
        %swap3A_1227 = vector.shape_cast %swap3A_1226 : vector<1x16xf32> to vector<16xf32>
        %swap3A_1228 = vector.shape_cast %add3A_1223 : vector<16xf32> to vector<1x16xf32>
        tpu.vector_store %arg11[%swap3A_1224, %swap3A_1225], %swap3A_1228 {strides = array<i32>} : memref<8x1024xf32, #tpu.memory_space<vmem>>, vector<1x16xf32>,
        %get3A_1229 = arith.index_cast %scan3A_1088 : i32 to index
        %get3A_1230 = arith.constant 736 : index
        %get3A_1231 = tpu.vector_load %arg7[%get3A_1229, %get3A_1230] {strides = array<i32>} : memref<8x1024xf32, #tpu.memory_space<vmem>>, vector<1x16xf32>,
        %get3A_1232 = vector.shape_cast %get3A_1231 : vector<1x16xf32> to vector<16xf32>
        %add3A_1233 = arith.addf %get3A_1232, %get3A_756 : vector<16xf32>
        %swap3A_1234 = arith.index_cast %scan3A_1088 : i32 to index
        %swap3A_1235 = arith.constant 736 : index
        %swap3A_1236 = tpu.vector_load %arg11[%swap3A_1234, %swap3A_1235] {strides = array<i32>} : memref<8x1024xf32, #tpu.memory_space<vmem>>, vector<1x16xf32>,
        %swap3A_1237 = vector.shape_cast %swap3A_1236 : vector<1x16xf32> to vector<16xf32>
        %swap3A_1238 = vector.shape_cast %add3A_1233 : vector<16xf32> to vector<1x16xf32>
        tpu.vector_store %arg11[%swap3A_1234, %swap3A_1235], %swap3A_1238 {strides = array<i32>} : memref<8x1024xf32, #tpu.memory_space<vmem>>, vector<1x16xf32>,
        %get3A_1239 = arith.index_cast %scan3A_1088 : i32 to index
        %get3A_1240 = arith.constant 752 : index
        %get3A_1241 = tpu.vector_load %arg7[%get3A_1239, %get3A_1240] {strides = array<i32>} : memref<8x1024xf32, #tpu.memory_space<vmem>>, vector<1x16xf32>,
        %get3A_1242 = vector.shape_cast %get3A_1241 : vector<1x16xf32> to vector<16xf32>
        %add3A_1243 = arith.addf %get3A_1242, %get3A_759 : vector<16xf32>
        %swap3A_1244 = arith.index_cast %scan3A_1088 : i32 to index
        %swap3A_1245 = arith.constant 752 : index
        %swap3A_1246 = tpu.vector_load %arg11[%swap3A_1244, %swap3A_1245] {strides = array<i32>} : memref<8x1024xf32, #tpu.memory_space<vmem>>, vector<1x16xf32>,
        %swap3A_1247 = vector.shape_cast %swap3A_1246 : vector<1x16xf32> to vector<16xf32>
        %swap3A_1248 = vector.shape_cast %add3A_1243 : vector<16xf32> to vector<1x16xf32>
        tpu.vector_store %arg11[%swap3A_1244, %swap3A_1245], %swap3A_1248 {strides = array<i32>} : memref<8x1024xf32, #tpu.memory_space<vmem>>, vector<1x16xf32>,
        %scan3A_1249 = arith.constant 0 : i32
        scf.yield %scan3A_1249 : i32
      }
      %scan3A_766 = arith.constant 8 : i32
      %get3A_767 = arith.constant 768 : index
      %get3A_768 = tpu.vector_load %arg13[%get3A_767] {strides = array<i32>} : memref<1024xf32, #tpu.memory_space<vmem>>, vector<16xf32>,
      %get3A_769 = vector.shape_cast %get3A_768 : vector<16xf32> to vector<16xf32>
      %get3A_770 = arith.constant 784 : index
      %get3A_771 = tpu.vector_load %arg13[%get3A_770] {strides = array<i32>} : memref<1024xf32, #tpu.memory_space<vmem>>, vector<16xf32>,
      %get3A_772 = vector.shape_cast %get3A_771 : vector<16xf32> to vector<16xf32>
      %get3A_773 = arith.constant 800 : index
      %get3A_774 = tpu.vector_load %arg13[%get3A_773] {strides = array<i32>} : memref<1024xf32, #tpu.memory_space<vmem>>, vector<16xf32>,
      %get3A_775 = vector.shape_cast %get3A_774 : vector<16xf32> to vector<16xf32>
      %get3A_776 = arith.constant 816 : index
      %get3A_777 = tpu.vector_load %arg13[%get3A_776] {strides = array<i32>} : memref<1024xf32, #tpu.memory_space<vmem>>, vector<16xf32>,
      %get3A_778 = vector.shape_cast %get3A_777 : vector<16xf32> to vector<16xf32>
      %get3A_779 = arith.constant 832 : index
      %get3A_780 = tpu.vector_load %arg13[%get3A_779] {strides = array<i32>} : memref<1024xf32, #tpu.memory_space<vmem>>, vector<16xf32>,
      %get3A_781 = vector.shape_cast %get3A_780 : vector<16xf32> to vector<16xf32>
      %get3A_782 = arith.constant 848 : index
      %get3A_783 = tpu.vector_load %arg13[%get3A_782] {strides = array<i32>} : memref<1024xf32, #tpu.memory_space<vmem>>, vector<16xf32>,
      %get3A_784 = vector.shape_cast %get3A_783 : vector<16xf32> to vector<16xf32>
      %get3A_785 = arith.constant 864 : index
      %get3A_786 = tpu.vector_load %arg13[%get3A_785] {strides = array<i32>} : memref<1024xf32, #tpu.memory_space<vmem>>, vector<16xf32>,
      %get3A_787 = vector.shape_cast %get3A_786 : vector<16xf32> to vector<16xf32>
      %get3A_788 = arith.constant 880 : index
      %get3A_789 = tpu.vector_load %arg13[%get3A_788] {strides = array<i32>} : memref<1024xf32, #tpu.memory_space<vmem>>, vector<16xf32>,
      %get3A_790 = vector.shape_cast %get3A_789 : vector<16xf32> to vector<16xf32>
      %get3A_791 = arith.constant 896 : index
      %get3A_792 = tpu.vector_load %arg13[%get3A_791] {strides = array<i32>} : memref<1024xf32, #tpu.memory_space<vmem>>, vector<16xf32>,
      %get3A_793 = vector.shape_cast %get3A_792 : vector<16xf32> to vector<16xf32>
      %get3A_794 = arith.constant 912 : index
      %get3A_795 = tpu.vector_load %arg13[%get3A_794] {strides = array<i32>} : memref<1024xf32, #tpu.memory_space<vmem>>, vector<16xf32>,
      %get3A_796 = vector.shape_cast %get3A_795 : vector<16xf32> to vector<16xf32>
      %get3A_797 = arith.constant 928 : index
      %get3A_798 = tpu.vector_load %arg13[%get3A_797] {strides = array<i32>} : memref<1024xf32, #tpu.memory_space<vmem>>, vector<16xf32>,
      %get3A_799 = vector.shape_cast %get3A_798 : vector<16xf32> to vector<16xf32>
      %get3A_800 = arith.constant 944 : index
      %get3A_801 = tpu.vector_load %arg13[%get3A_800] {strides = array<i32>} : memref<1024xf32, #tpu.memory_space<vmem>>, vector<16xf32>,
      %get3A_802 = vector.shape_cast %get3A_801 : vector<16xf32> to vector<16xf32>
      %get3A_803 = arith.constant 960 : index
      %get3A_804 = tpu.vector_load %arg13[%get3A_803] {strides = array<i32>} : memref<1024xf32, #tpu.memory_space<vmem>>, vector<16xf32>,
      %get3A_805 = vector.shape_cast %get3A_804 : vector<16xf32> to vector<16xf32>
      %get3A_806 = arith.constant 976 : index
      %get3A_807 = tpu.vector_load %arg13[%get3A_806] {strides = array<i32>} : memref<1024xf32, #tpu.memory_space<vmem>>, vector<16xf32>,
      %get3A_808 = vector.shape_cast %get3A_807 : vector<16xf32> to vector<16xf32>
      %get3A_809 = arith.constant 992 : index
      %get3A_810 = tpu.vector_load %arg13[%get3A_809] {strides = array<i32>} : memref<1024xf32, #tpu.memory_space<vmem>>, vector<16xf32>,
      %get3A_811 = vector.shape_cast %get3A_810 : vector<16xf32> to vector<16xf32>
      %get3A_812 = arith.constant 1008 : index
      %get3A_813 = tpu.vector_load %arg13[%get3A_812] {strides = array<i32>} : memref<1024xf32, #tpu.memory_space<vmem>>, vector<16xf32>,
      %get3A_814 = vector.shape_cast %get3A_813 : vector<16xf32> to vector<16xf32>
      %scan3A_815 = arith.constant 0 : i32
      %scan3A_816 = arith.constant 0 : i32
      %scan3A_817 = arith.constant 8 : i32
      %scan3A_818 = arith.addi %scan3A_816, %scan3A_817 : i32
      %scan3A_819 = arith.constant 1 : i32
      %scan3A_820 = scf.for %scan3A_1088 = %scan3A_816 to %scan3A_818 step %scan3A_819 iter_args(%scan3A_1089 = %scan3A_815) -> (i32)  : i32 {
        %get3A_1090 = arith.index_cast %scan3A_1088 : i32 to index
        %get3A_1091 = arith.constant 768 : index
        %get3A_1092 = tpu.vector_load %arg7[%get3A_1090, %get3A_1091] {strides = array<i32>} : memref<8x1024xf32, #tpu.memory_space<vmem>>, vector<1x16xf32>,
        %get3A_1093 = vector.shape_cast %get3A_1092 : vector<1x16xf32> to vector<16xf32>
        %add3A_1094 = arith.addf %get3A_1093, %get3A_769 : vector<16xf32>
        %swap3A = arith.index_cast %scan3A_1088 : i32 to index
        %swap3A_1095 = arith.constant 768 : index
        %swap3A_1096 = tpu.vector_load %arg11[%swap3A, %swap3A_1095] {strides = array<i32>} : memref<8x1024xf32, #tpu.memory_space<vmem>>, vector<1x16xf32>,
        %swap3A_1097 = vector.shape_cast %swap3A_1096 : vector<1x16xf32> to vector<16xf32>
        %swap3A_1098 = vector.shape_cast %add3A_1094 : vector<16xf32> to vector<1x16xf32>
        tpu.vector_store %arg11[%swap3A, %swap3A_1095], %swap3A_1098 {strides = array<i32>} : memref<8x1024xf32, #tpu.memory_space<vmem>>, vector<1x16xf32>,
        %get3A_1099 = arith.index_cast %scan3A_1088 : i32 to index
        %get3A_1100 = arith.constant 784 : index
        %get3A_1101 = tpu.vector_load %arg7[%get3A_1099, %get3A_1100] {strides = array<i32>} : memref<8x1024xf32, #tpu.memory_space<vmem>>, vector<1x16xf32>,
        %get3A_1102 = vector.shape_cast %get3A_1101 : vector<1x16xf32> to vector<16xf32>
        %add3A_1103 = arith.addf %get3A_1102, %get3A_772 : vector<16xf32>
        %swap3A_1104 = arith.index_cast %scan3A_1088 : i32 to index
        %swap3A_1105 = arith.constant 784 : index
        %swap3A_1106 = tpu.vector_load %arg11[%swap3A_1104, %swap3A_1105] {strides = array<i32>} : memref<8x1024xf32, #tpu.memory_space<vmem>>, vector<1x16xf32>,
        %swap3A_1107 = vector.shape_cast %swap3A_1106 : vector<1x16xf32> to vector<16xf32>
        %swap3A_1108 = vector.shape_cast %add3A_1103 : vector<16xf32> to vector<1x16xf32>
        tpu.vector_store %arg11[%swap3A_1104, %swap3A_1105], %swap3A_1108 {strides = array<i32>} : memref<8x1024xf32, #tpu.memory_space<vmem>>, vector<1x16xf32>,
        %get3A_1109 = arith.index_cast %scan3A_1088 : i32 to index
        %get3A_1110 = arith.constant 800 : index
        %get3A_1111 = tpu.vector_load %arg7[%get3A_1109, %get3A_1110] {strides = array<i32>} : memref<8x1024xf32, #tpu.memory_space<vmem>>, vector<1x16xf32>,
        %get3A_1112 = vector.shape_cast %get3A_1111 : vector<1x16xf32> to vector<16xf32>
        %add3A_1113 = arith.addf %get3A_1112, %get3A_775 : vector<16xf32>
        %swap3A_1114 = arith.index_cast %scan3A_1088 : i32 to index
        %swap3A_1115 = arith.constant 800 : index
        %swap3A_1116 = tpu.vector_load %arg11[%swap3A_1114, %swap3A_1115] {strides = array<i32>} : memref<8x1024xf32, #tpu.memory_space<vmem>>, vector<1x16xf32>,
        %swap3A_1117 = vector.shape_cast %swap3A_1116 : vector<1x16xf32> to vector<16xf32>
        %swap3A_1118 = vector.shape_cast %add3A_1113 : vector<16xf32> to vector<1x16xf32>
        tpu.vector_store %arg11[%swap3A_1114, %swap3A_1115], %swap3A_1118 {strides = array<i32>} : memref<8x1024xf32, #tpu.memory_space<vmem>>, vector<1x16xf32>,
        %get3A_1119 = arith.index_cast %scan3A_1088 : i32 to index
        %get3A_1120 = arith.constant 816 : index
        %get3A_1121 = tpu.vector_load %arg7[%get3A_1119, %get3A_1120] {strides = array<i32>} : memref<8x1024xf32, #tpu.memory_space<vmem>>, vector<1x16xf32>,
        %get3A_1122 = vector.shape_cast %get3A_1121 : vector<1x16xf32> to vector<16xf32>
        %add3A_1123 = arith.addf %get3A_1122, %get3A_778 : vector<16xf32>
        %swap3A_1124 = arith.index_cast %scan3A_1088 : i32 to index
        %swap3A_1125 = arith.constant 816 : index
        %swap3A_1126 = tpu.vector_load %arg11[%swap3A_1124, %swap3A_1125] {strides = array<i32>} : memref<8x1024xf32, #tpu.memory_space<vmem>>, vector<1x16xf32>,
        %swap3A_1127 = vector.shape_cast %swap3A_1126 : vector<1x16xf32> to vector<16xf32>
        %swap3A_1128 = vector.shape_cast %add3A_1123 : vector<16xf32> to vector<1x16xf32>
        tpu.vector_store %arg11[%swap3A_1124, %swap3A_1125], %swap3A_1128 {strides = array<i32>} : memref<8x1024xf32, #tpu.memory_space<vmem>>, vector<1x16xf32>,
        %get3A_1129 = arith.index_cast %scan3A_1088 : i32 to index
        %get3A_1130 = arith.constant 832 : index
        %get3A_1131 = tpu.vector_load %arg7[%get3A_1129, %get3A_1130] {strides = array<i32>} : memref<8x1024xf32, #tpu.memory_space<vmem>>, vector<1x16xf32>,
        %get3A_1132 = vector.shape_cast %get3A_1131 : vector<1x16xf32> to vector<16xf32>
        %add3A_1133 = arith.addf %get3A_1132, %get3A_781 : vector<16xf32>
        %swap3A_1134 = arith.index_cast %scan3A_1088 : i32 to index
        %swap3A_1135 = arith.constant 832 : index
        %swap3A_1136 = tpu.vector_load %arg11[%swap3A_1134, %swap3A_1135] {strides = array<i32>} : memref<8x1024xf32, #tpu.memory_space<vmem>>, vector<1x16xf32>,
        %swap3A_1137 = vector.shape_cast %swap3A_1136 : vector<1x16xf32> to vector<16xf32>
        %swap3A_1138 = vector.shape_cast %add3A_1133 : vector<16xf32> to vector<1x16xf32>
        tpu.vector_store %arg11[%swap3A_1134, %swap3A_1135], %swap3A_1138 {strides = array<i32>} : memref<8x1024xf32, #tpu.memory_space<vmem>>, vector<1x16xf32>,
        %get3A_1139 = arith.index_cast %scan3A_1088 : i32 to index
        %get3A_1140 = arith.constant 848 : index
        %get3A_1141 = tpu.vector_load %arg7[%get3A_1139, %get3A_1140] {strides = array<i32>} : memref<8x1024xf32, #tpu.memory_space<vmem>>, vector<1x16xf32>,
        %get3A_1142 = vector.shape_cast %get3A_1141 : vector<1x16xf32> to vector<16xf32>
        %add3A_1143 = arith.addf %get3A_1142, %get3A_784 : vector<16xf32>
        %swap3A_1144 = arith.index_cast %scan3A_1088 : i32 to index
        %swap3A_1145 = arith.constant 848 : index
        %swap3A_1146 = tpu.vector_load %arg11[%swap3A_1144, %swap3A_1145] {strides = array<i32>} : memref<8x1024xf32, #tpu.memory_space<vmem>>, vector<1x16xf32>,
        %swap3A_1147 = vector.shape_cast %swap3A_1146 : vector<1x16xf32> to vector<16xf32>
        %swap3A_1148 = vector.shape_cast %add3A_1143 : vector<16xf32> to vector<1x16xf32>
        tpu.vector_store %arg11[%swap3A_1144, %swap3A_1145], %swap3A_1148 {strides = array<i32>} : memref<8x1024xf32, #tpu.memory_space<vmem>>, vector<1x16xf32>,
        %get3A_1149 = arith.index_cast %scan3A_1088 : i32 to index
        %get3A_1150 = arith.constant 864 : index
        %get3A_1151 = tpu.vector_load %arg7[%get3A_1149, %get3A_1150] {strides = array<i32>} : memref<8x1024xf32, #tpu.memory_space<vmem>>, vector<1x16xf32>,
        %get3A_1152 = vector.shape_cast %get3A_1151 : vector<1x16xf32> to vector<16xf32>
        %add3A_1153 = arith.addf %get3A_1152, %get3A_787 : vector<16xf32>
        %swap3A_1154 = arith.index_cast %scan3A_1088 : i32 to index
        %swap3A_1155 = arith.constant 864 : index
        %swap3A_1156 = tpu.vector_load %arg11[%swap3A_1154, %swap3A_1155] {strides = array<i32>} : memref<8x1024xf32, #tpu.memory_space<vmem>>, vector<1x16xf32>,
        %swap3A_1157 = vector.shape_cast %swap3A_1156 : vector<1x16xf32> to vector<16xf32>
        %swap3A_1158 = vector.shape_cast %add3A_1153 : vector<16xf32> to vector<1x16xf32>
        tpu.vector_store %arg11[%swap3A_1154, %swap3A_1155], %swap3A_1158 {strides = array<i32>} : memref<8x1024xf32, #tpu.memory_space<vmem>>, vector<1x16xf32>,
        %get3A_1159 = arith.index_cast %scan3A_1088 : i32 to index
        %get3A_1160 = arith.constant 880 : index
        %get3A_1161 = tpu.vector_load %arg7[%get3A_1159, %get3A_1160] {strides = array<i32>} : memref<8x1024xf32, #tpu.memory_space<vmem>>, vector<1x16xf32>,
        %get3A_1162 = vector.shape_cast %get3A_1161 : vector<1x16xf32> to vector<16xf32>
        %add3A_1163 = arith.addf %get3A_1162, %get3A_790 : vector<16xf32>
        %swap3A_1164 = arith.index_cast %scan3A_1088 : i32 to index
        %swap3A_1165 = arith.constant 880 : index
        %swap3A_1166 = tpu.vector_load %arg11[%swap3A_1164, %swap3A_1165] {strides = array<i32>} : memref<8x1024xf32, #tpu.memory_space<vmem>>, vector<1x16xf32>,
        %swap3A_1167 = vector.shape_cast %swap3A_1166 : vector<1x16xf32> to vector<16xf32>
        %swap3A_1168 = vector.shape_cast %add3A_1163 : vector<16xf32> to vector<1x16xf32>
        tpu.vector_store %arg11[%swap3A_1164, %swap3A_1165], %swap3A_1168 {strides = array<i32>} : memref<8x1024xf32, #tpu.memory_space<vmem>>, vector<1x16xf32>,
        %get3A_1169 = arith.index_cast %scan3A_1088 : i32 to index
        %get3A_1170 = arith.constant 896 : index
        %get3A_1171 = tpu.vector_load %arg7[%get3A_1169, %get3A_1170] {strides = array<i32>} : memref<8x1024xf32, #tpu.memory_space<vmem>>, vector<1x16xf32>,
        %get3A_1172 = vector.shape_cast %get3A_1171 : vector<1x16xf32> to vector<16xf32>
        %add3A_1173 = arith.addf %get3A_1172, %get3A_793 : vector<16xf32>
        %swap3A_1174 = arith.index_cast %scan3A_1088 : i32 to index
        %swap3A_1175 = arith.constant 896 : index
        %swap3A_1176 = tpu.vector_load %arg11[%swap3A_1174, %swap3A_1175] {strides = array<i32>} : memref<8x1024xf32, #tpu.memory_space<vmem>>, vector<1x16xf32>,
        %swap3A_1177 = vector.shape_cast %swap3A_1176 : vector<1x16xf32> to vector<16xf32>
        %swap3A_1178 = vector.shape_cast %add3A_1173 : vector<16xf32> to vector<1x16xf32>
        tpu.vector_store %arg11[%swap3A_1174, %swap3A_1175], %swap3A_1178 {strides = array<i32>} : memref<8x1024xf32, #tpu.memory_space<vmem>>, vector<1x16xf32>,
        %get3A_1179 = arith.index_cast %scan3A_1088 : i32 to index
        %get3A_1180 = arith.constant 912 : index
        %get3A_1181 = tpu.vector_load %arg7[%get3A_1179, %get3A_1180] {strides = array<i32>} : memref<8x1024xf32, #tpu.memory_space<vmem>>, vector<1x16xf32>,
        %get3A_1182 = vector.shape_cast %get3A_1181 : vector<1x16xf32> to vector<16xf32>
        %add3A_1183 = arith.addf %get3A_1182, %get3A_796 : vector<16xf32>
        %swap3A_1184 = arith.index_cast %scan3A_1088 : i32 to index
        %swap3A_1185 = arith.constant 912 : index
        %swap3A_1186 = tpu.vector_load %arg11[%swap3A_1184, %swap3A_1185] {strides = array<i32>} : memref<8x1024xf32, #tpu.memory_space<vmem>>, vector<1x16xf32>,
        %swap3A_1187 = vector.shape_cast %swap3A_1186 : vector<1x16xf32> to vector<16xf32>
        %swap3A_1188 = vector.shape_cast %add3A_1183 : vector<16xf32> to vector<1x16xf32>
        tpu.vector_store %arg11[%swap3A_1184, %swap3A_1185], %swap3A_1188 {strides = array<i32>} : memref<8x1024xf32, #tpu.memory_space<vmem>>, vector<1x16xf32>,
        %get3A_1189 = arith.index_cast %scan3A_1088 : i32 to index
        %get3A_1190 = arith.constant 928 : index
        %get3A_1191 = tpu.vector_load %arg7[%get3A_1189, %get3A_1190] {strides = array<i32>} : memref<8x1024xf32, #tpu.memory_space<vmem>>, vector<1x16xf32>,
        %get3A_1192 = vector.shape_cast %get3A_1191 : vector<1x16xf32> to vector<16xf32>
        %add3A_1193 = arith.addf %get3A_1192, %get3A_799 : vector<16xf32>
        %swap3A_1194 = arith.index_cast %scan3A_1088 : i32 to index
        %swap3A_1195 = arith.constant 928 : index
        %swap3A_1196 = tpu.vector_load %arg11[%swap3A_1194, %swap3A_1195] {strides = array<i32>} : memref<8x1024xf32, #tpu.memory_space<vmem>>, vector<1x16xf32>,
        %swap3A_1197 = vector.shape_cast %swap3A_1196 : vector<1x16xf32> to vector<16xf32>
        %swap3A_1198 = vector.shape_cast %add3A_1193 : vector<16xf32> to vector<1x16xf32>
        tpu.vector_store %arg11[%swap3A_1194, %swap3A_1195], %swap3A_1198 {strides = array<i32>} : memref<8x1024xf32, #tpu.memory_space<vmem>>, vector<1x16xf32>,
        %get3A_1199 = arith.index_cast %scan3A_1088 : i32 to index
        %get3A_1200 = arith.constant 944 : index
        %get3A_1201 = tpu.vector_load %arg7[%get3A_1199, %get3A_1200] {strides = array<i32>} : memref<8x1024xf32, #tpu.memory_space<vmem>>, vector<1x16xf32>,
        %get3A_1202 = vector.shape_cast %get3A_1201 : vector<1x16xf32> to vector<16xf32>
        %add3A_1203 = arith.addf %get3A_1202, %get3A_802 : vector<16xf32>
        %swap3A_1204 = arith.index_cast %scan3A_1088 : i32 to index
        %swap3A_1205 = arith.constant 944 : index
        %swap3A_1206 = tpu.vector_load %arg11[%swap3A_1204, %swap3A_1205] {strides = array<i32>} : memref<8x1024xf32, #tpu.memory_space<vmem>>, vector<1x16xf32>,
        %swap3A_1207 = vector.shape_cast %swap3A_1206 : vector<1x16xf32> to vector<16xf32>
        %swap3A_1208 = vector.shape_cast %add3A_1203 : vector<16xf32> to vector<1x16xf32>
        tpu.vector_store %arg11[%swap3A_1204, %swap3A_1205], %swap3A_1208 {strides = array<i32>} : memref<8x1024xf32, #tpu.memory_space<vmem>>, vector<1x16xf32>,
        %get3A_1209 = arith.index_cast %scan3A_1088 : i32 to index
        %get3A_1210 = arith.constant 960 : index
        %get3A_1211 = tpu.vector_load %arg7[%get3A_1209, %get3A_1210] {strides = array<i32>} : memref<8x1024xf32, #tpu.memory_space<vmem>>, vector<1x16xf32>,
        %get3A_1212 = vector.shape_cast %get3A_1211 : vector<1x16xf32> to vector<16xf32>
        %add3A_1213 = arith.addf %get3A_1212, %get3A_805 : vector<16xf32>
        %swap3A_1214 = arith.index_cast %scan3A_1088 : i32 to index
        %swap3A_1215 = arith.constant 960 : index
        %swap3A_1216 = tpu.vector_load %arg11[%swap3A_1214, %swap3A_1215] {strides = array<i32>} : memref<8x1024xf32, #tpu.memory_space<vmem>>, vector<1x16xf32>,
        %swap3A_1217 = vector.shape_cast %swap3A_1216 : vector<1x16xf32> to vector<16xf32>
        %swap3A_1218 = vector.shape_cast %add3A_1213 : vector<16xf32> to vector<1x16xf32>
        tpu.vector_store %arg11[%swap3A_1214, %swap3A_1215], %swap3A_1218 {strides = array<i32>} : memref<8x1024xf32, #tpu.memory_space<vmem>>, vector<1x16xf32>,
        %get3A_1219 = arith.index_cast %scan3A_1088 : i32 to index
        %get3A_1220 = arith.constant 976 : index
        %get3A_1221 = tpu.vector_load %arg7[%get3A_1219, %get3A_1220] {strides = array<i32>} : memref<8x1024xf32, #tpu.memory_space<vmem>>, vector<1x16xf32>,
        %get3A_1222 = vector.shape_cast %get3A_1221 : vector<1x16xf32> to vector<16xf32>
        %add3A_1223 = arith.addf %get3A_1222, %get3A_808 : vector<16xf32>
        %swap3A_1224 = arith.index_cast %scan3A_1088 : i32 to index
        %swap3A_1225 = arith.constant 976 : index
        %swap3A_1226 = tpu.vector_load %arg11[%swap3A_1224, %swap3A_1225] {strides = array<i32>} : memref<8x1024xf32, #tpu.memory_space<vmem>>, vector<1x16xf32>,
        %swap3A_1227 = vector.shape_cast %swap3A_1226 : vector<1x16xf32> to vector<16xf32>
        %swap3A_1228 = vector.shape_cast %add3A_1223 : vector<16xf32> to vector<1x16xf32>
        tpu.vector_store %arg11[%swap3A_1224, %swap3A_1225], %swap3A_1228 {strides = array<i32>} : memref<8x1024xf32, #tpu.memory_space<vmem>>, vector<1x16xf32>,
        %get3A_1229 = arith.index_cast %scan3A_1088 : i32 to index
        %get3A_1230 = arith.constant 992 : index
        %get3A_1231 = tpu.vector_load %arg7[%get3A_1229, %get3A_1230] {strides = array<i32>} : memref<8x1024xf32, #tpu.memory_space<vmem>>, vector<1x16xf32>,
        %get3A_1232 = vector.shape_cast %get3A_1231 : vector<1x16xf32> to vector<16xf32>
        %add3A_1233 = arith.addf %get3A_1232, %get3A_811 : vector<16xf32>
        %swap3A_1234 = arith.index_cast %scan3A_1088 : i32 to index
        %swap3A_1235 = arith.constant 992 : index
        %swap3A_1236 = tpu.vector_load %arg11[%swap3A_1234, %swap3A_1235] {strides = array<i32>} : memref<8x1024xf32, #tpu.memory_space<vmem>>, vector<1x16xf32>,
        %swap3A_1237 = vector.shape_cast %swap3A_1236 : vector<1x16xf32> to vector<16xf32>
        %swap3A_1238 = vector.shape_cast %add3A_1233 : vector<16xf32> to vector<1x16xf32>
        tpu.vector_store %arg11[%swap3A_1234, %swap3A_1235], %swap3A_1238 {strides = array<i32>} : memref<8x1024xf32, #tpu.memory_space<vmem>>, vector<1x16xf32>,
        %get3A_1239 = arith.index_cast %scan3A_1088 : i32 to index
        %get3A_1240 = arith.constant 1008 : index
        %get3A_1241 = tpu.vector_load %arg7[%get3A_1239, %get3A_1240] {strides = array<i32>} : memref<8x1024xf32, #tpu.memory_space<vmem>>, vector<1x16xf32>,
        %get3A_1242 = vector.shape_cast %get3A_1241 : vector<1x16xf32> to vector<16xf32>
        %add3A_1243 = arith.addf %get3A_1242, %get3A_814 : vector<16xf32>
        %swap3A_1244 = arith.index_cast %scan3A_1088 : i32 to index
        %swap3A_1245 = arith.constant 1008 : index
        %swap3A_1246 = tpu.vector_load %arg11[%swap3A_1244, %swap3A_1245] {strides = array<i32>} : memref<8x1024xf32, #tpu.memory_space<vmem>>, vector<1x16xf32>,
        %swap3A_1247 = vector.shape_cast %swap3A_1246 : vector<1x16xf32> to vector<16xf32>
        %swap3A_1248 = vector.shape_cast %add3A_1243 : vector<16xf32> to vector<1x16xf32>
        tpu.vector_store %arg11[%swap3A_1244, %swap3A_1245], %swap3A_1248 {strides = array<i32>} : memref<8x1024xf32, #tpu.memory_space<vmem>>, vector<1x16xf32>,
        %scan3A_1249 = arith.constant 0 : i32
        scf.yield %scan3A_1249 : i32
      }
      %scan3A_821 = arith.constant 8 : i32
      %add3A_822 = arith.constant 4 : i32
      %add3A_823 = arith.addi %add3A_590, %add3A_822 : i32
      %rem3A_824 = arith.constant 128 : i32
      %rem3A_825 = arith.remsi %add3A_823, %rem3A_824 : i32
      %mul3A_826 = arith.constant 8 : i32
      %mul3A_827 = arith.muli %rem3A_825, %mul3A_826 : i32
      %add3A_828 = arith.addi %mul3A_2, %mul3A_827 : i32
      %dma_start3A_829 = arith.constant 0 : i32
      %dma_start3A_830 = tpu.memref_slice %arg2[%add3A_828, %dma_start3A_829] : memref<32768x1024xf32, #tpu.memory_space<hbm>> -> memref<8x1024xf32, #tpu.memory_space<hbm>>
      %dma_start3A_831 = arith.constant 0 : i32
      %dma_start3A_832 = tpu.memref_slice %arg2[%add3A_828, %dma_start3A_831] : memref<32768x1024xf32, #tpu.memory_space<hbm>> -> memref<8x1024xf32, #tpu.memory_space<hbm>>
      tpu.enqueue_dma source(%dma_start3A_832 : memref<8x1024xf32, #tpu.memory_space<hbm>>) target(%arg7 : memref<8x1024xf32, #tpu.memory_space<vmem>>) target_semaphore(%arg16 : memref<!tpu.dma_semaphore, #tpu.memory_space<semaphore_mem>>)
      %dma_start3A_833 = arith.constant 0 : i32
      %dma_start3A_834 = tpu.memref_slice %arg4[%add3A_593, %dma_start3A_833] : memref<32768x1024xf32, #tpu.memory_space<hbm>> -> memref<8x1024xf32, #tpu.memory_space<hbm>>
      %dma_start3A_835 = arith.constant 0 : i32
      %dma_start3A_836 = tpu.memref_slice %arg4[%add3A_593, %dma_start3A_835] : memref<32768x1024xf32, #tpu.memory_space<hbm>> -> memref<8x1024xf32, #tpu.memory_space<hbm>>
      tpu.enqueue_dma source(%arg11 : memref<8x1024xf32, #tpu.memory_space<vmem>>) target(%dma_start3A_836 : memref<8x1024xf32, #tpu.memory_space<hbm>>) target_semaphore(%arg20 : memref<!tpu.dma_semaphore, #tpu.memory_space<semaphore_mem>>)
      %mul3A_837 = arith.constant 4 : i32
      %mul3A_838 = arith.muli %mul3A_837, %scan3A_87 : i32
      %add3A_839 = arith.constant 3 : i32
      %add3A_840 = arith.addi %mul3A_838, %add3A_839 : i32
      %mul3A_841 = arith.constant 8 : i32
      %mul3A_842 = arith.muli %add3A_840, %mul3A_841 : i32
      %add3A_843 = arith.addi %mul3A_2, %mul3A_842 : i32
      %dma_wait3A_844 = arith.constant 0 : i32
      %dma_wait3A_845 = tpu.memref_slice %arg2[%add3A_843, %dma_wait3A_844] : memref<32768x1024xf32, #tpu.memory_space<hbm>> -> memref<8x1024xf32, #tpu.memory_space<hbm>>
      %dma_wait3A_846 = arith.constant 0 : i32
      %dma_wait3A_847 = tpu.memref_slice %arg2[%add3A_843, %dma_wait3A_846] : memref<32768x1024xf32, #tpu.memory_space<hbm>> -> memref<8x1024xf32, #tpu.memory_space<hbm>>
      tpu.wait_dma2 semaphore(%arg17 : memref<!tpu.dma_semaphore, #tpu.memory_space<semaphore_mem>>) src(%dma_wait3A_847 : memref<8x1024xf32, #tpu.memory_space<hbm>>) dst(%arg8 : memref<8x1024xf32, #tpu.memory_space<vmem>>)
      %dma_wait3A_848 = arith.constant 0 : i32
      %dma_wait3A_849 = tpu.memref_slice %arg4[%add3A_843, %dma_wait3A_848] : memref<32768x1024xf32, #tpu.memory_space<hbm>> -> memref<8x1024xf32, #tpu.memory_space<hbm>>
      %dma_wait3A_850 = arith.constant 0 : i32
      %dma_wait3A_851 = tpu.memref_slice %arg4[%add3A_843, %dma_wait3A_850] : memref<32768x1024xf32, #tpu.memory_space<hbm>> -> memref<8x1024xf32, #tpu.memory_space<hbm>>
      tpu.wait_dma2 semaphore(%arg21 : memref<!tpu.dma_semaphore, #tpu.memory_space<semaphore_mem>>) src(%arg12 : memref<8x1024xf32, #tpu.memory_space<vmem>>) dst(%dma_wait3A_851 : memref<8x1024xf32, #tpu.memory_space<hbm>>)
      %get3A_852 = arith.constant 0 : index
      %get3A_853 = tpu.vector_load %arg13[%get3A_852] {strides = array<i32>} : memref<1024xf32, #tpu.memory_space<vmem>>, vector<16xf32>,
      %get3A_854 = vector.shape_cast %get3A_853 : vector<16xf32> to vector<16xf32>
      %get3A_855 = arith.constant 16 : index
      %get3A_856 = tpu.vector_load %arg13[%get3A_855] {strides = array<i32>} : memref<1024xf32, #tpu.memory_space<vmem>>, vector<16xf32>,
      %get3A_857 = vector.shape_cast %get3A_856 : vector<16xf32> to vector<16xf32>
      %get3A_858 = arith.constant 32 : index
      %get3A_859 = tpu.vector_load %arg13[%get3A_858] {strides = array<i32>} : memref<1024xf32, #tpu.memory_space<vmem>>, vector<16xf32>,
      %get3A_860 = vector.shape_cast %get3A_859 : vector<16xf32> to vector<16xf32>
      %get3A_861 = arith.constant 48 : index
      %get3A_862 = tpu.vector_load %arg13[%get3A_861] {strides = array<i32>} : memref<1024xf32, #tpu.memory_space<vmem>>, vector<16xf32>,
      %get3A_863 = vector.shape_cast %get3A_862 : vector<16xf32> to vector<16xf32>
      %get3A_864 = arith.constant 64 : index
      %get3A_865 = tpu.vector_load %arg13[%get3A_864] {strides = array<i32>} : memref<1024xf32, #tpu.memory_space<vmem>>, vector<16xf32>,
      %get3A_866 = vector.shape_cast %get3A_865 : vector<16xf32> to vector<16xf32>
      %get3A_867 = arith.constant 80 : index
      %get3A_868 = tpu.vector_load %arg13[%get3A_867] {strides = array<i32>} : memref<1024xf32, #tpu.memory_space<vmem>>, vector<16xf32>,
      %get3A_869 = vector.shape_cast %get3A_868 : vector<16xf32> to vector<16xf32>
      %get3A_870 = arith.constant 96 : index
      %get3A_871 = tpu.vector_load %arg13[%get3A_870] {strides = array<i32>} : memref<1024xf32, #tpu.memory_space<vmem>>, vector<16xf32>,
      %get3A_872 = vector.shape_cast %get3A_871 : vector<16xf32> to vector<16xf32>
      %get3A_873 = arith.constant 112 : index
      %get3A_874 = tpu.vector_load %arg13[%get3A_873] {strides = array<i32>} : memref<1024xf32, #tpu.memory_space<vmem>>, vector<16xf32>,
      %get3A_875 = vector.shape_cast %get3A_874 : vector<16xf32> to vector<16xf32>
      %get3A_876 = arith.constant 128 : index
      %get3A_877 = tpu.vector_load %arg13[%get3A_876] {strides = array<i32>} : memref<1024xf32, #tpu.memory_space<vmem>>, vector<16xf32>,
      %get3A_878 = vector.shape_cast %get3A_877 : vector<16xf32> to vector<16xf32>
      %get3A_879 = arith.constant 144 : index
      %get3A_880 = tpu.vector_load %arg13[%get3A_879] {strides = array<i32>} : memref<1024xf32, #tpu.memory_space<vmem>>, vector<16xf32>,
      %get3A_881 = vector.shape_cast %get3A_880 : vector<16xf32> to vector<16xf32>
      %get3A_882 = arith.constant 160 : index
      %get3A_883 = tpu.vector_load %arg13[%get3A_882] {strides = array<i32>} : memref<1024xf32, #tpu.memory_space<vmem>>, vector<16xf32>,
      %get3A_884 = vector.shape_cast %get3A_883 : vector<16xf32> to vector<16xf32>
      %get3A_885 = arith.constant 176 : index
      %get3A_886 = tpu.vector_load %arg13[%get3A_885] {strides = array<i32>} : memref<1024xf32, #tpu.memory_space<vmem>>, vector<16xf32>,
      %get3A_887 = vector.shape_cast %get3A_886 : vector<16xf32> to vector<16xf32>
      %get3A_888 = arith.constant 192 : index
      %get3A_889 = tpu.vector_load %arg13[%get3A_888] {strides = array<i32>} : memref<1024xf32, #tpu.memory_space<vmem>>, vector<16xf32>,
      %get3A_890 = vector.shape_cast %get3A_889 : vector<16xf32> to vector<16xf32>
      %get3A_891 = arith.constant 208 : index
      %get3A_892 = tpu.vector_load %arg13[%get3A_891] {strides = array<i32>} : memref<1024xf32, #tpu.memory_space<vmem>>, vector<16xf32>,
      %get3A_893 = vector.shape_cast %get3A_892 : vector<16xf32> to vector<16xf32>
      %get3A_894 = arith.constant 224 : index
      %get3A_895 = tpu.vector_load %arg13[%get3A_894] {strides = array<i32>} : memref<1024xf32, #tpu.memory_space<vmem>>, vector<16xf32>,
      %get3A_896 = vector.shape_cast %get3A_895 : vector<16xf32> to vector<16xf32>
      %get3A_897 = arith.constant 240 : index
      %get3A_898 = tpu.vector_load %arg13[%get3A_897] {strides = array<i32>} : memref<1024xf32, #tpu.memory_space<vmem>>, vector<16xf32>,
      %get3A_899 = vector.shape_cast %get3A_898 : vector<16xf32> to vector<16xf32>
      %scan3A_900 = arith.constant 0 : i32
      %scan3A_901 = arith.constant 0 : i32
      %scan3A_902 = arith.constant 8 : i32
      %scan3A_903 = arith.addi %scan3A_901, %scan3A_902 : i32
      %scan3A_904 = arith.constant 1 : i32
      %scan3A_905 = scf.for %scan3A_1088 = %scan3A_901 to %scan3A_903 step %scan3A_904 iter_args(%scan3A_1089 = %scan3A_900) -> (i32)  : i32 {
        %get3A_1090 = arith.index_cast %scan3A_1088 : i32 to index
        %get3A_1091 = arith.constant 0 : index
        %get3A_1092 = tpu.vector_load %arg8[%get3A_1090, %get3A_1091] {strides = array<i32>} : memref<8x1024xf32, #tpu.memory_space<vmem>>, vector<1x16xf32>,
        %get3A_1093 = vector.shape_cast %get3A_1092 : vector<1x16xf32> to vector<16xf32>
        %add3A_1094 = arith.addf %get3A_1093, %get3A_854 : vector<16xf32>
        %swap3A = arith.index_cast %scan3A_1088 : i32 to index
        %swap3A_1095 = arith.constant 0 : index
        %swap3A_1096 = tpu.vector_load %arg12[%swap3A, %swap3A_1095] {strides = array<i32>} : memref<8x1024xf32, #tpu.memory_space<vmem>>, vector<1x16xf32>,
        %swap3A_1097 = vector.shape_cast %swap3A_1096 : vector<1x16xf32> to vector<16xf32>
        %swap3A_1098 = vector.shape_cast %add3A_1094 : vector<16xf32> to vector<1x16xf32>
        tpu.vector_store %arg12[%swap3A, %swap3A_1095], %swap3A_1098 {strides = array<i32>} : memref<8x1024xf32, #tpu.memory_space<vmem>>, vector<1x16xf32>,
        %get3A_1099 = arith.index_cast %scan3A_1088 : i32 to index
        %get3A_1100 = arith.constant 16 : index
        %get3A_1101 = tpu.vector_load %arg8[%get3A_1099, %get3A_1100] {strides = array<i32>} : memref<8x1024xf32, #tpu.memory_space<vmem>>, vector<1x16xf32>,
        %get3A_1102 = vector.shape_cast %get3A_1101 : vector<1x16xf32> to vector<16xf32>
        %add3A_1103 = arith.addf %get3A_1102, %get3A_857 : vector<16xf32>
        %swap3A_1104 = arith.index_cast %scan3A_1088 : i32 to index
        %swap3A_1105 = arith.constant 16 : index
        %swap3A_1106 = tpu.vector_load %arg12[%swap3A_1104, %swap3A_1105] {strides = array<i32>} : memref<8x1024xf32, #tpu.memory_space<vmem>>, vector<1x16xf32>,
        %swap3A_1107 = vector.shape_cast %swap3A_1106 : vector<1x16xf32> to vector<16xf32>
        %swap3A_1108 = vector.shape_cast %add3A_1103 : vector<16xf32> to vector<1x16xf32>
        tpu.vector_store %arg12[%swap3A_1104, %swap3A_1105], %swap3A_1108 {strides = array<i32>} : memref<8x1024xf32, #tpu.memory_space<vmem>>, vector<1x16xf32>,
        %get3A_1109 = arith.index_cast %scan3A_1088 : i32 to index
        %get3A_1110 = arith.constant 32 : index
        %get3A_1111 = tpu.vector_load %arg8[%get3A_1109, %get3A_1110] {strides = array<i32>} : memref<8x1024xf32, #tpu.memory_space<vmem>>, vector<1x16xf32>,
        %get3A_1112 = vector.shape_cast %get3A_1111 : vector<1x16xf32> to vector<16xf32>
        %add3A_1113 = arith.addf %get3A_1112, %get3A_860 : vector<16xf32>
        %swap3A_1114 = arith.index_cast %scan3A_1088 : i32 to index
        %swap3A_1115 = arith.constant 32 : index
        %swap3A_1116 = tpu.vector_load %arg12[%swap3A_1114, %swap3A_1115] {strides = array<i32>} : memref<8x1024xf32, #tpu.memory_space<vmem>>, vector<1x16xf32>,
        %swap3A_1117 = vector.shape_cast %swap3A_1116 : vector<1x16xf32> to vector<16xf32>
        %swap3A_1118 = vector.shape_cast %add3A_1113 : vector<16xf32> to vector<1x16xf32>
        tpu.vector_store %arg12[%swap3A_1114, %swap3A_1115], %swap3A_1118 {strides = array<i32>} : memref<8x1024xf32, #tpu.memory_space<vmem>>, vector<1x16xf32>,
        %get3A_1119 = arith.index_cast %scan3A_1088 : i32 to index
        %get3A_1120 = arith.constant 48 : index
        %get3A_1121 = tpu.vector_load %arg8[%get3A_1119, %get3A_1120] {strides = array<i32>} : memref<8x1024xf32, #tpu.memory_space<vmem>>, vector<1x16xf32>,
        %get3A_1122 = vector.shape_cast %get3A_1121 : vector<1x16xf32> to vector<16xf32>
        %add3A_1123 = arith.addf %get3A_1122, %get3A_863 : vector<16xf32>
        %swap3A_1124 = arith.index_cast %scan3A_1088 : i32 to index
        %swap3A_1125 = arith.constant 48 : index
        %swap3A_1126 = tpu.vector_load %arg12[%swap3A_1124, %swap3A_1125] {strides = array<i32>} : memref<8x1024xf32, #tpu.memory_space<vmem>>, vector<1x16xf32>,
        %swap3A_1127 = vector.shape_cast %swap3A_1126 : vector<1x16xf32> to vector<16xf32>
        %swap3A_1128 = vector.shape_cast %add3A_1123 : vector<16xf32> to vector<1x16xf32>
        tpu.vector_store %arg12[%swap3A_1124, %swap3A_1125], %swap3A_1128 {strides = array<i32>} : memref<8x1024xf32, #tpu.memory_space<vmem>>, vector<1x16xf32>,
        %get3A_1129 = arith.index_cast %scan3A_1088 : i32 to index
        %get3A_1130 = arith.constant 64 : index
        %get3A_1131 = tpu.vector_load %arg8[%get3A_1129, %get3A_1130] {strides = array<i32>} : memref<8x1024xf32, #tpu.memory_space<vmem>>, vector<1x16xf32>,
        %get3A_1132 = vector.shape_cast %get3A_1131 : vector<1x16xf32> to vector<16xf32>
        %add3A_1133 = arith.addf %get3A_1132, %get3A_866 : vector<16xf32>
        %swap3A_1134 = arith.index_cast %scan3A_1088 : i32 to index
        %swap3A_1135 = arith.constant 64 : index
        %swap3A_1136 = tpu.vector_load %arg12[%swap3A_1134, %swap3A_1135] {strides = array<i32>} : memref<8x1024xf32, #tpu.memory_space<vmem>>, vector<1x16xf32>,
        %swap3A_1137 = vector.shape_cast %swap3A_1136 : vector<1x16xf32> to vector<16xf32>
        %swap3A_1138 = vector.shape_cast %add3A_1133 : vector<16xf32> to vector<1x16xf32>
        tpu.vector_store %arg12[%swap3A_1134, %swap3A_1135], %swap3A_1138 {strides = array<i32>} : memref<8x1024xf32, #tpu.memory_space<vmem>>, vector<1x16xf32>,
        %get3A_1139 = arith.index_cast %scan3A_1088 : i32 to index
        %get3A_1140 = arith.constant 80 : index
        %get3A_1141 = tpu.vector_load %arg8[%get3A_1139, %get3A_1140] {strides = array<i32>} : memref<8x1024xf32, #tpu.memory_space<vmem>>, vector<1x16xf32>,
        %get3A_1142 = vector.shape_cast %get3A_1141 : vector<1x16xf32> to vector<16xf32>
        %add3A_1143 = arith.addf %get3A_1142, %get3A_869 : vector<16xf32>
        %swap3A_1144 = arith.index_cast %scan3A_1088 : i32 to index
        %swap3A_1145 = arith.constant 80 : index
        %swap3A_1146 = tpu.vector_load %arg12[%swap3A_1144, %swap3A_1145] {strides = array<i32>} : memref<8x1024xf32, #tpu.memory_space<vmem>>, vector<1x16xf32>,
        %swap3A_1147 = vector.shape_cast %swap3A_1146 : vector<1x16xf32> to vector<16xf32>
        %swap3A_1148 = vector.shape_cast %add3A_1143 : vector<16xf32> to vector<1x16xf32>
        tpu.vector_store %arg12[%swap3A_1144, %swap3A_1145], %swap3A_1148 {strides = array<i32>} : memref<8x1024xf32, #tpu.memory_space<vmem>>, vector<1x16xf32>,
        %get3A_1149 = arith.index_cast %scan3A_1088 : i32 to index
        %get3A_1150 = arith.constant 96 : index
        %get3A_1151 = tpu.vector_load %arg8[%get3A_1149, %get3A_1150] {strides = array<i32>} : memref<8x1024xf32, #tpu.memory_space<vmem>>, vector<1x16xf32>,
        %get3A_1152 = vector.shape_cast %get3A_1151 : vector<1x16xf32> to vector<16xf32>
        %add3A_1153 = arith.addf %get3A_1152, %get3A_872 : vector<16xf32>
        %swap3A_1154 = arith.index_cast %scan3A_1088 : i32 to index
        %swap3A_1155 = arith.constant 96 : index
        %swap3A_1156 = tpu.vector_load %arg12[%swap3A_1154, %swap3A_1155] {strides = array<i32>} : memref<8x1024xf32, #tpu.memory_space<vmem>>, vector<1x16xf32>,
        %swap3A_1157 = vector.shape_cast %swap3A_1156 : vector<1x16xf32> to vector<16xf32>
        %swap3A_1158 = vector.shape_cast %add3A_1153 : vector<16xf32> to vector<1x16xf32>
        tpu.vector_store %arg12[%swap3A_1154, %swap3A_1155], %swap3A_1158 {strides = array<i32>} : memref<8x1024xf32, #tpu.memory_space<vmem>>, vector<1x16xf32>,
        %get3A_1159 = arith.index_cast %scan3A_1088 : i32 to index
        %get3A_1160 = arith.constant 112 : index
        %get3A_1161 = tpu.vector_load %arg8[%get3A_1159, %get3A_1160] {strides = array<i32>} : memref<8x1024xf32, #tpu.memory_space<vmem>>, vector<1x16xf32>,
        %get3A_1162 = vector.shape_cast %get3A_1161 : vector<1x16xf32> to vector<16xf32>
        %add3A_1163 = arith.addf %get3A_1162, %get3A_875 : vector<16xf32>
        %swap3A_1164 = arith.index_cast %scan3A_1088 : i32 to index
        %swap3A_1165 = arith.constant 112 : index
        %swap3A_1166 = tpu.vector_load %arg12[%swap3A_1164, %swap3A_1165] {strides = array<i32>} : memref<8x1024xf32, #tpu.memory_space<vmem>>, vector<1x16xf32>,
        %swap3A_1167 = vector.shape_cast %swap3A_1166 : vector<1x16xf32> to vector<16xf32>
        %swap3A_1168 = vector.shape_cast %add3A_1163 : vector<16xf32> to vector<1x16xf32>
        tpu.vector_store %arg12[%swap3A_1164, %swap3A_1165], %swap3A_1168 {strides = array<i32>} : memref<8x1024xf32, #tpu.memory_space<vmem>>, vector<1x16xf32>,
        %get3A_1169 = arith.index_cast %scan3A_1088 : i32 to index
        %get3A_1170 = arith.constant 128 : index
        %get3A_1171 = tpu.vector_load %arg8[%get3A_1169, %get3A_1170] {strides = array<i32>} : memref<8x1024xf32, #tpu.memory_space<vmem>>, vector<1x16xf32>,
        %get3A_1172 = vector.shape_cast %get3A_1171 : vector<1x16xf32> to vector<16xf32>
        %add3A_1173 = arith.addf %get3A_1172, %get3A_878 : vector<16xf32>
        %swap3A_1174 = arith.index_cast %scan3A_1088 : i32 to index
        %swap3A_1175 = arith.constant 128 : index
        %swap3A_1176 = tpu.vector_load %arg12[%swap3A_1174, %swap3A_1175] {strides = array<i32>} : memref<8x1024xf32, #tpu.memory_space<vmem>>, vector<1x16xf32>,
        %swap3A_1177 = vector.shape_cast %swap3A_1176 : vector<1x16xf32> to vector<16xf32>
        %swap3A_1178 = vector.shape_cast %add3A_1173 : vector<16xf32> to vector<1x16xf32>
        tpu.vector_store %arg12[%swap3A_1174, %swap3A_1175], %swap3A_1178 {strides = array<i32>} : memref<8x1024xf32, #tpu.memory_space<vmem>>, vector<1x16xf32>,
        %get3A_1179 = arith.index_cast %scan3A_1088 : i32 to index
        %get3A_1180 = arith.constant 144 : index
        %get3A_1181 = tpu.vector_load %arg8[%get3A_1179, %get3A_1180] {strides = array<i32>} : memref<8x1024xf32, #tpu.memory_space<vmem>>, vector<1x16xf32>,
        %get3A_1182 = vector.shape_cast %get3A_1181 : vector<1x16xf32> to vector<16xf32>
        %add3A_1183 = arith.addf %get3A_1182, %get3A_881 : vector<16xf32>
        %swap3A_1184 = arith.index_cast %scan3A_1088 : i32 to index
        %swap3A_1185 = arith.constant 144 : index
        %swap3A_1186 = tpu.vector_load %arg12[%swap3A_1184, %swap3A_1185] {strides = array<i32>} : memref<8x1024xf32, #tpu.memory_space<vmem>>, vector<1x16xf32>,
        %swap3A_1187 = vector.shape_cast %swap3A_1186 : vector<1x16xf32> to vector<16xf32>
        %swap3A_1188 = vector.shape_cast %add3A_1183 : vector<16xf32> to vector<1x16xf32>
        tpu.vector_store %arg12[%swap3A_1184, %swap3A_1185], %swap3A_1188 {strides = array<i32>} : memref<8x1024xf32, #tpu.memory_space<vmem>>, vector<1x16xf32>,
        %get3A_1189 = arith.index_cast %scan3A_1088 : i32 to index
        %get3A_1190 = arith.constant 160 : index
        %get3A_1191 = tpu.vector_load %arg8[%get3A_1189, %get3A_1190] {strides = array<i32>} : memref<8x1024xf32, #tpu.memory_space<vmem>>, vector<1x16xf32>,
        %get3A_1192 = vector.shape_cast %get3A_1191 : vector<1x16xf32> to vector<16xf32>
        %add3A_1193 = arith.addf %get3A_1192, %get3A_884 : vector<16xf32>
        %swap3A_1194 = arith.index_cast %scan3A_1088 : i32 to index
        %swap3A_1195 = arith.constant 160 : index
        %swap3A_1196 = tpu.vector_load %arg12[%swap3A_1194, %swap3A_1195] {strides = array<i32>} : memref<8x1024xf32, #tpu.memory_space<vmem>>, vector<1x16xf32>,
        %swap3A_1197 = vector.shape_cast %swap3A_1196 : vector<1x16xf32> to vector<16xf32>
        %swap3A_1198 = vector.shape_cast %add3A_1193 : vector<16xf32> to vector<1x16xf32>
        tpu.vector_store %arg12[%swap3A_1194, %swap3A_1195], %swap3A_1198 {strides = array<i32>} : memref<8x1024xf32, #tpu.memory_space<vmem>>, vector<1x16xf32>,
        %get3A_1199 = arith.index_cast %scan3A_1088 : i32 to index
        %get3A_1200 = arith.constant 176 : index
        %get3A_1201 = tpu.vector_load %arg8[%get3A_1199, %get3A_1200] {strides = array<i32>} : memref<8x1024xf32, #tpu.memory_space<vmem>>, vector<1x16xf32>,
        %get3A_1202 = vector.shape_cast %get3A_1201 : vector<1x16xf32> to vector<16xf32>
        %add3A_1203 = arith.addf %get3A_1202, %get3A_887 : vector<16xf32>
        %swap3A_1204 = arith.index_cast %scan3A_1088 : i32 to index
        %swap3A_1205 = arith.constant 176 : index
        %swap3A_1206 = tpu.vector_load %arg12[%swap3A_1204, %swap3A_1205] {strides = array<i32>} : memref<8x1024xf32, #tpu.memory_space<vmem>>, vector<1x16xf32>,
        %swap3A_1207 = vector.shape_cast %swap3A_1206 : vector<1x16xf32> to vector<16xf32>
        %swap3A_1208 = vector.shape_cast %add3A_1203 : vector<16xf32> to vector<1x16xf32>
        tpu.vector_store %arg12[%swap3A_1204, %swap3A_1205], %swap3A_1208 {strides = array<i32>} : memref<8x1024xf32, #tpu.memory_space<vmem>>, vector<1x16xf32>,
        %get3A_1209 = arith.index_cast %scan3A_1088 : i32 to index
        %get3A_1210 = arith.constant 192 : index
        %get3A_1211 = tpu.vector_load %arg8[%get3A_1209, %get3A_1210] {strides = array<i32>} : memref<8x1024xf32, #tpu.memory_space<vmem>>, vector<1x16xf32>,
        %get3A_1212 = vector.shape_cast %get3A_1211 : vector<1x16xf32> to vector<16xf32>
        %add3A_1213 = arith.addf %get3A_1212, %get3A_890 : vector<16xf32>
        %swap3A_1214 = arith.index_cast %scan3A_1088 : i32 to index
        %swap3A_1215 = arith.constant 192 : index
        %swap3A_1216 = tpu.vector_load %arg12[%swap3A_1214, %swap3A_1215] {strides = array<i32>} : memref<8x1024xf32, #tpu.memory_space<vmem>>, vector<1x16xf32>,
        %swap3A_1217 = vector.shape_cast %swap3A_1216 : vector<1x16xf32> to vector<16xf32>
        %swap3A_1218 = vector.shape_cast %add3A_1213 : vector<16xf32> to vector<1x16xf32>
        tpu.vector_store %arg12[%swap3A_1214, %swap3A_1215], %swap3A_1218 {strides = array<i32>} : memref<8x1024xf32, #tpu.memory_space<vmem>>, vector<1x16xf32>,
        %get3A_1219 = arith.index_cast %scan3A_1088 : i32 to index
        %get3A_1220 = arith.constant 208 : index
        %get3A_1221 = tpu.vector_load %arg8[%get3A_1219, %get3A_1220] {strides = array<i32>} : memref<8x1024xf32, #tpu.memory_space<vmem>>, vector<1x16xf32>,
        %get3A_1222 = vector.shape_cast %get3A_1221 : vector<1x16xf32> to vector<16xf32>
        %add3A_1223 = arith.addf %get3A_1222, %get3A_893 : vector<16xf32>
        %swap3A_1224 = arith.index_cast %scan3A_1088 : i32 to index
        %swap3A_1225 = arith.constant 208 : index
        %swap3A_1226 = tpu.vector_load %arg12[%swap3A_1224, %swap3A_1225] {strides = array<i32>} : memref<8x1024xf32, #tpu.memory_space<vmem>>, vector<1x16xf32>,
        %swap3A_1227 = vector.shape_cast %swap3A_1226 : vector<1x16xf32> to vector<16xf32>
        %swap3A_1228 = vector.shape_cast %add3A_1223 : vector<16xf32> to vector<1x16xf32>
        tpu.vector_store %arg12[%swap3A_1224, %swap3A_1225], %swap3A_1228 {strides = array<i32>} : memref<8x1024xf32, #tpu.memory_space<vmem>>, vector<1x16xf32>,
        %get3A_1229 = arith.index_cast %scan3A_1088 : i32 to index
        %get3A_1230 = arith.constant 224 : index
        %get3A_1231 = tpu.vector_load %arg8[%get3A_1229, %get3A_1230] {strides = array<i32>} : memref<8x1024xf32, #tpu.memory_space<vmem>>, vector<1x16xf32>,
        %get3A_1232 = vector.shape_cast %get3A_1231 : vector<1x16xf32> to vector<16xf32>
        %add3A_1233 = arith.addf %get3A_1232, %get3A_896 : vector<16xf32>
        %swap3A_1234 = arith.index_cast %scan3A_1088 : i32 to index
        %swap3A_1235 = arith.constant 224 : index
        %swap3A_1236 = tpu.vector_load %arg12[%swap3A_1234, %swap3A_1235] {strides = array<i32>} : memref<8x1024xf32, #tpu.memory_space<vmem>>, vector<1x16xf32>,
        %swap3A_1237 = vector.shape_cast %swap3A_1236 : vector<1x16xf32> to vector<16xf32>
        %swap3A_1238 = vector.shape_cast %add3A_1233 : vector<16xf32> to vector<1x16xf32>
        tpu.vector_store %arg12[%swap3A_1234, %swap3A_1235], %swap3A_1238 {strides = array<i32>} : memref<8x1024xf32, #tpu.memory_space<vmem>>, vector<1x16xf32>,
        %get3A_1239 = arith.index_cast %scan3A_1088 : i32 to index
        %get3A_1240 = arith.constant 240 : index
        %get3A_1241 = tpu.vector_load %arg8[%get3A_1239, %get3A_1240] {strides = array<i32>} : memref<8x1024xf32, #tpu.memory_space<vmem>>, vector<1x16xf32>,
        %get3A_1242 = vector.shape_cast %get3A_1241 : vector<1x16xf32> to vector<16xf32>
        %add3A_1243 = arith.addf %get3A_1242, %get3A_899 : vector<16xf32>
        %swap3A_1244 = arith.index_cast %scan3A_1088 : i32 to index
        %swap3A_1245 = arith.constant 240 : index
        %swap3A_1246 = tpu.vector_load %arg12[%swap3A_1244, %swap3A_1245] {strides = array<i32>} : memref<8x1024xf32, #tpu.memory_space<vmem>>, vector<1x16xf32>,
        %swap3A_1247 = vector.shape_cast %swap3A_1246 : vector<1x16xf32> to vector<16xf32>
        %swap3A_1248 = vector.shape_cast %add3A_1243 : vector<16xf32> to vector<1x16xf32>
        tpu.vector_store %arg12[%swap3A_1244, %swap3A_1245], %swap3A_1248 {strides = array<i32>} : memref<8x1024xf32, #tpu.memory_space<vmem>>, vector<1x16xf32>,
        %scan3A_1249 = arith.constant 0 : i32
        scf.yield %scan3A_1249 : i32
      }
      %scan3A_906 = arith.constant 8 : i32
      %get3A_907 = arith.constant 256 : index
      %get3A_908 = tpu.vector_load %arg13[%get3A_907] {strides = array<i32>} : memref<1024xf32, #tpu.memory_space<vmem>>, vector<16xf32>,
      %get3A_909 = vector.shape_cast %get3A_908 : vector<16xf32> to vector<16xf32>
      %get3A_910 = arith.constant 272 : index
      %get3A_911 = tpu.vector_load %arg13[%get3A_910] {strides = array<i32>} : memref<1024xf32, #tpu.memory_space<vmem>>, vector<16xf32>,
      %get3A_912 = vector.shape_cast %get3A_911 : vector<16xf32> to vector<16xf32>
      %get3A_913 = arith.constant 288 : index
      %get3A_914 = tpu.vector_load %arg13[%get3A_913] {strides = array<i32>} : memref<1024xf32, #tpu.memory_space<vmem>>, vector<16xf32>,
      %get3A_915 = vector.shape_cast %get3A_914 : vector<16xf32> to vector<16xf32>
      %get3A_916 = arith.constant 304 : index
      %get3A_917 = tpu.vector_load %arg13[%get3A_916] {strides = array<i32>} : memref<1024xf32, #tpu.memory_space<vmem>>, vector<16xf32>,
      %get3A_918 = vector.shape_cast %get3A_917 : vector<16xf32> to vector<16xf32>
      %get3A_919 = arith.constant 320 : index
      %get3A_920 = tpu.vector_load %arg13[%get3A_919] {strides = array<i32>} : memref<1024xf32, #tpu.memory_space<vmem>>, vector<16xf32>,
      %get3A_921 = vector.shape_cast %get3A_920 : vector<16xf32> to vector<16xf32>
      %get3A_922 = arith.constant 336 : index
      %get3A_923 = tpu.vector_load %arg13[%get3A_922] {strides = array<i32>} : memref<1024xf32, #tpu.memory_space<vmem>>, vector<16xf32>,
      %get3A_924 = vector.shape_cast %get3A_923 : vector<16xf32> to vector<16xf32>
      %get3A_925 = arith.constant 352 : index
      %get3A_926 = tpu.vector_load %arg13[%get3A_925] {strides = array<i32>} : memref<1024xf32, #tpu.memory_space<vmem>>, vector<16xf32>,
      %get3A_927 = vector.shape_cast %get3A_926 : vector<16xf32> to vector<16xf32>
      %get3A_928 = arith.constant 368 : index
      %get3A_929 = tpu.vector_load %arg13[%get3A_928] {strides = array<i32>} : memref<1024xf32, #tpu.memory_space<vmem>>, vector<16xf32>,
      %get3A_930 = vector.shape_cast %get3A_929 : vector<16xf32> to vector<16xf32>
      %get3A_931 = arith.constant 384 : index
      %get3A_932 = tpu.vector_load %arg13[%get3A_931] {strides = array<i32>} : memref<1024xf32, #tpu.memory_space<vmem>>, vector<16xf32>,
      %get3A_933 = vector.shape_cast %get3A_932 : vector<16xf32> to vector<16xf32>
      %get3A_934 = arith.constant 400 : index
      %get3A_935 = tpu.vector_load %arg13[%get3A_934] {strides = array<i32>} : memref<1024xf32, #tpu.memory_space<vmem>>, vector<16xf32>,
      %get3A_936 = vector.shape_cast %get3A_935 : vector<16xf32> to vector<16xf32>
      %get3A_937 = arith.constant 416 : index
      %get3A_938 = tpu.vector_load %arg13[%get3A_937] {strides = array<i32>} : memref<1024xf32, #tpu.memory_space<vmem>>, vector<16xf32>,
      %get3A_939 = vector.shape_cast %get3A_938 : vector<16xf32> to vector<16xf32>
      %get3A_940 = arith.constant 432 : index
      %get3A_941 = tpu.vector_load %arg13[%get3A_940] {strides = array<i32>} : memref<1024xf32, #tpu.memory_space<vmem>>, vector<16xf32>,
      %get3A_942 = vector.shape_cast %get3A_941 : vector<16xf32> to vector<16xf32>
      %get3A_943 = arith.constant 448 : index
      %get3A_944 = tpu.vector_load %arg13[%get3A_943] {strides = array<i32>} : memref<1024xf32, #tpu.memory_space<vmem>>, vector<16xf32>,
      %get3A_945 = vector.shape_cast %get3A_944 : vector<16xf32> to vector<16xf32>
      %get3A_946 = arith.constant 464 : index
      %get3A_947 = tpu.vector_load %arg13[%get3A_946] {strides = array<i32>} : memref<1024xf32, #tpu.memory_space<vmem>>, vector<16xf32>,
      %get3A_948 = vector.shape_cast %get3A_947 : vector<16xf32> to vector<16xf32>
      %get3A_949 = arith.constant 480 : index
      %get3A_950 = tpu.vector_load %arg13[%get3A_949] {strides = array<i32>} : memref<1024xf32, #tpu.memory_space<vmem>>, vector<16xf32>,
      %get3A_951 = vector.shape_cast %get3A_950 : vector<16xf32> to vector<16xf32>
      %get3A_952 = arith.constant 496 : index
      %get3A_953 = tpu.vector_load %arg13[%get3A_952] {strides = array<i32>} : memref<1024xf32, #tpu.memory_space<vmem>>, vector<16xf32>,
      %get3A_954 = vector.shape_cast %get3A_953 : vector<16xf32> to vector<16xf32>
      %scan3A_955 = arith.constant 0 : i32
      %scan3A_956 = arith.constant 0 : i32
      %scan3A_957 = arith.constant 8 : i32
      %scan3A_958 = arith.addi %scan3A_956, %scan3A_957 : i32
      %scan3A_959 = arith.constant 1 : i32
      %scan3A_960 = scf.for %scan3A_1088 = %scan3A_956 to %scan3A_958 step %scan3A_959 iter_args(%scan3A_1089 = %scan3A_955) -> (i32)  : i32 {
        %get3A_1090 = arith.index_cast %scan3A_1088 : i32 to index
        %get3A_1091 = arith.constant 256 : index
        %get3A_1092 = tpu.vector_load %arg8[%get3A_1090, %get3A_1091] {strides = array<i32>} : memref<8x1024xf32, #tpu.memory_space<vmem>>, vector<1x16xf32>,
        %get3A_1093 = vector.shape_cast %get3A_1092 : vector<1x16xf32> to vector<16xf32>
        %add3A_1094 = arith.addf %get3A_1093, %get3A_909 : vector<16xf32>
        %swap3A = arith.index_cast %scan3A_1088 : i32 to index
        %swap3A_1095 = arith.constant 256 : index
        %swap3A_1096 = tpu.vector_load %arg12[%swap3A, %swap3A_1095] {strides = array<i32>} : memref<8x1024xf32, #tpu.memory_space<vmem>>, vector<1x16xf32>,
        %swap3A_1097 = vector.shape_cast %swap3A_1096 : vector<1x16xf32> to vector<16xf32>
        %swap3A_1098 = vector.shape_cast %add3A_1094 : vector<16xf32> to vector<1x16xf32>
        tpu.vector_store %arg12[%swap3A, %swap3A_1095], %swap3A_1098 {strides = array<i32>} : memref<8x1024xf32, #tpu.memory_space<vmem>>, vector<1x16xf32>,
        %get3A_1099 = arith.index_cast %scan3A_1088 : i32 to index
        %get3A_1100 = arith.constant 272 : index
        %get3A_1101 = tpu.vector_load %arg8[%get3A_1099, %get3A_1100] {strides = array<i32>} : memref<8x1024xf32, #tpu.memory_space<vmem>>, vector<1x16xf32>,
        %get3A_1102 = vector.shape_cast %get3A_1101 : vector<1x16xf32> to vector<16xf32>
        %add3A_1103 = arith.addf %get3A_1102, %get3A_912 : vector<16xf32>
        %swap3A_1104 = arith.index_cast %scan3A_1088 : i32 to index
        %swap3A_1105 = arith.constant 272 : index
        %swap3A_1106 = tpu.vector_load %arg12[%swap3A_1104, %swap3A_1105] {strides = array<i32>} : memref<8x1024xf32, #tpu.memory_space<vmem>>, vector<1x16xf32>,
        %swap3A_1107 = vector.shape_cast %swap3A_1106 : vector<1x16xf32> to vector<16xf32>
        %swap3A_1108 = vector.shape_cast %add3A_1103 : vector<16xf32> to vector<1x16xf32>
        tpu.vector_store %arg12[%swap3A_1104, %swap3A_1105], %swap3A_1108 {strides = array<i32>} : memref<8x1024xf32, #tpu.memory_space<vmem>>, vector<1x16xf32>,
        %get3A_1109 = arith.index_cast %scan3A_1088 : i32 to index
        %get3A_1110 = arith.constant 288 : index
        %get3A_1111 = tpu.vector_load %arg8[%get3A_1109, %get3A_1110] {strides = array<i32>} : memref<8x1024xf32, #tpu.memory_space<vmem>>, vector<1x16xf32>,
        %get3A_1112 = vector.shape_cast %get3A_1111 : vector<1x16xf32> to vector<16xf32>
        %add3A_1113 = arith.addf %get3A_1112, %get3A_915 : vector<16xf32>
        %swap3A_1114 = arith.index_cast %scan3A_1088 : i32 to index
        %swap3A_1115 = arith.constant 288 : index
        %swap3A_1116 = tpu.vector_load %arg12[%swap3A_1114, %swap3A_1115] {strides = array<i32>} : memref<8x1024xf32, #tpu.memory_space<vmem>>, vector<1x16xf32>,
        %swap3A_1117 = vector.shape_cast %swap3A_1116 : vector<1x16xf32> to vector<16xf32>
        %swap3A_1118 = vector.shape_cast %add3A_1113 : vector<16xf32> to vector<1x16xf32>
        tpu.vector_store %arg12[%swap3A_1114, %swap3A_1115], %swap3A_1118 {strides = array<i32>} : memref<8x1024xf32, #tpu.memory_space<vmem>>, vector<1x16xf32>,
        %get3A_1119 = arith.index_cast %scan3A_1088 : i32 to index
        %get3A_1120 = arith.constant 304 : index
        %get3A_1121 = tpu.vector_load %arg8[%get3A_1119, %get3A_1120] {strides = array<i32>} : memref<8x1024xf32, #tpu.memory_space<vmem>>, vector<1x16xf32>,
        %get3A_1122 = vector.shape_cast %get3A_1121 : vector<1x16xf32> to vector<16xf32>
        %add3A_1123 = arith.addf %get3A_1122, %get3A_918 : vector<16xf32>
        %swap3A_1124 = arith.index_cast %scan3A_1088 : i32 to index
        %swap3A_1125 = arith.constant 304 : index
        %swap3A_1126 = tpu.vector_load %arg12[%swap3A_1124, %swap3A_1125] {strides = array<i32>} : memref<8x1024xf32, #tpu.memory_space<vmem>>, vector<1x16xf32>,
        %swap3A_1127 = vector.shape_cast %swap3A_1126 : vector<1x16xf32> to vector<16xf32>
        %swap3A_1128 = vector.shape_cast %add3A_1123 : vector<16xf32> to vector<1x16xf32>
        tpu.vector_store %arg12[%swap3A_1124, %swap3A_1125], %swap3A_1128 {strides = array<i32>} : memref<8x1024xf32, #tpu.memory_space<vmem>>, vector<1x16xf32>,
        %get3A_1129 = arith.index_cast %scan3A_1088 : i32 to index
        %get3A_1130 = arith.constant 320 : index
        %get3A_1131 = tpu.vector_load %arg8[%get3A_1129, %get3A_1130] {strides = array<i32>} : memref<8x1024xf32, #tpu.memory_space<vmem>>, vector<1x16xf32>,
        %get3A_1132 = vector.shape_cast %get3A_1131 : vector<1x16xf32> to vector<16xf32>
        %add3A_1133 = arith.addf %get3A_1132, %get3A_921 : vector<16xf32>
        %swap3A_1134 = arith.index_cast %scan3A_1088 : i32 to index
        %swap3A_1135 = arith.constant 320 : index
        %swap3A_1136 = tpu.vector_load %arg12[%swap3A_1134, %swap3A_1135] {strides = array<i32>} : memref<8x1024xf32, #tpu.memory_space<vmem>>, vector<1x16xf32>,
        %swap3A_1137 = vector.shape_cast %swap3A_1136 : vector<1x16xf32> to vector<16xf32>
        %swap3A_1138 = vector.shape_cast %add3A_1133 : vector<16xf32> to vector<1x16xf32>
        tpu.vector_store %arg12[%swap3A_1134, %swap3A_1135], %swap3A_1138 {strides = array<i32>} : memref<8x1024xf32, #tpu.memory_space<vmem>>, vector<1x16xf32>,
        %get3A_1139 = arith.index_cast %scan3A_1088 : i32 to index
        %get3A_1140 = arith.constant 336 : index
        %get3A_1141 = tpu.vector_load %arg8[%get3A_1139, %get3A_1140] {strides = array<i32>} : memref<8x1024xf32, #tpu.memory_space<vmem>>, vector<1x16xf32>,
        %get3A_1142 = vector.shape_cast %get3A_1141 : vector<1x16xf32> to vector<16xf32>
        %add3A_1143 = arith.addf %get3A_1142, %get3A_924 : vector<16xf32>
        %swap3A_1144 = arith.index_cast %scan3A_1088 : i32 to index
        %swap3A_1145 = arith.constant 336 : index
        %swap3A_1146 = tpu.vector_load %arg12[%swap3A_1144, %swap3A_1145] {strides = array<i32>} : memref<8x1024xf32, #tpu.memory_space<vmem>>, vector<1x16xf32>,
        %swap3A_1147 = vector.shape_cast %swap3A_1146 : vector<1x16xf32> to vector<16xf32>
        %swap3A_1148 = vector.shape_cast %add3A_1143 : vector<16xf32> to vector<1x16xf32>
        tpu.vector_store %arg12[%swap3A_1144, %swap3A_1145], %swap3A_1148 {strides = array<i32>} : memref<8x1024xf32, #tpu.memory_space<vmem>>, vector<1x16xf32>,
        %get3A_1149 = arith.index_cast %scan3A_1088 : i32 to index
        %get3A_1150 = arith.constant 352 : index
        %get3A_1151 = tpu.vector_load %arg8[%get3A_1149, %get3A_1150] {strides = array<i32>} : memref<8x1024xf32, #tpu.memory_space<vmem>>, vector<1x16xf32>,
        %get3A_1152 = vector.shape_cast %get3A_1151 : vector<1x16xf32> to vector<16xf32>
        %add3A_1153 = arith.addf %get3A_1152, %get3A_927 : vector<16xf32>
        %swap3A_1154 = arith.index_cast %scan3A_1088 : i32 to index
        %swap3A_1155 = arith.constant 352 : index
        %swap3A_1156 = tpu.vector_load %arg12[%swap3A_1154, %swap3A_1155] {strides = array<i32>} : memref<8x1024xf32, #tpu.memory_space<vmem>>, vector<1x16xf32>,
        %swap3A_1157 = vector.shape_cast %swap3A_1156 : vector<1x16xf32> to vector<16xf32>
        %swap3A_1158 = vector.shape_cast %add3A_1153 : vector<16xf32> to vector<1x16xf32>
        tpu.vector_store %arg12[%swap3A_1154, %swap3A_1155], %swap3A_1158 {strides = array<i32>} : memref<8x1024xf32, #tpu.memory_space<vmem>>, vector<1x16xf32>,
        %get3A_1159 = arith.index_cast %scan3A_1088 : i32 to index
        %get3A_1160 = arith.constant 368 : index
        %get3A_1161 = tpu.vector_load %arg8[%get3A_1159, %get3A_1160] {strides = array<i32>} : memref<8x1024xf32, #tpu.memory_space<vmem>>, vector<1x16xf32>,
        %get3A_1162 = vector.shape_cast %get3A_1161 : vector<1x16xf32> to vector<16xf32>
        %add3A_1163 = arith.addf %get3A_1162, %get3A_930 : vector<16xf32>
        %swap3A_1164 = arith.index_cast %scan3A_1088 : i32 to index
        %swap3A_1165 = arith.constant 368 : index
        %swap3A_1166 = tpu.vector_load %arg12[%swap3A_1164, %swap3A_1165] {strides = array<i32>} : memref<8x1024xf32, #tpu.memory_space<vmem>>, vector<1x16xf32>,
        %swap3A_1167 = vector.shape_cast %swap3A_1166 : vector<1x16xf32> to vector<16xf32>
        %swap3A_1168 = vector.shape_cast %add3A_1163 : vector<16xf32> to vector<1x16xf32>
        tpu.vector_store %arg12[%swap3A_1164, %swap3A_1165], %swap3A_1168 {strides = array<i32>} : memref<8x1024xf32, #tpu.memory_space<vmem>>, vector<1x16xf32>,
        %get3A_1169 = arith.index_cast %scan3A_1088 : i32 to index
        %get3A_1170 = arith.constant 384 : index
        %get3A_1171 = tpu.vector_load %arg8[%get3A_1169, %get3A_1170] {strides = array<i32>} : memref<8x1024xf32, #tpu.memory_space<vmem>>, vector<1x16xf32>,
        %get3A_1172 = vector.shape_cast %get3A_1171 : vector<1x16xf32> to vector<16xf32>
        %add3A_1173 = arith.addf %get3A_1172, %get3A_933 : vector<16xf32>
        %swap3A_1174 = arith.index_cast %scan3A_1088 : i32 to index
        %swap3A_1175 = arith.constant 384 : index
        %swap3A_1176 = tpu.vector_load %arg12[%swap3A_1174, %swap3A_1175] {strides = array<i32>} : memref<8x1024xf32, #tpu.memory_space<vmem>>, vector<1x16xf32>,
        %swap3A_1177 = vector.shape_cast %swap3A_1176 : vector<1x16xf32> to vector<16xf32>
        %swap3A_1178 = vector.shape_cast %add3A_1173 : vector<16xf32> to vector<1x16xf32>
        tpu.vector_store %arg12[%swap3A_1174, %swap3A_1175], %swap3A_1178 {strides = array<i32>} : memref<8x1024xf32, #tpu.memory_space<vmem>>, vector<1x16xf32>,
        %get3A_1179 = arith.index_cast %scan3A_1088 : i32 to index
        %get3A_1180 = arith.constant 400 : index
        %get3A_1181 = tpu.vector_load %arg8[%get3A_1179, %get3A_1180] {strides = array<i32>} : memref<8x1024xf32, #tpu.memory_space<vmem>>, vector<1x16xf32>,
        %get3A_1182 = vector.shape_cast %get3A_1181 : vector<1x16xf32> to vector<16xf32>
        %add3A_1183 = arith.addf %get3A_1182, %get3A_936 : vector<16xf32>
        %swap3A_1184 = arith.index_cast %scan3A_1088 : i32 to index
        %swap3A_1185 = arith.constant 400 : index
        %swap3A_1186 = tpu.vector_load %arg12[%swap3A_1184, %swap3A_1185] {strides = array<i32>} : memref<8x1024xf32, #tpu.memory_space<vmem>>, vector<1x16xf32>,
        %swap3A_1187 = vector.shape_cast %swap3A_1186 : vector<1x16xf32> to vector<16xf32>
        %swap3A_1188 = vector.shape_cast %add3A_1183 : vector<16xf32> to vector<1x16xf32>
        tpu.vector_store %arg12[%swap3A_1184, %swap3A_1185], %swap3A_1188 {strides = array<i32>} : memref<8x1024xf32, #tpu.memory_space<vmem>>, vector<1x16xf32>,
        %get3A_1189 = arith.index_cast %scan3A_1088 : i32 to index
        %get3A_1190 = arith.constant 416 : index
        %get3A_1191 = tpu.vector_load %arg8[%get3A_1189, %get3A_1190] {strides = array<i32>} : memref<8x1024xf32, #tpu.memory_space<vmem>>, vector<1x16xf32>,
        %get3A_1192 = vector.shape_cast %get3A_1191 : vector<1x16xf32> to vector<16xf32>
        %add3A_1193 = arith.addf %get3A_1192, %get3A_939 : vector<16xf32>
        %swap3A_1194 = arith.index_cast %scan3A_1088 : i32 to index
        %swap3A_1195 = arith.constant 416 : index
        %swap3A_1196 = tpu.vector_load %arg12[%swap3A_1194, %swap3A_1195] {strides = array<i32>} : memref<8x1024xf32, #tpu.memory_space<vmem>>, vector<1x16xf32>,
        %swap3A_1197 = vector.shape_cast %swap3A_1196 : vector<1x16xf32> to vector<16xf32>
        %swap3A_1198 = vector.shape_cast %add3A_1193 : vector<16xf32> to vector<1x16xf32>
        tpu.vector_store %arg12[%swap3A_1194, %swap3A_1195], %swap3A_1198 {strides = array<i32>} : memref<8x1024xf32, #tpu.memory_space<vmem>>, vector<1x16xf32>,
        %get3A_1199 = arith.index_cast %scan3A_1088 : i32 to index
        %get3A_1200 = arith.constant 432 : index
        %get3A_1201 = tpu.vector_load %arg8[%get3A_1199, %get3A_1200] {strides = array<i32>} : memref<8x1024xf32, #tpu.memory_space<vmem>>, vector<1x16xf32>,
        %get3A_1202 = vector.shape_cast %get3A_1201 : vector<1x16xf32> to vector<16xf32>
        %add3A_1203 = arith.addf %get3A_1202, %get3A_942 : vector<16xf32>
        %swap3A_1204 = arith.index_cast %scan3A_1088 : i32 to index
        %swap3A_1205 = arith.constant 432 : index
        %swap3A_1206 = tpu.vector_load %arg12[%swap3A_1204, %swap3A_1205] {strides = array<i32>} : memref<8x1024xf32, #tpu.memory_space<vmem>>, vector<1x16xf32>,
        %swap3A_1207 = vector.shape_cast %swap3A_1206 : vector<1x16xf32> to vector<16xf32>
        %swap3A_1208 = vector.shape_cast %add3A_1203 : vector<16xf32> to vector<1x16xf32>
        tpu.vector_store %arg12[%swap3A_1204, %swap3A_1205], %swap3A_1208 {strides = array<i32>} : memref<8x1024xf32, #tpu.memory_space<vmem>>, vector<1x16xf32>,
        %get3A_1209 = arith.index_cast %scan3A_1088 : i32 to index
        %get3A_1210 = arith.constant 448 : index
        %get3A_1211 = tpu.vector_load %arg8[%get3A_1209, %get3A_1210] {strides = array<i32>} : memref<8x1024xf32, #tpu.memory_space<vmem>>, vector<1x16xf32>,
        %get3A_1212 = vector.shape_cast %get3A_1211 : vector<1x16xf32> to vector<16xf32>
        %add3A_1213 = arith.addf %get3A_1212, %get3A_945 : vector<16xf32>
        %swap3A_1214 = arith.index_cast %scan3A_1088 : i32 to index
        %swap3A_1215 = arith.constant 448 : index
        %swap3A_1216 = tpu.vector_load %arg12[%swap3A_1214, %swap3A_1215] {strides = array<i32>} : memref<8x1024xf32, #tpu.memory_space<vmem>>, vector<1x16xf32>,
        %swap3A_1217 = vector.shape_cast %swap3A_1216 : vector<1x16xf32> to vector<16xf32>
        %swap3A_1218 = vector.shape_cast %add3A_1213 : vector<16xf32> to vector<1x16xf32>
        tpu.vector_store %arg12[%swap3A_1214, %swap3A_1215], %swap3A_1218 {strides = array<i32>} : memref<8x1024xf32, #tpu.memory_space<vmem>>, vector<1x16xf32>,
        %get3A_1219 = arith.index_cast %scan3A_1088 : i32 to index
        %get3A_1220 = arith.constant 464 : index
        %get3A_1221 = tpu.vector_load %arg8[%get3A_1219, %get3A_1220] {strides = array<i32>} : memref<8x1024xf32, #tpu.memory_space<vmem>>, vector<1x16xf32>,
        %get3A_1222 = vector.shape_cast %get3A_1221 : vector<1x16xf32> to vector<16xf32>
        %add3A_1223 = arith.addf %get3A_1222, %get3A_948 : vector<16xf32>
        %swap3A_1224 = arith.index_cast %scan3A_1088 : i32 to index
        %swap3A_1225 = arith.constant 464 : index
        %swap3A_1226 = tpu.vector_load %arg12[%swap3A_1224, %swap3A_1225] {strides = array<i32>} : memref<8x1024xf32, #tpu.memory_space<vmem>>, vector<1x16xf32>,
        %swap3A_1227 = vector.shape_cast %swap3A_1226 : vector<1x16xf32> to vector<16xf32>
        %swap3A_1228 = vector.shape_cast %add3A_1223 : vector<16xf32> to vector<1x16xf32>
        tpu.vector_store %arg12[%swap3A_1224, %swap3A_1225], %swap3A_1228 {strides = array<i32>} : memref<8x1024xf32, #tpu.memory_space<vmem>>, vector<1x16xf32>,
        %get3A_1229 = arith.index_cast %scan3A_1088 : i32 to index
        %get3A_1230 = arith.constant 480 : index
        %get3A_1231 = tpu.vector_load %arg8[%get3A_1229, %get3A_1230] {strides = array<i32>} : memref<8x1024xf32, #tpu.memory_space<vmem>>, vector<1x16xf32>,
        %get3A_1232 = vector.shape_cast %get3A_1231 : vector<1x16xf32> to vector<16xf32>
        %add3A_1233 = arith.addf %get3A_1232, %get3A_951 : vector<16xf32>
        %swap3A_1234 = arith.index_cast %scan3A_1088 : i32 to index
        %swap3A_1235 = arith.constant 480 : index
        %swap3A_1236 = tpu.vector_load %arg12[%swap3A_1234, %swap3A_1235] {strides = array<i32>} : memref<8x1024xf32, #tpu.memory_space<vmem>>, vector<1x16xf32>,
        %swap3A_1237 = vector.shape_cast %swap3A_1236 : vector<1x16xf32> to vector<16xf32>
        %swap3A_1238 = vector.shape_cast %add3A_1233 : vector<16xf32> to vector<1x16xf32>
        tpu.vector_store %arg12[%swap3A_1234, %swap3A_1235], %swap3A_1238 {strides = array<i32>} : memref<8x1024xf32, #tpu.memory_space<vmem>>, vector<1x16xf32>,
        %get3A_1239 = arith.index_cast %scan3A_1088 : i32 to index
        %get3A_1240 = arith.constant 496 : index
        %get3A_1241 = tpu.vector_load %arg8[%get3A_1239, %get3A_1240] {strides = array<i32>} : memref<8x1024xf32, #tpu.memory_space<vmem>>, vector<1x16xf32>,
        %get3A_1242 = vector.shape_cast %get3A_1241 : vector<1x16xf32> to vector<16xf32>
        %add3A_1243 = arith.addf %get3A_1242, %get3A_954 : vector<16xf32>
        %swap3A_1244 = arith.index_cast %scan3A_1088 : i32 to index
        %swap3A_1245 = arith.constant 496 : index
        %swap3A_1246 = tpu.vector_load %arg12[%swap3A_1244, %swap3A_1245] {strides = array<i32>} : memref<8x1024xf32, #tpu.memory_space<vmem>>, vector<1x16xf32>,
        %swap3A_1247 = vector.shape_cast %swap3A_1246 : vector<1x16xf32> to vector<16xf32>
        %swap3A_1248 = vector.shape_cast %add3A_1243 : vector<16xf32> to vector<1x16xf32>
        tpu.vector_store %arg12[%swap3A_1244, %swap3A_1245], %swap3A_1248 {strides = array<i32>} : memref<8x1024xf32, #tpu.memory_space<vmem>>, vector<1x16xf32>,
        %scan3A_1249 = arith.constant 0 : i32
        scf.yield %scan3A_1249 : i32
      }
      %scan3A_961 = arith.constant 8 : i32
      %get3A_962 = arith.constant 512 : index
      %get3A_963 = tpu.vector_load %arg13[%get3A_962] {strides = array<i32>} : memref<1024xf32, #tpu.memory_space<vmem>>, vector<16xf32>,
      %get3A_964 = vector.shape_cast %get3A_963 : vector<16xf32> to vector<16xf32>
      %get3A_965 = arith.constant 528 : index
      %get3A_966 = tpu.vector_load %arg13[%get3A_965] {strides = array<i32>} : memref<1024xf32, #tpu.memory_space<vmem>>, vector<16xf32>,
      %get3A_967 = vector.shape_cast %get3A_966 : vector<16xf32> to vector<16xf32>
      %get3A_968 = arith.constant 544 : index
      %get3A_969 = tpu.vector_load %arg13[%get3A_968] {strides = array<i32>} : memref<1024xf32, #tpu.memory_space<vmem>>, vector<16xf32>,
      %get3A_970 = vector.shape_cast %get3A_969 : vector<16xf32> to vector<16xf32>
      %get3A_971 = arith.constant 560 : index
      %get3A_972 = tpu.vector_load %arg13[%get3A_971] {strides = array<i32>} : memref<1024xf32, #tpu.memory_space<vmem>>, vector<16xf32>,
      %get3A_973 = vector.shape_cast %get3A_972 : vector<16xf32> to vector<16xf32>
      %get3A_974 = arith.constant 576 : index
      %get3A_975 = tpu.vector_load %arg13[%get3A_974] {strides = array<i32>} : memref<1024xf32, #tpu.memory_space<vmem>>, vector<16xf32>,
      %get3A_976 = vector.shape_cast %get3A_975 : vector<16xf32> to vector<16xf32>
      %get3A_977 = arith.constant 592 : index
      %get3A_978 = tpu.vector_load %arg13[%get3A_977] {strides = array<i32>} : memref<1024xf32, #tpu.memory_space<vmem>>, vector<16xf32>,
      %get3A_979 = vector.shape_cast %get3A_978 : vector<16xf32> to vector<16xf32>
      %get3A_980 = arith.constant 608 : index
      %get3A_981 = tpu.vector_load %arg13[%get3A_980] {strides = array<i32>} : memref<1024xf32, #tpu.memory_space<vmem>>, vector<16xf32>,
      %get3A_982 = vector.shape_cast %get3A_981 : vector<16xf32> to vector<16xf32>
      %get3A_983 = arith.constant 624 : index
      %get3A_984 = tpu.vector_load %arg13[%get3A_983] {strides = array<i32>} : memref<1024xf32, #tpu.memory_space<vmem>>, vector<16xf32>,
      %get3A_985 = vector.shape_cast %get3A_984 : vector<16xf32> to vector<16xf32>
      %get3A_986 = arith.constant 640 : index
      %get3A_987 = tpu.vector_load %arg13[%get3A_986] {strides = array<i32>} : memref<1024xf32, #tpu.memory_space<vmem>>, vector<16xf32>,
      %get3A_988 = vector.shape_cast %get3A_987 : vector<16xf32> to vector<16xf32>
      %get3A_989 = arith.constant 656 : index
      %get3A_990 = tpu.vector_load %arg13[%get3A_989] {strides = array<i32>} : memref<1024xf32, #tpu.memory_space<vmem>>, vector<16xf32>,
      %get3A_991 = vector.shape_cast %get3A_990 : vector<16xf32> to vector<16xf32>
      %get3A_992 = arith.constant 672 : index
      %get3A_993 = tpu.vector_load %arg13[%get3A_992] {strides = array<i32>} : memref<1024xf32, #tpu.memory_space<vmem>>, vector<16xf32>,
      %get3A_994 = vector.shape_cast %get3A_993 : vector<16xf32> to vector<16xf32>
      %get3A_995 = arith.constant 688 : index
      %get3A_996 = tpu.vector_load %arg13[%get3A_995] {strides = array<i32>} : memref<1024xf32, #tpu.memory_space<vmem>>, vector<16xf32>,
      %get3A_997 = vector.shape_cast %get3A_996 : vector<16xf32> to vector<16xf32>
      %get3A_998 = arith.constant 704 : index
      %get3A_999 = tpu.vector_load %arg13[%get3A_998] {strides = array<i32>} : memref<1024xf32, #tpu.memory_space<vmem>>, vector<16xf32>,
      %get3A_1000 = vector.shape_cast %get3A_999 : vector<16xf32> to vector<16xf32>
      %get3A_1001 = arith.constant 720 : index
      %get3A_1002 = tpu.vector_load %arg13[%get3A_1001] {strides = array<i32>} : memref<1024xf32, #tpu.memory_space<vmem>>, vector<16xf32>,
      %get3A_1003 = vector.shape_cast %get3A_1002 : vector<16xf32> to vector<16xf32>
      %get3A_1004 = arith.constant 736 : index
      %get3A_1005 = tpu.vector_load %arg13[%get3A_1004] {strides = array<i32>} : memref<1024xf32, #tpu.memory_space<vmem>>, vector<16xf32>,
      %get3A_1006 = vector.shape_cast %get3A_1005 : vector<16xf32> to vector<16xf32>
      %get3A_1007 = arith.constant 752 : index
      %get3A_1008 = tpu.vector_load %arg13[%get3A_1007] {strides = array<i32>} : memref<1024xf32, #tpu.memory_space<vmem>>, vector<16xf32>,
      %get3A_1009 = vector.shape_cast %get3A_1008 : vector<16xf32> to vector<16xf32>
      %scan3A_1010 = arith.constant 0 : i32
      %scan3A_1011 = arith.constant 0 : i32
      %scan3A_1012 = arith.constant 8 : i32
      %scan3A_1013 = arith.addi %scan3A_1011, %scan3A_1012 : i32
      %scan3A_1014 = arith.constant 1 : i32
      %scan3A_1015 = scf.for %scan3A_1088 = %scan3A_1011 to %scan3A_1013 step %scan3A_1014 iter_args(%scan3A_1089 = %scan3A_1010) -> (i32)  : i32 {
        %get3A_1090 = arith.index_cast %scan3A_1088 : i32 to index
        %get3A_1091 = arith.constant 512 : index
        %get3A_1092 = tpu.vector_load %arg8[%get3A_1090, %get3A_1091] {strides = array<i32>} : memref<8x1024xf32, #tpu.memory_space<vmem>>, vector<1x16xf32>,
        %get3A_1093 = vector.shape_cast %get3A_1092 : vector<1x16xf32> to vector<16xf32>
        %add3A_1094 = arith.addf %get3A_1093, %get3A_964 : vector<16xf32>
        %swap3A = arith.index_cast %scan3A_1088 : i32 to index
        %swap3A_1095 = arith.constant 512 : index
        %swap3A_1096 = tpu.vector_load %arg12[%swap3A, %swap3A_1095] {strides = array<i32>} : memref<8x1024xf32, #tpu.memory_space<vmem>>, vector<1x16xf32>,
        %swap3A_1097 = vector.shape_cast %swap3A_1096 : vector<1x16xf32> to vector<16xf32>
        %swap3A_1098 = vector.shape_cast %add3A_1094 : vector<16xf32> to vector<1x16xf32>
        tpu.vector_store %arg12[%swap3A, %swap3A_1095], %swap3A_1098 {strides = array<i32>} : memref<8x1024xf32, #tpu.memory_space<vmem>>, vector<1x16xf32>,
        %get3A_1099 = arith.index_cast %scan3A_1088 : i32 to index
        %get3A_1100 = arith.constant 528 : index
        %get3A_1101 = tpu.vector_load %arg8[%get3A_1099, %get3A_1100] {strides = array<i32>} : memref<8x1024xf32, #tpu.memory_space<vmem>>, vector<1x16xf32>,
        %get3A_1102 = vector.shape_cast %get3A_1101 : vector<1x16xf32> to vector<16xf32>
        %add3A_1103 = arith.addf %get3A_1102, %get3A_967 : vector<16xf32>
        %swap3A_1104 = arith.index_cast %scan3A_1088 : i32 to index
        %swap3A_1105 = arith.constant 528 : index
        %swap3A_1106 = tpu.vector_load %arg12[%swap3A_1104, %swap3A_1105] {strides = array<i32>} : memref<8x1024xf32, #tpu.memory_space<vmem>>, vector<1x16xf32>,
        %swap3A_1107 = vector.shape_cast %swap3A_1106 : vector<1x16xf32> to vector<16xf32>
        %swap3A_1108 = vector.shape_cast %add3A_1103 : vector<16xf32> to vector<1x16xf32>
        tpu.vector_store %arg12[%swap3A_1104, %swap3A_1105], %swap3A_1108 {strides = array<i32>} : memref<8x1024xf32, #tpu.memory_space<vmem>>, vector<1x16xf32>,
        %get3A_1109 = arith.index_cast %scan3A_1088 : i32 to index
        %get3A_1110 = arith.constant 544 : index
        %get3A_1111 = tpu.vector_load %arg8[%get3A_1109, %get3A_1110] {strides = array<i32>} : memref<8x1024xf32, #tpu.memory_space<vmem>>, vector<1x16xf32>,
        %get3A_1112 = vector.shape_cast %get3A_1111 : vector<1x16xf32> to vector<16xf32>
        %add3A_1113 = arith.addf %get3A_1112, %get3A_970 : vector<16xf32>
        %swap3A_1114 = arith.index_cast %scan3A_1088 : i32 to index
        %swap3A_1115 = arith.constant 544 : index
        %swap3A_1116 = tpu.vector_load %arg12[%swap3A_1114, %swap3A_1115] {strides = array<i32>} : memref<8x1024xf32, #tpu.memory_space<vmem>>, vector<1x16xf32>,
        %swap3A_1117 = vector.shape_cast %swap3A_1116 : vector<1x16xf32> to vector<16xf32>
        %swap3A_1118 = vector.shape_cast %add3A_1113 : vector<16xf32> to vector<1x16xf32>
        tpu.vector_store %arg12[%swap3A_1114, %swap3A_1115], %swap3A_1118 {strides = array<i32>} : memref<8x1024xf32, #tpu.memory_space<vmem>>, vector<1x16xf32>,
        %get3A_1119 = arith.index_cast %scan3A_1088 : i32 to index
        %get3A_1120 = arith.constant 560 : index
        %get3A_1121 = tpu.vector_load %arg8[%get3A_1119, %get3A_1120] {strides = array<i32>} : memref<8x1024xf32, #tpu.memory_space<vmem>>, vector<1x16xf32>,
        %get3A_1122 = vector.shape_cast %get3A_1121 : vector<1x16xf32> to vector<16xf32>
        %add3A_1123 = arith.addf %get3A_1122, %get3A_973 : vector<16xf32>
        %swap3A_1124 = arith.index_cast %scan3A_1088 : i32 to index
        %swap3A_1125 = arith.constant 560 : index
        %swap3A_1126 = tpu.vector_load %arg12[%swap3A_1124, %swap3A_1125] {strides = array<i32>} : memref<8x1024xf32, #tpu.memory_space<vmem>>, vector<1x16xf32>,
        %swap3A_1127 = vector.shape_cast %swap3A_1126 : vector<1x16xf32> to vector<16xf32>
        %swap3A_1128 = vector.shape_cast %add3A_1123 : vector<16xf32> to vector<1x16xf32>
        tpu.vector_store %arg12[%swap3A_1124, %swap3A_1125], %swap3A_1128 {strides = array<i32>} : memref<8x1024xf32, #tpu.memory_space<vmem>>, vector<1x16xf32>,
        %get3A_1129 = arith.index_cast %scan3A_1088 : i32 to index
        %get3A_1130 = arith.constant 576 : index
        %get3A_1131 = tpu.vector_load %arg8[%get3A_1129, %get3A_1130] {strides = array<i32>} : memref<8x1024xf32, #tpu.memory_space<vmem>>, vector<1x16xf32>,
        %get3A_1132 = vector.shape_cast %get3A_1131 : vector<1x16xf32> to vector<16xf32>
        %add3A_1133 = arith.addf %get3A_1132, %get3A_976 : vector<16xf32>
        %swap3A_1134 = arith.index_cast %scan3A_1088 : i32 to index
        %swap3A_1135 = arith.constant 576 : index
        %swap3A_1136 = tpu.vector_load %arg12[%swap3A_1134, %swap3A_1135] {strides = array<i32>} : memref<8x1024xf32, #tpu.memory_space<vmem>>, vector<1x16xf32>,
        %swap3A_1137 = vector.shape_cast %swap3A_1136 : vector<1x16xf32> to vector<16xf32>
        %swap3A_1138 = vector.shape_cast %add3A_1133 : vector<16xf32> to vector<1x16xf32>
        tpu.vector_store %arg12[%swap3A_1134, %swap3A_1135], %swap3A_1138 {strides = array<i32>} : memref<8x1024xf32, #tpu.memory_space<vmem>>, vector<1x16xf32>,
        %get3A_1139 = arith.index_cast %scan3A_1088 : i32 to index
        %get3A_1140 = arith.constant 592 : index
        %get3A_1141 = tpu.vector_load %arg8[%get3A_1139, %get3A_1140] {strides = array<i32>} : memref<8x1024xf32, #tpu.memory_space<vmem>>, vector<1x16xf32>,
        %get3A_1142 = vector.shape_cast %get3A_1141 : vector<1x16xf32> to vector<16xf32>
        %add3A_1143 = arith.addf %get3A_1142, %get3A_979 : vector<16xf32>
        %swap3A_1144 = arith.index_cast %scan3A_1088 : i32 to index
        %swap3A_1145 = arith.constant 592 : index
        %swap3A_1146 = tpu.vector_load %arg12[%swap3A_1144, %swap3A_1145] {strides = array<i32>} : memref<8x1024xf32, #tpu.memory_space<vmem>>, vector<1x16xf32>,
        %swap3A_1147 = vector.shape_cast %swap3A_1146 : vector<1x16xf32> to vector<16xf32>
        %swap3A_1148 = vector.shape_cast %add3A_1143 : vector<16xf32> to vector<1x16xf32>
        tpu.vector_store %arg12[%swap3A_1144, %swap3A_1145], %swap3A_1148 {strides = array<i32>} : memref<8x1024xf32, #tpu.memory_space<vmem>>, vector<1x16xf32>,
        %get3A_1149 = arith.index_cast %scan3A_1088 : i32 to index
        %get3A_1150 = arith.constant 608 : index
        %get3A_1151 = tpu.vector_load %arg8[%get3A_1149, %get3A_1150] {strides = array<i32>} : memref<8x1024xf32, #tpu.memory_space<vmem>>, vector<1x16xf32>,
        %get3A_1152 = vector.shape_cast %get3A_1151 : vector<1x16xf32> to vector<16xf32>
        %add3A_1153 = arith.addf %get3A_1152, %get3A_982 : vector<16xf32>
        %swap3A_1154 = arith.index_cast %scan3A_1088 : i32 to index
        %swap3A_1155 = arith.constant 608 : index
        %swap3A_1156 = tpu.vector_load %arg12[%swap3A_1154, %swap3A_1155] {strides = array<i32>} : memref<8x1024xf32, #tpu.memory_space<vmem>>, vector<1x16xf32>,
        %swap3A_1157 = vector.shape_cast %swap3A_1156 : vector<1x16xf32> to vector<16xf32>
        %swap3A_1158 = vector.shape_cast %add3A_1153 : vector<16xf32> to vector<1x16xf32>
        tpu.vector_store %arg12[%swap3A_1154, %swap3A_1155], %swap3A_1158 {strides = array<i32>} : memref<8x1024xf32, #tpu.memory_space<vmem>>, vector<1x16xf32>,
        %get3A_1159 = arith.index_cast %scan3A_1088 : i32 to index
        %get3A_1160 = arith.constant 624 : index
        %get3A_1161 = tpu.vector_load %arg8[%get3A_1159, %get3A_1160] {strides = array<i32>} : memref<8x1024xf32, #tpu.memory_space<vmem>>, vector<1x16xf32>,
        %get3A_1162 = vector.shape_cast %get3A_1161 : vector<1x16xf32> to vector<16xf32>
        %add3A_1163 = arith.addf %get3A_1162, %get3A_985 : vector<16xf32>
        %swap3A_1164 = arith.index_cast %scan3A_1088 : i32 to index
        %swap3A_1165 = arith.constant 624 : index
        %swap3A_1166 = tpu.vector_load %arg12[%swap3A_1164, %swap3A_1165] {strides = array<i32>} : memref<8x1024xf32, #tpu.memory_space<vmem>>, vector<1x16xf32>,
        %swap3A_1167 = vector.shape_cast %swap3A_1166 : vector<1x16xf32> to vector<16xf32>
        %swap3A_1168 = vector.shape_cast %add3A_1163 : vector<16xf32> to vector<1x16xf32>
        tpu.vector_store %arg12[%swap3A_1164, %swap3A_1165], %swap3A_1168 {strides = array<i32>} : memref<8x1024xf32, #tpu.memory_space<vmem>>, vector<1x16xf32>,
        %get3A_1169 = arith.index_cast %scan3A_1088 : i32 to index
        %get3A_1170 = arith.constant 640 : index
        %get3A_1171 = tpu.vector_load %arg8[%get3A_1169, %get3A_1170] {strides = array<i32>} : memref<8x1024xf32, #tpu.memory_space<vmem>>, vector<1x16xf32>,
        %get3A_1172 = vector.shape_cast %get3A_1171 : vector<1x16xf32> to vector<16xf32>
        %add3A_1173 = arith.addf %get3A_1172, %get3A_988 : vector<16xf32>
        %swap3A_1174 = arith.index_cast %scan3A_1088 : i32 to index
        %swap3A_1175 = arith.constant 640 : index
        %swap3A_1176 = tpu.vector_load %arg12[%swap3A_1174, %swap3A_1175] {strides = array<i32>} : memref<8x1024xf32, #tpu.memory_space<vmem>>, vector<1x16xf32>,
        %swap3A_1177 = vector.shape_cast %swap3A_1176 : vector<1x16xf32> to vector<16xf32>
        %swap3A_1178 = vector.shape_cast %add3A_1173 : vector<16xf32> to vector<1x16xf32>
        tpu.vector_store %arg12[%swap3A_1174, %swap3A_1175], %swap3A_1178 {strides = array<i32>} : memref<8x1024xf32, #tpu.memory_space<vmem>>, vector<1x16xf32>,
        %get3A_1179 = arith.index_cast %scan3A_1088 : i32 to index
        %get3A_1180 = arith.constant 656 : index
        %get3A_1181 = tpu.vector_load %arg8[%get3A_1179, %get3A_1180] {strides = array<i32>} : memref<8x1024xf32, #tpu.memory_space<vmem>>, vector<1x16xf32>,
        %get3A_1182 = vector.shape_cast %get3A_1181 : vector<1x16xf32> to vector<16xf32>
        %add3A_1183 = arith.addf %get3A_1182, %get3A_991 : vector<16xf32>
        %swap3A_1184 = arith.index_cast %scan3A_1088 : i32 to index
        %swap3A_1185 = arith.constant 656 : index
        %swap3A_1186 = tpu.vector_load %arg12[%swap3A_1184, %swap3A_1185] {strides = array<i32>} : memref<8x1024xf32, #tpu.memory_space<vmem>>, vector<1x16xf32>,
        %swap3A_1187 = vector.shape_cast %swap3A_1186 : vector<1x16xf32> to vector<16xf32>
        %swap3A_1188 = vector.shape_cast %add3A_1183 : vector<16xf32> to vector<1x16xf32>
        tpu.vector_store %arg12[%swap3A_1184, %swap3A_1185], %swap3A_1188 {strides = array<i32>} : memref<8x1024xf32, #tpu.memory_space<vmem>>, vector<1x16xf32>,
        %get3A_1189 = arith.index_cast %scan3A_1088 : i32 to index
        %get3A_1190 = arith.constant 672 : index
        %get3A_1191 = tpu.vector_load %arg8[%get3A_1189, %get3A_1190] {strides = array<i32>} : memref<8x1024xf32, #tpu.memory_space<vmem>>, vector<1x16xf32>,
        %get3A_1192 = vector.shape_cast %get3A_1191 : vector<1x16xf32> to vector<16xf32>
        %add3A_1193 = arith.addf %get3A_1192, %get3A_994 : vector<16xf32>
        %swap3A_1194 = arith.index_cast %scan3A_1088 : i32 to index
        %swap3A_1195 = arith.constant 672 : index
        %swap3A_1196 = tpu.vector_load %arg12[%swap3A_1194, %swap3A_1195] {strides = array<i32>} : memref<8x1024xf32, #tpu.memory_space<vmem>>, vector<1x16xf32>,
        %swap3A_1197 = vector.shape_cast %swap3A_1196 : vector<1x16xf32> to vector<16xf32>
        %swap3A_1198 = vector.shape_cast %add3A_1193 : vector<16xf32> to vector<1x16xf32>
        tpu.vector_store %arg12[%swap3A_1194, %swap3A_1195], %swap3A_1198 {strides = array<i32>} : memref<8x1024xf32, #tpu.memory_space<vmem>>, vector<1x16xf32>,
        %get3A_1199 = arith.index_cast %scan3A_1088 : i32 to index
        %get3A_1200 = arith.constant 688 : index
        %get3A_1201 = tpu.vector_load %arg8[%get3A_1199, %get3A_1200] {strides = array<i32>} : memref<8x1024xf32, #tpu.memory_space<vmem>>, vector<1x16xf32>,
        %get3A_1202 = vector.shape_cast %get3A_1201 : vector<1x16xf32> to vector<16xf32>
        %add3A_1203 = arith.addf %get3A_1202, %get3A_997 : vector<16xf32>
        %swap3A_1204 = arith.index_cast %scan3A_1088 : i32 to index
        %swap3A_1205 = arith.constant 688 : index
        %swap3A_1206 = tpu.vector_load %arg12[%swap3A_1204, %swap3A_1205] {strides = array<i32>} : memref<8x1024xf32, #tpu.memory_space<vmem>>, vector<1x16xf32>,
        %swap3A_1207 = vector.shape_cast %swap3A_1206 : vector<1x16xf32> to vector<16xf32>
        %swap3A_1208 = vector.shape_cast %add3A_1203 : vector<16xf32> to vector<1x16xf32>
        tpu.vector_store %arg12[%swap3A_1204, %swap3A_1205], %swap3A_1208 {strides = array<i32>} : memref<8x1024xf32, #tpu.memory_space<vmem>>, vector<1x16xf32>,
        %get3A_1209 = arith.index_cast %scan3A_1088 : i32 to index
        %get3A_1210 = arith.constant 704 : index
        %get3A_1211 = tpu.vector_load %arg8[%get3A_1209, %get3A_1210] {strides = array<i32>} : memref<8x1024xf32, #tpu.memory_space<vmem>>, vector<1x16xf32>,
        %get3A_1212 = vector.shape_cast %get3A_1211 : vector<1x16xf32> to vector<16xf32>
        %add3A_1213 = arith.addf %get3A_1212, %get3A_1000 : vector<16xf32>
        %swap3A_1214 = arith.index_cast %scan3A_1088 : i32 to index
        %swap3A_1215 = arith.constant 704 : index
        %swap3A_1216 = tpu.vector_load %arg12[%swap3A_1214, %swap3A_1215] {strides = array<i32>} : memref<8x1024xf32, #tpu.memory_space<vmem>>, vector<1x16xf32>,
        %swap3A_1217 = vector.shape_cast %swap3A_1216 : vector<1x16xf32> to vector<16xf32>
        %swap3A_1218 = vector.shape_cast %add3A_1213 : vector<16xf32> to vector<1x16xf32>
        tpu.vector_store %arg12[%swap3A_1214, %swap3A_1215], %swap3A_1218 {strides = array<i32>} : memref<8x1024xf32, #tpu.memory_space<vmem>>, vector<1x16xf32>,
        %get3A_1219 = arith.index_cast %scan3A_1088 : i32 to index
        %get3A_1220 = arith.constant 720 : index
        %get3A_1221 = tpu.vector_load %arg8[%get3A_1219, %get3A_1220] {strides = array<i32>} : memref<8x1024xf32, #tpu.memory_space<vmem>>, vector<1x16xf32>,
        %get3A_1222 = vector.shape_cast %get3A_1221 : vector<1x16xf32> to vector<16xf32>
        %add3A_1223 = arith.addf %get3A_1222, %get3A_1003 : vector<16xf32>
        %swap3A_1224 = arith.index_cast %scan3A_1088 : i32 to index
        %swap3A_1225 = arith.constant 720 : index
        %swap3A_1226 = tpu.vector_load %arg12[%swap3A_1224, %swap3A_1225] {strides = array<i32>} : memref<8x1024xf32, #tpu.memory_space<vmem>>, vector<1x16xf32>,
        %swap3A_1227 = vector.shape_cast %swap3A_1226 : vector<1x16xf32> to vector<16xf32>
        %swap3A_1228 = vector.shape_cast %add3A_1223 : vector<16xf32> to vector<1x16xf32>
        tpu.vector_store %arg12[%swap3A_1224, %swap3A_1225], %swap3A_1228 {strides = array<i32>} : memref<8x1024xf32, #tpu.memory_space<vmem>>, vector<1x16xf32>,
        %get3A_1229 = arith.index_cast %scan3A_1088 : i32 to index
        %get3A_1230 = arith.constant 736 : index
        %get3A_1231 = tpu.vector_load %arg8[%get3A_1229, %get3A_1230] {strides = array<i32>} : memref<8x1024xf32, #tpu.memory_space<vmem>>, vector<1x16xf32>,
        %get3A_1232 = vector.shape_cast %get3A_1231 : vector<1x16xf32> to vector<16xf32>
        %add3A_1233 = arith.addf %get3A_1232, %get3A_1006 : vector<16xf32>
        %swap3A_1234 = arith.index_cast %scan3A_1088 : i32 to index
        %swap3A_1235 = arith.constant 736 : index
        %swap3A_1236 = tpu.vector_load %arg12[%swap3A_1234, %swap3A_1235] {strides = array<i32>} : memref<8x1024xf32, #tpu.memory_space<vmem>>, vector<1x16xf32>,
        %swap3A_1237 = vector.shape_cast %swap3A_1236 : vector<1x16xf32> to vector<16xf32>
        %swap3A_1238 = vector.shape_cast %add3A_1233 : vector<16xf32> to vector<1x16xf32>
        tpu.vector_store %arg12[%swap3A_1234, %swap3A_1235], %swap3A_1238 {strides = array<i32>} : memref<8x1024xf32, #tpu.memory_space<vmem>>, vector<1x16xf32>,
        %get3A_1239 = arith.index_cast %scan3A_1088 : i32 to index
        %get3A_1240 = arith.constant 752 : index
        %get3A_1241 = tpu.vector_load %arg8[%get3A_1239, %get3A_1240] {strides = array<i32>} : memref<8x1024xf32, #tpu.memory_space<vmem>>, vector<1x16xf32>,
        %get3A_1242 = vector.shape_cast %get3A_1241 : vector<1x16xf32> to vector<16xf32>
        %add3A_1243 = arith.addf %get3A_1242, %get3A_1009 : vector<16xf32>
        %swap3A_1244 = arith.index_cast %scan3A_1088 : i32 to index
        %swap3A_1245 = arith.constant 752 : index
        %swap3A_1246 = tpu.vector_load %arg12[%swap3A_1244, %swap3A_1245] {strides = array<i32>} : memref<8x1024xf32, #tpu.memory_space<vmem>>, vector<1x16xf32>,
        %swap3A_1247 = vector.shape_cast %swap3A_1246 : vector<1x16xf32> to vector<16xf32>
        %swap3A_1248 = vector.shape_cast %add3A_1243 : vector<16xf32> to vector<1x16xf32>
        tpu.vector_store %arg12[%swap3A_1244, %swap3A_1245], %swap3A_1248 {strides = array<i32>} : memref<8x1024xf32, #tpu.memory_space<vmem>>, vector<1x16xf32>,
        %scan3A_1249 = arith.constant 0 : i32
        scf.yield %scan3A_1249 : i32
      }
      %scan3A_1016 = arith.constant 8 : i32
      %get3A_1017 = arith.constant 768 : index
      %get3A_1018 = tpu.vector_load %arg13[%get3A_1017] {strides = array<i32>} : memref<1024xf32, #tpu.memory_space<vmem>>, vector<16xf32>,
      %get3A_1019 = vector.shape_cast %get3A_1018 : vector<16xf32> to vector<16xf32>
      %get3A_1020 = arith.constant 784 : index
      %get3A_1021 = tpu.vector_load %arg13[%get3A_1020] {strides = array<i32>} : memref<1024xf32, #tpu.memory_space<vmem>>, vector<16xf32>,
      %get3A_1022 = vector.shape_cast %get3A_1021 : vector<16xf32> to vector<16xf32>
      %get3A_1023 = arith.constant 800 : index
      %get3A_1024 = tpu.vector_load %arg13[%get3A_1023] {strides = array<i32>} : memref<1024xf32, #tpu.memory_space<vmem>>, vector<16xf32>,
      %get3A_1025 = vector.shape_cast %get3A_1024 : vector<16xf32> to vector<16xf32>
      %get3A_1026 = arith.constant 816 : index
      %get3A_1027 = tpu.vector_load %arg13[%get3A_1026] {strides = array<i32>} : memref<1024xf32, #tpu.memory_space<vmem>>, vector<16xf32>,
      %get3A_1028 = vector.shape_cast %get3A_1027 : vector<16xf32> to vector<16xf32>
      %get3A_1029 = arith.constant 832 : index
      %get3A_1030 = tpu.vector_load %arg13[%get3A_1029] {strides = array<i32>} : memref<1024xf32, #tpu.memory_space<vmem>>, vector<16xf32>,
      %get3A_1031 = vector.shape_cast %get3A_1030 : vector<16xf32> to vector<16xf32>
      %get3A_1032 = arith.constant 848 : index
      %get3A_1033 = tpu.vector_load %arg13[%get3A_1032] {strides = array<i32>} : memref<1024xf32, #tpu.memory_space<vmem>>, vector<16xf32>,
      %get3A_1034 = vector.shape_cast %get3A_1033 : vector<16xf32> to vector<16xf32>
      %get3A_1035 = arith.constant 864 : index
      %get3A_1036 = tpu.vector_load %arg13[%get3A_1035] {strides = array<i32>} : memref<1024xf32, #tpu.memory_space<vmem>>, vector<16xf32>,
      %get3A_1037 = vector.shape_cast %get3A_1036 : vector<16xf32> to vector<16xf32>
      %get3A_1038 = arith.constant 880 : index
      %get3A_1039 = tpu.vector_load %arg13[%get3A_1038] {strides = array<i32>} : memref<1024xf32, #tpu.memory_space<vmem>>, vector<16xf32>,
      %get3A_1040 = vector.shape_cast %get3A_1039 : vector<16xf32> to vector<16xf32>
      %get3A_1041 = arith.constant 896 : index
      %get3A_1042 = tpu.vector_load %arg13[%get3A_1041] {strides = array<i32>} : memref<1024xf32, #tpu.memory_space<vmem>>, vector<16xf32>,
      %get3A_1043 = vector.shape_cast %get3A_1042 : vector<16xf32> to vector<16xf32>
      %get3A_1044 = arith.constant 912 : index
      %get3A_1045 = tpu.vector_load %arg13[%get3A_1044] {strides = array<i32>} : memref<1024xf32, #tpu.memory_space<vmem>>, vector<16xf32>,
      %get3A_1046 = vector.shape_cast %get3A_1045 : vector<16xf32> to vector<16xf32>
      %get3A_1047 = arith.constant 928 : index
      %get3A_1048 = tpu.vector_load %arg13[%get3A_1047] {strides = array<i32>} : memref<1024xf32, #tpu.memory_space<vmem>>, vector<16xf32>,
      %get3A_1049 = vector.shape_cast %get3A_1048 : vector<16xf32> to vector<16xf32>
      %get3A_1050 = arith.constant 944 : index
      %get3A_1051 = tpu.vector_load %arg13[%get3A_1050] {strides = array<i32>} : memref<1024xf32, #tpu.memory_space<vmem>>, vector<16xf32>,
      %get3A_1052 = vector.shape_cast %get3A_1051 : vector<16xf32> to vector<16xf32>
      %get3A_1053 = arith.constant 960 : index
      %get3A_1054 = tpu.vector_load %arg13[%get3A_1053] {strides = array<i32>} : memref<1024xf32, #tpu.memory_space<vmem>>, vector<16xf32>,
      %get3A_1055 = vector.shape_cast %get3A_1054 : vector<16xf32> to vector<16xf32>
      %get3A_1056 = arith.constant 976 : index
      %get3A_1057 = tpu.vector_load %arg13[%get3A_1056] {strides = array<i32>} : memref<1024xf32, #tpu.memory_space<vmem>>, vector<16xf32>,
      %get3A_1058 = vector.shape_cast %get3A_1057 : vector<16xf32> to vector<16xf32>
      %get3A_1059 = arith.constant 992 : index
      %get3A_1060 = tpu.vector_load %arg13[%get3A_1059] {strides = array<i32>} : memref<1024xf32, #tpu.memory_space<vmem>>, vector<16xf32>,
      %get3A_1061 = vector.shape_cast %get3A_1060 : vector<16xf32> to vector<16xf32>
      %get3A_1062 = arith.constant 1008 : index
      %get3A_1063 = tpu.vector_load %arg13[%get3A_1062] {strides = array<i32>} : memref<1024xf32, #tpu.memory_space<vmem>>, vector<16xf32>,
      %get3A_1064 = vector.shape_cast %get3A_1063 : vector<16xf32> to vector<16xf32>
      %scan3A_1065 = arith.constant 0 : i32
      %scan3A_1066 = arith.constant 0 : i32
      %scan3A_1067 = arith.constant 8 : i32
      %scan3A_1068 = arith.addi %scan3A_1066, %scan3A_1067 : i32
      %scan3A_1069 = arith.constant 1 : i32
      %scan3A_1070 = scf.for %scan3A_1088 = %scan3A_1066 to %scan3A_1068 step %scan3A_1069 iter_args(%scan3A_1089 = %scan3A_1065) -> (i32)  : i32 {
        %get3A_1090 = arith.index_cast %scan3A_1088 : i32 to index
        %get3A_1091 = arith.constant 768 : index
        %get3A_1092 = tpu.vector_load %arg8[%get3A_1090, %get3A_1091] {strides = array<i32>} : memref<8x1024xf32, #tpu.memory_space<vmem>>, vector<1x16xf32>,
        %get3A_1093 = vector.shape_cast %get3A_1092 : vector<1x16xf32> to vector<16xf32>
        %add3A_1094 = arith.addf %get3A_1093, %get3A_1019 : vector<16xf32>
        %swap3A = arith.index_cast %scan3A_1088 : i32 to index
        %swap3A_1095 = arith.constant 768 : index
        %swap3A_1096 = tpu.vector_load %arg12[%swap3A, %swap3A_1095] {strides = array<i32>} : memref<8x1024xf32, #tpu.memory_space<vmem>>, vector<1x16xf32>,
        %swap3A_1097 = vector.shape_cast %swap3A_1096 : vector<1x16xf32> to vector<16xf32>
        %swap3A_1098 = vector.shape_cast %add3A_1094 : vector<16xf32> to vector<1x16xf32>
        tpu.vector_store %arg12[%swap3A, %swap3A_1095], %swap3A_1098 {strides = array<i32>} : memref<8x1024xf32, #tpu.memory_space<vmem>>, vector<1x16xf32>,
        %get3A_1099 = arith.index_cast %scan3A_1088 : i32 to index
        %get3A_1100 = arith.constant 784 : index
        %get3A_1101 = tpu.vector_load %arg8[%get3A_1099, %get3A_1100] {strides = array<i32>} : memref<8x1024xf32, #tpu.memory_space<vmem>>, vector<1x16xf32>,
        %get3A_1102 = vector.shape_cast %get3A_1101 : vector<1x16xf32> to vector<16xf32>
        %add3A_1103 = arith.addf %get3A_1102, %get3A_1022 : vector<16xf32>
        %swap3A_1104 = arith.index_cast %scan3A_1088 : i32 to index
        %swap3A_1105 = arith.constant 784 : index
        %swap3A_1106 = tpu.vector_load %arg12[%swap3A_1104, %swap3A_1105] {strides = array<i32>} : memref<8x1024xf32, #tpu.memory_space<vmem>>, vector<1x16xf32>,
        %swap3A_1107 = vector.shape_cast %swap3A_1106 : vector<1x16xf32> to vector<16xf32>
        %swap3A_1108 = vector.shape_cast %add3A_1103 : vector<16xf32> to vector<1x16xf32>
        tpu.vector_store %arg12[%swap3A_1104, %swap3A_1105], %swap3A_1108 {strides = array<i32>} : memref<8x1024xf32, #tpu.memory_space<vmem>>, vector<1x16xf32>,
        %get3A_1109 = arith.index_cast %scan3A_1088 : i32 to index
        %get3A_1110 = arith.constant 800 : index
        %get3A_1111 = tpu.vector_load %arg8[%get3A_1109, %get3A_1110] {strides = array<i32>} : memref<8x1024xf32, #tpu.memory_space<vmem>>, vector<1x16xf32>,
        %get3A_1112 = vector.shape_cast %get3A_1111 : vector<1x16xf32> to vector<16xf32>
        %add3A_1113 = arith.addf %get3A_1112, %get3A_1025 : vector<16xf32>
        %swap3A_1114 = arith.index_cast %scan3A_1088 : i32 to index
        %swap3A_1115 = arith.constant 800 : index
        %swap3A_1116 = tpu.vector_load %arg12[%swap3A_1114, %swap3A_1115] {strides = array<i32>} : memref<8x1024xf32, #tpu.memory_space<vmem>>, vector<1x16xf32>,
        %swap3A_1117 = vector.shape_cast %swap3A_1116 : vector<1x16xf32> to vector<16xf32>
        %swap3A_1118 = vector.shape_cast %add3A_1113 : vector<16xf32> to vector<1x16xf32>
        tpu.vector_store %arg12[%swap3A_1114, %swap3A_1115], %swap3A_1118 {strides = array<i32>} : memref<8x1024xf32, #tpu.memory_space<vmem>>, vector<1x16xf32>,
        %get3A_1119 = arith.index_cast %scan3A_1088 : i32 to index
        %get3A_1120 = arith.constant 816 : index
        %get3A_1121 = tpu.vector_load %arg8[%get3A_1119, %get3A_1120] {strides = array<i32>} : memref<8x1024xf32, #tpu.memory_space<vmem>>, vector<1x16xf32>,
        %get3A_1122 = vector.shape_cast %get3A_1121 : vector<1x16xf32> to vector<16xf32>
        %add3A_1123 = arith.addf %get3A_1122, %get3A_1028 : vector<16xf32>
        %swap3A_1124 = arith.index_cast %scan3A_1088 : i32 to index
        %swap3A_1125 = arith.constant 816 : index
        %swap3A_1126 = tpu.vector_load %arg12[%swap3A_1124, %swap3A_1125] {strides = array<i32>} : memref<8x1024xf32, #tpu.memory_space<vmem>>, vector<1x16xf32>,
        %swap3A_1127 = vector.shape_cast %swap3A_1126 : vector<1x16xf32> to vector<16xf32>
        %swap3A_1128 = vector.shape_cast %add3A_1123 : vector<16xf32> to vector<1x16xf32>
        tpu.vector_store %arg12[%swap3A_1124, %swap3A_1125], %swap3A_1128 {strides = array<i32>} : memref<8x1024xf32, #tpu.memory_space<vmem>>, vector<1x16xf32>,
        %get3A_1129 = arith.index_cast %scan3A_1088 : i32 to index
        %get3A_1130 = arith.constant 832 : index
        %get3A_1131 = tpu.vector_load %arg8[%get3A_1129, %get3A_1130] {strides = array<i32>} : memref<8x1024xf32, #tpu.memory_space<vmem>>, vector<1x16xf32>,
        %get3A_1132 = vector.shape_cast %get3A_1131 : vector<1x16xf32> to vector<16xf32>
        %add3A_1133 = arith.addf %get3A_1132, %get3A_1031 : vector<16xf32>
        %swap3A_1134 = arith.index_cast %scan3A_1088 : i32 to index
        %swap3A_1135 = arith.constant 832 : index
        %swap3A_1136 = tpu.vector_load %arg12[%swap3A_1134, %swap3A_1135] {strides = array<i32>} : memref<8x1024xf32, #tpu.memory_space<vmem>>, vector<1x16xf32>,
        %swap3A_1137 = vector.shape_cast %swap3A_1136 : vector<1x16xf32> to vector<16xf32>
        %swap3A_1138 = vector.shape_cast %add3A_1133 : vector<16xf32> to vector<1x16xf32>
        tpu.vector_store %arg12[%swap3A_1134, %swap3A_1135], %swap3A_1138 {strides = array<i32>} : memref<8x1024xf32, #tpu.memory_space<vmem>>, vector<1x16xf32>,
        %get3A_1139 = arith.index_cast %scan3A_1088 : i32 to index
        %get3A_1140 = arith.constant 848 : index
        %get3A_1141 = tpu.vector_load %arg8[%get3A_1139, %get3A_1140] {strides = array<i32>} : memref<8x1024xf32, #tpu.memory_space<vmem>>, vector<1x16xf32>,
        %get3A_1142 = vector.shape_cast %get3A_1141 : vector<1x16xf32> to vector<16xf32>
        %add3A_1143 = arith.addf %get3A_1142, %get3A_1034 : vector<16xf32>
        %swap3A_1144 = arith.index_cast %scan3A_1088 : i32 to index
        %swap3A_1145 = arith.constant 848 : index
        %swap3A_1146 = tpu.vector_load %arg12[%swap3A_1144, %swap3A_1145] {strides = array<i32>} : memref<8x1024xf32, #tpu.memory_space<vmem>>, vector<1x16xf32>,
        %swap3A_1147 = vector.shape_cast %swap3A_1146 : vector<1x16xf32> to vector<16xf32>
        %swap3A_1148 = vector.shape_cast %add3A_1143 : vector<16xf32> to vector<1x16xf32>
        tpu.vector_store %arg12[%swap3A_1144, %swap3A_1145], %swap3A_1148 {strides = array<i32>} : memref<8x1024xf32, #tpu.memory_space<vmem>>, vector<1x16xf32>,
        %get3A_1149 = arith.index_cast %scan3A_1088 : i32 to index
        %get3A_1150 = arith.constant 864 : index
        %get3A_1151 = tpu.vector_load %arg8[%get3A_1149, %get3A_1150] {strides = array<i32>} : memref<8x1024xf32, #tpu.memory_space<vmem>>, vector<1x16xf32>,
        %get3A_1152 = vector.shape_cast %get3A_1151 : vector<1x16xf32> to vector<16xf32>
        %add3A_1153 = arith.addf %get3A_1152, %get3A_1037 : vector<16xf32>
        %swap3A_1154 = arith.index_cast %scan3A_1088 : i32 to index
        %swap3A_1155 = arith.constant 864 : index
        %swap3A_1156 = tpu.vector_load %arg12[%swap3A_1154, %swap3A_1155] {strides = array<i32>} : memref<8x1024xf32, #tpu.memory_space<vmem>>, vector<1x16xf32>,
        %swap3A_1157 = vector.shape_cast %swap3A_1156 : vector<1x16xf32> to vector<16xf32>
        %swap3A_1158 = vector.shape_cast %add3A_1153 : vector<16xf32> to vector<1x16xf32>
        tpu.vector_store %arg12[%swap3A_1154, %swap3A_1155], %swap3A_1158 {strides = array<i32>} : memref<8x1024xf32, #tpu.memory_space<vmem>>, vector<1x16xf32>,
        %get3A_1159 = arith.index_cast %scan3A_1088 : i32 to index
        %get3A_1160 = arith.constant 880 : index
        %get3A_1161 = tpu.vector_load %arg8[%get3A_1159, %get3A_1160] {strides = array<i32>} : memref<8x1024xf32, #tpu.memory_space<vmem>>, vector<1x16xf32>,
        %get3A_1162 = vector.shape_cast %get3A_1161 : vector<1x16xf32> to vector<16xf32>
        %add3A_1163 = arith.addf %get3A_1162, %get3A_1040 : vector<16xf32>
        %swap3A_1164 = arith.index_cast %scan3A_1088 : i32 to index
        %swap3A_1165 = arith.constant 880 : index
        %swap3A_1166 = tpu.vector_load %arg12[%swap3A_1164, %swap3A_1165] {strides = array<i32>} : memref<8x1024xf32, #tpu.memory_space<vmem>>, vector<1x16xf32>,
        %swap3A_1167 = vector.shape_cast %swap3A_1166 : vector<1x16xf32> to vector<16xf32>
        %swap3A_1168 = vector.shape_cast %add3A_1163 : vector<16xf32> to vector<1x16xf32>
        tpu.vector_store %arg12[%swap3A_1164, %swap3A_1165], %swap3A_1168 {strides = array<i32>} : memref<8x1024xf32, #tpu.memory_space<vmem>>, vector<1x16xf32>,
        %get3A_1169 = arith.index_cast %scan3A_1088 : i32 to index
        %get3A_1170 = arith.constant 896 : index
        %get3A_1171 = tpu.vector_load %arg8[%get3A_1169, %get3A_1170] {strides = array<i32>} : memref<8x1024xf32, #tpu.memory_space<vmem>>, vector<1x16xf32>,
        %get3A_1172 = vector.shape_cast %get3A_1171 : vector<1x16xf32> to vector<16xf32>
        %add3A_1173 = arith.addf %get3A_1172, %get3A_1043 : vector<16xf32>
        %swap3A_1174 = arith.index_cast %scan3A_1088 : i32 to index
        %swap3A_1175 = arith.constant 896 : index
        %swap3A_1176 = tpu.vector_load %arg12[%swap3A_1174, %swap3A_1175] {strides = array<i32>} : memref<8x1024xf32, #tpu.memory_space<vmem>>, vector<1x16xf32>,
        %swap3A_1177 = vector.shape_cast %swap3A_1176 : vector<1x16xf32> to vector<16xf32>
        %swap3A_1178 = vector.shape_cast %add3A_1173 : vector<16xf32> to vector<1x16xf32>
        tpu.vector_store %arg12[%swap3A_1174, %swap3A_1175], %swap3A_1178 {strides = array<i32>} : memref<8x1024xf32, #tpu.memory_space<vmem>>, vector<1x16xf32>,
        %get3A_1179 = arith.index_cast %scan3A_1088 : i32 to index
        %get3A_1180 = arith.constant 912 : index
        %get3A_1181 = tpu.vector_load %arg8[%get3A_1179, %get3A_1180] {strides = array<i32>} : memref<8x1024xf32, #tpu.memory_space<vmem>>, vector<1x16xf32>,
        %get3A_1182 = vector.shape_cast %get3A_1181 : vector<1x16xf32> to vector<16xf32>
        %add3A_1183 = arith.addf %get3A_1182, %get3A_1046 : vector<16xf32>
        %swap3A_1184 = arith.index_cast %scan3A_1088 : i32 to index
        %swap3A_1185 = arith.constant 912 : index
        %swap3A_1186 = tpu.vector_load %arg12[%swap3A_1184, %swap3A_1185] {strides = array<i32>} : memref<8x1024xf32, #tpu.memory_space<vmem>>, vector<1x16xf32>,
        %swap3A_1187 = vector.shape_cast %swap3A_1186 : vector<1x16xf32> to vector<16xf32>
        %swap3A_1188 = vector.shape_cast %add3A_1183 : vector<16xf32> to vector<1x16xf32>
        tpu.vector_store %arg12[%swap3A_1184, %swap3A_1185], %swap3A_1188 {strides = array<i32>} : memref<8x1024xf32, #tpu.memory_space<vmem>>, vector<1x16xf32>,
        %get3A_1189 = arith.index_cast %scan3A_1088 : i32 to index
        %get3A_1190 = arith.constant 928 : index
        %get3A_1191 = tpu.vector_load %arg8[%get3A_1189, %get3A_1190] {strides = array<i32>} : memref<8x1024xf32, #tpu.memory_space<vmem>>, vector<1x16xf32>,
        %get3A_1192 = vector.shape_cast %get3A_1191 : vector<1x16xf32> to vector<16xf32>
        %add3A_1193 = arith.addf %get3A_1192, %get3A_1049 : vector<16xf32>
        %swap3A_1194 = arith.index_cast %scan3A_1088 : i32 to index
        %swap3A_1195 = arith.constant 928 : index
        %swap3A_1196 = tpu.vector_load %arg12[%swap3A_1194, %swap3A_1195] {strides = array<i32>} : memref<8x1024xf32, #tpu.memory_space<vmem>>, vector<1x16xf32>,
        %swap3A_1197 = vector.shape_cast %swap3A_1196 : vector<1x16xf32> to vector<16xf32>
        %swap3A_1198 = vector.shape_cast %add3A_1193 : vector<16xf32> to vector<1x16xf32>
        tpu.vector_store %arg12[%swap3A_1194, %swap3A_1195], %swap3A_1198 {strides = array<i32>} : memref<8x1024xf32, #tpu.memory_space<vmem>>, vector<1x16xf32>,
        %get3A_1199 = arith.index_cast %scan3A_1088 : i32 to index
        %get3A_1200 = arith.constant 944 : index
        %get3A_1201 = tpu.vector_load %arg8[%get3A_1199, %get3A_1200] {strides = array<i32>} : memref<8x1024xf32, #tpu.memory_space<vmem>>, vector<1x16xf32>,
        %get3A_1202 = vector.shape_cast %get3A_1201 : vector<1x16xf32> to vector<16xf32>
        %add3A_1203 = arith.addf %get3A_1202, %get3A_1052 : vector<16xf32>
        %swap3A_1204 = arith.index_cast %scan3A_1088 : i32 to index
        %swap3A_1205 = arith.constant 944 : index
        %swap3A_1206 = tpu.vector_load %arg12[%swap3A_1204, %swap3A_1205] {strides = array<i32>} : memref<8x1024xf32, #tpu.memory_space<vmem>>, vector<1x16xf32>,
        %swap3A_1207 = vector.shape_cast %swap3A_1206 : vector<1x16xf32> to vector<16xf32>
        %swap3A_1208 = vector.shape_cast %add3A_1203 : vector<16xf32> to vector<1x16xf32>
        tpu.vector_store %arg12[%swap3A_1204, %swap3A_1205], %swap3A_1208 {strides = array<i32>} : memref<8x1024xf32, #tpu.memory_space<vmem>>, vector<1x16xf32>,
        %get3A_1209 = arith.index_cast %scan3A_1088 : i32 to index
        %get3A_1210 = arith.constant 960 : index
        %get3A_1211 = tpu.vector_load %arg8[%get3A_1209, %get3A_1210] {strides = array<i32>} : memref<8x1024xf32, #tpu.memory_space<vmem>>, vector<1x16xf32>,
        %get3A_1212 = vector.shape_cast %get3A_1211 : vector<1x16xf32> to vector<16xf32>
        %add3A_1213 = arith.addf %get3A_1212, %get3A_1055 : vector<16xf32>
        %swap3A_1214 = arith.index_cast %scan3A_1088 : i32 to index
        %swap3A_1215 = arith.constant 960 : index
        %swap3A_1216 = tpu.vector_load %arg12[%swap3A_1214, %swap3A_1215] {strides = array<i32>} : memref<8x1024xf32, #tpu.memory_space<vmem>>, vector<1x16xf32>,
        %swap3A_1217 = vector.shape_cast %swap3A_1216 : vector<1x16xf32> to vector<16xf32>
        %swap3A_1218 = vector.shape_cast %add3A_1213 : vector<16xf32> to vector<1x16xf32>
        tpu.vector_store %arg12[%swap3A_1214, %swap3A_1215], %swap3A_1218 {strides = array<i32>} : memref<8x1024xf32, #tpu.memory_space<vmem>>, vector<1x16xf32>,
        %get3A_1219 = arith.index_cast %scan3A_1088 : i32 to index
        %get3A_1220 = arith.constant 976 : index
        %get3A_1221 = tpu.vector_load %arg8[%get3A_1219, %get3A_1220] {strides = array<i32>} : memref<8x1024xf32, #tpu.memory_space<vmem>>, vector<1x16xf32>,
        %get3A_1222 = vector.shape_cast %get3A_1221 : vector<1x16xf32> to vector<16xf32>
        %add3A_1223 = arith.addf %get3A_1222, %get3A_1058 : vector<16xf32>
        %swap3A_1224 = arith.index_cast %scan3A_1088 : i32 to index
        %swap3A_1225 = arith.constant 976 : index
        %swap3A_1226 = tpu.vector_load %arg12[%swap3A_1224, %swap3A_1225] {strides = array<i32>} : memref<8x1024xf32, #tpu.memory_space<vmem>>, vector<1x16xf32>,
        %swap3A_1227 = vector.shape_cast %swap3A_1226 : vector<1x16xf32> to vector<16xf32>
        %swap3A_1228 = vector.shape_cast %add3A_1223 : vector<16xf32> to vector<1x16xf32>
        tpu.vector_store %arg12[%swap3A_1224, %swap3A_1225], %swap3A_1228 {strides = array<i32>} : memref<8x1024xf32, #tpu.memory_space<vmem>>, vector<1x16xf32>,
        %get3A_1229 = arith.index_cast %scan3A_1088 : i32 to index
        %get3A_1230 = arith.constant 992 : index
        %get3A_1231 = tpu.vector_load %arg8[%get3A_1229, %get3A_1230] {strides = array<i32>} : memref<8x1024xf32, #tpu.memory_space<vmem>>, vector<1x16xf32>,
        %get3A_1232 = vector.shape_cast %get3A_1231 : vector<1x16xf32> to vector<16xf32>
        %add3A_1233 = arith.addf %get3A_1232, %get3A_1061 : vector<16xf32>
        %swap3A_1234 = arith.index_cast %scan3A_1088 : i32 to index
        %swap3A_1235 = arith.constant 992 : index
        %swap3A_1236 = tpu.vector_load %arg12[%swap3A_1234, %swap3A_1235] {strides = array<i32>} : memref<8x1024xf32, #tpu.memory_space<vmem>>, vector<1x16xf32>,
        %swap3A_1237 = vector.shape_cast %swap3A_1236 : vector<1x16xf32> to vector<16xf32>
        %swap3A_1238 = vector.shape_cast %add3A_1233 : vector<16xf32> to vector<1x16xf32>
        tpu.vector_store %arg12[%swap3A_1234, %swap3A_1235], %swap3A_1238 {strides = array<i32>} : memref<8x1024xf32, #tpu.memory_space<vmem>>, vector<1x16xf32>,
        %get3A_1239 = arith.index_cast %scan3A_1088 : i32 to index
        %get3A_1240 = arith.constant 1008 : index
        %get3A_1241 = tpu.vector_load %arg8[%get3A_1239, %get3A_1240] {strides = array<i32>} : memref<8x1024xf32, #tpu.memory_space<vmem>>, vector<1x16xf32>,
        %get3A_1242 = vector.shape_cast %get3A_1241 : vector<1x16xf32> to vector<16xf32>
        %add3A_1243 = arith.addf %get3A_1242, %get3A_1064 : vector<16xf32>
        %swap3A_1244 = arith.index_cast %scan3A_1088 : i32 to index
        %swap3A_1245 = arith.constant 1008 : index
        %swap3A_1246 = tpu.vector_load %arg12[%swap3A_1244, %swap3A_1245] {strides = array<i32>} : memref<8x1024xf32, #tpu.memory_space<vmem>>, vector<1x16xf32>,
        %swap3A_1247 = vector.shape_cast %swap3A_1246 : vector<1x16xf32> to vector<16xf32>
        %swap3A_1248 = vector.shape_cast %add3A_1243 : vector<16xf32> to vector<1x16xf32>
        tpu.vector_store %arg12[%swap3A_1244, %swap3A_1245], %swap3A_1248 {strides = array<i32>} : memref<8x1024xf32, #tpu.memory_space<vmem>>, vector<1x16xf32>,
        %scan3A_1249 = arith.constant 0 : i32
        scf.yield %scan3A_1249 : i32
      }
      %scan3A_1071 = arith.constant 8 : i32
      %add3A_1072 = arith.constant 4 : i32
      %add3A_1073 = arith.addi %add3A_840, %add3A_1072 : i32
      %rem3A_1074 = arith.constant 128 : i32
      %rem3A_1075 = arith.remsi %add3A_1073, %rem3A_1074 : i32
      %mul3A_1076 = arith.constant 8 : i32
      %mul3A_1077 = arith.muli %rem3A_1075, %mul3A_1076 : i32
      %add3A_1078 = arith.addi %mul3A_2, %mul3A_1077 : i32
      %dma_start3A_1079 = arith.constant 0 : i32
      %dma_start3A_1080 = tpu.memref_slice %arg2[%add3A_1078, %dma_start3A_1079] : memref<32768x1024xf32, #tpu.memory_space<hbm>> -> memref<8x1024xf32, #tpu.memory_space<hbm>>
      %dma_start3A_1081 = arith.constant 0 : i32
      %dma_start3A_1082 = tpu.memref_slice %arg2[%add3A_1078, %dma_start3A_1081] : memref<32768x1024xf32, #tpu.memory_space<hbm>> -> memref<8x1024xf32, #tpu.memory_space<hbm>>
      tpu.enqueue_dma source(%dma_start3A_1082 : memref<8x1024xf32, #tpu.memory_space<hbm>>) target(%arg8 : memref<8x1024xf32, #tpu.memory_space<vmem>>) target_semaphore(%arg17 : memref<!tpu.dma_semaphore, #tpu.memory_space<semaphore_mem>>)
      %dma_start3A_1083 = arith.constant 0 : i32
      %dma_start3A_1084 = tpu.memref_slice %arg4[%add3A_843, %dma_start3A_1083] : memref<32768x1024xf32, #tpu.memory_space<hbm>> -> memref<8x1024xf32, #tpu.memory_space<hbm>>
      %dma_start3A_1085 = arith.constant 0 : i32
      %dma_start3A_1086 = tpu.memref_slice %arg4[%add3A_843, %dma_start3A_1085] : memref<32768x1024xf32, #tpu.memory_space<hbm>> -> memref<8x1024xf32, #tpu.memory_space<hbm>>
      tpu.enqueue_dma source(%arg12 : memref<8x1024xf32, #tpu.memory_space<vmem>>) target(%dma_start3A_1086 : memref<8x1024xf32, #tpu.memory_space<hbm>>) target_semaphore(%arg21 : memref<!tpu.dma_semaphore, #tpu.memory_space<semaphore_mem>>)
      %scan3A_1087 = arith.constant 0 : i32
      scf.yield %scan3A_1087 : i32
    }
    %scan3A_55 = arith.constant 32 : i32
    %dma_wait3A = arith.constant 0 : i32
    %dma_wait3A_56 = tpu.memref_slice %arg2[%mul3A_2, %dma_wait3A] : memref<32768x1024xf32, #tpu.memory_space<hbm>> -> memref<8x1024xf32, #tpu.memory_space<hbm>>
    %dma_wait3A_57 = arith.constant 0 : i32
    %dma_wait3A_58 = tpu.memref_slice %arg2[%mul3A_2, %dma_wait3A_57] : memref<32768x1024xf32, #tpu.memory_space<hbm>> -> memref<8x1024xf32, #tpu.memory_space<hbm>>
    tpu.wait_dma2 semaphore(%arg14 : memref<!tpu.dma_semaphore, #tpu.memory_space<semaphore_mem>>) src(%dma_wait3A_58 : memref<8x1024xf32, #tpu.memory_space<hbm>>) dst(%arg5 : memref<8x1024xf32, #tpu.memory_space<vmem>>)
    %dma_wait3A_59 = arith.constant 0 : i32
    %dma_wait3A_60 = tpu.memref_slice %arg4[%mul3A_2, %dma_wait3A_59] : memref<32768x1024xf32, #tpu.memory_space<hbm>> -> memref<8x1024xf32, #tpu.memory_space<hbm>>
    %dma_wait3A_61 = arith.constant 0 : i32
    %dma_wait3A_62 = tpu.memref_slice %arg4[%mul3A_2, %dma_wait3A_61] : memref<32768x1024xf32, #tpu.memory_space<hbm>> -> memref<8x1024xf32, #tpu.memory_space<hbm>>
    tpu.wait_dma2 semaphore(%arg18 : memref<!tpu.dma_semaphore, #tpu.memory_space<semaphore_mem>>) src(%arg9 : memref<8x1024xf32, #tpu.memory_space<vmem>>) dst(%dma_wait3A_62 : memref<8x1024xf32, #tpu.memory_space<hbm>>)
    %dma_wait3A_63 = arith.constant 0 : i32
    %dma_wait3A_64 = tpu.memref_slice %arg2[%mul3A_2, %dma_wait3A_63] : memref<32768x1024xf32, #tpu.memory_space<hbm>> -> memref<8x1024xf32, #tpu.memory_space<hbm>>
    %dma_wait3A_65 = arith.constant 0 : i32
    %dma_wait3A_66 = tpu.memref_slice %arg2[%mul3A_2, %dma_wait3A_65] : memref<32768x1024xf32, #tpu.memory_space<hbm>> -> memref<8x1024xf32, #tpu.memory_space<hbm>>
    tpu.wait_dma2 semaphore(%arg15 : memref<!tpu.dma_semaphore, #tpu.memory_space<semaphore_mem>>) src(%dma_wait3A_66 : memref<8x1024xf32, #tpu.memory_space<hbm>>) dst(%arg6 : memref<8x1024xf32, #tpu.memory_space<vmem>>)
    %dma_wait3A_67 = arith.constant 0 : i32
    %dma_wait3A_68 = tpu.memref_slice %arg4[%mul3A_2, %dma_wait3A_67] : memref<32768x1024xf32, #tpu.memory_space<hbm>> -> memref<8x1024xf32, #tpu.memory_space<hbm>>
    %dma_wait3A_69 = arith.constant 0 : i32
    %dma_wait3A_70 = tpu.memref_slice %arg4[%mul3A_2, %dma_wait3A_69] : memref<32768x1024xf32, #tpu.memory_space<hbm>> -> memref<8x1024xf32, #tpu.memory_space<hbm>>
    tpu.wait_dma2 semaphore(%arg19 : memref<!tpu.dma_semaphore, #tpu.memory_space<semaphore_mem>>) src(%arg10 : memref<8x1024xf32, #tpu.memory_space<vmem>>) dst(%dma_wait3A_70 : memref<8x1024xf32, #tpu.memory_space<hbm>>)
    %dma_wait3A_71 = arith.constant 0 : i32
    %dma_wait3A_72 = tpu.memref_slice %arg2[%mul3A_2, %dma_wait3A_71] : memref<32768x1024xf32, #tpu.memory_space<hbm>> -> memref<8x1024xf32, #tpu.memory_space<hbm>>
    %dma_wait3A_73 = arith.constant 0 : i32
    %dma_wait3A_74 = tpu.memref_slice %arg2[%mul3A_2, %dma_wait3A_73] : memref<32768x1024xf32, #tpu.memory_space<hbm>> -> memref<8x1024xf32, #tpu.memory_space<hbm>>
    tpu.wait_dma2 semaphore(%arg16 : memref<!tpu.dma_semaphore, #tpu.memory_space<semaphore_mem>>) src(%dma_wait3A_74 : memref<8x1024xf32, #tpu.memory_space<hbm>>) dst(%arg7 : memref<8x1024xf32, #tpu.memory_space<vmem>>)
    %dma_wait3A_75 = arith.constant 0 : i32
    %dma_wait3A_76 = tpu.memref_slice %arg4[%mul3A_2, %dma_wait3A_75] : memref<32768x1024xf32, #tpu.memory_space<hbm>> -> memref<8x1024xf32, #tpu.memory_space<hbm>>
    %dma_wait3A_77 = arith.constant 0 : i32
    %dma_wait3A_78 = tpu.memref_slice %arg4[%mul3A_2, %dma_wait3A_77] : memref<32768x1024xf32, #tpu.memory_space<hbm>> -> memref<8x1024xf32, #tpu.memory_space<hbm>>
    tpu.wait_dma2 semaphore(%arg20 : memref<!tpu.dma_semaphore, #tpu.memory_space<semaphore_mem>>) src(%arg11 : memref<8x1024xf32, #tpu.memory_space<vmem>>) dst(%dma_wait3A_78 : memref<8x1024xf32, #tpu.memory_space<hbm>>)
    %dma_wait3A_79 = arith.constant 0 : i32
    %dma_wait3A_80 = tpu.memref_slice %arg2[%mul3A_2, %dma_wait3A_79] : memref<32768x1024xf32, #tpu.memory_space<hbm>> -> memref<8x1024xf32, #tpu.memory_space<hbm>>
    %dma_wait3A_81 = arith.constant 0 : i32
    %dma_wait3A_82 = tpu.memref_slice %arg2[%mul3A_2, %dma_wait3A_81] : memref<32768x1024xf32, #tpu.memory_space<hbm>> -> memref<8x1024xf32, #tpu.memory_space<hbm>>
    tpu.wait_dma2 semaphore(%arg17 : memref<!tpu.dma_semaphore, #tpu.memory_space<semaphore_mem>>) src(%dma_wait3A_82 : memref<8x1024xf32, #tpu.memory_space<hbm>>) dst(%arg8 : memref<8x1024xf32, #tpu.memory_space<vmem>>)
    %dma_wait3A_83 = arith.constant 0 : i32
    %dma_wait3A_84 = tpu.memref_slice %arg4[%mul3A_2, %dma_wait3A_83] : memref<32768x1024xf32, #tpu.memory_space<hbm>> -> memref<8x1024xf32, #tpu.memory_space<hbm>>
    %dma_wait3A_85 = arith.constant 0 : i32
    %dma_wait3A_86 = tpu.memref_slice %arg4[%mul3A_2, %dma_wait3A_85] : memref<32768x1024xf32, #tpu.memory_space<hbm>> -> memref<8x1024xf32, #tpu.memory_space<hbm>>
    tpu.wait_dma2 semaphore(%arg21 : memref<!tpu.dma_semaphore, #tpu.memory_space<semaphore_mem>>) src(%arg12 : memref<8x1024xf32, #tpu.memory_space<vmem>>) dst(%dma_wait3A_86 : memref<8x1024xf32, #tpu.memory_space<hbm>>)
    return
  }
}

module attributes {stable_mosaic.version = 14 : i64} {
  func.func @_tc_body_one(%arg0: i32, %arg1: memref<2x1024xf32, #tpu.memory_space<vmem>>, %arg2: memref<1024x1024xf32, #tpu.memory_space<vmem>>, %arg3: memref<1024x1024xf32, #tpu.memory_space<vmem>>) attributes {dimension_semantics = [#tpu.dimension_semantics<arbitrary>], iteration_bounds = array<i64: 32>, scalar_prefetch = 0 : i64, scratch_operands = 0 : i64, tpu.core_type = #tpu.core_type<tc>, window_params = [{pipeline_mode = #tpu.pipeline_mode<synchronous>, transform_indices = @transform_0, window_bounds = array<i64: 2, 1024>}, {transform_indices = @transform_1, window_bounds = array<i64: 1024, 1024>}, {transform_indices = @transform_2, window_bounds = array<i64: 1024, 1024>}]} {
    %get3A = arith.constant 0 : index
    %get3A_0 = arith.constant 0 : index
    %get3A_1 = vector.load %arg2[%get3A, %get3A_0] : memref<1024x1024xf32, #tpu.memory_space<vmem>>, vector<1024x1024xf32>
    %get3A_2 = arith.constant 1 : index
    %get3A_3 = arith.constant 0 : index
    %get3A_4 = vector.load %arg1[%get3A_2, %get3A_3] : memref<2x1024xf32, #tpu.memory_space<vmem>>, vector<1x1024xf32>
    %add3A = vector.broadcast %get3A_4 : vector<1x1024xf32> to vector<1024x1024xf32>
    %add3A_5 = arith.addf %get3A_1, %add3A : vector<1024x1024xf32>
    %swap3A = arith.constant 0 : index
    %swap3A_6 = arith.constant 0 : index
    %swap3A_7 = vector.load %arg3[%swap3A, %swap3A_6] : memref<1024x1024xf32, #tpu.memory_space<vmem>>, vector<1024x1024xf32>
    tpu.vector_store %arg3[%swap3A, %swap3A_6], %add3A_5 {strides = array<i32>} : memref<1024x1024xf32, #tpu.memory_space<vmem>>, vector<1024x1024xf32>,
    return
  }
  func.func @transform_0(%arg0: i32) -> (i32, i32) {
    %c0_i32 = arith.constant 0 : i32
    %c0_i32_0 = arith.constant 0 : i32
    %c0_i32_1 = arith.constant 0 : i32
    return %c0_i32, %c0_i32_0 : i32, i32
  }
  func.func @transform_1(%arg0: i32) -> (i32, i32) {
    %c0_i32 = arith.constant 0 : i32
    %c0_i32_0 = arith.constant 0 : i32
    return %arg0, %c0_i32 : i32, i32
  }
  func.func @transform_2(%arg0: i32) -> (i32, i32) {
    %c0_i32 = arith.constant 0 : i32
    %c0_i32_0 = arith.constant 0 : i32
    return %arg0, %c0_i32 : i32, i32
  }
}

</mosaic_0001>

<sc_bundles>
// kernel: kernel.4.cloned.1.call-start
scs
__scs_entry_jumppad:
0x0: {  	(pc) =	sbr.rel $0x88, $3  }
0x1: {  	(tag) =	ssettag $0x0;
	lr =	simm.s32 $0x1  }
0x2: {  	[smem:$0x3F9E] =	sst lr;
	_ =	strace $0xD0000000  }
0x3: {  	_ = 	snop  }
0x4: {  	_ = 	snop  }
0x5: {  	_ = 	snop  }
0x6: {  	_ = 	snop  }
0x7: {  	_ = 	snop  }
__scs_overlays_trampoline_lowered:
0x8: {  	[smem:$0x3FAD] =	sst s0  }
0x9: {  	[smem:$0x3FAE] =	sst s1  }
0xa: {  	[smem:$0x3FAF] =	sst s2  }
0xb: {  	[smem:$0x3FB0] =	sst s3  }
0xc: {  	[smem:$0x3FB1] =	sst s4  }
0xd: {  	[smem:$0x3FB2] =	sst s5  }
0xe: {  	[smem:$0x3FB3] =	sst s6  }
0xf: {  	[smem:$0x3FB4] =	sst s7  }
0x10: {  	[smem:$0x3FB5] =	sst s8  }
0x11: {  	[smem:$0x3FB6] =	sst s9;
	s0 =	simm.s32 @!p0 $0x0  }
0x12: {  	s1 =	sld [smem:$0x3F9C];
	s0 =	simm.s32 @p0 $0x1  }
0x13: {  	[smem:$0x3FB7] =	sst s0;
	s0 =	simm.s32 @!p1 $0x0  }
0x14: {  	s2 =	sld [smem:$0x3F9B];
	s0 =	simm.s32 @p1 $0x1  }
0x15: {  	[smem:$0x3FB8] =	sst s0;
	s0 =	simm.s32 @!p2 $0x0  }
0x16: {  	s3 =	sld [smem:$0x3FDB];
	s0 =	simm.s32 @p2 $0x1  }
0x17: {  	s4 =	simm.s32 $0x1BF5;
	[smem:$0x3FBA] =	sst s0  }
0x18: {  	s0 =	sld [smem:$0x3F9D];
	_ =	swait.ge [sflag:s4], $0x0  }
0x19: {  	s7 =	sld [smem:$0x3F9E]  }
0x1a: {  	s8 =	sadd.s32 $0xFFFFE003, lr  }
0x1b: {  	s9 =	sadd.s32 $0xFFFFFEF7, lr;
	s5 =	simm.s32 $0xFFFFFFFF;
	p2 =	slt.u32 s8, $0xFFFFF086  }
0x1c: {  	p1 =	slt.u32 s9, $0xF7A;
	s5 =	simm.s32 @!p2 $0x0  }
0x1d: {  	s5 =	simm.s32 @p1 $0x1;
	p0 =	seq.s32 s7, s2  }
0x1e: {  	s7 =	smul.u32 @!p0 $0xF7A, s2;
	p2 =	seq.s32 @!p0 s5, $0x0  }
0x1f: {  	s9 =	smul.u32 $0xF7A, s1;
	s8 =	simm.s32 @!p0 $0x1BF5;
	p2 =	por !p2, p0  }
0x20: {  	[sflag:s8] =	ssyncset.s32 @!p0 $0xFFFFF086;
	s6 =	sadd.s32 @!p0 s3, s7;
	s7 =	simm.s32 @!p0 $0x108  }
0x21: {  	s3 =	sadd.s32 s3, s9;
	s6 =	sadd.s32 @!p0 $0x88, s6;
	s7 =	simm.s32 @p2 $0x1082  }
0x22: {  	[simem:s7], [sflag:s8] =	dma.local @!p0 [hbm:s6], $0xF7A  }
0x23: {  	s9 =	sor.u32 $0xD0000000, s2;
	s6 =	simm.s32 $0x108;
	_ =	swait.ge @!p0 [sflag:s8], $0x0  }
0x24: {  	s3 =	sadd.s32 $0x88, s3;
	s6 =	simm.s32 @!p1 $0x1082;
	[sflag:s4] =	ssyncset.s32 $0xFFFFF086  }
0x25: {  	[simem:s6], [sflag:s4] =	dma.local [hbm:s3], $0xF7A  }
0x26: {  	[smem:$0x3F9E] =	sst s1;
	(tag) =	ssettag s2;
	_ =	strace s9  }
0x27: {  	s1 =	sld [smem:$0x3FAE]  }
0x28: {  	s2 =	sld [smem:$0x3FAF]  }
0x29: {  	s4 =	sld [smem:$0x3FB1]  }
0x2a: {  	p0 =	seq.s32 s5, $0x0;
	s5 =	sld [smem:$0x3FB2]  }
0x2b: {  	s6 =	sld [smem:$0x3FB3]  }
0x2c: {  	s7 =	sld [smem:$0x3FB4]  }
0x2d: {  	s3 =	simm.s32 $0x108;
	s8 =	sld [smem:$0x3FB5]  }
0x2e: {  	s3 =	simm.s32 @!p0 $0x1082;
	s9 =	sld [smem:$0x3FB6]  }
0x2f: {  	lr =	sadd.s32 s0, s3;
	s0 =	sld [smem:$0x3FAD]  }
0x30: {  	s3 =	sld [smem:$0x3FB0]  }
0x31: {  	[smem:$0x3FB9] =	sst s10  }
0x32: {  	s10 =	sld [smem:$0x3FB7];
	_ =	sdelay $0x3  }
0x33: {  	p0 =	seq.s32 s10, $0x1;
	s10 =	sld [smem:$0x3FB9];
	_ =	sdelay $0x3  }
0x34: {  	[smem:$0x3FB9] =	sst s10  }
0x35: {  	s10 =	sld [smem:$0x3FB8];
	_ =	sdelay $0x3  }
0x36: {  	p1 =	seq.s32 s10, $0x1;
	s10 =	sld [smem:$0x3FB9];
	_ =	sdelay $0x3  }
0x37: {  	[smem:$0x3FB9] =	sst s10  }
0x38: {  	s10 =	sld [smem:$0x3FBA]  }
0x39: {  	_ = 	snop;
	(pc) =	sbr.ind lr, $3  }
0x3a: {  	_ = 	snop  }
0x3b: {  	_ = 	snop  }
0x3c: {  	p2 =	seq.s32 s10, $0x1;
	s10 =	sld [smem:$0x3FB9]  }
0x3d: {  	_ =	shalt  }
0x3e: {  	_ =	shalt  }
0x3f: {  	_ =	shalt  }
0x40: {  	_ =	shalt  }
0x41: {  	_ =	shalt  }
0x42: {  	_ =	shalt  }
0x43: {  	_ =	shalt  }
0x44: {  	_ =	shalt  }
0x45: {  	_ =	shalt  }
0x46: {  	_ =	shalt  }
0x47: {  	_ =	shalt  }
0x48: {  	_ =	shalt  }
0x49: {  	_ =	shalt  }
0x4a: {  	_ =	shalt  }
0x4b: {  	_ =	shalt  }
0x4c: {  	_ =	shalt  }
0x4d: {  	_ =	shalt  }
0x4e: {  	_ =	shalt  }
0x4f: {  	_ =	shalt  }
0x50: {  	_ =	shalt  }
0x51: {  	_ =	shalt  }
0x52: {  	_ =	shalt  }
0x53: {  	_ =	shalt  }
0x54: {  	_ =	shalt  }
0x55: {  	_ =	shalt  }
0x56: {  	_ =	shalt  }
0x57: {  	_ =	shalt  }
0x58: {  	_ =	shalt  }
0x59: {  	_ =	shalt  }
0x5a: {  	_ =	shalt  }
0x5b: {  	_ =	shalt  }
0x5c: {  	_ =	shalt  }
0x5d: {  	_ =	shalt  }
0x5e: {  	_ =	shalt  }
0x5f: {  	_ =	shalt  }
0x60: {  	_ =	shalt  }
0x61: {  	_ =	shalt  }
0x62: {  	_ =	shalt  }
0x63: {  	_ =	shalt  }
0x64: {  	_ =	shalt  }
0x65: {  	_ =	shalt  }
0x66: {  	_ =	shalt  }
0x67: {  	_ =	shalt  }
0x68: {  	_ =	shalt  }
0x69: {  	_ =	shalt  }
0x6a: {  	_ =	shalt  }
0x6b: {  	_ =	shalt  }
0x6c: {  	_ =	shalt  }
0x6d: {  	_ =	shalt  }
0x6e: {  	_ =	shalt  }
0x6f: {  	_ =	shalt  }
0x70: {  	_ =	shalt  }
0x71: {  	_ =	shalt  }
0x72: {  	_ =	shalt  }
0x73: {  	_ =	shalt  }
0x74: {  	_ =	shalt  }
0x75: {  	_ =	shalt  }
0x76: {  	_ =	shalt  }
0x77: {  	_ =	shalt  }
0x78: {  	_ =	shalt  }
0x79: {  	_ =	shalt  }
0x7a: {  	_ =	shalt  }
0x7b: {  	_ =	shalt  }
0x7c: {  	_ =	shalt  }
0x7d: {  	_ =	shalt  }
0x7e: {  	_ =	shalt  }
0x7f: {  	_ =	shalt  }
0x80: {  	_ =	shalt  }
0x81: {  	_ =	shalt  }
0x82: {  	_ =	shalt  }
0x83: {  	_ =	shalt  }
0x84: {  	_ =	shalt  }
0x85: {  	_ =	shalt  }
0x86: {  	_ =	shalt  }
0x87: {  	_ =	shalt  }
.Lfunc_end0:
.L_simem_size_0:
called_computation_lowered:
.L_overlay_start_0:
0x88: {  	s2 =	sld [smem:$0x3FD9]  }
0x89: {  	s3 =	sld [smem:$0x3FFE];
	_ =	sdelay $0x1  }
0x8a: {  	s1 =	srdreg.scid  }
0x8b: {  	s0 =	sand.u32 $0x1, s1  }
0x8c: {  	s15 =	sshll.u32 s0, $0xA;
	s2 =	sadd.s32 s3, s2  }
0x8d: {  	s2 =	sadd.s32 s2, s15  }
0x8e: {  	[smem:$0x3FC5] =	sst s2  }
0x8f: {  	_ = 	snop  }
0x90: {  	s2 =	sld [smem:$0x3FD0];
	_ =	sdelay $0x1  }
0x91: {  	s16 =	sld [smem:$0x3FC9]  }
0x92: {  	s5 =	simm.s32 $0xA;
	s6 =	simm.s32 $0x10;
	s4 =	sld [smem:$0x3FC7]  }
0x93: {  	[smem:s6], [sflag:s5] =	dma.local [hbm:s2], $0x1  }
0x94: {  	_ =	swait.eq [sflag:s5], $0x1  }
0x95: {  	[sflag:s5] =	ssyncset.done $0x0  }
0x96: {  	[sflag:s5] =	ssyncadd.s32 $0xFFFFFFFF  }
0x97: {  	s17 =	sld [smem:$0x10];
	(tm) =	ssettm $0x1  }
0x98: {  	s18 =	sld [smem:$0x3FFB];
	_ =	sdelay $0x3  }
0x99: {  	_ =	strace s18  }
0x9a: {  	s5 =	sld [smem:$0x3FFC];
	_ =	sdelay $0x3  }
0x9b: {  	_ =	strace s5  }
0x9c: {  	s5 =	sld [smem:$0x3FFD];
	_ =	sdelay $0x3  }
0x9d: {  	_ =	strace s5  }
0x9e: {  	_ =	strace $0x8FFFFFFF  }
0x9f: {  	s19 =	sld [smem:$0x3FDB];
	_ =	sdelay $0x1  }
0xa0: {  	s20 =	simm.s32 $_scs_section_size  }
0xa1: {  	s7 =	simm.s32 $_size__tile_overlayer_lowered;
	s8 =	simm.s32 $_tile_overlayer_lowered  }
0xa2: {  	s23 =	simm.s32 $0x1BFF;
	s22 =	sshll.u32 s8, $0x1;
	s5 =	sadd.s32 s20, s19  }
0xa3: {  	s9 =	simm.s32 $0x0;
	s21 =	sshll.u32 s7, $0x1;
	s7 =	sadd.s32 s22, s5  }
0xa4: {  	[timem:s9], [sflag:s23] =	dma.local [hbm:s7], s21  }
0xa5: {  	_ =	swait.ge [sflag:s23], s21  }
0xa6: {  	s6 =	ssub.s32 $0x0, s21;
	[sflag:s23] =	ssyncset.done $0x0  }
0xa7: {  	[sflag:s23] =	ssyncadd.s32 s6;
	_ =	sdelay $0x1  }
0xa8: {  	s24 =	simm.s32 $0x1B8B  }
0xa9: {  	_ =	swait.ge [sflag:s24], $0x1  }
0xaa: {  	[sflag:s24] =	ssyncset.done $0x0  }
0xab: {  	s25 =	simm.s32 $0x1B8E;
	[sflag:s24] =	ssyncadd.s32 $0xFFFFFFFF  }
0xac: {  	s26 =	simm.s32 $execute0_lowered;
	[smem:$0x3FD2] =	sst s25  }
0xad: {  	s6 =	sshll.u32 s26, $0x1;
	_ =	strace $0x80000046;
	[dreg:$0x1] =	wrdreg $0xFFFFFFFF  }
0xae: {  	s28 =	simm.s32 $_size_execute0_lowered;
	s5 =	sadd.s32 s5, s6;
	[dreg:$0x0] =	wrdreg $0x0  }
0xaf: {  	s6 =	sshll.u32 s28, $0x1;
	[dreg:$0x2] =	wrdreg s5  }
0xb0: {  	[dreg:$0x3] =	wrdreg s6  }
0xb1: {  	[dreg:$0x4] =	wrdreg $0xC0  }
0xb2: {  	_ =	task [dreg:s9], $0x5FFFF  }
0xb3: {  	[dreg:$0x1] =	wrdreg $0xFFFFFFFF  }
0xb4: {  	[dreg:$0x0] =	wrdreg $0x60  }
0xb5: {  	[dreg:$0x2] =	wrdreg s16  }
0xb6: {  	[dreg:$0x3] =	wrdreg s4  }
0xb7: {  	[dreg:$0x4] =	wrdreg s17  }
0xb8: {  	[dreg:$0x5] =	wrdreg $0x9  }
0xb9: {  	_ =	task.clear_ibuf [dreg:s9], $0x6FFFF;
	_ =	strace $0x90000046  }
0xba: {  	s29 =	simm.s32 $0x9;
	_ =	strace $0x80000048  }
0xbb: {  	_ =	swait.ge [sflag:s29], $0x1  }
0xbc: {  	[sflag:s29] =	ssyncadd.s32 $0xFFFFFFFF  }
0xbd: {  	_ =	strace $0x90000048  }
0xbe: {  	_ =	sfence  }
0xbf: {  	s30 =	sld [smem:$0x0];
	_ =	sdelay $0x2  }
0xc0: {  	s31 =	sshll.u32 s1, $0xD;
	s1 =	sshrl.u32 s1, $0x2  }
0xc1: {  	s3 =	sand.u32 $0x4000, s31;
	s1 =	sadd.s32 s1, s30  }
0xc2: {  	s0 =	sor.u32 s3, s0;
	s1 =	sshll.u32 s1, $0x11  }
0xc3: {  	s0 =	sor.u32 s1, s0  }
0xc4: {  	s0 =	sadd.s32 $0x8F2B, s0  }
0xc5: {  	[sflag:s0] =	ssyncadd.remote.s32 $0x1  }
0xc6: {  	_ =	sfence.sel $0xFFFF  }
0xc7: {  	[dreg:$0x0] =	wrdreg $0xFFFFFFFF;
	(pc) =	sbr.abs _section_cstart, $3  }
0xc8: {  	[dreg:$0x1] =	wrdreg $0xFFFFFFFF  }
0xc9: {  	_ =	task.clear_ibuf [dreg:s9], $0x2FFFF;
	_ =	strace $0x9FFFFFFF  }
0xca: {  	(tm) =	ssettm $0x7FFFFFFF  }
0xcb: {  	_ =	shalt  }
tec
execute0_lowered:
.L_overlay_start_1:
0x0: {  	(tag) =	ssettag $0x1  }
0x1: {  	s1 =	rddreg [dreg:$0x0]  }
0x2: {  	s4 =	rddreg [dreg:$0x2];
	s0 =	srdreg.scid  }
0x3: {  	s5 =	simm.s32 $0x0;
	s3 =	stileid.u32;
	s28 =	simm.s32 $0xE000  }
0x4: {  	s29 =	simm.s32 $0x1;
	s30 =	simm.s32 $0x5;
	s31 =	simm.s32 $0x2  }
0x5: {  	s17 =	simm.s32 $0x4;
	s0 =	sand.u32 $0x1, s0;
	s3 =	sshll.u32 s3, $0xB  }
0x6: {  	[smem:$0x7FF] =	sst s5;
	s2 =	ssub.s32 $0x2, s0;
	s0 =	sshll.u32 s0, $0xA  }
0x7: {  	s18 =	simm.s32 $0x8;
	_ =	strace $0x80000047;
	s6 =	sor.u32 s0, s3  }
0x8: {  	s7 =	sshrl.u32 s2, $0x1;
	s0 =	simm.s32 $0x6;
	s20 =	sshll.u32 s6, $0x7  }
0x9: {  	s19 =	ssub.s32 s2, s7;
	s15 =	sshrl.u32 s6, $0x3;
	s21 =	sadd.s32 s1, s20  }
0xa: {  	s8 =	sadd.s32 s4, s20;
	s22 =	sor.u32 $0x400, s20;
	s24 =	sor.u32 $0x800, s20  }
0xb: {  	s2 =	sor.u32 $0xC00, s20;
	s16 =	smax.u32 s19, $0x1;
	s20 =	simm.s32 $0x9  }
0xc: {  	s19 =	simm.s32 $0x0;
	[dreg:$0x4] =	wrdreg s21;
	s23 =	sadd.s32 s1, s22  }
0xd: {  	s3 =	sadd.s32 s4, s22;
	s25 =	sadd.s32 s1, s24;
	[dreg:$0x5] =	wrdreg s23  }
0xe: {  	s26 =	sadd.s32 s1, s2;
	s14 =	sadd.s32 s4, s2;
	[dreg:$0x6] =	wrdreg s3  }
0xf: {  	s21 =	simm.s32 $0x8000;
	s22 =	simm.s32 $0x2000;
	[dreg:$0x7] =	wrdreg s25  }
0x10: {  	s2 =	simm.s32 $0x7;
	s3 =	sadd.s32 s4, s24;
	[dreg:$0x9] =	wrdreg s26  }
0x11: {  	s23 =	simm.s32 $0xA000;
	s24 =	simm.s32 $0x4000;
	s25 =	simm.s32 $0xC000  }
0x12: {  	s26 =	simm.s32 $0x6000;
	[dreg:$0x8] =	wrdreg s3;
	s3 =	simm.s32 $0x3  }
.LBB2_1:
0x13: {  	s7 =	rddreg [dreg:$0x1]  }
0x14: {  	s9 =	simm.s32 $0x80;
	s10 =	simm.s32 $0x100;
	s11 =	simm.s32 $0x10000  }
0x15: {  	[tilespmem:s11], [sflag:$0x9] =	stream.strided.gather [hbm4b:s7+s9], $0x400, s10, s9, $0x38;
	[tilespmem:$0x10400] =	vst v63  }
0x16: {  	_ =	swait.ge [sflag:s20], $0x400  }
0x17: {  	[sflag:s20] =	ssyncset.done $0x0  }
0x18: {  	s13 =	rddreg [dreg:$0x4];
	[sflag:s20] =	ssyncadd.s32 $0xFFFFFC00  }
0x19: {  	[tilespmem:s5], [sflag:$0x1] =	stream.linear.gather [hbm4b:s13+s5], $0x2000, $0x38;
	[tilespmem:$0x10400] =	vst v63  }
0x1a: {  	_ = 	snop  }
0x1b: {  	[hbm4b:s8+s5] =	stream.linear.scatter [tilespmem:s21], [sflag:$0x5], $0x2000, $0x38;
	[tilespmem:$0x10400] =	vst v63  }
0x1c: {  	s9 =	rddreg [dreg:$0x5]  }
0x1d: {  	[tilespmem:s22], [sflag:$0x2] =	stream.linear.gather [hbm4b:s9+s5], $0x2000, $0x38;
	[tilespmem:$0x10400] =	vst v63  }
0x1e: {  	s10 =	rddreg [dreg:$0x6]  }
0x1f: {  	[hbm4b:s10+s5] =	stream.linear.scatter [tilespmem:s23], [sflag:$0x6], $0x2000, $0x38;
	[tilespmem:$0x10400] =	vst v63  }
0x20: {  	s11 =	rddreg [dreg:$0x7]  }
0x21: {  	[tilespmem:s24], [sflag:$0x3] =	stream.linear.gather [hbm4b:s11+s5], $0x2000, $0x38;
	[tilespmem:$0x10400] =	vst v63  }
0x22: {  	s12 =	rddreg [dreg:$0x8]  }
0x23: {  	[hbm4b:s12+s5] =	stream.linear.scatter [tilespmem:s25], [sflag:$0x7], $0x2000, $0x38;
	[tilespmem:$0x10400] =	vst v63  }
0x24: {  	s13 =	rddreg [dreg:$0x9]  }
0x25: {  	[tilespmem:s26], [sflag:$0x4] =	stream.linear.gather [hbm4b:s13+s5], $0x2000, $0x38;
	[tilespmem:$0x10400] =	vst v63  }
0x26: {  	s7 =	simm.s32 $0x0  }
0x27: {  	[hbm4b:s14+s5] =	stream.linear.scatter [tilespmem:s28], [sflag:$0x8], $0x2000, $0x38;
	[tilespmem:$0x10400] =	vst v63  }
.LBB2_2:
0x28: {  	_ =	swait.ge [sflag:s29], $0x2000  }
0x29: {  	[sflag:s29] =	ssyncset.done $0x0  }
0x2a: {  	[sflag:s29] =	ssyncadd.s32 $0xFFFFE000  }
0x2b: {  	_ =	swait.ge [sflag:s30], $0x2000  }
0x2c: {  	[sflag:s30] =	ssyncset.done $0x0  }
0x2d: {  	[sflag:s30] =	ssyncadd.s32 $0xFFFFE000  }
0x2e: {  	v14 =	vld [tilespmem:$0x10000]  }
0x2f: {  	v13 =	vld [tilespmem:$0x10010]  }
0x30: {  	v12 =	vld [tilespmem:$0x10020]  }
0x31: {  	v11 =	vld [tilespmem:$0x10030]  }
0x32: {  	v10 =	vld [tilespmem:$0x10040]  }
0x33: {  	v9 =	vld [tilespmem:$0x10050]  }
0x34: {  	v8 =	vld [tilespmem:$0x10060]  }
0x35: {  	v7 =	vld [tilespmem:$0x10070]  }
0x36: {  	v6 =	vld [tilespmem:$0x10080]  }
0x37: {  	v5 =	vld [tilespmem:$0x10090]  }
0x38: {  	v4 =	vld [tilespmem:$0x100A0]  }
0x39: {  	v3 =	vld [tilespmem:$0x100B0]  }
0x3a: {  	v2 =	vld [tilespmem:$0x100C0]  }
0x3b: {  	v1 =	vld [tilespmem:$0x100D0]  }
0x3c: {  	v0 =	vld [tilespmem:$0x100E0]  }
0x3d: {  	s9 =	simm.s32 $0x0;
	v15 =	vld [tilespmem:$0x100F0]  }
0x3e: {  	v16 =	vld [tilespmem:s9+$0x470]  }
0x3f: {  	v17 =	vld [tilespmem:s9+$0x0]  }
0x40: {  	v18 =	vld [tilespmem:s9+$0x10]  }
0x41: {  	v19 =	vld [tilespmem:s9+$0x20]  }
0x42: {  	v22 =	vld [tilespmem:s9+$0x50]  }
0x43: {  	v20 =	vld [tilespmem:s9+$0x30];
	v16 =	vadd.f32 v16, v15  }
0x44: {  	v21 =	vld [tilespmem:s9+$0x40];
	v17 =	vadd.f32 v17, v14  }
0x45: {  	v23 =	vld [tilespmem:s9+$0x60];
	[tilespmem:s9+$0x8470] =	vst v16;
	v16 =	vadd.f32 v18, v13  }
0x46: {  	v24 =	vld [tilespmem:s9+$0x70];
	[tilespmem:s9+$0x8000] =	vst v17;
	v17 =	vadd.f32 v19, v12  }
0x47: {  	v18 =	vadd.f32 v22, v9;
	[tilespmem:s9+$0x8010] =	vst v16  }
0x48: {  	v25 =	vld [tilespmem:s9+$0x400];
	v16 =	vadd.f32 v20, v11;
	[tilespmem:s9+$0x8020] =	vst v17  }
0x49: {  	v20 =	vld [tilespmem:s9+$0x410];
	v17 =	vadd.f32 v21, v10;
	[tilespmem:s9+$0x8050] =	vst v18  }
0x4a: {  	v19 =	vadd.f32 v23, v8;
	[tilespmem:s9+$0x8030] =	vst v16;
	v16 =	vld [tilespmem:s9+$0x420]  }
0x4b: {  	v21 =	vadd.f32 v24, v7;
	[tilespmem:s9+$0x8040] =	vst v17;
	v17 =	vld [tilespmem:s9+$0x430]  }
0x4c: {  	v18 =	vld [tilespmem:s9+$0x440];
	[tilespmem:s9+$0x8060] =	vst v19  }
0x4d: {  	v19 =	vld [tilespmem:s9+$0x450];
	[tilespmem:s9+$0x8070] =	vst v21;
	v21 =	vadd.f32 v25, v6  }
0x4e: {  	s10 =	simm.s32 $0x80;
	s11 =	simm.s32 $0x400;
	v22 =	vadd.f32 v20, v5;
	v20 =	vld [tilespmem:s9+$0x460]  }
.LBB2_3:
0x4f: {  	p0 =	sne.s32 s11, $0xE00;
	v23 =	vld [tilespmem:s10+$0x470];
	[tilespmem:s9+$0x8400] =	vst v21;
	v16 =	vadd.f32 v16, v4  }
0x50: {  	v21 =	vld [tilespmem:s10+$0x0];
	[tilespmem:s9+$0x8410] =	vst v22;
	v17 =	vadd.f32 v17, v3  }
0x51: {  	v22 =	vld [tilespmem:s10+$0x10];
	[tilespmem:s9+$0x8420] =	vst v16;
	v16 =	vadd.f32 v18, v2  }
0x52: {  	v18 =	vld [tilespmem:s10+$0x20];
	[tilespmem:s9+$0x8430] =	vst v17;
	v17 =	vadd.f32 v19, v1  }
0x53: {  	v19 =	vld [tilespmem:s10+$0x30];
	[tilespmem:s9+$0x8440] =	vst v16;
	v16 =	vadd.f32 v20, v0  }
0x54: {  	v20 =	vld [tilespmem:s10+$0x40];
	v23 =	vadd.f32 v23, v15;
	[tilespmem:s9+$0x8450] =	vst v17  }
0x55: {  	v17 =	vadd.f32 v21, v14;
	v21 =	vld [tilespmem:s10+$0x50];
	[tilespmem:s9+$0x8460] =	vst v16;
	s9 =	smov.u32 s10  }
0x56: {  	v16 =	vadd.f32 v22, v13;
	v22 =	vld [tilespmem:s9+$0x60];
	[tilespmem:s9+$0x8470] =	vst v23  }
0x57: {  	[tilespmem:s9+$0x8000] =	vst v17;
	v17 =	vadd.f32 v18, v12;
	v18 =	vld [tilespmem:s9+$0x70]  }
0x58: {  	[tilespmem:s9+$0x8010] =	vst v16;
	v16 =	vadd.f32 v19, v11;
	v19 =	vld [tilespmem:s9+$0x400]  }
0x59: {  	[tilespmem:s9+$0x8020] =	vst v17;
	v17 =	vadd.f32 v20, v10;
	v20 =	vld [tilespmem:s9+$0x410]  }
.Ltmp0:
0x5a: {  	[tilespmem:s9+$0x8030] =	vst v16;
	v21 =	vadd.f32 v21, v9;
	v16 =	vld [tilespmem:s9+$0x420];
	(pc) =	sbr.rel @p0 .LBB2_3-.Ltmp0, $4  }
0x5b: {  	[tilespmem:s9+$0x8040] =	vst v17;
	v22 =	vadd.f32 v22, v8;
	v17 =	vld [tilespmem:s9+$0x430]  }
0x5c: {  	[tilespmem:s9+$0x8050] =	vst v21;
	v23 =	vadd.f32 v18, v7;
	v18 =	vld [tilespmem:s9+$0x440]  }
0x5d: {  	[tilespmem:s9+$0x8060] =	vst v22;
	v21 =	vadd.f32 v19, v6;
	v19 =	vld [tilespmem:s9+$0x450]  }
0x5e: {  	s10 =	sshra.s32 s11, $0x2;
	s11 =	sadd.s32 $0x200, s11;
	[tilespmem:s9+$0x8070] =	vst v23;
	v22 =	vadd.f32 v20, v5;
	v20 =	vld [tilespmem:s9+$0x460]  }
0x5f: {  	v23 =	vld [tilespmem:s10+$0x470];
	[tilespmem:s9+$0x8400] =	vst v21;
	v16 =	vadd.f32 v16, v4  }
0x60: {  	v21 =	vld [tilespmem:s10+$0x0];
	[tilespmem:s9+$0x8410] =	vst v22;
	v17 =	vadd.f32 v17, v3  }
0x61: {  	v22 =	vld [tilespmem:s10+$0x10];
	[tilespmem:s9+$0x8420] =	vst v16;
	v18 =	vadd.f32 v18, v2  }
0x62: {  	v16 =	vld [tilespmem:s10+$0x20];
	[tilespmem:s9+$0x8430] =	vst v17;
	v19 =	vadd.f32 v19, v1  }
0x63: {  	v17 =	vld [tilespmem:s10+$0x30];
	[tilespmem:s9+$0x8440] =	vst v18;
	v20 =	vadd.f32 v20, v0  }
0x64: {  	v18 =	vld [tilespmem:s10+$0x40];
	[tilespmem:s9+$0x8450] =	vst v19;
	v15 =	vadd.f32 v23, v15  }
0x65: {  	v19 =	vld [tilespmem:s10+$0x50];
	[tilespmem:s9+$0x8460] =	vst v20;
	v14 =	vadd.f32 v21, v14  }
0x66: {  	v20 =	vld [tilespmem:s10+$0x60];
	[tilespmem:s10+$0x8470] =	vst v15;
	v13 =	vadd.f32 v22, v13  }
0x67: {  	[tilespmem:s10+$0x8000] =	vst v14;
	v14 =	vld [tilespmem:s10+$0x70];
	v12 =	vadd.f32 v16, v12  }
0x68: {  	[tilespmem:s10+$0x8010] =	vst v13;
	v13 =	vld [tilespmem:s10+$0x400];
	v11 =	vadd.f32 v17, v11  }
0x69: {  	[tilespmem:s10+$0x8020] =	vst v12;
	v12 =	vld [tilespmem:s10+$0x410];
	v10 =	vadd.f32 v18, v10  }
0x6a: {  	[tilespmem:s10+$0x8030] =	vst v11;
	v11 =	vld [tilespmem:s10+$0x420];
	v9 =	vadd.f32 v19, v9  }
0x6b: {  	[tilespmem:s10+$0x8040] =	vst v10;
	v10 =	vld [tilespmem:s10+$0x430];
	v8 =	vadd.f32 v20, v8  }
0x6c: {  	[tilespmem:s10+$0x8050] =	vst v9;
	v9 =	vld [tilespmem:s10+$0x440];
	v7 =	vadd.f32 v14, v7  }
0x6d: {  	[tilespmem:s10+$0x8060] =	vst v8;
	v8 =	vld [tilespmem:s10+$0x450];
	v6 =	vadd.f32 v13, v6  }
0x6e: {  	[tilespmem:s10+$0x8070] =	vst v7;
	v5 =	vadd.f32 v12, v5;
	v7 =	vld [tilespmem:s10+$0x460]  }
0x6f: {  	[tilespmem:s10+$0x8400] =	vst v6;
	v4 =	vadd.f32 v11, v4  }
0x70: {  	[tilespmem:s10+$0x8410] =	vst v5;
	v3 =	vadd.f32 v10, v3  }
0x71: {  	[tilespmem:s10+$0x8420] =	vst v4;
	v2 =	vadd.f32 v9, v2  }
0x72: {  	[tilespmem:s10+$0x8430] =	vst v3;
	v1 =	vadd.f32 v8, v1  }
0x73: {  	[tilespmem:s10+$0x8440] =	vst v2;
	v0 =	vadd.f32 v7, v0  }
0x74: {  	[tilespmem:s10+$0x8450] =	vst v1  }
0x75: {  	[tilespmem:s10+$0x8460] =	vst v0  }
0x76: {  	v14 =	vld [tilespmem:$0x10100]  }
0x77: {  	v13 =	vld [tilespmem:$0x10110]  }
0x78: {  	v12 =	vld [tilespmem:$0x10120]  }
0x79: {  	v11 =	vld [tilespmem:$0x10130]  }
0x7a: {  	v10 =	vld [tilespmem:$0x10140]  }
0x7b: {  	v9 =	vld [tilespmem:$0x10150]  }
0x7c: {  	v8 =	vld [tilespmem:$0x10160]  }
0x7d: {  	v7 =	vld [tilespmem:$0x10170]  }
0x7e: {  	v6 =	vld [tilespmem:$0x10180]  }
0x7f: {  	v5 =	vld [tilespmem:$0x10190]  }
0x80: {  	v4 =	vld [tilespmem:$0x101A0]  }
0x81: {  	v3 =	vld [tilespmem:$0x101B0]  }
0x82: {  	v2 =	vld [tilespmem:$0x101C0]  }
0x83: {  	v1 =	vld [tilespmem:$0x101D0]  }
0x84: {  	v0 =	vld [tilespmem:$0x101E0]  }
0x85: {  	s9 =	simm.s32 $0xFFFFFC00;
	v15 =	vld [tilespmem:$0x101F0]  }
0x86: {  	v16 =	vld [tilespmem:s9+$0x1070]  }
0x87: {  	v17 =	vld [tilespmem:s9+$0xC00]  }
0x88: {  	v18 =	vld [tilespmem:s9+$0xC10]  }
0x89: {  	v19 =	vld [tilespmem:s9+$0xC20]  }
0x8a: {  	v22 =	vld [tilespmem:s9+$0xC50]  }
0x8b: {  	v20 =	vld [tilespmem:s9+$0xC30];
	v16 =	vadd.f32 v16, v15  }
0x8c: {  	v21 =	vld [tilespmem:s9+$0xC40];
	v17 =	vadd.f32 v17, v14  }
0x8d: {  	v23 =	vld [tilespmem:s9+$0xC60];
	[tilespmem:s9+$0x9070] =	vst v16;
	v16 =	vadd.f32 v18, v13  }
0x8e: {  	v24 =	vld [tilespmem:s9+$0xC70];
	[tilespmem:s9+$0x8C00] =	vst v17;
	v17 =	vadd.f32 v19, v12  }
0x8f: {  	v18 =	vadd.f32 v22, v9;
	[tilespmem:s9+$0x8C10] =	vst v16  }
0x90: {  	v25 =	vld [tilespmem:s9+$0x1000];
	v16 =	vadd.f32 v20, v11;
	[tilespmem:s9+$0x8C20] =	vst v17  }
0x91: {  	v20 =	vld [tilespmem:s9+$0x1010];
	v17 =	vadd.f32 v21, v10;
	[tilespmem:s9+$0x8C50] =	vst v18  }
0x92: {  	v19 =	vadd.f32 v23, v8;
	[tilespmem:s9+$0x8C30] =	vst v16;
	v16 =	vld [tilespmem:s9+$0x1020]  }
0x93: {  	v21 =	vadd.f32 v24, v7;
	[tilespmem:s9+$0x8C40] =	vst v17;
	v17 =	vld [tilespmem:s9+$0x1030]  }
0x94: {  	v18 =	vld [tilespmem:s9+$0x1040];
	[tilespmem:s9+$0x8C60] =	vst v19  }
0x95: {  	v19 =	vld [tilespmem:s9+$0x1050];
	[tilespmem:s9+$0x8C70] =	vst v21;
	v21 =	vadd.f32 v25, v6  }
0x96: {  	s11 =	simm.s32 $0xFFFFF400;
	s10 =	simm.s32 $0xFFFFFC80;
	v22 =	vadd.f32 v20, v5;
	v20 =	vld [tilespmem:s9+$0x1060]  }
.LBB2_5:
0x97: {  	p0 =	sne.s32 s11, $0xFFFFFE00;
	v23 =	vld [tilespmem:s10+$0x1070];
	[tilespmem:s9+$0x9000] =	vst v21;
	v16 =	vadd.f32 v16, v4  }
0x98: {  	v21 =	vld [tilespmem:s10+$0xC00];
	[tilespmem:s9+$0x9010] =	vst v22;
	v17 =	vadd.f32 v17, v3  }
0x99: {  	v22 =	vld [tilespmem:s10+$0xC10];
	[tilespmem:s9+$0x9020] =	vst v16;
	v16 =	vadd.f32 v18, v2  }
0x9a: {  	v18 =	vld [tilespmem:s10+$0xC20];
	[tilespmem:s9+$0x9030] =	vst v17;
	v17 =	vadd.f32 v19, v1  }
0x9b: {  	v19 =	vld [tilespmem:s10+$0xC30];
	[tilespmem:s9+$0x9040] =	vst v16;
	v16 =	vadd.f32 v20, v0  }
0x9c: {  	v20 =	vld [tilespmem:s10+$0xC40];
	v23 =	vadd.f32 v23, v15;
	[tilespmem:s9+$0x9050] =	vst v17  }
0x9d: {  	v17 =	vadd.f32 v21, v14;
	v21 =	vld [tilespmem:s10+$0xC50];
	[tilespmem:s9+$0x9060] =	vst v16;
	s9 =	smov.u32 s10  }
0x9e: {  	v16 =	vadd.f32 v22, v13;
	v22 =	vld [tilespmem:s9+$0xC60];
	[tilespmem:s9+$0x9070] =	vst v23  }
0x9f: {  	[tilespmem:s9+$0x8C00] =	vst v17;
	v17 =	vadd.f32 v18, v12;
	v18 =	vld [tilespmem:s9+$0xC70]  }
0xa0: {  	[tilespmem:s9+$0x8C10] =	vst v16;
	v16 =	vadd.f32 v19, v11;
	v19 =	vld [tilespmem:s9+$0x1000]  }
0xa1: {  	[tilespmem:s9+$0x8C20] =	vst v17;
	v17 =	vadd.f32 v20, v10;
	v20 =	vld [tilespmem:s9+$0x1010]  }
.Ltmp1:
0xa2: {  	[tilespmem:s9+$0x8C30] =	vst v16;
	v21 =	vadd.f32 v21, v9;
	v16 =	vld [tilespmem:s9+$0x1020];
	(pc) =	sbr.rel @p0 .LBB2_5-.Ltmp1, $4  }
0xa3: {  	[tilespmem:s9+$0x8C40] =	vst v17;
	v22 =	vadd.f32 v22, v8;
	v17 =	vld [tilespmem:s9+$0x1030]  }
0xa4: {  	[tilespmem:s9+$0x8C50] =	vst v21;
	v23 =	vadd.f32 v18, v7;
	v18 =	vld [tilespmem:s9+$0x1040]  }
0xa5: {  	[tilespmem:s9+$0x8C60] =	vst v22;
	v21 =	vadd.f32 v19, v6;
	v19 =	vld [tilespmem:s9+$0x1050]  }
0xa6: {  	s10 =	sshra.s32 s11, $0x2;
	s11 =	sadd.s32 $0x200, s11;
	[tilespmem:s9+$0x8C70] =	vst v23;
	v22 =	vadd.f32 v20, v5;
	v20 =	vld [tilespmem:s9+$0x1060]  }
0xa7: {  	v23 =	vld [tilespmem:s10+$0x1070];
	[tilespmem:s9+$0x9000] =	vst v21;
	v16 =	vadd.f32 v16, v4  }
0xa8: {  	v21 =	vld [tilespmem:s10+$0xC00];
	[tilespmem:s9+$0x9010] =	vst v22;
	v17 =	vadd.f32 v17, v3  }
0xa9: {  	v22 =	vld [tilespmem:s10+$0xC10];
	[tilespmem:s9+$0x9020] =	vst v16;
	v18 =	vadd.f32 v18, v2  }
0xaa: {  	v16 =	vld [tilespmem:s10+$0xC20];
	[tilespmem:s9+$0x9030] =	vst v17;
	v19 =	vadd.f32 v19, v1  }
0xab: {  	v17 =	vld [tilespmem:s10+$0xC30];
	[tilespmem:s9+$0x9040] =	vst v18;
	v20 =	vadd.f32 v20, v0  }
0xac: {  	v18 =	vld [tilespmem:s10+$0xC40];
	[tilespmem:s9+$0x9050] =	vst v19;
	v15 =	vadd.f32 v23, v15  }
0xad: {  	v19 =	vld [tilespmem:s10+$0xC50];
	[tilespmem:s9+$0x9060] =	vst v20;
	v14 =	vadd.f32 v21, v14  }
0xae: {  	v20 =	vld [tilespmem:s10+$0xC60];
	[tilespmem:s10+$0x9070] =	vst v15;
	v13 =	vadd.f32 v22, v13  }
0xaf: {  	[tilespmem:s10+$0x8C00] =	vst v14;
	v14 =	vld [tilespmem:s10+$0xC70];
	v12 =	vadd.f32 v16, v12  }
0xb0: {  	[tilespmem:s10+$0x8C10] =	vst v13;
	v13 =	vld [tilespmem:s10+$0x1000];
	v11 =	vadd.f32 v17, v11  }
0xb1: {  	[tilespmem:s10+$0x8C20] =	vst v12;
	v12 =	vld [tilespmem:s10+$0x1010];
	v10 =	vadd.f32 v18, v10  }
0xb2: {  	[tilespmem:s10+$0x8C30] =	vst v11;
	v11 =	vld [tilespmem:s10+$0x1020];
	v9 =	vadd.f32 v19, v9  }
0xb3: {  	[tilespmem:s10+$0x8C40] =	vst v10;
	v10 =	vld [tilespmem:s10+$0x1030];
	v8 =	vadd.f32 v20, v8  }
0xb4: {  	[tilespmem:s10+$0x8C50] =	vst v9;
	v9 =	vld [tilespmem:s10+$0x1040];
	v7 =	vadd.f32 v14, v7  }
0xb5: {  	[tilespmem:s10+$0x8C60] =	vst v8;
	v8 =	vld [tilespmem:s10+$0x1050];
	v6 =	vadd.f32 v13, v6  }
0xb6: {  	[tilespmem:s10+$0x8C70] =	vst v7;
	v5 =	vadd.f32 v12, v5;
	v7 =	vld [tilespmem:s10+$0x1060]  }
0xb7: {  	[tilespmem:s10+$0x9000] =	vst v6;
	v4 =	vadd.f32 v11, v4  }
0xb8: {  	[tilespmem:s10+$0x9010] =	vst v5;
	v3 =	vadd.f32 v10, v3  }
0xb9: {  	[tilespmem:s10+$0x9020] =	vst v4;
	v2 =	vadd.f32 v9, v2  }
0xba: {  	[tilespmem:s10+$0x9030] =	vst v3;
	v1 =	vadd.f32 v8, v1  }
0xbb: {  	[tilespmem:s10+$0x9040] =	vst v2;
	v0 =	vadd.f32 v7, v0  }
0xbc: {  	[tilespmem:s10+$0x9050] =	vst v1  }
0xbd: {  	[tilespmem:s10+$0x9060] =	vst v0  }
0xbe: {  	v14 =	vld [tilespmem:$0x10200]  }
0xbf: {  	v13 =	vld [tilespmem:$0x10210]  }
0xc0: {  	v12 =	vld [tilespmem:$0x10220]  }
0xc1: {  	v11 =	vld [tilespmem:$0x10230]  }
0xc2: {  	v10 =	vld [tilespmem:$0x10240]  }
0xc3: {  	v9 =	vld [tilespmem:$0x10250]  }
0xc4: {  	v8 =	vld [tilespmem:$0x10260]  }
0xc5: {  	v7 =	vld [tilespmem:$0x10270]  }
0xc6: {  	v6 =	vld [tilespmem:$0x10280]  }
0xc7: {  	v5 =	vld [tilespmem:$0x10290]  }
0xc8: {  	v4 =	vld [tilespmem:$0x102A0]  }
0xc9: {  	v3 =	vld [tilespmem:$0x102B0]  }
0xca: {  	v2 =	vld [tilespmem:$0x102C0]  }
0xcb: {  	v1 =	vld [tilespmem:$0x102D0]  }
0xcc: {  	v0 =	vld [tilespmem:$0x102E0]  }
0xcd: {  	s9 =	simm.s32 $0xFFFFFC00;
	v15 =	vld [tilespmem:$0x102F0]  }
0xce: {  	v16 =	vld [tilespmem:s9+$0x1870]  }
0xcf: {  	v17 =	vld [tilespmem:s9+$0x1400]  }
0xd0: {  	v18 =	vld [tilespmem:s9+$0x1410]  }
0xd1: {  	v19 =	vld [tilespmem:s9+$0x1420]  }
0xd2: {  	v22 =	vld [tilespmem:s9+$0x1450]  }
0xd3: {  	v20 =	vld [tilespmem:s9+$0x1430];
	v16 =	vadd.f32 v16, v15  }
0xd4: {  	v21 =	vld [tilespmem:s9+$0x1440];
	v17 =	vadd.f32 v17, v14  }
0xd5: {  	v23 =	vld [tilespmem:s9+$0x1460];
	[tilespmem:s9+$0x9870] =	vst v16;
	v16 =	vadd.f32 v18, v13  }
0xd6: {  	v24 =	vld [tilespmem:s9+$0x1470];
	[tilespmem:s9+$0x9400] =	vst v17;
	v17 =	vadd.f32 v19, v12  }
0xd7: {  	v18 =	vadd.f32 v22, v9;
	[tilespmem:s9+$0x9410] =	vst v16  }
0xd8: {  	v25 =	vld [tilespmem:s9+$0x1800];
	v16 =	vadd.f32 v20, v11;
	[tilespmem:s9+$0x9420] =	vst v17  }
0xd9: {  	v20 =	vld [tilespmem:s9+$0x1810];
	v17 =	vadd.f32 v21, v10;
	[tilespmem:s9+$0x9450] =	vst v18  }
0xda: {  	v19 =	vadd.f32 v23, v8;
	[tilespmem:s9+$0x9430] =	vst v16;
	v16 =	vld [tilespmem:s9+$0x1820]  }
0xdb: {  	v21 =	vadd.f32 v24, v7;
	[tilespmem:s9+$0x9440] =	vst v17;
	v17 =	vld [tilespmem:s9+$0x1830]  }
0xdc: {  	v18 =	vld [tilespmem:s9+$0x1840];
	[tilespmem:s9+$0x9460] =	vst v19  }
0xdd: {  	v19 =	vld [tilespmem:s9+$0x1850];
	[tilespmem:s9+$0x9470] =	vst v21;
	v21 =	vadd.f32 v25, v6  }
0xde: {  	s11 =	simm.s32 $0xFFFFF400;
	s10 =	simm.s32 $0xFFFFFC80;
	v22 =	vadd.f32 v20, v5;
	v20 =	vld [tilespmem:s9+$0x1860]  }
.LBB2_7:
0xdf: {  	p0 =	sne.s32 s11, $0xFFFFFE00;
	v23 =	vld [tilespmem:s10+$0x1870];
	[tilespmem:s9+$0x9800] =	vst v21;
	v16 =	vadd.f32 v16, v4  }
0xe0: {  	v21 =	vld [tilespmem:s10+$0x1400];
	[tilespmem:s9+$0x9810] =	vst v22;
	v17 =	vadd.f32 v17, v3  }
0xe1: {  	v22 =	vld [tilespmem:s10+$0x1410];
	[tilespmem:s9+$0x9820] =	vst v16;
	v16 =	vadd.f32 v18, v2  }
0xe2: {  	v18 =	vld [tilespmem:s10+$0x1420];
	[tilespmem:s9+$0x9830] =	vst v17;
	v17 =	vadd.f32 v19, v1  }
0xe3: {  	v19 =	vld [tilespmem:s10+$0x1430];
	[tilespmem:s9+$0x9840] =	vst v16;
	v16 =	vadd.f32 v20, v0  }
0xe4: {  	v20 =	vld [tilespmem:s10+$0x1440];
	v23 =	vadd.f32 v23, v15;
	[tilespmem:s9+$0x9850] =	vst v17  }
0xe5: {  	v17 =	vadd.f32 v21, v14;
	v21 =	vld [tilespmem:s10+$0x1450];
	[tilespmem:s9+$0x9860] =	vst v16;
	s9 =	smov.u32 s10  }
0xe6: {  	v16 =	vadd.f32 v22, v13;
	v22 =	vld [tilespmem:s9+$0x1460];
	[tilespmem:s9+$0x9870] =	vst v23  }
0xe7: {  	[tilespmem:s9+$0x9400] =	vst v17;
	v17 =	vadd.f32 v18, v12;
	v18 =	vld [tilespmem:s9+$0x1470]  }
0xe8: {  	[tilespmem:s9+$0x9410] =	vst v16;
	v16 =	vadd.f32 v19, v11;
	v19 =	vld [tilespmem:s9+$0x1800]  }
0xe9: {  	[tilespmem:s9+$0x9420] =	vst v17;
	v17 =	vadd.f32 v20, v10;
	v20 =	vld [tilespmem:s9+$0x1810]  }
.Ltmp2:
0xea: {  	[tilespmem:s9+$0x9430] =	vst v16;
	v21 =	vadd.f32 v21, v9;
	v16 =	vld [tilespmem:s9+$0x1820];
	(pc) =	sbr.rel @p0 .LBB2_7-.Ltmp2, $4  }
0xeb: {  	[tilespmem:s9+$0x9440] =	vst v17;
	v22 =	vadd.f32 v22, v8;
	v17 =	vld [tilespmem:s9+$0x1830]  }
0xec: {  	[tilespmem:s9+$0x9450] =	vst v21;
	v23 =	vadd.f32 v18, v7;
	v18 =	vld [tilespmem:s9+$0x1840]  }
0xed: {  	[tilespmem:s9+$0x9460] =	vst v22;
	v21 =	vadd.f32 v19, v6;
	v19 =	vld [tilespmem:s9+$0x1850]  }
0xee: {  	s10 =	sshra.s32 s11, $0x2;
	s11 =	sadd.s32 $0x200, s11;
	[tilespmem:s9+$0x9470] =	vst v23;
	v22 =	vadd.f32 v20, v5;
	v20 =	vld [tilespmem:s9+$0x1860]  }
0xef: {  	v23 =	vld [tilespmem:s10+$0x1870];
	[tilespmem:s9+$0x9800] =	vst v21;
	v16 =	vadd.f32 v16, v4  }
0xf0: {  	v21 =	vld [tilespmem:s10+$0x1400];
	[tilespmem:s9+$0x9810] =	vst v22;
	v17 =	vadd.f32 v17, v3  }
0xf1: {  	v22 =	vld [tilespmem:s10+$0x1410];
	[tilespmem:s9+$0x9820] =	vst v16;
	v18 =	vadd.f32 v18, v2  }
0xf2: {  	v16 =	vld [tilespmem:s10+$0x1420];
	[tilespmem:s9+$0x9830] =	vst v17;
	v19 =	vadd.f32 v19, v1  }
0xf3: {  	v17 =	vld [tilespmem:s10+$0x1430];
	[tilespmem:s9+$0x9840] =	vst v18;
	v20 =	vadd.f32 v20, v0  }
0xf4: {  	v18 =	vld [tilespmem:s10+$0x1440];
	[tilespmem:s9+$0x9850] =	vst v19;
	v15 =	vadd.f32 v23, v15  }
0xf5: {  	v19 =	vld [tilespmem:s10+$0x1450];
	[tilespmem:s9+$0x9860] =	vst v20;
	v14 =	vadd.f32 v21, v14  }
0xf6: {  	v20 =	vld [tilespmem:s10+$0x1460];
	[tilespmem:s10+$0x9870] =	vst v15;
	v13 =	vadd.f32 v22, v13  }
0xf7: {  	[tilespmem:s10+$0x9400] =	vst v14;
	v14 =	vld [tilespmem:s10+$0x1470];
	v12 =	vadd.f32 v16, v12  }
0xf8: {  	[tilespmem:s10+$0x9410] =	vst v13;
	v13 =	vld [tilespmem:s10+$0x1800];
	v11 =	vadd.f32 v17, v11  }
0xf9: {  	[tilespmem:s10+$0x9420] =	vst v12;
	v12 =	vld [tilespmem:s10+$0x1810];
	v10 =	vadd.f32 v18, v10  }
0xfa: {  	[tilespmem:s10+$0x9430] =	vst v11;
	v11 =	vld [tilespmem:s10+$0x1820];
	v9 =	vadd.f32 v19, v9  }
0xfb: {  	[tilespmem:s10+$0x9440] =	vst v10;
	v10 =	vld [tilespmem:s10+$0x1830];
	v8 =	vadd.f32 v20, v8  }
0xfc: {  	[tilespmem:s10+$0x9450] =	vst v9;
	v9 =	vld [tilespmem:s10+$0x1840];
	v7 =	vadd.f32 v14, v7  }
0xfd: {  	[tilespmem:s10+$0x9460] =	vst v8;
	v8 =	vld [tilespmem:s10+$0x1850];
	v6 =	vadd.f32 v13, v6  }
0xfe: {  	[tilespmem:s10+$0x9470] =	vst v7;
	v5 =	vadd.f32 v12, v5;
	v7 =	vld [tilespmem:s10+$0x1860]  }
0xff: {  	[tilespmem:s10+$0x9800] =	vst v6;
	v4 =	vadd.f32 v11, v4  }
0x100: {  	[tilespmem:s10+$0x9810] =	vst v5;
	v3 =	vadd.f32 v10, v3  }
0x101: {  	[tilespmem:s10+$0x9820] =	vst v4;
	v2 =	vadd.f32 v9, v2  }
0x102: {  	[tilespmem:s10+$0x9830] =	vst v3;
	v1 =	vadd.f32 v8, v1  }
0x103: {  	[tilespmem:s10+$0x9840] =	vst v2;
	v0 =	vadd.f32 v7, v0  }
0x104: {  	[tilespmem:s10+$0x9850] =	vst v1  }
0x105: {  	[tilespmem:s10+$0x9860] =	vst v0  }
0x106: {  	v14 =	vld [tilespmem:$0x10300]  }
0x107: {  	v13 =	vld [tilespmem:$0x10310]  }
0x108: {  	v12 =	vld [tilespmem:$0x10320]  }
0x109: {  	v11 =	vld [tilespmem:$0x10330]  }
0x10a: {  	v10 =	vld [tilespmem:$0x10340]  }
0x10b: {  	v9 =	vld [tilespmem:$0x10350]  }
0x10c: {  	v8 =	vld [tilespmem:$0x10360]  }
0x10d: {  	v7 =	vld [tilespmem:$0x10370]  }
0x10e: {  	v6 =	vld [tilespmem:$0x10380]  }
0x10f: {  	v5 =	vld [tilespmem:$0x10390]  }
0x110: {  	v4 =	vld [tilespmem:$0x103A0]  }
0x111: {  	v3 =	vld [tilespmem:$0x103B0]  }
0x112: {  	v2 =	vld [tilespmem:$0x103C0]  }
0x113: {  	v1 =	vld [tilespmem:$0x103D0]  }
0x114: {  	v0 =	vld [tilespmem:$0x103E0]  }
0x115: {  	s9 =	simm.s32 $0x0;
	v15 =	vld [tilespmem:$0x103F0]  }
0x116: {  	v16 =	vld [tilespmem:s9+$0x1C70]  }
0x117: {  	v17 =	vld [tilespmem:s9+$0x1800]  }
0x118: {  	v18 =	vld [tilespmem:s9+$0x1810]  }
0x119: {  	v19 =	vld [tilespmem:s9+$0x1820]  }
0x11a: {  	v22 =	vld [tilespmem:s9+$0x1850]  }
0x11b: {  	v20 =	vld [tilespmem:s9+$0x1830];
	v16 =	vadd.f32 v16, v15  }
0x11c: {  	v21 =	vld [tilespmem:s9+$0x1840];
	v17 =	vadd.f32 v17, v14  }
0x11d: {  	v23 =	vld [tilespmem:s9+$0x1860];
	[tilespmem:s9+$0x9C70] =	vst v16;
	v16 =	vadd.f32 v18, v13  }
0x11e: {  	v24 =	vld [tilespmem:s9+$0x1870];
	[tilespmem:s9+$0x9800] =	vst v17;
	v17 =	vadd.f32 v19, v12  }
0x11f: {  	v18 =	vadd.f32 v22, v9;
	[tilespmem:s9+$0x9810] =	vst v16  }
0x120: {  	v25 =	vld [tilespmem:s9+$0x1C00];
	v16 =	vadd.f32 v20, v11;
	[tilespmem:s9+$0x9820] =	vst v17  }
0x121: {  	v20 =	vld [tilespmem:s9+$0x1C10];
	v17 =	vadd.f32 v21, v10;
	[tilespmem:s9+$0x9850] =	vst v18  }
0x122: {  	v19 =	vadd.f32 v23, v8;
	[tilespmem:s9+$0x9830] =	vst v16;
	v16 =	vld [tilespmem:s9+$0x1C20]  }
0x123: {  	v21 =	vadd.f32 v24, v7;
	[tilespmem:s9+$0x9840] =	vst v17;
	v17 =	vld [tilespmem:s9+$0x1C30]  }
0x124: {  	v18 =	vld [tilespmem:s9+$0x1C40];
	[tilespmem:s9+$0x9860] =	vst v19  }
0x125: {  	v19 =	vld [tilespmem:s9+$0x1C50];
	[tilespmem:s9+$0x9870] =	vst v21;
	v21 =	vadd.f32 v25, v6  }
0x126: {  	s11 =	simm.s32 $0x400;
	s10 =	simm.s32 $0x80;
	v22 =	vadd.f32 v20, v5;
	v20 =	vld [tilespmem:s9+$0x1C60]  }
.LBB2_9:
0x127: {  	p0 =	sne.s32 s11, $0xE00;
	v23 =	vld [tilespmem:s10+$0x1C70];
	[tilespmem:s9+$0x9C00] =	vst v21;
	v16 =	vadd.f32 v16, v4  }
0x128: {  	v21 =	vld [tilespmem:s10+$0x1800];
	[tilespmem:s9+$0x9C10] =	vst v22;
	v17 =	vadd.f32 v17, v3  }
0x129: {  	v22 =	vld [tilespmem:s10+$0x1810];
	[tilespmem:s9+$0x9C20] =	vst v16;
	v16 =	vadd.f32 v18, v2  }
0x12a: {  	v18 =	vld [tilespmem:s10+$0x1820];
	[tilespmem:s9+$0x9C30] =	vst v17;
	v17 =	vadd.f32 v19, v1  }
0x12b: {  	v19 =	vld [tilespmem:s10+$0x1830];
	[tilespmem:s9+$0x9C40] =	vst v16;
	v16 =	vadd.f32 v20, v0  }
0x12c: {  	v20 =	vld [tilespmem:s10+$0x1840];
	v23 =	vadd.f32 v23, v15;
	[tilespmem:s9+$0x9C50] =	vst v17  }
0x12d: {  	v17 =	vadd.f32 v21, v14;
	v21 =	vld [tilespmem:s10+$0x1850];
	[tilespmem:s9+$0x9C60] =	vst v16;
	s9 =	smov.u32 s10  }
0x12e: {  	v16 =	vadd.f32 v22, v13;
	v22 =	vld [tilespmem:s9+$0x1860];
	[tilespmem:s9+$0x9C70] =	vst v23  }
0x12f: {  	[tilespmem:s9+$0x9800] =	vst v17;
	v17 =	vadd.f32 v18, v12;
	v18 =	vld [tilespmem:s9+$0x1870]  }
0x130: {  	[tilespmem:s9+$0x9810] =	vst v16;
	v16 =	vadd.f32 v19, v11;
	v19 =	vld [tilespmem:s9+$0x1C00]  }
0x131: {  	[tilespmem:s9+$0x9820] =	vst v17;
	v17 =	vadd.f32 v20, v10;
	v20 =	vld [tilespmem:s9+$0x1C10]  }
.Ltmp3:
0x132: {  	[tilespmem:s9+$0x9830] =	vst v16;
	v21 =	vadd.f32 v21, v9;
	v16 =	vld [tilespmem:s9+$0x1C20];
	(pc) =	sbr.rel @p0 .LBB2_9-.Ltmp3, $4  }
0x133: {  	[tilespmem:s9+$0x9840] =	vst v17;
	v22 =	vadd.f32 v22, v8;
	v17 =	vld [tilespmem:s9+$0x1C30]  }
0x134: {  	[tilespmem:s9+$0x9850] =	vst v21;
	v23 =	vadd.f32 v18, v7;
	v18 =	vld [tilespmem:s9+$0x1C40]  }
0x135: {  	[tilespmem:s9+$0x9860] =	vst v22;
	v21 =	vadd.f32 v19, v6;
	v19 =	vld [tilespmem:s9+$0x1C50]  }
0x136: {  	s10 =	sshra.s32 s11, $0x2;
	s11 =	sadd.s32 $0x200, s11;
	[tilespmem:s9+$0x9870] =	vst v23;
	v22 =	vadd.f32 v20, v5;
	v20 =	vld [tilespmem:s9+$0x1C60]  }
0x137: {  	v23 =	vld [tilespmem:s10+$0x1C70];
	[tilespmem:s9+$0x9C00] =	vst v21;
	v16 =	vadd.f32 v16, v4  }
0x138: {  	v21 =	vld [tilespmem:s10+$0x1800];
	[tilespmem:s9+$0x9C10] =	vst v22;
	v17 =	vadd.f32 v17, v3  }
0x139: {  	v22 =	vld [tilespmem:s10+$0x1810];
	[tilespmem:s9+$0x9C20] =	vst v16;
	v18 =	vadd.f32 v18, v2  }
0x13a: {  	v16 =	vld [tilespmem:s10+$0x1820];
	[tilespmem:s9+$0x9C30] =	vst v17;
	v19 =	vadd.f32 v19, v1  }
0x13b: {  	v17 =	vld [tilespmem:s10+$0x1830];
	[tilespmem:s9+$0x9C40] =	vst v18;
	v20 =	vadd.f32 v20, v0  }
0x13c: {  	v18 =	vld [tilespmem:s10+$0x1840];
	[tilespmem:s9+$0x9C50] =	vst v19;
	v15 =	vadd.f32 v23, v15  }
0x13d: {  	v19 =	vld [tilespmem:s10+$0x1850];
	[tilespmem:s9+$0x9C60] =	vst v20;
	v14 =	vadd.f32 v21, v14  }
0x13e: {  	v20 =	vld [tilespmem:s10+$0x1860];
	[tilespmem:s10+$0x9C70] =	vst v15;
	v13 =	vadd.f32 v22, v13  }
0x13f: {  	[tilespmem:s10+$0x9800] =	vst v14;
	v14 =	vld [tilespmem:s10+$0x1870];
	v12 =	vadd.f32 v16, v12  }
0x140: {  	[tilespmem:s10+$0x9810] =	vst v13;
	v13 =	vld [tilespmem:s10+$0x1C00];
	v11 =	vadd.f32 v17, v11  }
0x141: {  	[tilespmem:s10+$0x9820] =	vst v12;
	v12 =	vld [tilespmem:s10+$0x1C10];
	v10 =	vadd.f32 v18, v10  }
0x142: {  	[tilespmem:s10+$0x9830] =	vst v11;
	v11 =	vld [tilespmem:s10+$0x1C20];
	v9 =	vadd.f32 v19, v9  }
0x143: {  	[tilespmem:s10+$0x9840] =	vst v10;
	v10 =	vld [tilespmem:s10+$0x1C30];
	v8 =	vadd.f32 v20, v8  }
0x144: {  	[tilespmem:s10+$0x9850] =	vst v9;
	v9 =	vld [tilespmem:s10+$0x1C40];
	v7 =	vadd.f32 v14, v7  }
0x145: {  	[tilespmem:s10+$0x9860] =	vst v8;
	v8 =	vld [tilespmem:s10+$0x1C50];
	v6 =	vadd.f32 v13, v6  }
0x146: {  	[tilespmem:s10+$0x9870] =	vst v7;
	v5 =	vadd.f32 v12, v5;
	v7 =	vld [tilespmem:s10+$0x1C60]  }
0x147: {  	s9 =	sshll.u32 s7, $0x2;
	[tilespmem:s10+$0x9C00] =	vst v6;
	v4 =	vadd.f32 v11, v4  }
0x148: {  	s11 =	sadd.s32 $0x4, s9;
	[tilespmem:s10+$0x9C10] =	vst v5;
	v3 =	vadd.f32 v10, v3  }
0x149: {  	s11 =	sand.u32 $0x7C, s11;
	[tilespmem:s10+$0x9C20] =	vst v4;
	v2 =	vadd.f32 v9, v2  }
0x14a: {  	s11 =	sor.u32 s15, s11;
	[tilespmem:s10+$0x9C30] =	vst v3;
	v1 =	vadd.f32 v8, v1  }
0x14b: {  	s11 =	sshll.u32 s11, $0xA;
	[tilespmem:s10+$0x9C40] =	vst v2;
	v0 =	vadd.f32 v7, v0  }
0x14c: {  	s11 =	sand.u32 $0x3FF000, s11;
	[tilespmem:s10+$0x9C50] =	vst v1  }
0x14d: {  	s13 =	sshll.u32 s7, $0xC;
	s12 =	simm.s32 $0x0;
	s11 =	sadd.s32 s1, s11;
	[tilespmem:s10+$0x9C60] =	vst v0  }
0x14e: {  	[tilespmem:s12], [sflag:$0x1] =	stream.linear.gather [hbm4b:s11+s12], $0x2000, $0x38;
	[tilespmem:$0x10400] =	vst v63  }
0x14f: {  	s10 =	sadd.s32 s13, s8  }
0x150: {  	[hbm4b:s10+s12] =	stream.linear.scatter [tilespmem:s21], [sflag:$0x5], $0x2000, $0x38;
	[tilespmem:$0x10400] =	vst v63  }
0x151: {  	_ =	swait.ge [sflag:s31], $0x2000  }
0x152: {  	[sflag:s31] =	ssyncset.done $0x0  }
0x153: {  	[sflag:s31] =	ssyncadd.s32 $0xFFFFE000  }
0x154: {  	_ =	swait.ge [sflag:s0], $0x2000  }
0x155: {  	[sflag:s0] =	ssyncset.done $0x0  }
0x156: {  	[sflag:s0] =	ssyncadd.s32 $0xFFFFE000  }
0x157: {  	v14 =	vld [tilespmem:$0x10000]  }
0x158: {  	v13 =	vld [tilespmem:$0x10010]  }
0x159: {  	v12 =	vld [tilespmem:$0x10020]  }
0x15a: {  	v11 =	vld [tilespmem:$0x10030]  }
0x15b: {  	v10 =	vld [tilespmem:$0x10040]  }
0x15c: {  	v9 =	vld [tilespmem:$0x10050]  }
0x15d: {  	v8 =	vld [tilespmem:$0x10060]  }
0x15e: {  	v7 =	vld [tilespmem:$0x10070]  }
0x15f: {  	v6 =	vld [tilespmem:$0x10080]  }
0x160: {  	v5 =	vld [tilespmem:$0x10090]  }
0x161: {  	v4 =	vld [tilespmem:$0x100A0]  }
0x162: {  	v3 =	vld [tilespmem:$0x100B0]  }
0x163: {  	v2 =	vld [tilespmem:$0x100C0]  }
0x164: {  	v1 =	vld [tilespmem:$0x100D0]  }
0x165: {  	v0 =	vld [tilespmem:$0x100E0]  }
0x166: {  	s10 =	simm.s32 $0x0;
	v15 =	vld [tilespmem:$0x100F0]  }
0x167: {  	v16 =	vld [tilespmem:s10+$0x2470]  }
0x168: {  	v17 =	vld [tilespmem:s10+$0x2000]  }
0x169: {  	v18 =	vld [tilespmem:s10+$0x2010]  }
0x16a: {  	v19 =	vld [tilespmem:s10+$0x2020]  }
0x16b: {  	v22 =	vld [tilespmem:s10+$0x2050]  }
0x16c: {  	v20 =	vld [tilespmem:s10+$0x2030];
	v16 =	vadd.f32 v16, v15  }
0x16d: {  	v21 =	vld [tilespmem:s10+$0x2040];
	v17 =	vadd.f32 v17, v14  }
0x16e: {  	v23 =	vld [tilespmem:s10+$0x2060];
	[tilespmem:s10+$0xA470] =	vst v16;
	v16 =	vadd.f32 v18, v13  }
0x16f: {  	v24 =	vld [tilespmem:s10+$0x2070];
	[tilespmem:s10+$0xA000] =	vst v17;
	v17 =	vadd.f32 v19, v12  }
0x170: {  	v18 =	vadd.f32 v22, v9;
	[tilespmem:s10+$0xA010] =	vst v16  }
0x171: {  	v25 =	vld [tilespmem:s10+$0x2400];
	v16 =	vadd.f32 v20, v11;
	[tilespmem:s10+$0xA020] =	vst v17  }
0x172: {  	v20 =	vld [tilespmem:s10+$0x2410];
	v17 =	vadd.f32 v21, v10;
	[tilespmem:s10+$0xA050] =	vst v18  }
0x173: {  	v19 =	vadd.f32 v23, v8;
	[tilespmem:s10+$0xA030] =	vst v16;
	v16 =	vld [tilespmem:s10+$0x2420]  }
0x174: {  	v21 =	vadd.f32 v24, v7;
	[tilespmem:s10+$0xA040] =	vst v17;
	v17 =	vld [tilespmem:s10+$0x2430]  }
0x175: {  	v18 =	vld [tilespmem:s10+$0x2440];
	[tilespmem:s10+$0xA060] =	vst v19  }
0x176: {  	v19 =	vld [tilespmem:s10+$0x2450];
	[tilespmem:s10+$0xA070] =	vst v21;
	v21 =	vadd.f32 v25, v6  }
0x177: {  	s11 =	simm.s32 $0x80;
	s12 =	simm.s32 $0x400;
	v22 =	vadd.f32 v20, v5;
	v20 =	vld [tilespmem:s10+$0x2460]  }
.LBB2_11:
0x178: {  	p0 =	sne.s32 s12, $0xE00;
	v23 =	vld [tilespmem:s11+$0x2470];
	[tilespmem:s10+$0xA400] =	vst v21;
	v16 =	vadd.f32 v16, v4  }
0x179: {  	v21 =	vld [tilespmem:s11+$0x2000];
	[tilespmem:s10+$0xA410] =	vst v22;
	v17 =	vadd.f32 v17, v3  }
0x17a: {  	v22 =	vld [tilespmem:s11+$0x2010];
	[tilespmem:s10+$0xA420] =	vst v16;
	v16 =	vadd.f32 v18, v2  }
0x17b: {  	v18 =	vld [tilespmem:s11+$0x2020];
	[tilespmem:s10+$0xA430] =	vst v17;
	v17 =	vadd.f32 v19, v1  }
0x17c: {  	v19 =	vld [tilespmem:s11+$0x2030];
	[tilespmem:s10+$0xA440] =	vst v16;
	v16 =	vadd.f32 v20, v0  }
0x17d: {  	v20 =	vld [tilespmem:s11+$0x2040];
	v23 =	vadd.f32 v23, v15;
	[tilespmem:s10+$0xA450] =	vst v17  }
0x17e: {  	v17 =	vadd.f32 v21, v14;
	v21 =	vld [tilespmem:s11+$0x2050];
	[tilespmem:s10+$0xA460] =	vst v16;
	s10 =	smov.u32 s11  }
0x17f: {  	v16 =	vadd.f32 v22, v13;
	v22 =	vld [tilespmem:s10+$0x2060];
	[tilespmem:s10+$0xA470] =	vst v23  }
0x180: {  	[tilespmem:s10+$0xA000] =	vst v17;
	v17 =	vadd.f32 v18, v12;
	v18 =	vld [tilespmem:s10+$0x2070]  }
0x181: {  	[tilespmem:s10+$0xA010] =	vst v16;
	v16 =	vadd.f32 v19, v11;
	v19 =	vld [tilespmem:s10+$0x2400]  }
0x182: {  	[tilespmem:s10+$0xA020] =	vst v17;
	v17 =	vadd.f32 v20, v10;
	v20 =	vld [tilespmem:s10+$0x2410]  }
.Ltmp4:
0x183: {  	[tilespmem:s10+$0xA030] =	vst v16;
	v21 =	vadd.f32 v21, v9;
	v16 =	vld [tilespmem:s10+$0x2420];
	(pc) =	sbr.rel @p0 .LBB2_11-.Ltmp4, $4  }
0x184: {  	[tilespmem:s10+$0xA040] =	vst v17;
	v22 =	vadd.f32 v22, v8;
	v17 =	vld [tilespmem:s10+$0x2430]  }
0x185: {  	[tilespmem:s10+$0xA050] =	vst v21;
	v23 =	vadd.f32 v18, v7;
	v18 =	vld [tilespmem:s10+$0x2440]  }
0x186: {  	[tilespmem:s10+$0xA060] =	vst v22;
	v21 =	vadd.f32 v19, v6;
	v19 =	vld [tilespmem:s10+$0x2450]  }
0x187: {  	s11 =	sshra.s32 s12, $0x2;
	s12 =	sadd.s32 $0x200, s12;
	[tilespmem:s10+$0xA070] =	vst v23;
	v22 =	vadd.f32 v20, v5;
	v20 =	vld [tilespmem:s10+$0x2460]  }
0x188: {  	v23 =	vld [tilespmem:s11+$0x2470];
	[tilespmem:s10+$0xA400] =	vst v21;
	v16 =	vadd.f32 v16, v4  }
0x189: {  	v21 =	vld [tilespmem:s11+$0x2000];
	[tilespmem:s10+$0xA410] =	vst v22;
	v17 =	vadd.f32 v17, v3  }
0x18a: {  	v22 =	vld [tilespmem:s11+$0x2010];
	[tilespmem:s10+$0xA420] =	vst v16;
	v18 =	vadd.f32 v18, v2  }
0x18b: {  	v16 =	vld [tilespmem:s11+$0x2020];
	[tilespmem:s10+$0xA430] =	vst v17;
	v19 =	vadd.f32 v19, v1  }
0x18c: {  	v17 =	vld [tilespmem:s11+$0x2030];
	[tilespmem:s10+$0xA440] =	vst v18;
	v20 =	vadd.f32 v20, v0  }
0x18d: {  	v18 =	vld [tilespmem:s11+$0x2040];
	[tilespmem:s10+$0xA450] =	vst v19;
	v15 =	vadd.f32 v23, v15  }
0x18e: {  	v19 =	vld [tilespmem:s11+$0x2050];
	[tilespmem:s10+$0xA460] =	vst v20;
	v14 =	vadd.f32 v21, v14  }
0x18f: {  	v20 =	vld [tilespmem:s11+$0x2060];
	[tilespmem:s11+$0xA470] =	vst v15;
	v13 =	vadd.f32 v22, v13  }
0x190: {  	[tilespmem:s11+$0xA000] =	vst v14;
	v14 =	vld [tilespmem:s11+$0x2070];
	v12 =	vadd.f32 v16, v12  }
0x191: {  	[tilespmem:s11+$0xA010] =	vst v13;
	v13 =	vld [tilespmem:s11+$0x2400];
	v11 =	vadd.f32 v17, v11  }
0x192: {  	[tilespmem:s11+$0xA020] =	vst v12;
	v12 =	vld [tilespmem:s11+$0x2410];
	v10 =	vadd.f32 v18, v10  }
0x193: {  	[tilespmem:s11+$0xA030] =	vst v11;
	v11 =	vld [tilespmem:s11+$0x2420];
	v9 =	vadd.f32 v19, v9  }
0x194: {  	[tilespmem:s11+$0xA040] =	vst v10;
	v10 =	vld [tilespmem:s11+$0x2430];
	v8 =	vadd.f32 v20, v8  }
0x195: {  	[tilespmem:s11+$0xA050] =	vst v9;
	v9 =	vld [tilespmem:s11+$0x2440];
	v7 =	vadd.f32 v14, v7  }
0x196: {  	[tilespmem:s11+$0xA060] =	vst v8;
	v8 =	vld [tilespmem:s11+$0x2450];
	v6 =	vadd.f32 v13, v6  }
0x197: {  	[tilespmem:s11+$0xA070] =	vst v7;
	v5 =	vadd.f32 v12, v5;
	v7 =	vld [tilespmem:s11+$0x2460]  }
0x198: {  	[tilespmem:s11+$0xA400] =	vst v6;
	v4 =	vadd.f32 v11, v4  }
0x199: {  	[tilespmem:s11+$0xA410] =	vst v5;
	v3 =	vadd.f32 v10, v3  }
0x19a: {  	[tilespmem:s11+$0xA420] =	vst v4;
	v2 =	vadd.f32 v9, v2  }
0x19b: {  	[tilespmem:s11+$0xA430] =	vst v3;
	v1 =	vadd.f32 v8, v1  }
0x19c: {  	[tilespmem:s11+$0xA440] =	vst v2;
	v0 =	vadd.f32 v7, v0  }
0x19d: {  	[tilespmem:s11+$0xA450] =	vst v1  }
0x19e: {  	[tilespmem:s11+$0xA460] =	vst v0  }
0x19f: {  	v14 =	vld [tilespmem:$0x10100]  }
0x1a0: {  	v13 =	vld [tilespmem:$0x10110]  }
0x1a1: {  	v12 =	vld [tilespmem:$0x10120]  }
0x1a2: {  	v11 =	vld [tilespmem:$0x10130]  }
0x1a3: {  	v10 =	vld [tilespmem:$0x10140]  }
0x1a4: {  	v9 =	vld [tilespmem:$0x10150]  }
0x1a5: {  	v8 =	vld [tilespmem:$0x10160]  }
0x1a6: {  	v7 =	vld [tilespmem:$0x10170]  }
0x1a7: {  	v6 =	vld [tilespmem:$0x10180]  }
0x1a8: {  	v5 =	vld [tilespmem:$0x10190]  }
0x1a9: {  	v4 =	vld [tilespmem:$0x101A0]  }
0x1aa: {  	v3 =	vld [tilespmem:$0x101B0]  }
0x1ab: {  	v2 =	vld [tilespmem:$0x101C0]  }
0x1ac: {  	v1 =	vld [tilespmem:$0x101D0]  }
0x1ad: {  	v0 =	vld [tilespmem:$0x101E0]  }
0x1ae: {  	s10 =	simm.s32 $0xFFFFFC00;
	v15 =	vld [tilespmem:$0x101F0]  }
0x1af: {  	v16 =	vld [tilespmem:s10+$0x3070]  }
0x1b0: {  	v17 =	vld [tilespmem:s10+$0x2C00]  }
0x1b1: {  	v18 =	vld [tilespmem:s10+$0x2C10]  }
0x1b2: {  	v19 =	vld [tilespmem:s10+$0x2C20]  }
0x1b3: {  	v22 =	vld [tilespmem:s10+$0x2C50]  }
0x1b4: {  	v20 =	vld [tilespmem:s10+$0x2C30];
	v16 =	vadd.f32 v16, v15  }
0x1b5: {  	v21 =	vld [tilespmem:s10+$0x2C40];
	v17 =	vadd.f32 v17, v14  }
0x1b6: {  	v23 =	vld [tilespmem:s10+$0x2C60];
	[tilespmem:s10+$0xB070] =	vst v16;
	v16 =	vadd.f32 v18, v13  }
0x1b7: {  	v24 =	vld [tilespmem:s10+$0x2C70];
	[tilespmem:s10+$0xAC00] =	vst v17;
	v17 =	vadd.f32 v19, v12  }
0x1b8: {  	v18 =	vadd.f32 v22, v9;
	[tilespmem:s10+$0xAC10] =	vst v16  }
0x1b9: {  	v25 =	vld [tilespmem:s10+$0x3000];
	v16 =	vadd.f32 v20, v11;
	[tilespmem:s10+$0xAC20] =	vst v17  }
0x1ba: {  	v20 =	vld [tilespmem:s10+$0x3010];
	v17 =	vadd.f32 v21, v10;
	[tilespmem:s10+$0xAC50] =	vst v18  }
0x1bb: {  	v19 =	vadd.f32 v23, v8;
	[tilespmem:s10+$0xAC30] =	vst v16;
	v16 =	vld [tilespmem:s10+$0x3020]  }
0x1bc: {  	v21 =	vadd.f32 v24, v7;
	[tilespmem:s10+$0xAC40] =	vst v17;
	v17 =	vld [tilespmem:s10+$0x3030]  }
0x1bd: {  	v18 =	vld [tilespmem:s10+$0x3040];
	[tilespmem:s10+$0xAC60] =	vst v19  }
0x1be: {  	v19 =	vld [tilespmem:s10+$0x3050];
	[tilespmem:s10+$0xAC70] =	vst v21;
	v21 =	vadd.f32 v25, v6  }
0x1bf: {  	s12 =	simm.s32 $0xFFFFF400;
	s11 =	simm.s32 $0xFFFFFC80;
	v22 =	vadd.f32 v20, v5;
	v20 =	vld [tilespmem:s10+$0x3060]  }
.LBB2_13:
0x1c0: {  	p0 =	sne.s32 s12, $0xFFFFFE00;
	v23 =	vld [tilespmem:s11+$0x3070];
	[tilespmem:s10+$0xB000] =	vst v21;
	v16 =	vadd.f32 v16, v4  }
0x1c1: {  	v21 =	vld [tilespmem:s11+$0x2C00];
	[tilespmem:s10+$0xB010] =	vst v22;
	v17 =	vadd.f32 v17, v3  }
0x1c2: {  	v22 =	vld [tilespmem:s11+$0x2C10];
	[tilespmem:s10+$0xB020] =	vst v16;
	v16 =	vadd.f32 v18, v2  }
0x1c3: {  	v18 =	vld [tilespmem:s11+$0x2C20];
	[tilespmem:s10+$0xB030] =	vst v17;
	v17 =	vadd.f32 v19, v1  }
0x1c4: {  	v19 =	vld [tilespmem:s11+$0x2C30];
	[tilespmem:s10+$0xB040] =	vst v16;
	v16 =	vadd.f32 v20, v0  }
0x1c5: {  	v20 =	vld [tilespmem:s11+$0x2C40];
	v23 =	vadd.f32 v23, v15;
	[tilespmem:s10+$0xB050] =	vst v17  }
0x1c6: {  	v17 =	vadd.f32 v21, v14;
	v21 =	vld [tilespmem:s11+$0x2C50];
	[tilespmem:s10+$0xB060] =	vst v16;
	s10 =	smov.u32 s11  }
0x1c7: {  	v16 =	vadd.f32 v22, v13;
	v22 =	vld [tilespmem:s10+$0x2C60];
	[tilespmem:s10+$0xB070] =	vst v23  }
0x1c8: {  	[tilespmem:s10+$0xAC00] =	vst v17;
	v17 =	vadd.f32 v18, v12;
	v18 =	vld [tilespmem:s10+$0x2C70]  }
0x1c9: {  	[tilespmem:s10+$0xAC10] =	vst v16;
	v16 =	vadd.f32 v19, v11;
	v19 =	vld [tilespmem:s10+$0x3000]  }
0x1ca: {  	[tilespmem:s10+$0xAC20] =	vst v17;
	v17 =	vadd.f32 v20, v10;
	v20 =	vld [tilespmem:s10+$0x3010]  }
.Ltmp5:
0x1cb: {  	[tilespmem:s10+$0xAC30] =	vst v16;
	v21 =	vadd.f32 v21, v9;
	v16 =	vld [tilespmem:s10+$0x3020];
	(pc) =	sbr.rel @p0 .LBB2_13-.Ltmp5, $4  }
0x1cc: {  	[tilespmem:s10+$0xAC40] =	vst v17;
	v22 =	vadd.f32 v22, v8;
	v17 =	vld [tilespmem:s10+$0x3030]  }
0x1cd: {  	[tilespmem:s10+$0xAC50] =	vst v21;
	v23 =	vadd.f32 v18, v7;
	v18 =	vld [tilespmem:s10+$0x3040]  }
0x1ce: {  	[tilespmem:s10+$0xAC60] =	vst v22;
	v21 =	vadd.f32 v19, v6;
	v19 =	vld [tilespmem:s10+$0x3050]  }
0x1cf: {  	s11 =	sshra.s32 s12, $0x2;
	s12 =	sadd.s32 $0x200, s12;
	[tilespmem:s10+$0xAC70] =	vst v23;
	v22 =	vadd.f32 v20, v5;
	v20 =	vld [tilespmem:s10+$0x3060]  }
0x1d0: {  	v23 =	vld [tilespmem:s11+$0x3070];
	[tilespmem:s10+$0xB000] =	vst v21;
	v16 =	vadd.f32 v16, v4  }
0x1d1: {  	v21 =	vld [tilespmem:s11+$0x2C00];
	[tilespmem:s10+$0xB010] =	vst v22;
	v17 =	vadd.f32 v17, v3  }
0x1d2: {  	v22 =	vld [tilespmem:s11+$0x2C10];
	[tilespmem:s10+$0xB020] =	vst v16;
	v18 =	vadd.f32 v18, v2  }
0x1d3: {  	v16 =	vld [tilespmem:s11+$0x2C20];
	[tilespmem:s10+$0xB030] =	vst v17;
	v19 =	vadd.f32 v19, v1  }
0x1d4: {  	v17 =	vld [tilespmem:s11+$0x2C30];
	[tilespmem:s10+$0xB040] =	vst v18;
	v20 =	vadd.f32 v20, v0  }
0x1d5: {  	v18 =	vld [tilespmem:s11+$0x2C40];
	[tilespmem:s10+$0xB050] =	vst v19;
	v15 =	vadd.f32 v23, v15  }
0x1d6: {  	v19 =	vld [tilespmem:s11+$0x2C50];
	[tilespmem:s10+$0xB060] =	vst v20;
	v14 =	vadd.f32 v21, v14  }
0x1d7: {  	v20 =	vld [tilespmem:s11+$0x2C60];
	[tilespmem:s11+$0xB070] =	vst v15;
	v13 =	vadd.f32 v22, v13  }
0x1d8: {  	[tilespmem:s11+$0xAC00] =	vst v14;
	v14 =	vld [tilespmem:s11+$0x2C70];
	v12 =	vadd.f32 v16, v12  }
0x1d9: {  	[tilespmem:s11+$0xAC10] =	vst v13;
	v13 =	vld [tilespmem:s11+$0x3000];
	v11 =	vadd.f32 v17, v11  }
0x1da: {  	[tilespmem:s11+$0xAC20] =	vst v12;
	v12 =	vld [tilespmem:s11+$0x3010];
	v10 =	vadd.f32 v18, v10  }
0x1db: {  	[tilespmem:s11+$0xAC30] =	vst v11;
	v11 =	vld [tilespmem:s11+$0x3020];
	v9 =	vadd.f32 v19, v9  }
0x1dc: {  	[tilespmem:s11+$0xAC40] =	vst v10;
	v10 =	vld [tilespmem:s11+$0x3030];
	v8 =	vadd.f32 v20, v8  }
0x1dd: {  	[tilespmem:s11+$0xAC50] =	vst v9;
	v9 =	vld [tilespmem:s11+$0x3040];
	v7 =	vadd.f32 v14, v7  }
0x1de: {  	[tilespmem:s11+$0xAC60] =	vst v8;
	v8 =	vld [tilespmem:s11+$0x3050];
	v6 =	vadd.f32 v13, v6  }
0x1df: {  	[tilespmem:s11+$0xAC70] =	vst v7;
	v5 =	vadd.f32 v12, v5;
	v7 =	vld [tilespmem:s11+$0x3060]  }
0x1e0: {  	[tilespmem:s11+$0xB000] =	vst v6;
	v4 =	vadd.f32 v11, v4  }
0x1e1: {  	[tilespmem:s11+$0xB010] =	vst v5;
	v3 =	vadd.f32 v10, v3  }
0x1e2: {  	[tilespmem:s11+$0xB020] =	vst v4;
	v2 =	vadd.f32 v9, v2  }
0x1e3: {  	[tilespmem:s11+$0xB030] =	vst v3;
	v1 =	vadd.f32 v8, v1  }
0x1e4: {  	[tilespmem:s11+$0xB040] =	vst v2;
	v0 =	vadd.f32 v7, v0  }
0x1e5: {  	[tilespmem:s11+$0xB050] =	vst v1  }
0x1e6: {  	[tilespmem:s11+$0xB060] =	vst v0  }
0x1e7: {  	v14 =	vld [tilespmem:$0x10200]  }
0x1e8: {  	v13 =	vld [tilespmem:$0x10210]  }
0x1e9: {  	v12 =	vld [tilespmem:$0x10220]  }
0x1ea: {  	v11 =	vld [tilespmem:$0x10230]  }
0x1eb: {  	v10 =	vld [tilespmem:$0x10240]  }
0x1ec: {  	v9 =	vld [tilespmem:$0x10250]  }
0x1ed: {  	v8 =	vld [tilespmem:$0x10260]  }
0x1ee: {  	v7 =	vld [tilespmem:$0x10270]  }
0x1ef: {  	v6 =	vld [tilespmem:$0x10280]  }
0x1f0: {  	v5 =	vld [tilespmem:$0x10290]  }
0x1f1: {  	v4 =	vld [tilespmem:$0x102A0]  }
0x1f2: {  	v3 =	vld [tilespmem:$0x102B0]  }
0x1f3: {  	v2 =	vld [tilespmem:$0x102C0]  }
0x1f4: {  	v1 =	vld [tilespmem:$0x102D0]  }
0x1f5: {  	v0 =	vld [tilespmem:$0x102E0]  }
0x1f6: {  	s10 =	simm.s32 $0xFFFFFC00;
	v15 =	vld [tilespmem:$0x102F0]  }
0x1f7: {  	v16 =	vld [tilespmem:s10+$0x3870]  }
0x1f8: {  	v17 =	vld [tilespmem:s10+$0x3400]  }
0x1f9: {  	v18 =	vld [tilespmem:s10+$0x3410]  }
0x1fa: {  	v19 =	vld [tilespmem:s10+$0x3420]  }
0x1fb: {  	v22 =	vld [tilespmem:s10+$0x3450]  }
0x1fc: {  	v20 =	vld [tilespmem:s10+$0x3430];
	v16 =	vadd.f32 v16, v15  }
0x1fd: {  	v21 =	vld [tilespmem:s10+$0x3440];
	v17 =	vadd.f32 v17, v14  }
0x1fe: {  	v23 =	vld [tilespmem:s10+$0x3460];
	[tilespmem:s10+$0xB870] =	vst v16;
	v16 =	vadd.f32 v18, v13  }
0x1ff: {  	v24 =	vld [tilespmem:s10+$0x3470];
	[tilespmem:s10+$0xB400] =	vst v17;
	v17 =	vadd.f32 v19, v12  }
0x200: {  	v18 =	vadd.f32 v22, v9;
	[tilespmem:s10+$0xB410] =	vst v16  }
0x201: {  	v25 =	vld [tilespmem:s10+$0x3800];
	v16 =	vadd.f32 v20, v11;
	[tilespmem:s10+$0xB420] =	vst v17  }
0x202: {  	v20 =	vld [tilespmem:s10+$0x3810];
	v17 =	vadd.f32 v21, v10;
	[tilespmem:s10+$0xB450] =	vst v18  }
0x203: {  	v19 =	vadd.f32 v23, v8;
	[tilespmem:s10+$0xB430] =	vst v16;
	v16 =	vld [tilespmem:s10+$0x3820]  }
0x204: {  	v21 =	vadd.f32 v24, v7;
	[tilespmem:s10+$0xB440] =	vst v17;
	v17 =	vld [tilespmem:s10+$0x3830]  }
0x205: {  	v18 =	vld [tilespmem:s10+$0x3840];
	[tilespmem:s10+$0xB460] =	vst v19  }
0x206: {  	v19 =	vld [tilespmem:s10+$0x3850];
	[tilespmem:s10+$0xB470] =	vst v21;
	v21 =	vadd.f32 v25, v6  }
0x207: {  	s12 =	simm.s32 $0xFFFFF400;
	s11 =	simm.s32 $0xFFFFFC80;
	v22 =	vadd.f32 v20, v5;
	v20 =	vld [tilespmem:s10+$0x3860]  }
.LBB2_15:
0x208: {  	p0 =	sne.s32 s12, $0xFFFFFE00;
	v23 =	vld [tilespmem:s11+$0x3870];
	[tilespmem:s10+$0xB800] =	vst v21;
	v16 =	vadd.f32 v16, v4  }
0x209: {  	v21 =	vld [tilespmem:s11+$0x3400];
	[tilespmem:s10+$0xB810] =	vst v22;
	v17 =	vadd.f32 v17, v3  }
0x20a: {  	v22 =	vld [tilespmem:s11+$0x3410];
	[tilespmem:s10+$0xB820] =	vst v16;
	v16 =	vadd.f32 v18, v2  }
0x20b: {  	v18 =	vld [tilespmem:s11+$0x3420];
	[tilespmem:s10+$0xB830] =	vst v17;
	v17 =	vadd.f32 v19, v1  }
0x20c: {  	v19 =	vld [tilespmem:s11+$0x3430];
	[tilespmem:s10+$0xB840] =	vst v16;
	v16 =	vadd.f32 v20, v0  }
0x20d: {  	v20 =	vld [tilespmem:s11+$0x3440];
	v23 =	vadd.f32 v23, v15;
	[tilespmem:s10+$0xB850] =	vst v17  }
0x20e: {  	v17 =	vadd.f32 v21, v14;
	v21 =	vld [tilespmem:s11+$0x3450];
	[tilespmem:s10+$0xB860] =	vst v16;
	s10 =	smov.u32 s11  }
0x20f: {  	v16 =	vadd.f32 v22, v13;
	v22 =	vld [tilespmem:s10+$0x3460];
	[tilespmem:s10+$0xB870] =	vst v23  }
0x210: {  	[tilespmem:s10+$0xB400] =	vst v17;
	v17 =	vadd.f32 v18, v12;
	v18 =	vld [tilespmem:s10+$0x3470]  }
0x211: {  	[tilespmem:s10+$0xB410] =	vst v16;
	v16 =	vadd.f32 v19, v11;
	v19 =	vld [tilespmem:s10+$0x3800]  }
0x212: {  	[tilespmem:s10+$0xB420] =	vst v17;
	v17 =	vadd.f32 v20, v10;
	v20 =	vld [tilespmem:s10+$0x3810]  }
.Ltmp6:
0x213: {  	[tilespmem:s10+$0xB430] =	vst v16;
	v21 =	vadd.f32 v21, v9;
	v16 =	vld [tilespmem:s10+$0x3820];
	(pc) =	sbr.rel @p0 .LBB2_15-.Ltmp6, $4  }
0x214: {  	[tilespmem:s10+$0xB440] =	vst v17;
	v22 =	vadd.f32 v22, v8;
	v17 =	vld [tilespmem:s10+$0x3830]  }
0x215: {  	[tilespmem:s10+$0xB450] =	vst v21;
	v23 =	vadd.f32 v18, v7;
	v18 =	vld [tilespmem:s10+$0x3840]  }
0x216: {  	[tilespmem:s10+$0xB460] =	vst v22;
	v21 =	vadd.f32 v19, v6;
	v19 =	vld [tilespmem:s10+$0x3850]  }
0x217: {  	s11 =	sshra.s32 s12, $0x2;
	s12 =	sadd.s32 $0x200, s12;
	[tilespmem:s10+$0xB470] =	vst v23;
	v22 =	vadd.f32 v20, v5;
	v20 =	vld [tilespmem:s10+$0x3860]  }
0x218: {  	v23 =	vld [tilespmem:s11+$0x3870];
	[tilespmem:s10+$0xB800] =	vst v21;
	v16 =	vadd.f32 v16, v4  }
0x219: {  	v21 =	vld [tilespmem:s11+$0x3400];
	[tilespmem:s10+$0xB810] =	vst v22;
	v17 =	vadd.f32 v17, v3  }
0x21a: {  	v22 =	vld [tilespmem:s11+$0x3410];
	[tilespmem:s10+$0xB820] =	vst v16;
	v18 =	vadd.f32 v18, v2  }
0x21b: {  	v16 =	vld [tilespmem:s11+$0x3420];
	[tilespmem:s10+$0xB830] =	vst v17;
	v19 =	vadd.f32 v19, v1  }
0x21c: {  	v17 =	vld [tilespmem:s11+$0x3430];
	[tilespmem:s10+$0xB840] =	vst v18;
	v20 =	vadd.f32 v20, v0  }
0x21d: {  	v18 =	vld [tilespmem:s11+$0x3440];
	[tilespmem:s10+$0xB850] =	vst v19;
	v15 =	vadd.f32 v23, v15  }
0x21e: {  	v19 =	vld [tilespmem:s11+$0x3450];
	[tilespmem:s10+$0xB860] =	vst v20;
	v14 =	vadd.f32 v21, v14  }
0x21f: {  	v20 =	vld [tilespmem:s11+$0x3460];
	[tilespmem:s11+$0xB870] =	vst v15;
	v13 =	vadd.f32 v22, v13  }
0x220: {  	[tilespmem:s11+$0xB400] =	vst v14;
	v14 =	vld [tilespmem:s11+$0x3470];
	v12 =	vadd.f32 v16, v12  }
0x221: {  	[tilespmem:s11+$0xB410] =	vst v13;
	v13 =	vld [tilespmem:s11+$0x3800];
	v11 =	vadd.f32 v17, v11  }
0x222: {  	[tilespmem:s11+$0xB420] =	vst v12;
	v12 =	vld [tilespmem:s11+$0x3810];
	v10 =	vadd.f32 v18, v10  }
0x223: {  	[tilespmem:s11+$0xB430] =	vst v11;
	v11 =	vld [tilespmem:s11+$0x3820];
	v9 =	vadd.f32 v19, v9  }
0x224: {  	[tilespmem:s11+$0xB440] =	vst v10;
	v10 =	vld [tilespmem:s11+$0x3830];
	v8 =	vadd.f32 v20, v8  }
0x225: {  	[tilespmem:s11+$0xB450] =	vst v9;
	v9 =	vld [tilespmem:s11+$0x3840];
	v7 =	vadd.f32 v14, v7  }
0x226: {  	[tilespmem:s11+$0xB460] =	vst v8;
	v8 =	vld [tilespmem:s11+$0x3850];
	v6 =	vadd.f32 v13, v6  }
0x227: {  	[tilespmem:s11+$0xB470] =	vst v7;
	v5 =	vadd.f32 v12, v5;
	v7 =	vld [tilespmem:s11+$0x3860]  }
0x228: {  	[tilespmem:s11+$0xB800] =	vst v6;
	v4 =	vadd.f32 v11, v4  }
0x229: {  	[tilespmem:s11+$0xB810] =	vst v5;
	v3 =	vadd.f32 v10, v3  }
0x22a: {  	[tilespmem:s11+$0xB820] =	vst v4;
	v2 =	vadd.f32 v9, v2  }
0x22b: {  	[tilespmem:s11+$0xB830] =	vst v3;
	v1 =	vadd.f32 v8, v1  }
0x22c: {  	[tilespmem:s11+$0xB840] =	vst v2;
	v0 =	vadd.f32 v7, v0  }
0x22d: {  	[tilespmem:s11+$0xB850] =	vst v1  }
0x22e: {  	[tilespmem:s11+$0xB860] =	vst v0  }
0x22f: {  	v14 =	vld [tilespmem:$0x10300]  }
0x230: {  	v13 =	vld [tilespmem:$0x10310]  }
0x231: {  	v12 =	vld [tilespmem:$0x10320]  }
0x232: {  	v11 =	vld [tilespmem:$0x10330]  }
0x233: {  	v10 =	vld [tilespmem:$0x10340]  }
0x234: {  	v9 =	vld [tilespmem:$0x10350]  }
0x235: {  	v8 =	vld [tilespmem:$0x10360]  }
0x236: {  	v7 =	vld [tilespmem:$0x10370]  }
0x237: {  	v6 =	vld [tilespmem:$0x10380]  }
0x238: {  	v5 =	vld [tilespmem:$0x10390]  }
0x239: {  	v4 =	vld [tilespmem:$0x103A0]  }
0x23a: {  	v3 =	vld [tilespmem:$0x103B0]  }
0x23b: {  	v2 =	vld [tilespmem:$0x103C0]  }
0x23c: {  	v1 =	vld [tilespmem:$0x103D0]  }
0x23d: {  	v0 =	vld [tilespmem:$0x103E0]  }
0x23e: {  	s10 =	simm.s32 $0x0;
	v15 =	vld [tilespmem:$0x103F0]  }
0x23f: {  	v16 =	vld [tilespmem:s10+$0x3C70]  }
0x240: {  	v17 =	vld [tilespmem:s10+$0x3800]  }
0x241: {  	v18 =	vld [tilespmem:s10+$0x3810]  }
0x242: {  	v19 =	vld [tilespmem:s10+$0x3820]  }
0x243: {  	v22 =	vld [tilespmem:s10+$0x3850]  }
0x244: {  	v20 =	vld [tilespmem:s10+$0x3830];
	v16 =	vadd.f32 v16, v15  }
0x245: {  	v21 =	vld [tilespmem:s10+$0x3840];
	v17 =	vadd.f32 v17, v14  }
0x246: {  	v23 =	vld [tilespmem:s10+$0x3860];
	[tilespmem:s10+$0xBC70] =	vst v16;
	v16 =	vadd.f32 v18, v13  }
0x247: {  	v24 =	vld [tilespmem:s10+$0x3870];
	[tilespmem:s10+$0xB800] =	vst v17;
	v17 =	vadd.f32 v19, v12  }
0x248: {  	v18 =	vadd.f32 v22, v9;
	[tilespmem:s10+$0xB810] =	vst v16  }
0x249: {  	v25 =	vld [tilespmem:s10+$0x3C00];
	v16 =	vadd.f32 v20, v11;
	[tilespmem:s10+$0xB820] =	vst v17  }
0x24a: {  	v20 =	vld [tilespmem:s10+$0x3C10];
	v17 =	vadd.f32 v21, v10;
	[tilespmem:s10+$0xB850] =	vst v18  }
0x24b: {  	v19 =	vadd.f32 v23, v8;
	[tilespmem:s10+$0xB830] =	vst v16;
	v16 =	vld [tilespmem:s10+$0x3C20]  }
0x24c: {  	v21 =	vadd.f32 v24, v7;
	[tilespmem:s10+$0xB840] =	vst v17;
	v17 =	vld [tilespmem:s10+$0x3C30]  }
0x24d: {  	v18 =	vld [tilespmem:s10+$0x3C40];
	[tilespmem:s10+$0xB860] =	vst v19  }
0x24e: {  	v19 =	vld [tilespmem:s10+$0x3C50];
	[tilespmem:s10+$0xB870] =	vst v21;
	v21 =	vadd.f32 v25, v6  }
0x24f: {  	s12 =	simm.s32 $0x400;
	s11 =	simm.s32 $0x80;
	v22 =	vadd.f32 v20, v5;
	v20 =	vld [tilespmem:s10+$0x3C60]  }
.LBB2_17:
0x250: {  	p0 =	sne.s32 s12, $0xE00;
	v23 =	vld [tilespmem:s11+$0x3C70];
	[tilespmem:s10+$0xBC00] =	vst v21;
	v16 =	vadd.f32 v16, v4  }
0x251: {  	v21 =	vld [tilespmem:s11+$0x3800];
	[tilespmem:s10+$0xBC10] =	vst v22;
	v17 =	vadd.f32 v17, v3  }
0x252: {  	v22 =	vld [tilespmem:s11+$0x3810];
	[tilespmem:s10+$0xBC20] =	vst v16;
	v16 =	vadd.f32 v18, v2  }
0x253: {  	v18 =	vld [tilespmem:s11+$0x3820];
	[tilespmem:s10+$0xBC30] =	vst v17;
	v17 =	vadd.f32 v19, v1  }
0x254: {  	v19 =	vld [tilespmem:s11+$0x3830];
	[tilespmem:s10+$0xBC40] =	vst v16;
	v16 =	vadd.f32 v20, v0  }
0x255: {  	v20 =	vld [tilespmem:s11+$0x3840];
	v23 =	vadd.f32 v23, v15;
	[tilespmem:s10+$0xBC50] =	vst v17  }
0x256: {  	v17 =	vadd.f32 v21, v14;
	v21 =	vld [tilespmem:s11+$0x3850];
	[tilespmem:s10+$0xBC60] =	vst v16;
	s10 =	smov.u32 s11  }
0x257: {  	v16 =	vadd.f32 v22, v13;
	v22 =	vld [tilespmem:s10+$0x3860];
	[tilespmem:s10+$0xBC70] =	vst v23  }
0x258: {  	[tilespmem:s10+$0xB800] =	vst v17;
	v17 =	vadd.f32 v18, v12;
	v18 =	vld [tilespmem:s10+$0x3870]  }
0x259: {  	[tilespmem:s10+$0xB810] =	vst v16;
	v16 =	vadd.f32 v19, v11;
	v19 =	vld [tilespmem:s10+$0x3C00]  }
0x25a: {  	[tilespmem:s10+$0xB820] =	vst v17;
	v17 =	vadd.f32 v20, v10;
	v20 =	vld [tilespmem:s10+$0x3C10]  }
.Ltmp7:
0x25b: {  	[tilespmem:s10+$0xB830] =	vst v16;
	v21 =	vadd.f32 v21, v9;
	v16 =	vld [tilespmem:s10+$0x3C20];
	(pc) =	sbr.rel @p0 .LBB2_17-.Ltmp7, $4  }
0x25c: {  	[tilespmem:s10+$0xB840] =	vst v17;
	v22 =	vadd.f32 v22, v8;
	v17 =	vld [tilespmem:s10+$0x3C30]  }
0x25d: {  	[tilespmem:s10+$0xB850] =	vst v21;
	v23 =	vadd.f32 v18, v7;
	v18 =	vld [tilespmem:s10+$0x3C40]  }
0x25e: {  	[tilespmem:s10+$0xB860] =	vst v22;
	v21 =	vadd.f32 v19, v6;
	v19 =	vld [tilespmem:s10+$0x3C50]  }
0x25f: {  	s11 =	sshra.s32 s12, $0x2;
	s12 =	sadd.s32 $0x200, s12;
	[tilespmem:s10+$0xB870] =	vst v23;
	v22 =	vadd.f32 v20, v5;
	v20 =	vld [tilespmem:s10+$0x3C60]  }
0x260: {  	v23 =	vld [tilespmem:s11+$0x3C70];
	[tilespmem:s10+$0xBC00] =	vst v21;
	v16 =	vadd.f32 v16, v4  }
0x261: {  	v21 =	vld [tilespmem:s11+$0x3800];
	[tilespmem:s10+$0xBC10] =	vst v22;
	v17 =	vadd.f32 v17, v3  }
0x262: {  	v22 =	vld [tilespmem:s11+$0x3810];
	[tilespmem:s10+$0xBC20] =	vst v16;
	v18 =	vadd.f32 v18, v2  }
0x263: {  	v16 =	vld [tilespmem:s11+$0x3820];
	[tilespmem:s10+$0xBC30] =	vst v17;
	v19 =	vadd.f32 v19, v1  }
0x264: {  	v17 =	vld [tilespmem:s11+$0x3830];
	[tilespmem:s10+$0xBC40] =	vst v18;
	v20 =	vadd.f32 v20, v0  }
0x265: {  	v18 =	vld [tilespmem:s11+$0x3840];
	[tilespmem:s10+$0xBC50] =	vst v19;
	v15 =	vadd.f32 v23, v15  }
0x266: {  	v19 =	vld [tilespmem:s11+$0x3850];
	[tilespmem:s10+$0xBC60] =	vst v20;
	v14 =	vadd.f32 v21, v14  }
0x267: {  	v20 =	vld [tilespmem:s11+$0x3860];
	[tilespmem:s11+$0xBC70] =	vst v15;
	v13 =	vadd.f32 v22, v13  }
0x268: {  	[tilespmem:s11+$0xB800] =	vst v14;
	v14 =	vld [tilespmem:s11+$0x3870];
	v12 =	vadd.f32 v16, v12  }
0x269: {  	[tilespmem:s11+$0xB810] =	vst v13;
	v13 =	vld [tilespmem:s11+$0x3C00];
	v11 =	vadd.f32 v17, v11  }
0x26a: {  	[tilespmem:s11+$0xB820] =	vst v12;
	v12 =	vld [tilespmem:s11+$0x3C10];
	v10 =	vadd.f32 v18, v10  }
0x26b: {  	[tilespmem:s11+$0xB830] =	vst v11;
	v11 =	vld [tilespmem:s11+$0x3C20];
	v9 =	vadd.f32 v19, v9  }
0x26c: {  	[tilespmem:s11+$0xB840] =	vst v10;
	v10 =	vld [tilespmem:s11+$0x3C30];
	v8 =	vadd.f32 v20, v8  }
0x26d: {  	[tilespmem:s11+$0xB850] =	vst v9;
	v9 =	vld [tilespmem:s11+$0x3C40];
	v7 =	vadd.f32 v14, v7  }
0x26e: {  	[tilespmem:s11+$0xB860] =	vst v8;
	v8 =	vld [tilespmem:s11+$0x3C50];
	v6 =	vadd.f32 v13, v6  }
0x26f: {  	[tilespmem:s11+$0xB870] =	vst v7;
	v5 =	vadd.f32 v12, v5;
	v7 =	vld [tilespmem:s11+$0x3C60]  }
0x270: {  	[tilespmem:s11+$0xBC00] =	vst v6;
	v4 =	vadd.f32 v11, v4  }
0x271: {  	s13 =	sadd.s32 $0x5, s9;
	[tilespmem:s11+$0xBC10] =	vst v5;
	v3 =	vadd.f32 v10, v3  }
0x272: {  	s10 =	sand.u32 $0x7D, s13;
	[tilespmem:s11+$0xBC20] =	vst v4;
	v2 =	vadd.f32 v9, v2  }
0x273: {  	s10 =	sor.u32 s15, s10;
	[tilespmem:s11+$0xBC30] =	vst v3;
	v1 =	vadd.f32 v8, v1  }
0x274: {  	s12 =	sshll.u32 s7, $0x5;
	s10 =	sshll.u32 s10, $0xA;
	[tilespmem:s11+$0xBC40] =	vst v2;
	v0 =	vadd.f32 v7, v0  }
0x275: {  	s12 =	sadd.s32 s12, s6;
	s10 =	sand.u32 $0x3FF400, s10;
	[tilespmem:s11+$0xBC50] =	vst v1  }
0x276: {  	s12 =	sshll.u32 s12, $0x7;
	s13 =	simm.s32 $0x0;
	s10 =	sadd.s32 s1, s10;
	[tilespmem:s11+$0xBC60] =	vst v0  }
0x277: {  	[tilespmem:s22], [sflag:$0x2] =	stream.linear.gather [hbm4b:s10+s13], $0x2000, $0x38;
	[tilespmem:$0x10400] =	vst v63  }
0x278: {  	s10 =	sadd.s32 s4, s12  }
0x279: {  	s11 =	sadd.s32 $0x400, s10  }
0x27a: {  	[hbm4b:s11+s13] =	stream.linear.scatter [tilespmem:s23], [sflag:$0x6], $0x2000, $0x38;
	[tilespmem:$0x10400] =	vst v63  }
0x27b: {  	_ =	swait.ge [sflag:s3], $0x2000  }
0x27c: {  	[sflag:s3] =	ssyncset.done $0x0  }
0x27d: {  	[sflag:s3] =	ssyncadd.s32 $0xFFFFE000  }
0x27e: {  	_ =	swait.ge [sflag:s2], $0x2000  }
0x27f: {  	[sflag:s2] =	ssyncset.done $0x0  }
0x280: {  	[sflag:s2] =	ssyncadd.s32 $0xFFFFE000  }
0x281: {  	v14 =	vld [tilespmem:$0x10000]  }
0x282: {  	v13 =	vld [tilespmem:$0x10010]  }
0x283: {  	v12 =	vld [tilespmem:$0x10020]  }
0x284: {  	v11 =	vld [tilespmem:$0x10030]  }
0x285: {  	v10 =	vld [tilespmem:$0x10040]  }
0x286: {  	v9 =	vld [tilespmem:$0x10050]  }
0x287: {  	v8 =	vld [tilespmem:$0x10060]  }
0x288: {  	v7 =	vld [tilespmem:$0x10070]  }
0x289: {  	v6 =	vld [tilespmem:$0x10080]  }
0x28a: {  	v5 =	vld [tilespmem:$0x10090]  }
0x28b: {  	v4 =	vld [tilespmem:$0x100A0]  }
0x28c: {  	v3 =	vld [tilespmem:$0x100B0]  }
0x28d: {  	v2 =	vld [tilespmem:$0x100C0]  }
0x28e: {  	v1 =	vld [tilespmem:$0x100D0]  }
0x28f: {  	v0 =	vld [tilespmem:$0x100E0]  }
0x290: {  	s11 =	simm.s32 $0x0;
	v15 =	vld [tilespmem:$0x100F0]  }
0x291: {  	v16 =	vld [tilespmem:s11+$0x4470]  }
0x292: {  	v17 =	vld [tilespmem:s11+$0x4000]  }
0x293: {  	v18 =	vld [tilespmem:s11+$0x4010]  }
0x294: {  	v19 =	vld [tilespmem:s11+$0x4020]  }
0x295: {  	v22 =	vld [tilespmem:s11+$0x4050]  }
0x296: {  	v20 =	vld [tilespmem:s11+$0x4030];
	v16 =	vadd.f32 v16, v15  }
0x297: {  	v21 =	vld [tilespmem:s11+$0x4040];
	v17 =	vadd.f32 v17, v14  }
0x298: {  	v23 =	vld [tilespmem:s11+$0x4060];
	[tilespmem:s11+$0xC470] =	vst v16;
	v16 =	vadd.f32 v18, v13  }
0x299: {  	v24 =	vld [tilespmem:s11+$0x4070];
	[tilespmem:s11+$0xC000] =	vst v17;
	v17 =	vadd.f32 v19, v12  }
0x29a: {  	v18 =	vadd.f32 v22, v9;
	[tilespmem:s11+$0xC010] =	vst v16  }
0x29b: {  	v25 =	vld [tilespmem:s11+$0x4400];
	v16 =	vadd.f32 v20, v11;
	[tilespmem:s11+$0xC020] =	vst v17  }
0x29c: {  	v20 =	vld [tilespmem:s11+$0x4410];
	v17 =	vadd.f32 v21, v10;
	[tilespmem:s11+$0xC050] =	vst v18  }
0x29d: {  	v19 =	vadd.f32 v23, v8;
	[tilespmem:s11+$0xC030] =	vst v16;
	v16 =	vld [tilespmem:s11+$0x4420]  }
0x29e: {  	v21 =	vadd.f32 v24, v7;
	[tilespmem:s11+$0xC040] =	vst v17;
	v17 =	vld [tilespmem:s11+$0x4430]  }
0x29f: {  	v18 =	vld [tilespmem:s11+$0x4440];
	[tilespmem:s11+$0xC060] =	vst v19  }
0x2a0: {  	v19 =	vld [tilespmem:s11+$0x4450];
	[tilespmem:s11+$0xC070] =	vst v21;
	v21 =	vadd.f32 v25, v6  }
0x2a1: {  	s12 =	simm.s32 $0x80;
	s13 =	simm.s32 $0x400;
	v22 =	vadd.f32 v20, v5;
	v20 =	vld [tilespmem:s11+$0x4460]  }
.LBB2_19:
0x2a2: {  	p0 =	sne.s32 s13, $0xE00;
	v23 =	vld [tilespmem:s12+$0x4470];
	[tilespmem:s11+$0xC400] =	vst v21;
	v16 =	vadd.f32 v16, v4  }
0x2a3: {  	v21 =	vld [tilespmem:s12+$0x4000];
	[tilespmem:s11+$0xC410] =	vst v22;
	v17 =	vadd.f32 v17, v3  }
0x2a4: {  	v22 =	vld [tilespmem:s12+$0x4010];
	[tilespmem:s11+$0xC420] =	vst v16;
	v16 =	vadd.f32 v18, v2  }
0x2a5: {  	v18 =	vld [tilespmem:s12+$0x4020];
	[tilespmem:s11+$0xC430] =	vst v17;
	v17 =	vadd.f32 v19, v1  }
0x2a6: {  	v19 =	vld [tilespmem:s12+$0x4030];
	[tilespmem:s11+$0xC440] =	vst v16;
	v16 =	vadd.f32 v20, v0  }
0x2a7: {  	v20 =	vld [tilespmem:s12+$0x4040];
	v23 =	vadd.f32 v23, v15;
	[tilespmem:s11+$0xC450] =	vst v17  }
0x2a8: {  	v17 =	vadd.f32 v21, v14;
	v21 =	vld [tilespmem:s12+$0x4050];
	[tilespmem:s11+$0xC460] =	vst v16;
	s11 =	smov.u32 s12  }
0x2a9: {  	v16 =	vadd.f32 v22, v13;
	v22 =	vld [tilespmem:s11+$0x4060];
	[tilespmem:s11+$0xC470] =	vst v23  }
0x2aa: {  	[tilespmem:s11+$0xC000] =	vst v17;
	v17 =	vadd.f32 v18, v12;
	v18 =	vld [tilespmem:s11+$0x4070]  }
0x2ab: {  	[tilespmem:s11+$0xC010] =	vst v16;
	v16 =	vadd.f32 v19, v11;
	v19 =	vld [tilespmem:s11+$0x4400]  }
0x2ac: {  	[tilespmem:s11+$0xC020] =	vst v17;
	v17 =	vadd.f32 v20, v10;
	v20 =	vld [tilespmem:s11+$0x4410]  }
.Ltmp8:
0x2ad: {  	[tilespmem:s11+$0xC030] =	vst v16;
	v21 =	vadd.f32 v21, v9;
	v16 =	vld [tilespmem:s11+$0x4420];
	(pc) =	sbr.rel @p0 .LBB2_19-.Ltmp8, $4  }
0x2ae: {  	[tilespmem:s11+$0xC040] =	vst v17;
	v22 =	vadd.f32 v22, v8;
	v17 =	vld [tilespmem:s11+$0x4430]  }
0x2af: {  	[tilespmem:s11+$0xC050] =	vst v21;
	v23 =	vadd.f32 v18, v7;
	v18 =	vld [tilespmem:s11+$0x4440]  }
0x2b0: {  	[tilespmem:s11+$0xC060] =	vst v22;
	v21 =	vadd.f32 v19, v6;
	v19 =	vld [tilespmem:s11+$0x4450]  }
0x2b1: {  	s12 =	sshra.s32 s13, $0x2;
	s13 =	sadd.s32 $0x200, s13;
	[tilespmem:s11+$0xC070] =	vst v23;
	v22 =	vadd.f32 v20, v5;
	v20 =	vld [tilespmem:s11+$0x4460]  }
0x2b2: {  	v23 =	vld [tilespmem:s12+$0x4470];
	[tilespmem:s11+$0xC400] =	vst v21;
	v16 =	vadd.f32 v16, v4  }
0x2b3: {  	v21 =	vld [tilespmem:s12+$0x4000];
	[tilespmem:s11+$0xC410] =	vst v22;
	v17 =	vadd.f32 v17, v3  }
0x2b4: {  	v22 =	vld [tilespmem:s12+$0x4010];
	[tilespmem:s11+$0xC420] =	vst v16;
	v18 =	vadd.f32 v18, v2  }
0x2b5: {  	v16 =	vld [tilespmem:s12+$0x4020];
	[tilespmem:s11+$0xC430] =	vst v17;
	v19 =	vadd.f32 v19, v1  }
0x2b6: {  	v17 =	vld [tilespmem:s12+$0x4030];
	[tilespmem:s11+$0xC440] =	vst v18;
	v20 =	vadd.f32 v20, v0  }
0x2b7: {  	v18 =	vld [tilespmem:s12+$0x4040];
	[tilespmem:s11+$0xC450] =	vst v19;
	v15 =	vadd.f32 v23, v15  }
0x2b8: {  	v19 =	vld [tilespmem:s12+$0x4050];
	[tilespmem:s11+$0xC460] =	vst v20;
	v14 =	vadd.f32 v21, v14  }
0x2b9: {  	v20 =	vld [tilespmem:s12+$0x4060];
	[tilespmem:s12+$0xC470] =	vst v15;
	v13 =	vadd.f32 v22, v13  }
0x2ba: {  	[tilespmem:s12+$0xC000] =	vst v14;
	v14 =	vld [tilespmem:s12+$0x4070];
	v12 =	vadd.f32 v16, v12  }
0x2bb: {  	[tilespmem:s12+$0xC010] =	vst v13;
	v13 =	vld [tilespmem:s12+$0x4400];
	v11 =	vadd.f32 v17, v11  }
0x2bc: {  	[tilespmem:s12+$0xC020] =	vst v12;
	v12 =	vld [tilespmem:s12+$0x4410];
	v10 =	vadd.f32 v18, v10  }
0x2bd: {  	[tilespmem:s12+$0xC030] =	vst v11;
	v11 =	vld [tilespmem:s12+$0x4420];
	v9 =	vadd.f32 v19, v9  }
0x2be: {  	[tilespmem:s12+$0xC040] =	vst v10;
	v10 =	vld [tilespmem:s12+$0x4430];
	v8 =	vadd.f32 v20, v8  }
0x2bf: {  	[tilespmem:s12+$0xC050] =	vst v9;
	v9 =	vld [tilespmem:s12+$0x4440];
	v7 =	vadd.f32 v14, v7  }
0x2c0: {  	[tilespmem:s12+$0xC060] =	vst v8;
	v8 =	vld [tilespmem:s12+$0x4450];
	v6 =	vadd.f32 v13, v6  }
0x2c1: {  	[tilespmem:s12+$0xC070] =	vst v7;
	v5 =	vadd.f32 v12, v5;
	v7 =	vld [tilespmem:s12+$0x4460]  }
0x2c2: {  	[tilespmem:s12+$0xC400] =	vst v6;
	v4 =	vadd.f32 v11, v4  }
0x2c3: {  	[tilespmem:s12+$0xC410] =	vst v5;
	v3 =	vadd.f32 v10, v3  }
0x2c4: {  	[tilespmem:s12+$0xC420] =	vst v4;
	v2 =	vadd.f32 v9, v2  }
0x2c5: {  	[tilespmem:s12+$0xC430] =	vst v3;
	v1 =	vadd.f32 v8, v1  }
0x2c6: {  	[tilespmem:s12+$0xC440] =	vst v2;
	v0 =	vadd.f32 v7, v0  }
0x2c7: {  	[tilespmem:s12+$0xC450] =	vst v1  }
0x2c8: {  	[tilespmem:s12+$0xC460] =	vst v0  }
0x2c9: {  	v14 =	vld [tilespmem:$0x10100]  }
0x2ca: {  	v13 =	vld [tilespmem:$0x10110]  }
0x2cb: {  	v12 =	vld [tilespmem:$0x10120]  }
0x2cc: {  	v11 =	vld [tilespmem:$0x10130]  }
0x2cd: {  	v10 =	vld [tilespmem:$0x10140]  }
0x2ce: {  	v9 =	vld [tilespmem:$0x10150]  }
0x2cf: {  	v8 =	vld [tilespmem:$0x10160]  }
0x2d0: {  	v7 =	vld [tilespmem:$0x10170]  }
0x2d1: {  	v6 =	vld [tilespmem:$0x10180]  }
0x2d2: {  	v5 =	vld [tilespmem:$0x10190]  }
0x2d3: {  	v4 =	vld [tilespmem:$0x101A0]  }
0x2d4: {  	v3 =	vld [tilespmem:$0x101B0]  }
0x2d5: {  	v2 =	vld [tilespmem:$0x101C0]  }
0x2d6: {  	v1 =	vld [tilespmem:$0x101D0]  }
0x2d7: {  	v0 =	vld [tilespmem:$0x101E0]  }
0x2d8: {  	s11 =	simm.s32 $0xFFFFFC00;
	v15 =	vld [tilespmem:$0x101F0]  }
0x2d9: {  	v16 =	vld [tilespmem:s11+$0x5070]  }
0x2da: {  	v17 =	vld [tilespmem:s11+$0x4C00]  }
0x2db: {  	v18 =	vld [tilespmem:s11+$0x4C10]  }
0x2dc: {  	v19 =	vld [tilespmem:s11+$0x4C20]  }
0x2dd: {  	v22 =	vld [tilespmem:s11+$0x4C50]  }
0x2de: {  	v20 =	vld [tilespmem:s11+$0x4C30];
	v16 =	vadd.f32 v16, v15  }
0x2df: {  	v21 =	vld [tilespmem:s11+$0x4C40];
	v17 =	vadd.f32 v17, v14  }
0x2e0: {  	v23 =	vld [tilespmem:s11+$0x4C60];
	[tilespmem:s11+$0xD070] =	vst v16;
	v16 =	vadd.f32 v18, v13  }
0x2e1: {  	v24 =	vld [tilespmem:s11+$0x4C70];
	[tilespmem:s11+$0xCC00] =	vst v17;
	v17 =	vadd.f32 v19, v12  }
0x2e2: {  	v18 =	vadd.f32 v22, v9;
	[tilespmem:s11+$0xCC10] =	vst v16  }
0x2e3: {  	v25 =	vld [tilespmem:s11+$0x5000];
	v16 =	vadd.f32 v20, v11;
	[tilespmem:s11+$0xCC20] =	vst v17  }
0x2e4: {  	v20 =	vld [tilespmem:s11+$0x5010];
	v17 =	vadd.f32 v21, v10;
	[tilespmem:s11+$0xCC50] =	vst v18  }
0x2e5: {  	v19 =	vadd.f32 v23, v8;
	[tilespmem:s11+$0xCC30] =	vst v16;
	v16 =	vld [tilespmem:s11+$0x5020]  }
0x2e6: {  	v21 =	vadd.f32 v24, v7;
	[tilespmem:s11+$0xCC40] =	vst v17;
	v17 =	vld [tilespmem:s11+$0x5030]  }
0x2e7: {  	v18 =	vld [tilespmem:s11+$0x5040];
	[tilespmem:s11+$0xCC60] =	vst v19  }
0x2e8: {  	v19 =	vld [tilespmem:s11+$0x5050];
	[tilespmem:s11+$0xCC70] =	vst v21;
	v21 =	vadd.f32 v25, v6  }
0x2e9: {  	s13 =	simm.s32 $0xFFFFF400;
	s12 =	simm.s32 $0xFFFFFC80;
	v22 =	vadd.f32 v20, v5;
	v20 =	vld [tilespmem:s11+$0x5060]  }
.LBB2_21:
0x2ea: {  	p0 =	sne.s32 s13, $0xFFFFFE00;
	v23 =	vld [tilespmem:s12+$0x5070];
	[tilespmem:s11+$0xD000] =	vst v21;
	v16 =	vadd.f32 v16, v4  }
0x2eb: {  	v21 =	vld [tilespmem:s12+$0x4C00];
	[tilespmem:s11+$0xD010] =	vst v22;
	v17 =	vadd.f32 v17, v3  }
0x2ec: {  	v22 =	vld [tilespmem:s12+$0x4C10];
	[tilespmem:s11+$0xD020] =	vst v16;
	v16 =	vadd.f32 v18, v2  }
0x2ed: {  	v18 =	vld [tilespmem:s12+$0x4C20];
	[tilespmem:s11+$0xD030] =	vst v17;
	v17 =	vadd.f32 v19, v1  }
0x2ee: {  	v19 =	vld [tilespmem:s12+$0x4C30];
	[tilespmem:s11+$0xD040] =	vst v16;
	v16 =	vadd.f32 v20, v0  }
0x2ef: {  	v20 =	vld [tilespmem:s12+$0x4C40];
	v23 =	vadd.f32 v23, v15;
	[tilespmem:s11+$0xD050] =	vst v17  }
0x2f0: {  	v17 =	vadd.f32 v21, v14;
	v21 =	vld [tilespmem:s12+$0x4C50];
	[tilespmem:s11+$0xD060] =	vst v16;
	s11 =	smov.u32 s12  }
0x2f1: {  	v16 =	vadd.f32 v22, v13;
	v22 =	vld [tilespmem:s11+$0x4C60];
	[tilespmem:s11+$0xD070] =	vst v23  }
0x2f2: {  	[tilespmem:s11+$0xCC00] =	vst v17;
	v17 =	vadd.f32 v18, v12;
	v18 =	vld [tilespmem:s11+$0x4C70]  }
0x2f3: {  	[tilespmem:s11+$0xCC10] =	vst v16;
	v16 =	vadd.f32 v19, v11;
	v19 =	vld [tilespmem:s11+$0x5000]  }
0x2f4: {  	[tilespmem:s11+$0xCC20] =	vst v17;
	v17 =	vadd.f32 v20, v10;
	v20 =	vld [tilespmem:s11+$0x5010]  }
.Ltmp9:
0x2f5: {  	[tilespmem:s11+$0xCC30] =	vst v16;
	v21 =	vadd.f32 v21, v9;
	v16 =	vld [tilespmem:s11+$0x5020];
	(pc) =	sbr.rel @p0 .LBB2_21-.Ltmp9, $4  }
0x2f6: {  	[tilespmem:s11+$0xCC40] =	vst v17;
	v22 =	vadd.f32 v22, v8;
	v17 =	vld [tilespmem:s11+$0x5030]  }
0x2f7: {  	[tilespmem:s11+$0xCC50] =	vst v21;
	v23 =	vadd.f32 v18, v7;
	v18 =	vld [tilespmem:s11+$0x5040]  }
0x2f8: {  	[tilespmem:s11+$0xCC60] =	vst v22;
	v21 =	vadd.f32 v19, v6;
	v19 =	vld [tilespmem:s11+$0x5050]  }
0x2f9: {  	s12 =	sshra.s32 s13, $0x2;
	s13 =	sadd.s32 $0x200, s13;
	[tilespmem:s11+$0xCC70] =	vst v23;
	v22 =	vadd.f32 v20, v5;
	v20 =	vld [tilespmem:s11+$0x5060]  }
0x2fa: {  	v23 =	vld [tilespmem:s12+$0x5070];
	[tilespmem:s11+$0xD000] =	vst v21;
	v16 =	vadd.f32 v16, v4  }
0x2fb: {  	v21 =	vld [tilespmem:s12+$0x4C00];
	[tilespmem:s11+$0xD010] =	vst v22;
	v17 =	vadd.f32 v17, v3  }
0x2fc: {  	v22 =	vld [tilespmem:s12+$0x4C10];
	[tilespmem:s11+$0xD020] =	vst v16;
	v18 =	vadd.f32 v18, v2  }
0x2fd: {  	v16 =	vld [tilespmem:s12+$0x4C20];
	[tilespmem:s11+$0xD030] =	vst v17;
	v19 =	vadd.f32 v19, v1  }
0x2fe: {  	v17 =	vld [tilespmem:s12+$0x4C30];
	[tilespmem:s11+$0xD040] =	vst v18;
	v20 =	vadd.f32 v20, v0  }
0x2ff: {  	v18 =	vld [tilespmem:s12+$0x4C40];
	[tilespmem:s11+$0xD050] =	vst v19;
	v15 =	vadd.f32 v23, v15  }
0x300: {  	v19 =	vld [tilespmem:s12+$0x4C50];
	[tilespmem:s11+$0xD060] =	vst v20;
	v14 =	vadd.f32 v21, v14  }
0x301: {  	v20 =	vld [tilespmem:s12+$0x4C60];
	[tilespmem:s12+$0xD070] =	vst v15;
	v13 =	vadd.f32 v22, v13  }
0x302: {  	[tilespmem:s12+$0xCC00] =	vst v14;
	v14 =	vld [tilespmem:s12+$0x4C70];
	v12 =	vadd.f32 v16, v12  }
0x303: {  	[tilespmem:s12+$0xCC10] =	vst v13;
	v13 =	vld [tilespmem:s12+$0x5000];
	v11 =	vadd.f32 v17, v11  }
0x304: {  	[tilespmem:s12+$0xCC20] =	vst v12;
	v12 =	vld [tilespmem:s12+$0x5010];
	v10 =	vadd.f32 v18, v10  }
0x305: {  	[tilespmem:s12+$0xCC30] =	vst v11;
	v11 =	vld [tilespmem:s12+$0x5020];
	v9 =	vadd.f32 v19, v9  }
0x306: {  	[tilespmem:s12+$0xCC40] =	vst v10;
	v10 =	vld [tilespmem:s12+$0x5030];
	v8 =	vadd.f32 v20, v8  }
0x307: {  	[tilespmem:s12+$0xCC50] =	vst v9;
	v9 =	vld [tilespmem:s12+$0x5040];
	v7 =	vadd.f32 v14, v7  }
0x308: {  	[tilespmem:s12+$0xCC60] =	vst v8;
	v8 =	vld [tilespmem:s12+$0x5050];
	v6 =	vadd.f32 v13, v6  }
0x309: {  	[tilespmem:s12+$0xCC70] =	vst v7;
	v5 =	vadd.f32 v12, v5;
	v7 =	vld [tilespmem:s12+$0x5060]  }
0x30a: {  	[tilespmem:s12+$0xD000] =	vst v6;
	v4 =	vadd.f32 v11, v4  }
0x30b: {  	[tilespmem:s12+$0xD010] =	vst v5;
	v3 =	vadd.f32 v10, v3  }
0x30c: {  	[tilespmem:s12+$0xD020] =	vst v4;
	v2 =	vadd.f32 v9, v2  }
0x30d: {  	[tilespmem:s12+$0xD030] =	vst v3;
	v1 =	vadd.f32 v8, v1  }
0x30e: {  	[tilespmem:s12+$0xD040] =	vst v2;
	v0 =	vadd.f32 v7, v0  }
0x30f: {  	[tilespmem:s12+$0xD050] =	vst v1  }
0x310: {  	[tilespmem:s12+$0xD060] =	vst v0  }
0x311: {  	v14 =	vld [tilespmem:$0x10200]  }
0x312: {  	v13 =	vld [tilespmem:$0x10210]  }
0x313: {  	v12 =	vld [tilespmem:$0x10220]  }
0x314: {  	v11 =	vld [tilespmem:$0x10230]  }
0x315: {  	v10 =	vld [tilespmem:$0x10240]  }
0x316: {  	v9 =	vld [tilespmem:$0x10250]  }
0x317: {  	v8 =	vld [tilespmem:$0x10260]  }
0x318: {  	v7 =	vld [tilespmem:$0x10270]  }
0x319: {  	v6 =	vld [tilespmem:$0x10280]  }
0x31a: {  	v5 =	vld [tilespmem:$0x10290]  }
0x31b: {  	v4 =	vld [tilespmem:$0x102A0]  }
0x31c: {  	v3 =	vld [tilespmem:$0x102B0]  }
0x31d: {  	v2 =	vld [tilespmem:$0x102C0]  }
0x31e: {  	v1 =	vld [tilespmem:$0x102D0]  }
0x31f: {  	v0 =	vld [tilespmem:$0x102E0]  }
0x320: {  	s11 =	simm.s32 $0xFFFFFC00;
	v15 =	vld [tilespmem:$0x102F0]  }
0x321: {  	v16 =	vld [tilespmem:s11+$0x5870]  }
0x322: {  	v17 =	vld [tilespmem:s11+$0x5400]  }
0x323: {  	v18 =	vld [tilespmem:s11+$0x5410]  }
0x324: {  	v19 =	vld [tilespmem:s11+$0x5420]  }
0x325: {  	v22 =	vld [tilespmem:s11+$0x5450]  }
0x326: {  	v20 =	vld [tilespmem:s11+$0x5430];
	v16 =	vadd.f32 v16, v15  }
0x327: {  	v21 =	vld [tilespmem:s11+$0x5440];
	v17 =	vadd.f32 v17, v14  }
0x328: {  	v23 =	vld [tilespmem:s11+$0x5460];
	[tilespmem:s11+$0xD870] =	vst v16;
	v16 =	vadd.f32 v18, v13  }
0x329: {  	v24 =	vld [tilespmem:s11+$0x5470];
	[tilespmem:s11+$0xD400] =	vst v17;
	v17 =	vadd.f32 v19, v12  }
0x32a: {  	v18 =	vadd.f32 v22, v9;
	[tilespmem:s11+$0xD410] =	vst v16  }
0x32b: {  	v25 =	vld [tilespmem:s11+$0x5800];
	v16 =	vadd.f32 v20, v11;
	[tilespmem:s11+$0xD420] =	vst v17  }
0x32c: {  	v20 =	vld [tilespmem:s11+$0x5810];
	v17 =	vadd.f32 v21, v10;
	[tilespmem:s11+$0xD450] =	vst v18  }
0x32d: {  	v19 =	vadd.f32 v23, v8;
	[tilespmem:s11+$0xD430] =	vst v16;
	v16 =	vld [tilespmem:s11+$0x5820]  }
0x32e: {  	v21 =	vadd.f32 v24, v7;
	[tilespmem:s11+$0xD440] =	vst v17;
	v17 =	vld [tilespmem:s11+$0x5830]  }
0x32f: {  	v18 =	vld [tilespmem:s11+$0x5840];
	[tilespmem:s11+$0xD460] =	vst v19  }
0x330: {  	v19 =	vld [tilespmem:s11+$0x5850];
	[tilespmem:s11+$0xD470] =	vst v21;
	v21 =	vadd.f32 v25, v6  }
0x331: {  	s13 =	simm.s32 $0xFFFFF400;
	s12 =	simm.s32 $0xFFFFFC80;
	v22 =	vadd.f32 v20, v5;
	v20 =	vld [tilespmem:s11+$0x5860]  }
.LBB2_23:
0x332: {  	p0 =	sne.s32 s13, $0xFFFFFE00;
	v23 =	vld [tilespmem:s12+$0x5870];
	[tilespmem:s11+$0xD800] =	vst v21;
	v16 =	vadd.f32 v16, v4  }
0x333: {  	v21 =	vld [tilespmem:s12+$0x5400];
	[tilespmem:s11+$0xD810] =	vst v22;
	v17 =	vadd.f32 v17, v3  }
0x334: {  	v22 =	vld [tilespmem:s12+$0x5410];
	[tilespmem:s11+$0xD820] =	vst v16;
	v16 =	vadd.f32 v18, v2  }
0x335: {  	v18 =	vld [tilespmem:s12+$0x5420];
	[tilespmem:s11+$0xD830] =	vst v17;
	v17 =	vadd.f32 v19, v1  }
0x336: {  	v19 =	vld [tilespmem:s12+$0x5430];
	[tilespmem:s11+$0xD840] =	vst v16;
	v16 =	vadd.f32 v20, v0  }
0x337: {  	v20 =	vld [tilespmem:s12+$0x5440];
	v23 =	vadd.f32 v23, v15;
	[tilespmem:s11+$0xD850] =	vst v17  }
0x338: {  	v17 =	vadd.f32 v21, v14;
	v21 =	vld [tilespmem:s12+$0x5450];
	[tilespmem:s11+$0xD860] =	vst v16;
	s11 =	smov.u32 s12  }
0x339: {  	v16 =	vadd.f32 v22, v13;
	v22 =	vld [tilespmem:s11+$0x5460];
	[tilespmem:s11+$0xD870] =	vst v23  }
0x33a: {  	[tilespmem:s11+$0xD400] =	vst v17;
	v17 =	vadd.f32 v18, v12;
	v18 =	vld [tilespmem:s11+$0x5470]  }
0x33b: {  	[tilespmem:s11+$0xD410] =	vst v16;
	v16 =	vadd.f32 v19, v11;
	v19 =	vld [tilespmem:s11+$0x5800]  }
0x33c: {  	[tilespmem:s11+$0xD420] =	vst v17;
	v17 =	vadd.f32 v20, v10;
	v20 =	vld [tilespmem:s11+$0x5810]  }
.Ltmp10:
0x33d: {  	[tilespmem:s11+$0xD430] =	vst v16;
	v21 =	vadd.f32 v21, v9;
	v16 =	vld [tilespmem:s11+$0x5820];
	(pc) =	sbr.rel @p0 .LBB2_23-.Ltmp10, $4  }
0x33e: {  	[tilespmem:s11+$0xD440] =	vst v17;
	v22 =	vadd.f32 v22, v8;
	v17 =	vld [tilespmem:s11+$0x5830]  }
0x33f: {  	[tilespmem:s11+$0xD450] =	vst v21;
	v23 =	vadd.f32 v18, v7;
	v18 =	vld [tilespmem:s11+$0x5840]  }
0x340: {  	[tilespmem:s11+$0xD460] =	vst v22;
	v21 =	vadd.f32 v19, v6;
	v19 =	vld [tilespmem:s11+$0x5850]  }
0x341: {  	s12 =	sshra.s32 s13, $0x2;
	s13 =	sadd.s32 $0x200, s13;
	[tilespmem:s11+$0xD470] =	vst v23;
	v22 =	vadd.f32 v20, v5;
	v20 =	vld [tilespmem:s11+$0x5860]  }
0x342: {  	v23 =	vld [tilespmem:s12+$0x5870];
	[tilespmem:s11+$0xD800] =	vst v21;
	v16 =	vadd.f32 v16, v4  }
0x343: {  	v21 =	vld [tilespmem:s12+$0x5400];
	[tilespmem:s11+$0xD810] =	vst v22;
	v17 =	vadd.f32 v17, v3  }
0x344: {  	v22 =	vld [tilespmem:s12+$0x5410];
	[tilespmem:s11+$0xD820] =	vst v16;
	v18 =	vadd.f32 v18, v2  }
0x345: {  	v16 =	vld [tilespmem:s12+$0x5420];
	[tilespmem:s11+$0xD830] =	vst v17;
	v19 =	vadd.f32 v19, v1  }
0x346: {  	v17 =	vld [tilespmem:s12+$0x5430];
	[tilespmem:s11+$0xD840] =	vst v18;
	v20 =	vadd.f32 v20, v0  }
0x347: {  	v18 =	vld [tilespmem:s12+$0x5440];
	[tilespmem:s11+$0xD850] =	vst v19;
	v15 =	vadd.f32 v23, v15  }
0x348: {  	v19 =	vld [tilespmem:s12+$0x5450];
	[tilespmem:s11+$0xD860] =	vst v20;
	v14 =	vadd.f32 v21, v14  }
0x349: {  	v20 =	vld [tilespmem:s12+$0x5460];
	[tilespmem:s12+$0xD870] =	vst v15;
	v13 =	vadd.f32 v22, v13  }
0x34a: {  	[tilespmem:s12+$0xD400] =	vst v14;
	v14 =	vld [tilespmem:s12+$0x5470];
	v12 =	vadd.f32 v16, v12  }
0x34b: {  	[tilespmem:s12+$0xD410] =	vst v13;
	v13 =	vld [tilespmem:s12+$0x5800];
	v11 =	vadd.f32 v17, v11  }
0x34c: {  	[tilespmem:s12+$0xD420] =	vst v12;
	v12 =	vld [tilespmem:s12+$0x5810];
	v10 =	vadd.f32 v18, v10  }
0x34d: {  	[tilespmem:s12+$0xD430] =	vst v11;
	v11 =	vld [tilespmem:s12+$0x5820];
	v9 =	vadd.f32 v19, v9  }
0x34e: {  	[tilespmem:s12+$0xD440] =	vst v10;
	v10 =	vld [tilespmem:s12+$0x5830];
	v8 =	vadd.f32 v20, v8  }
0x34f: {  	[tilespmem:s12+$0xD450] =	vst v9;
	v9 =	vld [tilespmem:s12+$0x5840];
	v7 =	vadd.f32 v14, v7  }
0x350: {  	[tilespmem:s12+$0xD460] =	vst v8;
	v8 =	vld [tilespmem:s12+$0x5850];
	v6 =	vadd.f32 v13, v6  }
0x351: {  	[tilespmem:s12+$0xD470] =	vst v7;
	v5 =	vadd.f32 v12, v5;
	v7 =	vld [tilespmem:s12+$0x5860]  }
0x352: {  	[tilespmem:s12+$0xD800] =	vst v6;
	v4 =	vadd.f32 v11, v4  }
0x353: {  	[tilespmem:s12+$0xD810] =	vst v5;
	v3 =	vadd.f32 v10, v3  }
0x354: {  	[tilespmem:s12+$0xD820] =	vst v4;
	v2 =	vadd.f32 v9, v2  }
0x355: {  	[tilespmem:s12+$0xD830] =	vst v3;
	v1 =	vadd.f32 v8, v1  }
0x356: {  	[tilespmem:s12+$0xD840] =	vst v2;
	v0 =	vadd.f32 v7, v0  }
0x357: {  	[tilespmem:s12+$0xD850] =	vst v1  }
0x358: {  	[tilespmem:s12+$0xD860] =	vst v0  }
0x359: {  	v14 =	vld [tilespmem:$0x10300]  }
0x35a: {  	v13 =	vld [tilespmem:$0x10310]  }
0x35b: {  	v12 =	vld [tilespmem:$0x10320]  }
0x35c: {  	v11 =	vld [tilespmem:$0x10330]  }
0x35d: {  	v10 =	vld [tilespmem:$0x10340]  }
0x35e: {  	v9 =	vld [tilespmem:$0x10350]  }
0x35f: {  	v8 =	vld [tilespmem:$0x10360]  }
0x360: {  	v7 =	vld [tilespmem:$0x10370]  }
0x361: {  	v6 =	vld [tilespmem:$0x10380]  }
0x362: {  	v5 =	vld [tilespmem:$0x10390]  }
0x363: {  	v4 =	vld [tilespmem:$0x103A0]  }
0x364: {  	v3 =	vld [tilespmem:$0x103B0]  }
0x365: {  	v2 =	vld [tilespmem:$0x103C0]  }
0x366: {  	v1 =	vld [tilespmem:$0x103D0]  }
0x367: {  	v0 =	vld [tilespmem:$0x103E0]  }
0x368: {  	s11 =	simm.s32 $0x0;
	v15 =	vld [tilespmem:$0x103F0]  }
0x369: {  	v16 =	vld [tilespmem:s11+$0x5C70]  }
0x36a: {  	v17 =	vld [tilespmem:s11+$0x5800]  }
0x36b: {  	v18 =	vld [tilespmem:s11+$0x5810]  }
0x36c: {  	v19 =	vld [tilespmem:s11+$0x5820]  }
0x36d: {  	v22 =	vld [tilespmem:s11+$0x5850]  }
0x36e: {  	v20 =	vld [tilespmem:s11+$0x5830];
	v16 =	vadd.f32 v16, v15  }
0x36f: {  	v21 =	vld [tilespmem:s11+$0x5840];
	v17 =	vadd.f32 v17, v14  }
0x370: {  	v23 =	vld [tilespmem:s11+$0x5860];
	[tilespmem:s11+$0xDC70] =	vst v16;
	v16 =	vadd.f32 v18, v13  }
0x371: {  	v24 =	vld [tilespmem:s11+$0x5870];
	[tilespmem:s11+$0xD800] =	vst v17;
	v17 =	vadd.f32 v19, v12  }
0x372: {  	v18 =	vadd.f32 v22, v9;
	[tilespmem:s11+$0xD810] =	vst v16  }
0x373: {  	v25 =	vld [tilespmem:s11+$0x5C00];
	v16 =	vadd.f32 v20, v11;
	[tilespmem:s11+$0xD820] =	vst v17  }
0x374: {  	v20 =	vld [tilespmem:s11+$0x5C10];
	v17 =	vadd.f32 v21, v10;
	[tilespmem:s11+$0xD850] =	vst v18  }
0x375: {  	v19 =	vadd.f32 v23, v8;
	[tilespmem:s11+$0xD830] =	vst v16;
	v16 =	vld [tilespmem:s11+$0x5C20]  }
0x376: {  	v21 =	vadd.f32 v24, v7;
	[tilespmem:s11+$0xD840] =	vst v17;
	v17 =	vld [tilespmem:s11+$0x5C30]  }
0x377: {  	v18 =	vld [tilespmem:s11+$0x5C40];
	[tilespmem:s11+$0xD860] =	vst v19  }
0x378: {  	v19 =	vld [tilespmem:s11+$0x5C50];
	[tilespmem:s11+$0xD870] =	vst v21;
	v21 =	vadd.f32 v25, v6  }
0x379: {  	s13 =	simm.s32 $0x400;
	s12 =	simm.s32 $0x80;
	v22 =	vadd.f32 v20, v5;
	v20 =	vld [tilespmem:s11+$0x5C60]  }
.LBB2_25:
0x37a: {  	p0 =	sne.s32 s13, $0xE00;
	v23 =	vld [tilespmem:s12+$0x5C70];
	[tilespmem:s11+$0xDC00] =	vst v21;
	v16 =	vadd.f32 v16, v4  }
0x37b: {  	v21 =	vld [tilespmem:s12+$0x5800];
	[tilespmem:s11+$0xDC10] =	vst v22;
	v17 =	vadd.f32 v17, v3  }
0x37c: {  	v22 =	vld [tilespmem:s12+$0x5810];
	[tilespmem:s11+$0xDC20] =	vst v16;
	v16 =	vadd.f32 v18, v2  }
0x37d: {  	v18 =	vld [tilespmem:s12+$0x5820];
	[tilespmem:s11+$0xDC30] =	vst v17;
	v17 =	vadd.f32 v19, v1  }
0x37e: {  	v19 =	vld [tilespmem:s12+$0x5830];
	[tilespmem:s11+$0xDC40] =	vst v16;
	v16 =	vadd.f32 v20, v0  }
0x37f: {  	v20 =	vld [tilespmem:s12+$0x5840];
	v23 =	vadd.f32 v23, v15;
	[tilespmem:s11+$0xDC50] =	vst v17  }
0x380: {  	v17 =	vadd.f32 v21, v14;
	v21 =	vld [tilespmem:s12+$0x5850];
	[tilespmem:s11+$0xDC60] =	vst v16;
	s11 =	smov.u32 s12  }
0x381: {  	v16 =	vadd.f32 v22, v13;
	v22 =	vld [tilespmem:s11+$0x5860];
	[tilespmem:s11+$0xDC70] =	vst v23  }
0x382: {  	[tilespmem:s11+$0xD800] =	vst v17;
	v17 =	vadd.f32 v18, v12;
	v18 =	vld [tilespmem:s11+$0x5870]  }
0x383: {  	[tilespmem:s11+$0xD810] =	vst v16;
	v16 =	vadd.f32 v19, v11;
	v19 =	vld [tilespmem:s11+$0x5C00]  }
0x384: {  	[tilespmem:s11+$0xD820] =	vst v17;
	v17 =	vadd.f32 v20, v10;
	v20 =	vld [tilespmem:s11+$0x5C10]  }
.Ltmp11:
0x385: {  	[tilespmem:s11+$0xD830] =	vst v16;
	v21 =	vadd.f32 v21, v9;
	v16 =	vld [tilespmem:s11+$0x5C20];
	(pc) =	sbr.rel @p0 .LBB2_25-.Ltmp11, $4  }
0x386: {  	[tilespmem:s11+$0xD840] =	vst v17;
	v22 =	vadd.f32 v22, v8;
	v17 =	vld [tilespmem:s11+$0x5C30]  }
0x387: {  	[tilespmem:s11+$0xD850] =	vst v21;
	v23 =	vadd.f32 v18, v7;
	v18 =	vld [tilespmem:s11+$0x5C40]  }
0x388: {  	[tilespmem:s11+$0xD860] =	vst v22;
	v21 =	vadd.f32 v19, v6;
	v19 =	vld [tilespmem:s11+$0x5C50]  }
0x389: {  	s12 =	sshra.s32 s13, $0x2;
	s13 =	sadd.s32 $0x200, s13;
	[tilespmem:s11+$0xD870] =	vst v23;
	v22 =	vadd.f32 v20, v5;
	v20 =	vld [tilespmem:s11+$0x5C60]  }
0x38a: {  	v23 =	vld [tilespmem:s12+$0x5C70];
	[tilespmem:s11+$0xDC00] =	vst v21;
	v16 =	vadd.f32 v16, v4  }
0x38b: {  	v21 =	vld [tilespmem:s12+$0x5800];
	[tilespmem:s11+$0xDC10] =	vst v22;
	v17 =	vadd.f32 v17, v3  }
0x38c: {  	v22 =	vld [tilespmem:s12+$0x5810];
	[tilespmem:s11+$0xDC20] =	vst v16;
	v18 =	vadd.f32 v18, v2  }
0x38d: {  	v16 =	vld [tilespmem:s12+$0x5820];
	[tilespmem:s11+$0xDC30] =	vst v17;
	v19 =	vadd.f32 v19, v1  }
0x38e: {  	v17 =	vld [tilespmem:s12+$0x5830];
	[tilespmem:s11+$0xDC40] =	vst v18;
	v20 =	vadd.f32 v20, v0  }
0x38f: {  	v18 =	vld [tilespmem:s12+$0x5840];
	[tilespmem:s11+$0xDC50] =	vst v19;
	v15 =	vadd.f32 v23, v15  }
0x390: {  	v19 =	vld [tilespmem:s12+$0x5850];
	[tilespmem:s11+$0xDC60] =	vst v20;
	v14 =	vadd.f32 v21, v14  }
0x391: {  	v20 =	vld [tilespmem:s12+$0x5860];
	[tilespmem:s12+$0xDC70] =	vst v15;
	v13 =	vadd.f32 v22, v13  }
0x392: {  	[tilespmem:s12+$0xD800] =	vst v14;
	v14 =	vld [tilespmem:s12+$0x5870];
	v12 =	vadd.f32 v16, v12  }
0x393: {  	[tilespmem:s12+$0xD810] =	vst v13;
	v13 =	vld [tilespmem:s12+$0x5C00];
	v11 =	vadd.f32 v17, v11  }
0x394: {  	[tilespmem:s12+$0xD820] =	vst v12;
	v12 =	vld [tilespmem:s12+$0x5C10];
	v10 =	vadd.f32 v18, v10  }
0x395: {  	[tilespmem:s12+$0xD830] =	vst v11;
	v11 =	vld [tilespmem:s12+$0x5C20];
	v9 =	vadd.f32 v19, v9  }
0x396: {  	[tilespmem:s12+$0xD840] =	vst v10;
	v10 =	vld [tilespmem:s12+$0x5C30];
	v8 =	vadd.f32 v20, v8  }
0x397: {  	[tilespmem:s12+$0xD850] =	vst v9;
	v9 =	vld [tilespmem:s12+$0x5C40];
	v7 =	vadd.f32 v14, v7  }
0x398: {  	[tilespmem:s12+$0xD860] =	vst v8;
	v8 =	vld [tilespmem:s12+$0x5C50];
	v6 =	vadd.f32 v13, v6  }
0x399: {  	[tilespmem:s12+$0xD870] =	vst v7;
	v5 =	vadd.f32 v12, v5;
	v7 =	vld [tilespmem:s12+$0x5C60]  }
0x39a: {  	[tilespmem:s12+$0xDC00] =	vst v6;
	v4 =	vadd.f32 v11, v4  }
0x39b: {  	s13 =	sadd.s32 $0x6, s9;
	[tilespmem:s12+$0xDC10] =	vst v5;
	v3 =	vadd.f32 v10, v3  }
0x39c: {  	s11 =	sand.u32 $0x7E, s13;
	[tilespmem:s12+$0xDC20] =	vst v4;
	v2 =	vadd.f32 v9, v2  }
0x39d: {  	s11 =	sor.u32 s15, s11;
	[tilespmem:s12+$0xDC30] =	vst v3;
	v1 =	vadd.f32 v8, v1  }
0x39e: {  	s11 =	sshll.u32 s11, $0xA;
	[tilespmem:s12+$0xDC40] =	vst v2;
	v0 =	vadd.f32 v7, v0  }
0x39f: {  	s11 =	sand.u32 $0x3FF800, s11;
	[tilespmem:s12+$0xDC50] =	vst v1  }
0x3a0: {  	s11 =	sadd.s32 s1, s11;
	[tilespmem:s12+$0xDC60] =	vst v0;
	s12 =	simm.s32 $0x0  }
0x3a1: {  	[tilespmem:s24], [sflag:$0x3] =	stream.linear.gather [hbm4b:s11+s12], $0x2000, $0x38;
	[tilespmem:$0x10400] =	vst v63  }
0x3a2: {  	s13 =	sadd.s32 $0x800, s10  }
0x3a3: {  	[hbm4b:s13+s12] =	stream.linear.scatter [tilespmem:s25], [sflag:$0x7], $0x2000, $0x38;
	[tilespmem:$0x10400] =	vst v63  }
0x3a4: {  	_ =	swait.ge [sflag:s17], $0x2000  }
0x3a5: {  	[sflag:s17] =	ssyncset.done $0x0  }
0x3a6: {  	[sflag:s17] =	ssyncadd.s32 $0xFFFFE000  }
0x3a7: {  	_ =	swait.ge [sflag:s18], $0x2000  }
0x3a8: {  	[sflag:s18] =	ssyncset.done $0x0  }
0x3a9: {  	[sflag:s18] =	ssyncadd.s32 $0xFFFFE000  }
0x3aa: {  	v14 =	vld [tilespmem:$0x10000]  }
0x3ab: {  	v13 =	vld [tilespmem:$0x10010]  }
0x3ac: {  	v12 =	vld [tilespmem:$0x10020]  }
0x3ad: {  	v11 =	vld [tilespmem:$0x10030]  }
0x3ae: {  	v10 =	vld [tilespmem:$0x10040]  }
0x3af: {  	v9 =	vld [tilespmem:$0x10050]  }
0x3b0: {  	v8 =	vld [tilespmem:$0x10060]  }
0x3b1: {  	v7 =	vld [tilespmem:$0x10070]  }
0x3b2: {  	v6 =	vld [tilespmem:$0x10080]  }
0x3b3: {  	v5 =	vld [tilespmem:$0x10090]  }
0x3b4: {  	v4 =	vld [tilespmem:$0x100A0]  }
0x3b5: {  	v3 =	vld [tilespmem:$0x100B0]  }
0x3b6: {  	v2 =	vld [tilespmem:$0x100C0]  }
0x3b7: {  	v1 =	vld [tilespmem:$0x100D0]  }
0x3b8: {  	v0 =	vld [tilespmem:$0x100E0]  }
0x3b9: {  	s11 =	simm.s32 $0x0;
	v15 =	vld [tilespmem:$0x100F0]  }
0x3ba: {  	v16 =	vld [tilespmem:s11+$0x6470]  }
0x3bb: {  	v17 =	vld [tilespmem:s11+$0x6000]  }
0x3bc: {  	v18 =	vld [tilespmem:s11+$0x6010]  }
0x3bd: {  	v19 =	vld [tilespmem:s11+$0x6020]  }
0x3be: {  	v22 =	vld [tilespmem:s11+$0x6050]  }
0x3bf: {  	v20 =	vld [tilespmem:s11+$0x6030];
	v16 =	vadd.f32 v16, v15  }
0x3c0: {  	v21 =	vld [tilespmem:s11+$0x6040];
	v17 =	vadd.f32 v17, v14  }
0x3c1: {  	v23 =	vld [tilespmem:s11+$0x6060];
	[tilespmem:s11+$0xE470] =	vst v16;
	v16 =	vadd.f32 v18, v13  }
0x3c2: {  	v24 =	vld [tilespmem:s11+$0x6070];
	[tilespmem:s11+$0xE000] =	vst v17;
	v17 =	vadd.f32 v19, v12  }
0x3c3: {  	v18 =	vadd.f32 v22, v9;
	[tilespmem:s11+$0xE010] =	vst v16  }
0x3c4: {  	v25 =	vld [tilespmem:s11+$0x6400];
	v16 =	vadd.f32 v20, v11;
	[tilespmem:s11+$0xE020] =	vst v17  }
0x3c5: {  	v20 =	vld [tilespmem:s11+$0x6410];
	v17 =	vadd.f32 v21, v10;
	[tilespmem:s11+$0xE050] =	vst v18  }
0x3c6: {  	v19 =	vadd.f32 v23, v8;
	[tilespmem:s11+$0xE030] =	vst v16;
	v16 =	vld [tilespmem:s11+$0x6420]  }
0x3c7: {  	v21 =	vadd.f32 v24, v7;
	[tilespmem:s11+$0xE040] =	vst v17;
	v17 =	vld [tilespmem:s11+$0x6430]  }
0x3c8: {  	v18 =	vld [tilespmem:s11+$0x6440];
	[tilespmem:s11+$0xE060] =	vst v19  }
0x3c9: {  	v19 =	vld [tilespmem:s11+$0x6450];
	[tilespmem:s11+$0xE070] =	vst v21;
	v21 =	vadd.f32 v25, v6  }
0x3ca: {  	s12 =	simm.s32 $0x80;
	s13 =	simm.s32 $0x400;
	v22 =	vadd.f32 v20, v5;
	v20 =	vld [tilespmem:s11+$0x6460]  }
.LBB2_27:
0x3cb: {  	p0 =	sne.s32 s13, $0xE00;
	v23 =	vld [tilespmem:s12+$0x6470];
	[tilespmem:s11+$0xE400] =	vst v21;
	v16 =	vadd.f32 v16, v4  }
0x3cc: {  	v21 =	vld [tilespmem:s12+$0x6000];
	[tilespmem:s11+$0xE410] =	vst v22;
	v17 =	vadd.f32 v17, v3  }
0x3cd: {  	v22 =	vld [tilespmem:s12+$0x6010];
	[tilespmem:s11+$0xE420] =	vst v16;
	v16 =	vadd.f32 v18, v2  }
0x3ce: {  	v18 =	vld [tilespmem:s12+$0x6020];
	[tilespmem:s11+$0xE430] =	vst v17;
	v17 =	vadd.f32 v19, v1  }
0x3cf: {  	v19 =	vld [tilespmem:s12+$0x6030];
	[tilespmem:s11+$0xE440] =	vst v16;
	v16 =	vadd.f32 v20, v0  }
0x3d0: {  	v20 =	vld [tilespmem:s12+$0x6040];
	v23 =	vadd.f32 v23, v15;
	[tilespmem:s11+$0xE450] =	vst v17  }
0x3d1: {  	v17 =	vadd.f32 v21, v14;
	v21 =	vld [tilespmem:s12+$0x6050];
	[tilespmem:s11+$0xE460] =	vst v16;
	s11 =	smov.u32 s12  }
0x3d2: {  	v16 =	vadd.f32 v22, v13;
	v22 =	vld [tilespmem:s11+$0x6060];
	[tilespmem:s11+$0xE470] =	vst v23  }
0x3d3: {  	[tilespmem:s11+$0xE000] =	vst v17;
	v17 =	vadd.f32 v18, v12;
	v18 =	vld [tilespmem:s11+$0x6070]  }
0x3d4: {  	[tilespmem:s11+$0xE010] =	vst v16;
	v16 =	vadd.f32 v19, v11;
	v19 =	vld [tilespmem:s11+$0x6400]  }
0x3d5: {  	[tilespmem:s11+$0xE020] =	vst v17;
	v17 =	vadd.f32 v20, v10;
	v20 =	vld [tilespmem:s11+$0x6410]  }
.Ltmp12:
0x3d6: {  	[tilespmem:s11+$0xE030] =	vst v16;
	v21 =	vadd.f32 v21, v9;
	v16 =	vld [tilespmem:s11+$0x6420];
	(pc) =	sbr.rel @p0 .LBB2_27-.Ltmp12, $4  }
0x3d7: {  	[tilespmem:s11+$0xE040] =	vst v17;
	v22 =	vadd.f32 v22, v8;
	v17 =	vld [tilespmem:s11+$0x6430]  }
0x3d8: {  	[tilespmem:s11+$0xE050] =	vst v21;
	v23 =	vadd.f32 v18, v7;
	v18 =	vld [tilespmem:s11+$0x6440]  }
0x3d9: {  	[tilespmem:s11+$0xE060] =	vst v22;
	v21 =	vadd.f32 v19, v6;
	v19 =	vld [tilespmem:s11+$0x6450]  }
0x3da: {  	s12 =	sshra.s32 s13, $0x2;
	s13 =	sadd.s32 $0x200, s13;
	[tilespmem:s11+$0xE070] =	vst v23;
	v22 =	vadd.f32 v20, v5;
	v20 =	vld [tilespmem:s11+$0x6460]  }
0x3db: {  	v23 =	vld [tilespmem:s12+$0x6470];
	[tilespmem:s11+$0xE400] =	vst v21;
	v16 =	vadd.f32 v16, v4  }
0x3dc: {  	v21 =	vld [tilespmem:s12+$0x6000];
	[tilespmem:s11+$0xE410] =	vst v22;
	v17 =	vadd.f32 v17, v3  }
0x3dd: {  	v22 =	vld [tilespmem:s12+$0x6010];
	[tilespmem:s11+$0xE420] =	vst v16;
	v18 =	vadd.f32 v18, v2  }
0x3de: {  	v16 =	vld [tilespmem:s12+$0x6020];
	[tilespmem:s11+$0xE430] =	vst v17;
	v19 =	vadd.f32 v19, v1  }
0x3df: {  	v17 =	vld [tilespmem:s12+$0x6030];
	[tilespmem:s11+$0xE440] =	vst v18;
	v20 =	vadd.f32 v20, v0  }
0x3e0: {  	v18 =	vld [tilespmem:s12+$0x6040];
	[tilespmem:s11+$0xE450] =	vst v19;
	v15 =	vadd.f32 v23, v15  }
0x3e1: {  	v19 =	vld [tilespmem:s12+$0x6050];
	[tilespmem:s11+$0xE460] =	vst v20;
	v14 =	vadd.f32 v21, v14  }
0x3e2: {  	v20 =	vld [tilespmem:s12+$0x6060];
	[tilespmem:s12+$0xE470] =	vst v15;
	v13 =	vadd.f32 v22, v13  }
0x3e3: {  	[tilespmem:s12+$0xE000] =	vst v14;
	v14 =	vld [tilespmem:s12+$0x6070];
	v12 =	vadd.f32 v16, v12  }
0x3e4: {  	[tilespmem:s12+$0xE010] =	vst v13;
	v13 =	vld [tilespmem:s12+$0x6400];
	v11 =	vadd.f32 v17, v11  }
0x3e5: {  	[tilespmem:s12+$0xE020] =	vst v12;
	v12 =	vld [tilespmem:s12+$0x6410];
	v10 =	vadd.f32 v18, v10  }
0x3e6: {  	[tilespmem:s12+$0xE030] =	vst v11;
	v11 =	vld [tilespmem:s12+$0x6420];
	v9 =	vadd.f32 v19, v9  }
0x3e7: {  	[tilespmem:s12+$0xE040] =	vst v10;
	v10 =	vld [tilespmem:s12+$0x6430];
	v8 =	vadd.f32 v20, v8  }
0x3e8: {  	[tilespmem:s12+$0xE050] =	vst v9;
	v9 =	vld [tilespmem:s12+$0x6440];
	v7 =	vadd.f32 v14, v7  }
0x3e9: {  	[tilespmem:s12+$0xE060] =	vst v8;
	v8 =	vld [tilespmem:s12+$0x6450];
	v6 =	vadd.f32 v13, v6  }
0x3ea: {  	[tilespmem:s12+$0xE070] =	vst v7;
	v5 =	vadd.f32 v12, v5;
	v7 =	vld [tilespmem:s12+$0x6460]  }
0x3eb: {  	[tilespmem:s12+$0xE400] =	vst v6;
	v4 =	vadd.f32 v11, v4  }
0x3ec: {  	[tilespmem:s12+$0xE410] =	vst v5;
	v3 =	vadd.f32 v10, v3  }
0x3ed: {  	[tilespmem:s12+$0xE420] =	vst v4;
	v2 =	vadd.f32 v9, v2  }
0x3ee: {  	[tilespmem:s12+$0xE430] =	vst v3;
	v1 =	vadd.f32 v8, v1  }
0x3ef: {  	[tilespmem:s12+$0xE440] =	vst v2;
	v0 =	vadd.f32 v7, v0  }
0x3f0: {  	[tilespmem:s12+$0xE450] =	vst v1  }
0x3f1: {  	[tilespmem:s12+$0xE460] =	vst v0  }
0x3f2: {  	v14 =	vld [tilespmem:$0x10100]  }
0x3f3: {  	v13 =	vld [tilespmem:$0x10110]  }
0x3f4: {  	v12 =	vld [tilespmem:$0x10120]  }
0x3f5: {  	v11 =	vld [tilespmem:$0x10130]  }
0x3f6: {  	v10 =	vld [tilespmem:$0x10140]  }
0x3f7: {  	v9 =	vld [tilespmem:$0x10150]  }
0x3f8: {  	v8 =	vld [tilespmem:$0x10160]  }
0x3f9: {  	v7 =	vld [tilespmem:$0x10170]  }
0x3fa: {  	v6 =	vld [tilespmem:$0x10180]  }
0x3fb: {  	v5 =	vld [tilespmem:$0x10190]  }
0x3fc: {  	v4 =	vld [tilespmem:$0x101A0]  }
0x3fd: {  	v3 =	vld [tilespmem:$0x101B0]  }
0x3fe: {  	v2 =	vld [tilespmem:$0x101C0]  }
0x3ff: {  	v1 =	vld [tilespmem:$0x101D0]  }
0x400: {  	v0 =	vld [tilespmem:$0x101E0]  }
0x401: {  	s11 =	simm.s32 $0xFFFFFC00;
	v15 =	vld [tilespmem:$0x101F0]  }
0x402: {  	v16 =	vld [tilespmem:s11+$0x7070]  }
0x403: {  	v17 =	vld [tilespmem:s11+$0x6C00]  }
0x404: {  	v18 =	vld [tilespmem:s11+$0x6C10]  }
0x405: {  	v19 =	vld [tilespmem:s11+$0x6C20]  }
0x406: {  	v22 =	vld [tilespmem:s11+$0x6C50]  }
0x407: {  	v20 =	vld [tilespmem:s11+$0x6C30];
	v16 =	vadd.f32 v16, v15  }
0x408: {  	v21 =	vld [tilespmem:s11+$0x6C40];
	v17 =	vadd.f32 v17, v14  }
0x409: {  	v23 =	vld [tilespmem:s11+$0x6C60];
	[tilespmem:s11+$0xF070] =	vst v16;
	v16 =	vadd.f32 v18, v13  }
0x40a: {  	v24 =	vld [tilespmem:s11+$0x6C70];
	[tilespmem:s11+$0xEC00] =	vst v17;
	v17 =	vadd.f32 v19, v12  }
0x40b: {  	v18 =	vadd.f32 v22, v9;
	[tilespmem:s11+$0xEC10] =	vst v16  }
0x40c: {  	v25 =	vld [tilespmem:s11+$0x7000];
	v16 =	vadd.f32 v20, v11;
	[tilespmem:s11+$0xEC20] =	vst v17  }
0x40d: {  	v20 =	vld [tilespmem:s11+$0x7010];
	v17 =	vadd.f32 v21, v10;
	[tilespmem:s11+$0xEC50] =	vst v18  }
0x40e: {  	v19 =	vadd.f32 v23, v8;
	[tilespmem:s11+$0xEC30] =	vst v16;
	v16 =	vld [tilespmem:s11+$0x7020]  }
0x40f: {  	v21 =	vadd.f32 v24, v7;
	[tilespmem:s11+$0xEC40] =	vst v17;
	v17 =	vld [tilespmem:s11+$0x7030]  }
0x410: {  	v18 =	vld [tilespmem:s11+$0x7040];
	[tilespmem:s11+$0xEC60] =	vst v19  }
0x411: {  	v19 =	vld [tilespmem:s11+$0x7050];
	[tilespmem:s11+$0xEC70] =	vst v21;
	v21 =	vadd.f32 v25, v6  }
0x412: {  	s13 =	simm.s32 $0xFFFFF400;
	s12 =	simm.s32 $0xFFFFFC80;
	v22 =	vadd.f32 v20, v5;
	v20 =	vld [tilespmem:s11+$0x7060]  }
.LBB2_29:
0x413: {  	p0 =	sne.s32 s13, $0xFFFFFE00;
	v23 =	vld [tilespmem:s12+$0x7070];
	[tilespmem:s11+$0xF000] =	vst v21;
	v16 =	vadd.f32 v16, v4  }
0x414: {  	v21 =	vld [tilespmem:s12+$0x6C00];
	[tilespmem:s11+$0xF010] =	vst v22;
	v17 =	vadd.f32 v17, v3  }
0x415: {  	v22 =	vld [tilespmem:s12+$0x6C10];
	[tilespmem:s11+$0xF020] =	vst v16;
	v16 =	vadd.f32 v18, v2  }
0x416: {  	v18 =	vld [tilespmem:s12+$0x6C20];
	[tilespmem:s11+$0xF030] =	vst v17;
	v17 =	vadd.f32 v19, v1  }
0x417: {  	v19 =	vld [tilespmem:s12+$0x6C30];
	[tilespmem:s11+$0xF040] =	vst v16;
	v16 =	vadd.f32 v20, v0  }
0x418: {  	v20 =	vld [tilespmem:s12+$0x6C40];
	v23 =	vadd.f32 v23, v15;
	[tilespmem:s11+$0xF050] =	vst v17  }
0x419: {  	v17 =	vadd.f32 v21, v14;
	v21 =	vld [tilespmem:s12+$0x6C50];
	[tilespmem:s11+$0xF060] =	vst v16;
	s11 =	smov.u32 s12  }
0x41a: {  	v16 =	vadd.f32 v22, v13;
	v22 =	vld [tilespmem:s11+$0x6C60];
	[tilespmem:s11+$0xF070] =	vst v23  }
0x41b: {  	[tilespmem:s11+$0xEC00] =	vst v17;
	v17 =	vadd.f32 v18, v12;
	v18 =	vld [tilespmem:s11+$0x6C70]  }
0x41c: {  	[tilespmem:s11+$0xEC10] =	vst v16;
	v16 =	vadd.f32 v19, v11;
	v19 =	vld [tilespmem:s11+$0x7000]  }
0x41d: {  	[tilespmem:s11+$0xEC20] =	vst v17;
	v17 =	vadd.f32 v20, v10;
	v20 =	vld [tilespmem:s11+$0x7010]  }
.Ltmp13:
0x41e: {  	[tilespmem:s11+$0xEC30] =	vst v16;
	v21 =	vadd.f32 v21, v9;
	v16 =	vld [tilespmem:s11+$0x7020];
	(pc) =	sbr.rel @p0 .LBB2_29-.Ltmp13, $4  }
0x41f: {  	[tilespmem:s11+$0xEC40] =	vst v17;
	v22 =	vadd.f32 v22, v8;
	v17 =	vld [tilespmem:s11+$0x7030]  }
0x420: {  	[tilespmem:s11+$0xEC50] =	vst v21;
	v23 =	vadd.f32 v18, v7;
	v18 =	vld [tilespmem:s11+$0x7040]  }
0x421: {  	[tilespmem:s11+$0xEC60] =	vst v22;
	v21 =	vadd.f32 v19, v6;
	v19 =	vld [tilespmem:s11+$0x7050]  }
0x422: {  	s12 =	sshra.s32 s13, $0x2;
	s13 =	sadd.s32 $0x200, s13;
	[tilespmem:s11+$0xEC70] =	vst v23;
	v22 =	vadd.f32 v20, v5;
	v20 =	vld [tilespmem:s11+$0x7060]  }
0x423: {  	v23 =	vld [tilespmem:s12+$0x7070];
	[tilespmem:s11+$0xF000] =	vst v21;
	v16 =	vadd.f32 v16, v4  }
0x424: {  	v21 =	vld [tilespmem:s12+$0x6C00];
	[tilespmem:s11+$0xF010] =	vst v22;
	v17 =	vadd.f32 v17, v3  }
0x425: {  	v22 =	vld [tilespmem:s12+$0x6C10];
	[tilespmem:s11+$0xF020] =	vst v16;
	v18 =	vadd.f32 v18, v2  }
0x426: {  	v16 =	vld [tilespmem:s12+$0x6C20];
	[tilespmem:s11+$0xF030] =	vst v17;
	v19 =	vadd.f32 v19, v1  }
0x427: {  	v17 =	vld [tilespmem:s12+$0x6C30];
	[tilespmem:s11+$0xF040] =	vst v18;
	v20 =	vadd.f32 v20, v0  }
0x428: {  	v18 =	vld [tilespmem:s12+$0x6C40];
	[tilespmem:s11+$0xF050] =	vst v19;
	v15 =	vadd.f32 v23, v15  }
0x429: {  	v19 =	vld [tilespmem:s12+$0x6C50];
	[tilespmem:s11+$0xF060] =	vst v20;
	v14 =	vadd.f32 v21, v14  }
0x42a: {  	v20 =	vld [tilespmem:s12+$0x6C60];
	[tilespmem:s12+$0xF070] =	vst v15;
	v13 =	vadd.f32 v22, v13  }
0x42b: {  	[tilespmem:s12+$0xEC00] =	vst v14;
	v14 =	vld [tilespmem:s12+$0x6C70];
	v12 =	vadd.f32 v16, v12  }
0x42c: {  	[tilespmem:s12+$0xEC10] =	vst v13;
	v13 =	vld [tilespmem:s12+$0x7000];
	v11 =	vadd.f32 v17, v11  }
0x42d: {  	[tilespmem:s12+$0xEC20] =	vst v12;
	v12 =	vld [tilespmem:s12+$0x7010];
	v10 =	vadd.f32 v18, v10  }
0x42e: {  	[tilespmem:s12+$0xEC30] =	vst v11;
	v11 =	vld [tilespmem:s12+$0x7020];
	v9 =	vadd.f32 v19, v9  }
0x42f: {  	[tilespmem:s12+$0xEC40] =	vst v10;
	v10 =	vld [tilespmem:s12+$0x7030];
	v8 =	vadd.f32 v20, v8  }
0x430: {  	[tilespmem:s12+$0xEC50] =	vst v9;
	v9 =	vld [tilespmem:s12+$0x7040];
	v7 =	vadd.f32 v14, v7  }
0x431: {  	[tilespmem:s12+$0xEC60] =	vst v8;
	v8 =	vld [tilespmem:s12+$0x7050];
	v6 =	vadd.f32 v13, v6  }
0x432: {  	[tilespmem:s12+$0xEC70] =	vst v7;
	v5 =	vadd.f32 v12, v5;
	v7 =	vld [tilespmem:s12+$0x7060]  }
0x433: {  	[tilespmem:s12+$0xF000] =	vst v6;
	v4 =	vadd.f32 v11, v4  }
0x434: {  	[tilespmem:s12+$0xF010] =	vst v5;
	v3 =	vadd.f32 v10, v3  }
0x435: {  	[tilespmem:s12+$0xF020] =	vst v4;
	v2 =	vadd.f32 v9, v2  }
0x436: {  	[tilespmem:s12+$0xF030] =	vst v3;
	v1 =	vadd.f32 v8, v1  }
0x437: {  	[tilespmem:s12+$0xF040] =	vst v2;
	v0 =	vadd.f32 v7, v0  }
0x438: {  	[tilespmem:s12+$0xF050] =	vst v1  }
0x439: {  	[tilespmem:s12+$0xF060] =	vst v0  }
0x43a: {  	v14 =	vld [tilespmem:$0x10200]  }
0x43b: {  	v13 =	vld [tilespmem:$0x10210]  }
0x43c: {  	v12 =	vld [tilespmem:$0x10220]  }
0x43d: {  	v11 =	vld [tilespmem:$0x10230]  }
0x43e: {  	v10 =	vld [tilespmem:$0x10240]  }
0x43f: {  	v9 =	vld [tilespmem:$0x10250]  }
0x440: {  	v8 =	vld [tilespmem:$0x10260]  }
0x441: {  	v7 =	vld [tilespmem:$0x10270]  }
0x442: {  	v6 =	vld [tilespmem:$0x10280]  }
0x443: {  	v5 =	vld [tilespmem:$0x10290]  }
0x444: {  	v4 =	vld [tilespmem:$0x102A0]  }
0x445: {  	v3 =	vld [tilespmem:$0x102B0]  }
0x446: {  	v2 =	vld [tilespmem:$0x102C0]  }
0x447: {  	v1 =	vld [tilespmem:$0x102D0]  }
0x448: {  	v0 =	vld [tilespmem:$0x102E0]  }
0x449: {  	s11 =	simm.s32 $0xFFFFFC00;
	v15 =	vld [tilespmem:$0x102F0]  }
0x44a: {  	v16 =	vld [tilespmem:s11+$0x7870]  }
0x44b: {  	v17 =	vld [tilespmem:s11+$0x7400]  }
0x44c: {  	v18 =	vld [tilespmem:s11+$0x7410]  }
0x44d: {  	v19 =	vld [tilespmem:s11+$0x7420]  }
0x44e: {  	v22 =	vld [tilespmem:s11+$0x7450]  }
0x44f: {  	v20 =	vld [tilespmem:s11+$0x7430];
	v16 =	vadd.f32 v16, v15  }
0x450: {  	v21 =	vld [tilespmem:s11+$0x7440];
	v17 =	vadd.f32 v17, v14  }
0x451: {  	v23 =	vld [tilespmem:s11+$0x7460];
	[tilespmem:s11+$0xF870] =	vst v16;
	v16 =	vadd.f32 v18, v13  }
0x452: {  	v24 =	vld [tilespmem:s11+$0x7470];
	[tilespmem:s11+$0xF400] =	vst v17;
	v17 =	vadd.f32 v19, v12  }
0x453: {  	v18 =	vadd.f32 v22, v9;
	[tilespmem:s11+$0xF410] =	vst v16  }
0x454: {  	v25 =	vld [tilespmem:s11+$0x7800];
	v16 =	vadd.f32 v20, v11;
	[tilespmem:s11+$0xF420] =	vst v17  }
0x455: {  	v20 =	vld [tilespmem:s11+$0x7810];
	v17 =	vadd.f32 v21, v10;
	[tilespmem:s11+$0xF450] =	vst v18  }
0x456: {  	v19 =	vadd.f32 v23, v8;
	[tilespmem:s11+$0xF430] =	vst v16;
	v16 =	vld [tilespmem:s11+$0x7820]  }
0x457: {  	v21 =	vadd.f32 v24, v7;
	[tilespmem:s11+$0xF440] =	vst v17;
	v17 =	vld [tilespmem:s11+$0x7830]  }
0x458: {  	v18 =	vld [tilespmem:s11+$0x7840];
	[tilespmem:s11+$0xF460] =	vst v19  }
0x459: {  	v19 =	vld [tilespmem:s11+$0x7850];
	[tilespmem:s11+$0xF470] =	vst v21;
	v21 =	vadd.f32 v25, v6  }
0x45a: {  	s13 =	simm.s32 $0xFFFFF400;
	s12 =	simm.s32 $0xFFFFFC80;
	v22 =	vadd.f32 v20, v5;
	v20 =	vld [tilespmem:s11+$0x7860]  }
.LBB2_31:
0x45b: {  	p0 =	sne.s32 s13, $0xFFFFFE00;
	v23 =	vld [tilespmem:s12+$0x7870];
	[tilespmem:s11+$0xF800] =	vst v21;
	v16 =	vadd.f32 v16, v4  }
0x45c: {  	v21 =	vld [tilespmem:s12+$0x7400];
	[tilespmem:s11+$0xF810] =	vst v22;
	v17 =	vadd.f32 v17, v3  }
0x45d: {  	v22 =	vld [tilespmem:s12+$0x7410];
	[tilespmem:s11+$0xF820] =	vst v16;
	v16 =	vadd.f32 v18, v2  }
0x45e: {  	v18 =	vld [tilespmem:s12+$0x7420];
	[tilespmem:s11+$0xF830] =	vst v17;
	v17 =	vadd.f32 v19, v1  }
0x45f: {  	v19 =	vld [tilespmem:s12+$0x7430];
	[tilespmem:s11+$0xF840] =	vst v16;
	v16 =	vadd.f32 v20, v0  }
0x460: {  	v20 =	vld [tilespmem:s12+$0x7440];
	v23 =	vadd.f32 v23, v15;
	[tilespmem:s11+$0xF850] =	vst v17  }
0x461: {  	v17 =	vadd.f32 v21, v14;
	v21 =	vld [tilespmem:s12+$0x7450];
	[tilespmem:s11+$0xF860] =	vst v16;
	s11 =	smov.u32 s12  }
0x462: {  	v16 =	vadd.f32 v22, v13;
	v22 =	vld [tilespmem:s11+$0x7460];
	[tilespmem:s11+$0xF870] =	vst v23  }
0x463: {  	[tilespmem:s11+$0xF400] =	vst v17;
	v17 =	vadd.f32 v18, v12;
	v18 =	vld [tilespmem:s11+$0x7470]  }
0x464: {  	[tilespmem:s11+$0xF410] =	vst v16;
	v16 =	vadd.f32 v19, v11;
	v19 =	vld [tilespmem:s11+$0x7800]  }
0x465: {  	[tilespmem:s11+$0xF420] =	vst v17;
	v17 =	vadd.f32 v20, v10;
	v20 =	vld [tilespmem:s11+$0x7810]  }
.Ltmp14:
0x466: {  	[tilespmem:s11+$0xF430] =	vst v16;
	v21 =	vadd.f32 v21, v9;
	v16 =	vld [tilespmem:s11+$0x7820];
	(pc) =	sbr.rel @p0 .LBB2_31-.Ltmp14, $4  }
0x467: {  	[tilespmem:s11+$0xF440] =	vst v17;
	v22 =	vadd.f32 v22, v8;
	v17 =	vld [tilespmem:s11+$0x7830]  }
0x468: {  	[tilespmem:s11+$0xF450] =	vst v21;
	v23 =	vadd.f32 v18, v7;
	v18 =	vld [tilespmem:s11+$0x7840]  }
0x469: {  	[tilespmem:s11+$0xF460] =	vst v22;
	v21 =	vadd.f32 v19, v6;
	v19 =	vld [tilespmem:s11+$0x7850]  }
0x46a: {  	s12 =	sshra.s32 s13, $0x2;
	s13 =	sadd.s32 $0x200, s13;
	[tilespmem:s11+$0xF470] =	vst v23;
	v22 =	vadd.f32 v20, v5;
	v20 =	vld [tilespmem:s11+$0x7860]  }
0x46b: {  	v23 =	vld [tilespmem:s12+$0x7870];
	[tilespmem:s11+$0xF800] =	vst v21;
	v16 =	vadd.f32 v16, v4  }
0x46c: {  	v21 =	vld [tilespmem:s12+$0x7400];
	[tilespmem:s11+$0xF810] =	vst v22;
	v17 =	vadd.f32 v17, v3  }
0x46d: {  	v22 =	vld [tilespmem:s12+$0x7410];
	[tilespmem:s11+$0xF820] =	vst v16;
	v18 =	vadd.f32 v18, v2  }
0x46e: {  	v16 =	vld [tilespmem:s12+$0x7420];
	[tilespmem:s11+$0xF830] =	vst v17;
	v19 =	vadd.f32 v19, v1  }
0x46f: {  	v17 =	vld [tilespmem:s12+$0x7430];
	[tilespmem:s11+$0xF840] =	vst v18;
	v20 =	vadd.f32 v20, v0  }
0x470: {  	v18 =	vld [tilespmem:s12+$0x7440];
	[tilespmem:s11+$0xF850] =	vst v19;
	v15 =	vadd.f32 v23, v15  }
0x471: {  	v19 =	vld [tilespmem:s12+$0x7450];
	[tilespmem:s11+$0xF860] =	vst v20;
	v14 =	vadd.f32 v21, v14  }
0x472: {  	v20 =	vld [tilespmem:s12+$0x7460];
	[tilespmem:s12+$0xF870] =	vst v15;
	v13 =	vadd.f32 v22, v13  }
0x473: {  	[tilespmem:s12+$0xF400] =	vst v14;
	v14 =	vld [tilespmem:s12+$0x7470];
	v12 =	vadd.f32 v16, v12  }
0x474: {  	[tilespmem:s12+$0xF410] =	vst v13;
	v13 =	vld [tilespmem:s12+$0x7800];
	v11 =	vadd.f32 v17, v11  }
0x475: {  	[tilespmem:s12+$0xF420] =	vst v12;
	v12 =	vld [tilespmem:s12+$0x7810];
	v10 =	vadd.f32 v18, v10  }
0x476: {  	[tilespmem:s12+$0xF430] =	vst v11;
	v11 =	vld [tilespmem:s12+$0x7820];
	v9 =	vadd.f32 v19, v9  }
0x477: {  	[tilespmem:s12+$0xF440] =	vst v10;
	v10 =	vld [tilespmem:s12+$0x7830];
	v8 =	vadd.f32 v20, v8  }
0x478: {  	[tilespmem:s12+$0xF450] =	vst v9;
	v9 =	vld [tilespmem:s12+$0x7840];
	v7 =	vadd.f32 v14, v7  }
0x479: {  	[tilespmem:s12+$0xF460] =	vst v8;
	v8 =	vld [tilespmem:s12+$0x7850];
	v6 =	vadd.f32 v13, v6  }
0x47a: {  	[tilespmem:s12+$0xF470] =	vst v7;
	v5 =	vadd.f32 v12, v5;
	v7 =	vld [tilespmem:s12+$0x7860]  }
0x47b: {  	[tilespmem:s12+$0xF800] =	vst v6;
	v4 =	vadd.f32 v11, v4  }
0x47c: {  	[tilespmem:s12+$0xF810] =	vst v5;
	v3 =	vadd.f32 v10, v3  }
0x47d: {  	[tilespmem:s12+$0xF820] =	vst v4;
	v2 =	vadd.f32 v9, v2  }
0x47e: {  	[tilespmem:s12+$0xF830] =	vst v3;
	v1 =	vadd.f32 v8, v1  }
0x47f: {  	[tilespmem:s12+$0xF840] =	vst v2;
	v0 =	vadd.f32 v7, v0  }
0x480: {  	[tilespmem:s12+$0xF850] =	vst v1  }
0x481: {  	[tilespmem:s12+$0xF860] =	vst v0  }
0x482: {  	v14 =	vld [tilespmem:$0x10300]  }
0x483: {  	v13 =	vld [tilespmem:$0x10310]  }
0x484: {  	v12 =	vld [tilespmem:$0x10320]  }
0x485: {  	v11 =	vld [tilespmem:$0x10330]  }
0x486: {  	v10 =	vld [tilespmem:$0x10340]  }
0x487: {  	v9 =	vld [tilespmem:$0x10350]  }
0x488: {  	v8 =	vld [tilespmem:$0x10360]  }
0x489: {  	v7 =	vld [tilespmem:$0x10370]  }
0x48a: {  	v6 =	vld [tilespmem:$0x10380]  }
0x48b: {  	v5 =	vld [tilespmem:$0x10390]  }
0x48c: {  	v4 =	vld [tilespmem:$0x103A0]  }
0x48d: {  	v3 =	vld [tilespmem:$0x103B0]  }
0x48e: {  	v2 =	vld [tilespmem:$0x103C0]  }
0x48f: {  	v1 =	vld [tilespmem:$0x103D0]  }
0x490: {  	v0 =	vld [tilespmem:$0x103E0]  }
0x491: {  	s11 =	simm.s32 $0x0;
	v15 =	vld [tilespmem:$0x103F0]  }
0x492: {  	v16 =	vld [tilespmem:s11+$0x7C70]  }
0x493: {  	v17 =	vld [tilespmem:s11+$0x7800]  }
0x494: {  	v18 =	vld [tilespmem:s11+$0x7810]  }
0x495: {  	v19 =	vld [tilespmem:s11+$0x7820]  }
0x496: {  	v22 =	vld [tilespmem:s11+$0x7850]  }
0x497: {  	v20 =	vld [tilespmem:s11+$0x7830];
	v16 =	vadd.f32 v16, v15  }
0x498: {  	v21 =	vld [tilespmem:s11+$0x7840];
	v17 =	vadd.f32 v17, v14  }
0x499: {  	v23 =	vld [tilespmem:s11+$0x7860];
	[tilespmem:s11+$0xFC70] =	vst v16;
	v16 =	vadd.f32 v18, v13  }
0x49a: {  	v24 =	vld [tilespmem:s11+$0x7870];
	[tilespmem:s11+$0xF800] =	vst v17;
	v17 =	vadd.f32 v19, v12  }
0x49b: {  	v18 =	vadd.f32 v22, v9;
	[tilespmem:s11+$0xF810] =	vst v16  }
0x49c: {  	v25 =	vld [tilespmem:s11+$0x7C00];
	v16 =	vadd.f32 v20, v11;
	[tilespmem:s11+$0xF820] =	vst v17  }
0x49d: {  	v20 =	vld [tilespmem:s11+$0x7C10];
	v17 =	vadd.f32 v21, v10;
	[tilespmem:s11+$0xF850] =	vst v18  }
0x49e: {  	v19 =	vadd.f32 v23, v8;
	[tilespmem:s11+$0xF830] =	vst v16;
	v16 =	vld [tilespmem:s11+$0x7C20]  }
0x49f: {  	v21 =	vadd.f32 v24, v7;
	[tilespmem:s11+$0xF840] =	vst v17;
	v17 =	vld [tilespmem:s11+$0x7C30]  }
0x4a0: {  	v18 =	vld [tilespmem:s11+$0x7C40];
	[tilespmem:s11+$0xF860] =	vst v19  }
0x4a1: {  	v19 =	vld [tilespmem:s11+$0x7C50];
	[tilespmem:s11+$0xF870] =	vst v21;
	v21 =	vadd.f32 v25, v6  }
0x4a2: {  	s13 =	simm.s32 $0x400;
	s12 =	simm.s32 $0x80;
	v22 =	vadd.f32 v20, v5;
	v20 =	vld [tilespmem:s11+$0x7C60]  }
.LBB2_33:
0x4a3: {  	p0 =	sne.s32 s13, $0xE00;
	v23 =	vld [tilespmem:s12+$0x7C70];
	[tilespmem:s11+$0xFC00] =	vst v21;
	v16 =	vadd.f32 v16, v4  }
0x4a4: {  	v21 =	vld [tilespmem:s12+$0x7800];
	[tilespmem:s11+$0xFC10] =	vst v22;
	v17 =	vadd.f32 v17, v3  }
0x4a5: {  	v22 =	vld [tilespmem:s12+$0x7810];
	[tilespmem:s11+$0xFC20] =	vst v16;
	v16 =	vadd.f32 v18, v2  }
0x4a6: {  	v18 =	vld [tilespmem:s12+$0x7820];
	[tilespmem:s11+$0xFC30] =	vst v17;
	v17 =	vadd.f32 v19, v1  }
0x4a7: {  	v19 =	vld [tilespmem:s12+$0x7830];
	[tilespmem:s11+$0xFC40] =	vst v16;
	v16 =	vadd.f32 v20, v0  }
0x4a8: {  	v20 =	vld [tilespmem:s12+$0x7840];
	v23 =	vadd.f32 v23, v15;
	[tilespmem:s11+$0xFC50] =	vst v17  }
0x4a9: {  	v17 =	vadd.f32 v21, v14;
	v21 =	vld [tilespmem:s12+$0x7850];
	[tilespmem:s11+$0xFC60] =	vst v16;
	s11 =	smov.u32 s12  }
0x4aa: {  	v16 =	vadd.f32 v22, v13;
	v22 =	vld [tilespmem:s11+$0x7860];
	[tilespmem:s11+$0xFC70] =	vst v23  }
0x4ab: {  	[tilespmem:s11+$0xF800] =	vst v17;
	v17 =	vadd.f32 v18, v12;
	v18 =	vld [tilespmem:s11+$0x7870]  }
0x4ac: {  	[tilespmem:s11+$0xF810] =	vst v16;
	v16 =	vadd.f32 v19, v11;
	v19 =	vld [tilespmem:s11+$0x7C00]  }
0x4ad: {  	[tilespmem:s11+$0xF820] =	vst v17;
	v17 =	vadd.f32 v20, v10;
	v20 =	vld [tilespmem:s11+$0x7C10]  }
.Ltmp15:
0x4ae: {  	[tilespmem:s11+$0xF830] =	vst v16;
	v21 =	vadd.f32 v21, v9;
	v16 =	vld [tilespmem:s11+$0x7C20];
	(pc) =	sbr.rel @p0 .LBB2_33-.Ltmp15, $4  }
0x4af: {  	[tilespmem:s11+$0xF840] =	vst v17;
	v22 =	vadd.f32 v22, v8;
	v17 =	vld [tilespmem:s11+$0x7C30]  }
0x4b0: {  	[tilespmem:s11+$0xF850] =	vst v21;
	v23 =	vadd.f32 v18, v7;
	v18 =	vld [tilespmem:s11+$0x7C40]  }
0x4b1: {  	[tilespmem:s11+$0xF860] =	vst v22;
	v21 =	vadd.f32 v19, v6;
	v19 =	vld [tilespmem:s11+$0x7C50]  }
0x4b2: {  	s12 =	sshra.s32 s13, $0x2;
	s13 =	sadd.s32 $0x200, s13;
	[tilespmem:s11+$0xF870] =	vst v23;
	v22 =	vadd.f32 v20, v5;
	v20 =	vld [tilespmem:s11+$0x7C60]  }
0x4b3: {  	v23 =	vld [tilespmem:s12+$0x7C70];
	[tilespmem:s11+$0xFC00] =	vst v21;
	v16 =	vadd.f32 v16, v4  }
0x4b4: {  	v21 =	vld [tilespmem:s12+$0x7800];
	[tilespmem:s11+$0xFC10] =	vst v22;
	v17 =	vadd.f32 v17, v3  }
0x4b5: {  	v22 =	vld [tilespmem:s12+$0x7810];
	[tilespmem:s11+$0xFC20] =	vst v16;
	v18 =	vadd.f32 v18, v2  }
0x4b6: {  	v16 =	vld [tilespmem:s12+$0x7820];
	[tilespmem:s11+$0xFC30] =	vst v17;
	v19 =	vadd.f32 v19, v1  }
0x4b7: {  	v17 =	vld [tilespmem:s12+$0x7830];
	[tilespmem:s11+$0xFC40] =	vst v18;
	v20 =	vadd.f32 v20, v0  }
0x4b8: {  	v18 =	vld [tilespmem:s12+$0x7840];
	[tilespmem:s11+$0xFC50] =	vst v19;
	v15 =	vadd.f32 v23, v15  }
0x4b9: {  	v19 =	vld [tilespmem:s12+$0x7850];
	[tilespmem:s11+$0xFC60] =	vst v20;
	v14 =	vadd.f32 v21, v14  }
0x4ba: {  	v20 =	vld [tilespmem:s12+$0x7860];
	[tilespmem:s12+$0xFC70] =	vst v15;
	v13 =	vadd.f32 v22, v13  }
0x4bb: {  	v51 =	vld [tilespmem:s12+$0x7870];
	[tilespmem:s12+$0xF800] =	vst v14;
	v12 =	vadd.f32 v16, v12  }
0x4bc: {  	v52 =	vld [tilespmem:s12+$0x7C00];
	[tilespmem:s12+$0xF810] =	vst v13;
	v11 =	vadd.f32 v17, v11  }
0x4bd: {  	v53 =	vld [tilespmem:s12+$0x7C10];
	[tilespmem:s12+$0xF820] =	vst v12;
	v10 =	vadd.f32 v18, v10  }
0x4be: {  	v54 =	vld [tilespmem:s12+$0x7C20];
	[tilespmem:s12+$0xF830] =	vst v11;
	v9 =	vadd.f32 v19, v9  }
0x4bf: {  	v55 =	vld [tilespmem:s12+$0x7C30];
	[tilespmem:s12+$0xF840] =	vst v10;
	v8 =	vadd.f32 v20, v8  }
0x4c0: {  	v56 =	vld [tilespmem:s12+$0x7C40];
	v7 =	vadd.f32 v51, v7;
	[tilespmem:s12+$0xF850] =	vst v9  }
0x4c1: {  	v57 =	vld [tilespmem:s12+$0x7C50];
	v6 =	vadd.f32 v52, v6;
	[tilespmem:s12+$0xF860] =	vst v8  }
0x4c2: {  	v58 =	vld [tilespmem:s12+$0x7C60];
	v5 =	vadd.f32 v53, v5;
	[tilespmem:s12+$0xF870] =	vst v7  }
0x4c3: {  	v59 =	vadd.f32 v54, v4;
	[tilespmem:s12+$0xFC00] =	vst v6  }
0x4c4: {  	v60 =	vadd.f32 v55, v3;
	[tilespmem:s12+$0xFC10] =	vst v5  }
0x4c5: {  	s9 =	sadd.s32 $0x7, s9;
	v61 =	vadd.f32 v56, v2;
	[tilespmem:s12+$0xFC20] =	vst v59  }
0x4c6: {  	s7 =	sadd.s32 $0x1, s7;
	s9 =	sand.u32 $0x7F, s9;
	v62 =	vadd.f32 v57, v1;
	[tilespmem:s12+$0xFC30] =	vst v60  }
0x4c7: {  	p0 =	sne.s32 s7, $0x20;
	s9 =	sor.u32 s15, s9;
	v63 =	vadd.f32 v58, v0;
	[tilespmem:s12+$0xFC40] =	vst v61  }
.Ltmp16:
0x4c8: {  	s9 =	sshll.u32 s9, $0xA;
	[tilespmem:s12+$0xFC50] =	vst v62;
	(pc) =	sbr.rel @p0 .LBB2_2-.Ltmp16, $4  }
0x4c9: {  	s9 =	sadd.s32 s1, s9;
	[tilespmem:s12+$0xFC60] =	vst v63  }
0x4ca: {  	[tilespmem:s26], [sflag:$0x4] =	stream.linear.gather [hbm4b:s9+s5], $0x2000, $0x38;
	[tilespmem:$0x10400] =	vst v63  }
0x4cb: {  	s13 =	sadd.s32 $0xC00, s10  }
0x4cc: {  	[hbm4b:s13+s5] =	stream.linear.scatter [tilespmem:s28], [sflag:$0x8], $0x2000, $0x38;
	[tilespmem:$0x10400] =	vst v63  }
0x4cd: {  	_ =	swait.ge [sflag:s29], $0x2000  }
0x4ce: {  	[sflag:s29] =	ssyncset.done $0x0  }
0x4cf: {  	[sflag:s29] =	ssyncadd.s32 $0xFFFFE000  }
0x4d0: {  	_ =	swait.ge [sflag:s30], $0x2000  }
0x4d1: {  	[sflag:s30] =	ssyncset.done $0x0  }
0x4d2: {  	[sflag:s30] =	ssyncadd.s32 $0xFFFFE000  }
0x4d3: {  	_ =	swait.ge [sflag:s31], $0x2000  }
0x4d4: {  	[sflag:s31] =	ssyncset.done $0x0  }
0x4d5: {  	[sflag:s31] =	ssyncadd.s32 $0xFFFFE000  }
0x4d6: {  	_ =	swait.ge [sflag:s0], $0x2000  }
0x4d7: {  	[sflag:s0] =	ssyncset.done $0x0  }
0x4d8: {  	[sflag:s0] =	ssyncadd.s32 $0xFFFFE000  }
0x4d9: {  	_ =	swait.ge [sflag:s3], $0x2000  }
0x4da: {  	[sflag:s3] =	ssyncset.done $0x0  }
0x4db: {  	[sflag:s3] =	ssyncadd.s32 $0xFFFFE000  }
0x4dc: {  	_ =	swait.ge [sflag:s2], $0x2000  }
0x4dd: {  	[sflag:s2] =	ssyncset.done $0x0  }
0x4de: {  	s19 =	sadd.s32 $0x1, s19;
	[sflag:s2] =	ssyncadd.s32 $0xFFFFE000  }
0x4df: {  	p0 =	sne.s32 s19, s16;
	_ =	swait.ge [sflag:s17], $0x2000  }
.Ltmp17:
0x4e0: {  	[sflag:s17] =	ssyncset.done $0x0;
	(pc) =	sbr.rel @p0 .LBB2_1-.Ltmp17, $4  }
0x4e1: {  	[sflag:s17] =	ssyncadd.s32 $0xFFFFE000  }
0x4e2: {  	_ =	swait.ge [sflag:s18], $0x2000  }
0x4e3: {  	[sflag:s18] =	ssyncset.done $0x0  }
0x4e4: {  	[sflag:s18] =	ssyncadd.s32 $0xFFFFE000  }
0x4e5: {  	_ =	sfence.sel $0x180000  }
0x4e6: {  	[bflag:$0x0] =	sbarrier.arrive $0xFFFF  }
0x4e7: {  	_ =	strace $0x90000047  }
0x4e8: {  	s0 =	stileid.u32;
	[bflag:$0x2] =	sbarrier.arrive $0xFFFF  }
0x4e9: {  	p0 =	sne.s32 s0, $0x0;
	s0 =	rddreg [dreg:$0x3]  }
0x4ea: {  	s0 =	sadd.s32 @!p0 $0x100000, s0  }
0x4eb: {  	[sflag:s0] =	ssyncadd.tile.s32 @!p0 $0x1;
	_ =	shalt  }
.Lfunc_end2:
_tile_overlayer_lowered:
.L_overlay_start_2:
0x4ec: {  	(tag) =	ssettag $0x2  }
0x4ed: {  	s0 =	rddreg [dreg:$0x0];
	s2 =	stileid.u32  }
0x4ee: {  	s1 =	rddreg [dreg:$0x1];
	p0 =	sne.s32 s2, $0x0  }
0x4ef: {  	s3 =	rddreg [dreg:$0x2];
	[bflag:$0x3] =	sbarrier.arrive $0xFFFF;
	s2 =	simm.s32 @!p0 $0x1C09  }
0x4f0: {  	[timem:s3], [sflag:s2] =	dma.local @!p0 [hbm:s0], s1  }
0x4f1: {  	s0 =	simm.s32 @!p0 $0x9  }
0x4f2: {  	_ =	swait.ge @!p0 [sflag:s0], s1  }
0x4f3: {  	s1 =	ssub.s32 @!p0 $0x0, s1;
	[sflag:s0] =	ssyncset.done @!p0 $0x0  }
0x4f4: {  	[sflag:s0] =	ssyncadd.s32 @!p0 s1  }
0x4f5: {  	[bflag:$0x3] =	sbarrier.arrive $0xFFFF  }
0x4f6: {  	_ =	shalt  }

</sc_bundles>
